<compile_context>
chip_gen: v7x
topology: tpu7x:2x2x1
jax: 0.10.2.dev20260603
libtpu: 0.0.44.dev20260713+nightly
codegen_flags: <defaults>
</compile_context>

<pallas_src>
import functools

import jax
import jax.numpy as jnp
from jax import lax
from jax.experimental import pallas as pl
from jax.experimental.pallas import tpu as pltpu
from jax.experimental.pallas import tpu_sc as plsc

B = 16384
D = 128
NC = 2
NS = 16
NW = NC * NS
BPW = B // NW
NBLK = 2
BLK = BPW // NBLK
LANES = 16
NCH = D // LANES


@jax.jit
def _sc_embed(idx, table):
    mesh = plsc.VectorSubcoreMesh(core_axis_name="c", subcore_axis_name="s")

    @functools.partial(
        pl.kernel,
        mesh=mesh,
        out_type=jax.ShapeDtypeStruct((B, D), jnp.float32),
        scratch_types=[
            pltpu.VMEM((BPW,), jnp.int32),
            pltpu.VMEM((2, D), jnp.float32),
            pltpu.VMEM((BPW, D), jnp.float32),
            pltpu.SemaphoreType.DMA,
            pltpu.SemaphoreType.DMA,
        ],
    )
    def k(idx_ref, table_ref, out_ref, idx_v, tab_v, rows_v, sem, lsem):
        wid = lax.axis_index("s") * NC + lax.axis_index("c")
        ld_idx = pltpu.async_copy(idx_ref.at[wid], idx_v, lsem)
        ld_tab = pltpu.async_copy(table_ref, tab_v, lsem)
        ld_idx.wait()
        ld_tab.wait()
        w0 = [tab_v[0, pl.ds(c * LANES, LANES)] for c in range(NCH)]
        dif = [tab_v[1, pl.ds(c * LANES, LANES)] - w0[c] for c in range(NCH)]

        def body(g, carry):
            pv = idx_v[pl.ds(g * LANES, LANES)]
            for r in range(LANES):
                bc = pv.at[jnp.full((LANES,), r, jnp.int32)].get(
                    mode="promise_in_bounds")
                pf = bc.astype(jnp.float32)
                row = g * LANES + r
                for c in range(NCH):
                    rows_v[row, pl.ds(c * LANES, LANES)] = (
                        w0[c] + pf * dif[c])
            return carry

        grps = BLK // LANES
        copies = []
        for b in range(NBLK):
            lax.fori_loop(b * grps, (b + 1) * grps, body, 0)
            copies.append(pltpu.async_copy(
                rows_v.at[pl.ds(b * BLK, BLK)],
                out_ref.at[pl.ds(wid * BPW + b * BLK, BLK)],
                sem,
            ))
        for cp in copies:
            cp.wait()

    return k(idx, table)


def kernel(polarities, embedding_weight):
    idx = polarities.astype(jnp.int32).reshape(NW, BPW)
    return _sc_embed(idx, embedding_weight)

# --- scband reference (transcript-rebuilt; emitter-appended) ---
"""Pipeline reference for scband-polarity-embedding-76519137345584 (READ-ONLY COPY).

The authoritative reference and input builder live on the scoring server;
editing this copy changes nothing except your own understanding.
"""

import jax, jax.numpy as jnp
import numpy as np

def setup_inputs(seed: int = 0) -> dict:
    key = jax.random.key(seed)
    k1, k2 = jax.random.split(key)
    polarities = jax.random.randint(k1, (16384, 1), 0, 2, dtype=jnp.int64 if jax.config.jax_enable_x64 else jnp.int32)
    embedding_weight = jax.random.normal(k2, (2, 128), dtype=jnp.float32)
    return {"polarities": polarities, "embedding_weight": embedding_weight}

def reference(polarities, embedding_weight):
    # polarities.int(); nn.Embedding lookup; squeeze(1)
    idx = polarities.astype(jnp.int32)
    emb = jnp.take(embedding_weight, idx, axis=0)  # [B, 1, D]
    out = jnp.squeeze(emb, axis=1)  # [B, D]
    return out

if __name__ == "__main__":
    import jax
    _d = setup_inputs()
    print(jax.jit(kernel)(*tuple(_d.values())))

</pallas_src>

<mosaic_0001>
#map = affine_map<(d0, d1) -> (0, 0)>
module attributes {stable_mosaic.version = 14 : i64} {
  func.func @k(%arg0: i32, %arg1: i32, %arg2: memref<32x512xi32, #tpu.memory_space<hbm>>, %arg3: memref<2x128xf32, #tpu.memory_space<hbm>>, %arg4: memref<16384x128xf32, #tpu.memory_space<hbm>>, %arg5: memref<512xi32, #tpu.memory_space<vmem>>, %arg6: memref<2x128xf32, #tpu.memory_space<vmem>>, %arg7: memref<512x128xf32, #tpu.memory_space<vmem>>, %arg8: memref<!tpu.dma_semaphore, #tpu.memory_space<semaphore_mem>>, %arg9: memref<!tpu.dma_semaphore, #tpu.memory_space<semaphore_mem>>) attributes {dimension_semantics = [#tpu.dimension_semantics<core_parallel>, #tpu.dimension_semantics<subcore_parallel>], iteration_bounds = array<i64: 2, 16>, scalar_prefetch = 0 : i64, scratch_operands = 5 : i64, tpu.core_type = #tpu.core_type<sc_vector_subcore>, window_params = [{transform_indices = #map}, {transform_indices = #map}, {transform_indices = #map}]} {
    %mul3A = arith.constant 2 : i32
    %mul3A_0 = arith.muli %arg1, %mul3A : i32
    %add3A = arith.addi %mul3A_0, %arg0 : i32
    %dma_start3A = arith.constant 0 : i32
    %dma_start3A_1 = tpu.memref_slice %arg2[%add3A, %dma_start3A] : memref<32x512xi32, #tpu.memory_space<hbm>> -> memref<1x512xi32, #tpu.memory_space<hbm>>
    %dma_start3A_2 = tpu.memref_squeeze %dma_start3A_1 : memref<1x512xi32, #tpu.memory_space<hbm>> -> memref<512xi32, #tpu.memory_space<hbm>>
    %dma_start3A_3 = arith.constant 0 : i32
    %dma_start3A_4 = tpu.memref_slice %arg2[%add3A, %dma_start3A_3] : memref<32x512xi32, #tpu.memory_space<hbm>> -> memref<1x512xi32, #tpu.memory_space<hbm>>
    %dma_start3A_5 = tpu.memref_squeeze %dma_start3A_4 : memref<1x512xi32, #tpu.memory_space<hbm>> -> memref<512xi32, #tpu.memory_space<hbm>>
    tpu.enqueue_dma source(%dma_start3A_5 : memref<512xi32, #tpu.memory_space<hbm>>) target(%arg5 : memref<512xi32, #tpu.memory_space<vmem>>) target_semaphore(%arg9 : memref<!tpu.dma_semaphore, #tpu.memory_space<semaphore_mem>>)
    tpu.enqueue_dma source(%arg3 : memref<2x128xf32, #tpu.memory_space<hbm>>) target(%arg6 : memref<2x128xf32, #tpu.memory_space<vmem>>) target_semaphore(%arg9 : memref<!tpu.dma_semaphore, #tpu.memory_space<semaphore_mem>>)
    %dma_wait3A = arith.constant 0 : i32
    %dma_wait3A_6 = tpu.memref_slice %arg2[%add3A, %dma_wait3A] : memref<32x512xi32, #tpu.memory_space<hbm>> -> memref<1x512xi32, #tpu.memory_space<hbm>>
    %dma_wait3A_7 = tpu.memref_squeeze %dma_wait3A_6 : memref<1x512xi32, #tpu.memory_space<hbm>> -> memref<512xi32, #tpu.memory_space<hbm>>
    %dma_wait3A_8 = arith.constant 0 : i32
    %dma_wait3A_9 = tpu.memref_slice %arg2[%add3A, %dma_wait3A_8] : memref<32x512xi32, #tpu.memory_space<hbm>> -> memref<1x512xi32, #tpu.memory_space<hbm>>
    %dma_wait3A_10 = tpu.memref_squeeze %dma_wait3A_9 : memref<1x512xi32, #tpu.memory_space<hbm>> -> memref<512xi32, #tpu.memory_space<hbm>>
    tpu.wait_dma2 semaphore(%arg9 : memref<!tpu.dma_semaphore, #tpu.memory_space<semaphore_mem>>) src(%dma_wait3A_10 : memref<512xi32, #tpu.memory_space<hbm>>) dst(%arg5 : memref<512xi32, #tpu.memory_space<vmem>>)
    tpu.wait_dma2 semaphore(%arg9 : memref<!tpu.dma_semaphore, #tpu.memory_space<semaphore_mem>>) src(%arg3 : memref<2x128xf32, #tpu.memory_space<hbm>>) dst(%arg6 : memref<2x128xf32, #tpu.memory_space<vmem>>)
    %get3A = arith.constant 0 : i32
    %get3A_11 = arith.index_cast %get3A : i32 to index
    %get3A_12 = arith.constant 0 : index
    %get3A_13 = tpu.vector_load %arg6[%get3A_11, %get3A_12] {strides = array<i32>} : memref<2x128xf32, #tpu.memory_space<vmem>>, vector<1x16xf32>,
    %get3A_14 = vector.shape_cast %get3A_13 : vector<1x16xf32> to vector<16xf32>
    %get3A_15 = arith.constant 0 : i32
    %get3A_16 = arith.index_cast %get3A_15 : i32 to index
    %get3A_17 = arith.constant 16 : index
    %get3A_18 = tpu.vector_load %arg6[%get3A_16, %get3A_17] {strides = array<i32>} : memref<2x128xf32, #tpu.memory_space<vmem>>, vector<1x16xf32>,
    %get3A_19 = vector.shape_cast %get3A_18 : vector<1x16xf32> to vector<16xf32>
    %get3A_20 = arith.constant 0 : i32
    %get3A_21 = arith.index_cast %get3A_20 : i32 to index
    %get3A_22 = arith.constant 32 : index
    %get3A_23 = tpu.vector_load %arg6[%get3A_21, %get3A_22] {strides = array<i32>} : memref<2x128xf32, #tpu.memory_space<vmem>>, vector<1x16xf32>,
    %get3A_24 = vector.shape_cast %get3A_23 : vector<1x16xf32> to vector<16xf32>
    %get3A_25 = arith.constant 0 : i32
    %get3A_26 = arith.index_cast %get3A_25 : i32 to index
    %get3A_27 = arith.constant 48 : index
    %get3A_28 = tpu.vector_load %arg6[%get3A_26, %get3A_27] {strides = array<i32>} : memref<2x128xf32, #tpu.memory_space<vmem>>, vector<1x16xf32>,
    %get3A_29 = vector.shape_cast %get3A_28 : vector<1x16xf32> to vector<16xf32>
    %get3A_30 = arith.constant 0 : i32
    %get3A_31 = arith.index_cast %get3A_30 : i32 to index
    %get3A_32 = arith.constant 64 : index
    %get3A_33 = tpu.vector_load %arg6[%get3A_31, %get3A_32] {strides = array<i32>} : memref<2x128xf32, #tpu.memory_space<vmem>>, vector<1x16xf32>,
    %get3A_34 = vector.shape_cast %get3A_33 : vector<1x16xf32> to vector<16xf32>
    %get3A_35 = arith.constant 0 : i32
    %get3A_36 = arith.index_cast %get3A_35 : i32 to index
    %get3A_37 = arith.constant 80 : index
    %get3A_38 = tpu.vector_load %arg6[%get3A_36, %get3A_37] {strides = array<i32>} : memref<2x128xf32, #tpu.memory_space<vmem>>, vector<1x16xf32>,
    %get3A_39 = vector.shape_cast %get3A_38 : vector<1x16xf32> to vector<16xf32>
    %get3A_40 = arith.constant 0 : i32
    %get3A_41 = arith.index_cast %get3A_40 : i32 to index
    %get3A_42 = arith.constant 96 : index
    %get3A_43 = tpu.vector_load %arg6[%get3A_41, %get3A_42] {strides = array<i32>} : memref<2x128xf32, #tpu.memory_space<vmem>>, vector<1x16xf32>,
    %get3A_44 = vector.shape_cast %get3A_43 : vector<1x16xf32> to vector<16xf32>
    %get3A_45 = arith.constant 0 : i32
    %get3A_46 = arith.index_cast %get3A_45 : i32 to index
    %get3A_47 = arith.constant 112 : index
    %get3A_48 = tpu.vector_load %arg6[%get3A_46, %get3A_47] {strides = array<i32>} : memref<2x128xf32, #tpu.memory_space<vmem>>, vector<1x16xf32>,
    %get3A_49 = vector.shape_cast %get3A_48 : vector<1x16xf32> to vector<16xf32>
    %get3A_50 = arith.constant 1 : i32
    %get3A_51 = arith.index_cast %get3A_50 : i32 to index
    %get3A_52 = arith.constant 0 : index
    %get3A_53 = tpu.vector_load %arg6[%get3A_51, %get3A_52] {strides = array<i32>} : memref<2x128xf32, #tpu.memory_space<vmem>>, vector<1x16xf32>,
    %get3A_54 = vector.shape_cast %get3A_53 : vector<1x16xf32> to vector<16xf32>
    %sub3A = arith.subf %get3A_54, %get3A_14 : vector<16xf32>
    %get3A_55 = arith.constant 1 : i32
    %get3A_56 = arith.index_cast %get3A_55 : i32 to index
    %get3A_57 = arith.constant 16 : index
    %get3A_58 = tpu.vector_load %arg6[%get3A_56, %get3A_57] {strides = array<i32>} : memref<2x128xf32, #tpu.memory_space<vmem>>, vector<1x16xf32>,
    %get3A_59 = vector.shape_cast %get3A_58 : vector<1x16xf32> to vector<16xf32>
    %sub3A_60 = arith.subf %get3A_59, %get3A_19 : vector<16xf32>
    %get3A_61 = arith.constant 1 : i32
    %get3A_62 = arith.index_cast %get3A_61 : i32 to index
    %get3A_63 = arith.constant 32 : index
    %get3A_64 = tpu.vector_load %arg6[%get3A_62, %get3A_63] {strides = array<i32>} : memref<2x128xf32, #tpu.memory_space<vmem>>, vector<1x16xf32>,
    %get3A_65 = vector.shape_cast %get3A_64 : vector<1x16xf32> to vector<16xf32>
    %sub3A_66 = arith.subf %get3A_65, %get3A_24 : vector<16xf32>
    %get3A_67 = arith.constant 1 : i32
    %get3A_68 = arith.index_cast %get3A_67 : i32 to index
    %get3A_69 = arith.constant 48 : index
    %get3A_70 = tpu.vector_load %arg6[%get3A_68, %get3A_69] {strides = array<i32>} : memref<2x128xf32, #tpu.memory_space<vmem>>, vector<1x16xf32>,
    %get3A_71 = vector.shape_cast %get3A_70 : vector<1x16xf32> to vector<16xf32>
    %sub3A_72 = arith.subf %get3A_71, %get3A_29 : vector<16xf32>
    %get3A_73 = arith.constant 1 : i32
    %get3A_74 = arith.index_cast %get3A_73 : i32 to index
    %get3A_75 = arith.constant 64 : index
    %get3A_76 = tpu.vector_load %arg6[%get3A_74, %get3A_75] {strides = array<i32>} : memref<2x128xf32, #tpu.memory_space<vmem>>, vector<1x16xf32>,
    %get3A_77 = vector.shape_cast %get3A_76 : vector<1x16xf32> to vector<16xf32>
    %sub3A_78 = arith.subf %get3A_77, %get3A_34 : vector<16xf32>
    %get3A_79 = arith.constant 1 : i32
    %get3A_80 = arith.index_cast %get3A_79 : i32 to index
    %get3A_81 = arith.constant 80 : index
    %get3A_82 = tpu.vector_load %arg6[%get3A_80, %get3A_81] {strides = array<i32>} : memref<2x128xf32, #tpu.memory_space<vmem>>, vector<1x16xf32>,
    %get3A_83 = vector.shape_cast %get3A_82 : vector<1x16xf32> to vector<16xf32>
    %sub3A_84 = arith.subf %get3A_83, %get3A_39 : vector<16xf32>
    %get3A_85 = arith.constant 1 : i32
    %get3A_86 = arith.index_cast %get3A_85 : i32 to index
    %get3A_87 = arith.constant 96 : index
    %get3A_88 = tpu.vector_load %arg6[%get3A_86, %get3A_87] {strides = array<i32>} : memref<2x128xf32, #tpu.memory_space<vmem>>, vector<1x16xf32>,
    %get3A_89 = vector.shape_cast %get3A_88 : vector<1x16xf32> to vector<16xf32>
    %sub3A_90 = arith.subf %get3A_89, %get3A_44 : vector<16xf32>
    %get3A_91 = arith.constant 1 : i32
    %get3A_92 = arith.index_cast %get3A_91 : i32 to index
    %get3A_93 = arith.constant 112 : index
    %get3A_94 = tpu.vector_load %arg6[%get3A_92, %get3A_93] {strides = array<i32>} : memref<2x128xf32, #tpu.memory_space<vmem>>, vector<1x16xf32>,
    %get3A_95 = vector.shape_cast %get3A_94 : vector<1x16xf32> to vector<16xf32>
    %sub3A_96 = arith.subf %get3A_95, %get3A_49 : vector<16xf32>
    %scan3A = arith.constant 0 : i32
    %scan3A_97 = arith.constant 0 : i32
    %scan3A_98 = arith.constant 16 : i32
    %scan3A_99 = arith.addi %scan3A_97, %scan3A_98 : i32
    %scan3A_100 = arith.constant 1 : i32
    scf.for %scan3A_156 = %scan3A_97 to %scan3A_99 step %scan3A_100  : i32 {
      %mul3A_157 = arith.constant 16 : i32
      %mul3A_158 = arith.muli %scan3A_156, %mul3A_157 : i32
      %get3A_159 = arith.index_cast %mul3A_158 : i32 to index
      %get3A_160 = tpu.vector_load %arg5[%get3A_159] {strides = array<i32>} : memref<512xi32, #tpu.memory_space<vmem>>, vector<16xi32>,
      %get3A_161 = vector.shape_cast %get3A_160 : vector<16xi32> to vector<16xi32>
      %broadcast_in_dim3A = arith.constant 0 : i32
      %broadcast_in_dim3A_162 = vector.broadcast %broadcast_in_dim3A : i32 to vector<16xi32>
      %lt3A = arith.constant 0 : i32
      %lt3A_163 = vector.broadcast %lt3A : i32 to vector<16xi32>
      %lt3A_164 = arith.cmpi slt, %broadcast_in_dim3A_162, %lt3A_163 : vector<16xi32>
      %add3A_165 = arith.constant 16 : i32
      %add3A_166 = vector.broadcast %add3A_165 : i32 to vector<16xi32>
      %add3A_167 = arith.addi %broadcast_in_dim3A_162, %add3A_166 : vector<16xi32>
      %select_n3A = arith.select %lt3A_164, %add3A_167, %broadcast_in_dim3A_162 : vector<16xi1>, vector<16xi32>
      %broadcast_in_dim3A_168 = vector.shape_cast %select_n3A : vector<16xi32> to vector<16x1xi32>
      %gather3A = vector.shape_cast %broadcast_in_dim3A_168 : vector<16x1xi32> to vector<16xi32>
      %gather3A_169 = tpu.dynamic_gather %get3A_161[%gather3A] in [0] : vector<16xi32>, vector<16xi32> -> vector<16xi32>
      %convert_element_type3A = arith.sitofp %gather3A_169 : vector<16xi32> to vector<16xf32>
      %mul3A_170 = arith.constant 16 : i32
      %mul3A_171 = arith.muli %scan3A_156, %mul3A_170 : i32
      %add3A_172 = arith.constant 0 : i32
      %add3A_173 = arith.addi %mul3A_171, %add3A_172 : i32
      %mul3A_174 = arith.mulf %convert_element_type3A, %sub3A : vector<16xf32>
      %add3A_175 = arith.addf %get3A_14, %mul3A_174 : vector<16xf32>
      %swap3A = arith.index_cast %add3A_173 : i32 to index
      %swap3A_176 = arith.constant 0 : index
      %swap3A_177 = tpu.vector_load %arg7[%swap3A, %swap3A_176] {strides = array<i32>} : memref<512x128xf32, #tpu.memory_space<vmem>>, vector<1x16xf32>,
      %swap3A_178 = vector.shape_cast %swap3A_177 : vector<1x16xf32> to vector<16xf32>
      %swap3A_179 = vector.shape_cast %add3A_175 : vector<16xf32> to vector<1x16xf32>
      tpu.vector_store %arg7[%swap3A, %swap3A_176], %swap3A_179 {strides = array<i32>} : memref<512x128xf32, #tpu.memory_space<vmem>>, vector<1x16xf32>,
      %mul3A_180 = arith.mulf %convert_element_type3A, %sub3A_60 : vector<16xf32>
      %add3A_181 = arith.addf %get3A_19, %mul3A_180 : vector<16xf32>
      %swap3A_182 = arith.index_cast %add3A_173 : i32 to index
      %swap3A_183 = arith.constant 16 : index
      %swap3A_184 = tpu.vector_load %arg7[%swap3A_182, %swap3A_183] {strides = array<i32>} : memref<512x128xf32, #tpu.memory_space<vmem>>, vector<1x16xf32>,
      %swap3A_185 = vector.shape_cast %swap3A_184 : vector<1x16xf32> to vector<16xf32>
      %swap3A_186 = vector.shape_cast %add3A_181 : vector<16xf32> to vector<1x16xf32>
      tpu.vector_store %arg7[%swap3A_182, %swap3A_183], %swap3A_186 {strides = array<i32>} : memref<512x128xf32, #tpu.memory_space<vmem>>, vector<1x16xf32>,
      %mul3A_187 = arith.mulf %convert_element_type3A, %sub3A_66 : vector<16xf32>
      %add3A_188 = arith.addf %get3A_24, %mul3A_187 : vector<16xf32>
      %swap3A_189 = arith.index_cast %add3A_173 : i32 to index
      %swap3A_190 = arith.constant 32 : index
      %swap3A_191 = tpu.vector_load %arg7[%swap3A_189, %swap3A_190] {strides = array<i32>} : memref<512x128xf32, #tpu.memory_space<vmem>>, vector<1x16xf32>,
      %swap3A_192 = vector.shape_cast %swap3A_191 : vector<1x16xf32> to vector<16xf32>
      %swap3A_193 = vector.shape_cast %add3A_188 : vector<16xf32> to vector<1x16xf32>
      tpu.vector_store %arg7[%swap3A_189, %swap3A_190], %swap3A_193 {strides = array<i32>} : memref<512x128xf32, #tpu.memory_space<vmem>>, vector<1x16xf32>,
      %mul3A_194 = arith.mulf %convert_element_type3A, %sub3A_72 : vector<16xf32>
      %add3A_195 = arith.addf %get3A_29, %mul3A_194 : vector<16xf32>
      %swap3A_196 = arith.index_cast %add3A_173 : i32 to index
      %swap3A_197 = arith.constant 48 : index
      %swap3A_198 = tpu.vector_load %arg7[%swap3A_196, %swap3A_197] {strides = array<i32>} : memref<512x128xf32, #tpu.memory_space<vmem>>, vector<1x16xf32>,
      %swap3A_199 = vector.shape_cast %swap3A_198 : vector<1x16xf32> to vector<16xf32>
      %swap3A_200 = vector.shape_cast %add3A_195 : vector<16xf32> to vector<1x16xf32>
      tpu.vector_store %arg7[%swap3A_196, %swap3A_197], %swap3A_200 {strides = array<i32>} : memref<512x128xf32, #tpu.memory_space<vmem>>, vector<1x16xf32>,
      %mul3A_201 = arith.mulf %convert_element_type3A, %sub3A_78 : vector<16xf32>
      %add3A_202 = arith.addf %get3A_34, %mul3A_201 : vector<16xf32>
      %swap3A_203 = arith.index_cast %add3A_173 : i32 to index
      %swap3A_204 = arith.constant 64 : index
      %swap3A_205 = tpu.vector_load %arg7[%swap3A_203, %swap3A_204] {strides = array<i32>} : memref<512x128xf32, #tpu.memory_space<vmem>>, vector<1x16xf32>,
      %swap3A_206 = vector.shape_cast %swap3A_205 : vector<1x16xf32> to vector<16xf32>
      %swap3A_207 = vector.shape_cast %add3A_202 : vector<16xf32> to vector<1x16xf32>
      tpu.vector_store %arg7[%swap3A_203, %swap3A_204], %swap3A_207 {strides = array<i32>} : memref<512x128xf32, #tpu.memory_space<vmem>>, vector<1x16xf32>,
      %mul3A_208 = arith.mulf %convert_element_type3A, %sub3A_84 : vector<16xf32>
      %add3A_209 = arith.addf %get3A_39, %mul3A_208 : vector<16xf32>
      %swap3A_210 = arith.index_cast %add3A_173 : i32 to index
      %swap3A_211 = arith.constant 80 : index
      %swap3A_212 = tpu.vector_load %arg7[%swap3A_210, %swap3A_211] {strides = array<i32>} : memref<512x128xf32, #tpu.memory_space<vmem>>, vector<1x16xf32>,
      %swap3A_213 = vector.shape_cast %swap3A_212 : vector<1x16xf32> to vector<16xf32>
      %swap3A_214 = vector.shape_cast %add3A_209 : vector<16xf32> to vector<1x16xf32>
      tpu.vector_store %arg7[%swap3A_210, %swap3A_211], %swap3A_214 {strides = array<i32>} : memref<512x128xf32, #tpu.memory_space<vmem>>, vector<1x16xf32>,
      %mul3A_215 = arith.mulf %convert_element_type3A, %sub3A_90 : vector<16xf32>
      %add3A_216 = arith.addf %get3A_44, %mul3A_215 : vector<16xf32>
      %swap3A_217 = arith.index_cast %add3A_173 : i32 to index
      %swap3A_218 = arith.constant 96 : index
      %swap3A_219 = tpu.vector_load %arg7[%swap3A_217, %swap3A_218] {strides = array<i32>} : memref<512x128xf32, #tpu.memory_space<vmem>>, vector<1x16xf32>,
      %swap3A_220 = vector.shape_cast %swap3A_219 : vector<1x16xf32> to vector<16xf32>
      %swap3A_221 = vector.shape_cast %add3A_216 : vector<16xf32> to vector<1x16xf32>
      tpu.vector_store %arg7[%swap3A_217, %swap3A_218], %swap3A_221 {strides = array<i32>} : memref<512x128xf32, #tpu.memory_space<vmem>>, vector<1x16xf32>,
      %mul3A_222 = arith.mulf %convert_element_type3A, %sub3A_96 : vector<16xf32>
      %add3A_223 = arith.addf %get3A_49, %mul3A_222 : vector<16xf32>
      %swap3A_224 = arith.index_cast %add3A_173 : i32 to index
      %swap3A_225 = arith.constant 112 : index
      %swap3A_226 = tpu.vector_load %arg7[%swap3A_224, %swap3A_225] {strides = array<i32>} : memref<512x128xf32, #tpu.memory_space<vmem>>, vector<1x16xf32>,
      %swap3A_227 = vector.shape_cast %swap3A_226 : vector<1x16xf32> to vector<16xf32>
      %swap3A_228 = vector.shape_cast %add3A_223 : vector<16xf32> to vector<1x16xf32>
      tpu.vector_store %arg7[%swap3A_224, %swap3A_225], %swap3A_228 {strides = array<i32>} : memref<512x128xf32, #tpu.memory_space<vmem>>, vector<1x16xf32>,
      %broadcast_in_dim3A_229 = arith.constant 1 : i32
      %broadcast_in_dim3A_230 = vector.broadcast %broadcast_in_dim3A_229 : i32 to vector<16xi32>
      %lt3A_231 = arith.constant 0 : i32
      %lt3A_232 = vector.broadcast %lt3A_231 : i32 to vector<16xi32>
      %lt3A_233 = arith.cmpi slt, %broadcast_in_dim3A_230, %lt3A_232 : vector<16xi32>
      %add3A_234 = arith.constant 16 : i32
      %add3A_235 = vector.broadcast %add3A_234 : i32 to vector<16xi32>
      %add3A_236 = arith.addi %broadcast_in_dim3A_230, %add3A_235 : vector<16xi32>
      %select_n3A_237 = arith.select %lt3A_233, %add3A_236, %broadcast_in_dim3A_230 : vector<16xi1>, vector<16xi32>
      %broadcast_in_dim3A_238 = vector.shape_cast %select_n3A_237 : vector<16xi32> to vector<16x1xi32>
      %gather3A_239 = vector.shape_cast %broadcast_in_dim3A_238 : vector<16x1xi32> to vector<16xi32>
      %gather3A_240 = tpu.dynamic_gather %get3A_161[%gather3A_239] in [0] : vector<16xi32>, vector<16xi32> -> vector<16xi32>
      %convert_element_type3A_241 = arith.sitofp %gather3A_240 : vector<16xi32> to vector<16xf32>
      %mul3A_242 = arith.constant 16 : i32
      %mul3A_243 = arith.muli %scan3A_156, %mul3A_242 : i32
      %add3A_244 = arith.constant 1 : i32
      %add3A_245 = arith.addi %mul3A_243, %add3A_244 : i32
      %mul3A_246 = arith.mulf %convert_element_type3A_241, %sub3A : vector<16xf32>
      %add3A_247 = arith.addf %get3A_14, %mul3A_246 : vector<16xf32>
      %swap3A_248 = arith.index_cast %add3A_245 : i32 to index
      %swap3A_249 = arith.constant 0 : index
      %swap3A_250 = tpu.vector_load %arg7[%swap3A_248, %swap3A_249] {strides = array<i32>} : memref<512x128xf32, #tpu.memory_space<vmem>>, vector<1x16xf32>,
      %swap3A_251 = vector.shape_cast %swap3A_250 : vector<1x16xf32> to vector<16xf32>
      %swap3A_252 = vector.shape_cast %add3A_247 : vector<16xf32> to vector<1x16xf32>
      tpu.vector_store %arg7[%swap3A_248, %swap3A_249], %swap3A_252 {strides = array<i32>} : memref<512x128xf32, #tpu.memory_space<vmem>>, vector<1x16xf32>,
      %mul3A_253 = arith.mulf %convert_element_type3A_241, %sub3A_60 : vector<16xf32>
      %add3A_254 = arith.addf %get3A_19, %mul3A_253 : vector<16xf32>
      %swap3A_255 = arith.index_cast %add3A_245 : i32 to index
      %swap3A_256 = arith.constant 16 : index
      %swap3A_257 = tpu.vector_load %arg7[%swap3A_255, %swap3A_256] {strides = array<i32>} : memref<512x128xf32, #tpu.memory_space<vmem>>, vector<1x16xf32>,
      %swap3A_258 = vector.shape_cast %swap3A_257 : vector<1x16xf32> to vector<16xf32>
      %swap3A_259 = vector.shape_cast %add3A_254 : vector<16xf32> to vector<1x16xf32>
      tpu.vector_store %arg7[%swap3A_255, %swap3A_256], %swap3A_259 {strides = array<i32>} : memref<512x128xf32, #tpu.memory_space<vmem>>, vector<1x16xf32>,
      %mul3A_260 = arith.mulf %convert_element_type3A_241, %sub3A_66 : vector<16xf32>
      %add3A_261 = arith.addf %get3A_24, %mul3A_260 : vector<16xf32>
      %swap3A_262 = arith.index_cast %add3A_245 : i32 to index
      %swap3A_263 = arith.constant 32 : index
      %swap3A_264 = tpu.vector_load %arg7[%swap3A_262, %swap3A_263] {strides = array<i32>} : memref<512x128xf32, #tpu.memory_space<vmem>>, vector<1x16xf32>,
      %swap3A_265 = vector.shape_cast %swap3A_264 : vector<1x16xf32> to vector<16xf32>
      %swap3A_266 = vector.shape_cast %add3A_261 : vector<16xf32> to vector<1x16xf32>
      tpu.vector_store %arg7[%swap3A_262, %swap3A_263], %swap3A_266 {strides = array<i32>} : memref<512x128xf32, #tpu.memory_space<vmem>>, vector<1x16xf32>,
      %mul3A_267 = arith.mulf %convert_element_type3A_241, %sub3A_72 : vector<16xf32>
      %add3A_268 = arith.addf %get3A_29, %mul3A_267 : vector<16xf32>
      %swap3A_269 = arith.index_cast %add3A_245 : i32 to index
      %swap3A_270 = arith.constant 48 : index
      %swap3A_271 = tpu.vector_load %arg7[%swap3A_269, %swap3A_270] {strides = array<i32>} : memref<512x128xf32, #tpu.memory_space<vmem>>, vector<1x16xf32>,
      %swap3A_272 = vector.shape_cast %swap3A_271 : vector<1x16xf32> to vector<16xf32>
      %swap3A_273 = vector.shape_cast %add3A_268 : vector<16xf32> to vector<1x16xf32>
      tpu.vector_store %arg7[%swap3A_269, %swap3A_270], %swap3A_273 {strides = array<i32>} : memref<512x128xf32, #tpu.memory_space<vmem>>, vector<1x16xf32>,
      %mul3A_274 = arith.mulf %convert_element_type3A_241, %sub3A_78 : vector<16xf32>
      %add3A_275 = arith.addf %get3A_34, %mul3A_274 : vector<16xf32>
      %swap3A_276 = arith.index_cast %add3A_245 : i32 to index
      %swap3A_277 = arith.constant 64 : index
      %swap3A_278 = tpu.vector_load %arg7[%swap3A_276, %swap3A_277] {strides = array<i32>} : memref<512x128xf32, #tpu.memory_space<vmem>>, vector<1x16xf32>,
      %swap3A_279 = vector.shape_cast %swap3A_278 : vector<1x16xf32> to vector<16xf32>
      %swap3A_280 = vector.shape_cast %add3A_275 : vector<16xf32> to vector<1x16xf32>
      tpu.vector_store %arg7[%swap3A_276, %swap3A_277], %swap3A_280 {strides = array<i32>} : memref<512x128xf32, #tpu.memory_space<vmem>>, vector<1x16xf32>,
      %mul3A_281 = arith.mulf %convert_element_type3A_241, %sub3A_84 : vector<16xf32>
      %add3A_282 = arith.addf %get3A_39, %mul3A_281 : vector<16xf32>
      %swap3A_283 = arith.index_cast %add3A_245 : i32 to index
      %swap3A_284 = arith.constant 80 : index
      %swap3A_285 = tpu.vector_load %arg7[%swap3A_283, %swap3A_284] {strides = array<i32>} : memref<512x128xf32, #tpu.memory_space<vmem>>, vector<1x16xf32>,
      %swap3A_286 = vector.shape_cast %swap3A_285 : vector<1x16xf32> to vector<16xf32>
      %swap3A_287 = vector.shape_cast %add3A_282 : vector<16xf32> to vector<1x16xf32>
      tpu.vector_store %arg7[%swap3A_283, %swap3A_284], %swap3A_287 {strides = array<i32>} : memref<512x128xf32, #tpu.memory_space<vmem>>, vector<1x16xf32>,
      %mul3A_288 = arith.mulf %convert_element_type3A_241, %sub3A_90 : vector<16xf32>
      %add3A_289 = arith.addf %get3A_44, %mul3A_288 : vector<16xf32>
      %swap3A_290 = arith.index_cast %add3A_245 : i32 to index
      %swap3A_291 = arith.constant 96 : index
      %swap3A_292 = tpu.vector_load %arg7[%swap3A_290, %swap3A_291] {strides = array<i32>} : memref<512x128xf32, #tpu.memory_space<vmem>>, vector<1x16xf32>,
      %swap3A_293 = vector.shape_cast %swap3A_292 : vector<1x16xf32> to vector<16xf32>
      %swap3A_294 = vector.shape_cast %add3A_289 : vector<16xf32> to vector<1x16xf32>
      tpu.vector_store %arg7[%swap3A_290, %swap3A_291], %swap3A_294 {strides = array<i32>} : memref<512x128xf32, #tpu.memory_space<vmem>>, vector<1x16xf32>,
      %mul3A_295 = arith.mulf %convert_element_type3A_241, %sub3A_96 : vector<16xf32>
      %add3A_296 = arith.addf %get3A_49, %mul3A_295 : vector<16xf32>
      %swap3A_297 = arith.index_cast %add3A_245 : i32 to index
      %swap3A_298 = arith.constant 112 : index
      %swap3A_299 = tpu.vector_load %arg7[%swap3A_297, %swap3A_298] {strides = array<i32>} : memref<512x128xf32, #tpu.memory_space<vmem>>, vector<1x16xf32>,
      %swap3A_300 = vector.shape_cast %swap3A_299 : vector<1x16xf32> to vector<16xf32>
      %swap3A_301 = vector.shape_cast %add3A_296 : vector<16xf32> to vector<1x16xf32>
      tpu.vector_store %arg7[%swap3A_297, %swap3A_298], %swap3A_301 {strides = array<i32>} : memref<512x128xf32, #tpu.memory_space<vmem>>, vector<1x16xf32>,
      %broadcast_in_dim3A_302 = arith.constant 2 : i32
      %broadcast_in_dim3A_303 = vector.broadcast %broadcast_in_dim3A_302 : i32 to vector<16xi32>
      %lt3A_304 = arith.constant 0 : i32
      %lt3A_305 = vector.broadcast %lt3A_304 : i32 to vector<16xi32>
      %lt3A_306 = arith.cmpi slt, %broadcast_in_dim3A_303, %lt3A_305 : vector<16xi32>
      %add3A_307 = arith.constant 16 : i32
      %add3A_308 = vector.broadcast %add3A_307 : i32 to vector<16xi32>
      %add3A_309 = arith.addi %broadcast_in_dim3A_303, %add3A_308 : vector<16xi32>
      %select_n3A_310 = arith.select %lt3A_306, %add3A_309, %broadcast_in_dim3A_303 : vector<16xi1>, vector<16xi32>
      %broadcast_in_dim3A_311 = vector.shape_cast %select_n3A_310 : vector<16xi32> to vector<16x1xi32>
      %gather3A_312 = vector.shape_cast %broadcast_in_dim3A_311 : vector<16x1xi32> to vector<16xi32>
      %gather3A_313 = tpu.dynamic_gather %get3A_161[%gather3A_312] in [0] : vector<16xi32>, vector<16xi32> -> vector<16xi32>
      %convert_element_type3A_314 = arith.sitofp %gather3A_313 : vector<16xi32> to vector<16xf32>
      %mul3A_315 = arith.constant 16 : i32
      %mul3A_316 = arith.muli %scan3A_156, %mul3A_315 : i32
      %add3A_317 = arith.constant 2 : i32
      %add3A_318 = arith.addi %mul3A_316, %add3A_317 : i32
      %mul3A_319 = arith.mulf %convert_element_type3A_314, %sub3A : vector<16xf32>
      %add3A_320 = arith.addf %get3A_14, %mul3A_319 : vector<16xf32>
      %swap3A_321 = arith.index_cast %add3A_318 : i32 to index
      %swap3A_322 = arith.constant 0 : index
      %swap3A_323 = tpu.vector_load %arg7[%swap3A_321, %swap3A_322] {strides = array<i32>} : memref<512x128xf32, #tpu.memory_space<vmem>>, vector<1x16xf32>,
      %swap3A_324 = vector.shape_cast %swap3A_323 : vector<1x16xf32> to vector<16xf32>
      %swap3A_325 = vector.shape_cast %add3A_320 : vector<16xf32> to vector<1x16xf32>
      tpu.vector_store %arg7[%swap3A_321, %swap3A_322], %swap3A_325 {strides = array<i32>} : memref<512x128xf32, #tpu.memory_space<vmem>>, vector<1x16xf32>,
      %mul3A_326 = arith.mulf %convert_element_type3A_314, %sub3A_60 : vector<16xf32>
      %add3A_327 = arith.addf %get3A_19, %mul3A_326 : vector<16xf32>
      %swap3A_328 = arith.index_cast %add3A_318 : i32 to index
      %swap3A_329 = arith.constant 16 : index
      %swap3A_330 = tpu.vector_load %arg7[%swap3A_328, %swap3A_329] {strides = array<i32>} : memref<512x128xf32, #tpu.memory_space<vmem>>, vector<1x16xf32>,
      %swap3A_331 = vector.shape_cast %swap3A_330 : vector<1x16xf32> to vector<16xf32>
      %swap3A_332 = vector.shape_cast %add3A_327 : vector<16xf32> to vector<1x16xf32>
      tpu.vector_store %arg7[%swap3A_328, %swap3A_329], %swap3A_332 {strides = array<i32>} : memref<512x128xf32, #tpu.memory_space<vmem>>, vector<1x16xf32>,
      %mul3A_333 = arith.mulf %convert_element_type3A_314, %sub3A_66 : vector<16xf32>
      %add3A_334 = arith.addf %get3A_24, %mul3A_333 : vector<16xf32>
      %swap3A_335 = arith.index_cast %add3A_318 : i32 to index
      %swap3A_336 = arith.constant 32 : index
      %swap3A_337 = tpu.vector_load %arg7[%swap3A_335, %swap3A_336] {strides = array<i32>} : memref<512x128xf32, #tpu.memory_space<vmem>>, vector<1x16xf32>,
      %swap3A_338 = vector.shape_cast %swap3A_337 : vector<1x16xf32> to vector<16xf32>
      %swap3A_339 = vector.shape_cast %add3A_334 : vector<16xf32> to vector<1x16xf32>
      tpu.vector_store %arg7[%swap3A_335, %swap3A_336], %swap3A_339 {strides = array<i32>} : memref<512x128xf32, #tpu.memory_space<vmem>>, vector<1x16xf32>,
      %mul3A_340 = arith.mulf %convert_element_type3A_314, %sub3A_72 : vector<16xf32>
      %add3A_341 = arith.addf %get3A_29, %mul3A_340 : vector<16xf32>
      %swap3A_342 = arith.index_cast %add3A_318 : i32 to index
      %swap3A_343 = arith.constant 48 : index
      %swap3A_344 = tpu.vector_load %arg7[%swap3A_342, %swap3A_343] {strides = array<i32>} : memref<512x128xf32, #tpu.memory_space<vmem>>, vector<1x16xf32>,
      %swap3A_345 = vector.shape_cast %swap3A_344 : vector<1x16xf32> to vector<16xf32>
      %swap3A_346 = vector.shape_cast %add3A_341 : vector<16xf32> to vector<1x16xf32>
      tpu.vector_store %arg7[%swap3A_342, %swap3A_343], %swap3A_346 {strides = array<i32>} : memref<512x128xf32, #tpu.memory_space<vmem>>, vector<1x16xf32>,
      %mul3A_347 = arith.mulf %convert_element_type3A_314, %sub3A_78 : vector<16xf32>
      %add3A_348 = arith.addf %get3A_34, %mul3A_347 : vector<16xf32>
      %swap3A_349 = arith.index_cast %add3A_318 : i32 to index
      %swap3A_350 = arith.constant 64 : index
      %swap3A_351 = tpu.vector_load %arg7[%swap3A_349, %swap3A_350] {strides = array<i32>} : memref<512x128xf32, #tpu.memory_space<vmem>>, vector<1x16xf32>,
      %swap3A_352 = vector.shape_cast %swap3A_351 : vector<1x16xf32> to vector<16xf32>
      %swap3A_353 = vector.shape_cast %add3A_348 : vector<16xf32> to vector<1x16xf32>
      tpu.vector_store %arg7[%swap3A_349, %swap3A_350], %swap3A_353 {strides = array<i32>} : memref<512x128xf32, #tpu.memory_space<vmem>>, vector<1x16xf32>,
      %mul3A_354 = arith.mulf %convert_element_type3A_314, %sub3A_84 : vector<16xf32>
      %add3A_355 = arith.addf %get3A_39, %mul3A_354 : vector<16xf32>
      %swap3A_356 = arith.index_cast %add3A_318 : i32 to index
      %swap3A_357 = arith.constant 80 : index
      %swap3A_358 = tpu.vector_load %arg7[%swap3A_356, %swap3A_357] {strides = array<i32>} : memref<512x128xf32, #tpu.memory_space<vmem>>, vector<1x16xf32>,
      %swap3A_359 = vector.shape_cast %swap3A_358 : vector<1x16xf32> to vector<16xf32>
      %swap3A_360 = vector.shape_cast %add3A_355 : vector<16xf32> to vector<1x16xf32>
      tpu.vector_store %arg7[%swap3A_356, %swap3A_357], %swap3A_360 {strides = array<i32>} : memref<512x128xf32, #tpu.memory_space<vmem>>, vector<1x16xf32>,
      %mul3A_361 = arith.mulf %convert_element_type3A_314, %sub3A_90 : vector<16xf32>
      %add3A_362 = arith.addf %get3A_44, %mul3A_361 : vector<16xf32>
      %swap3A_363 = arith.index_cast %add3A_318 : i32 to index
      %swap3A_364 = arith.constant 96 : index
      %swap3A_365 = tpu.vector_load %arg7[%swap3A_363, %swap3A_364] {strides = array<i32>} : memref<512x128xf32, #tpu.memory_space<vmem>>, vector<1x16xf32>,
      %swap3A_366 = vector.shape_cast %swap3A_365 : vector<1x16xf32> to vector<16xf32>
      %swap3A_367 = vector.shape_cast %add3A_362 : vector<16xf32> to vector<1x16xf32>
      tpu.vector_store %arg7[%swap3A_363, %swap3A_364], %swap3A_367 {strides = array<i32>} : memref<512x128xf32, #tpu.memory_space<vmem>>, vector<1x16xf32>,
      %mul3A_368 = arith.mulf %convert_element_type3A_314, %sub3A_96 : vector<16xf32>
      %add3A_369 = arith.addf %get3A_49, %mul3A_368 : vector<16xf32>
      %swap3A_370 = arith.index_cast %add3A_318 : i32 to index
      %swap3A_371 = arith.constant 112 : index
      %swap3A_372 = tpu.vector_load %arg7[%swap3A_370, %swap3A_371] {strides = array<i32>} : memref<512x128xf32, #tpu.memory_space<vmem>>, vector<1x16xf32>,
      %swap3A_373 = vector.shape_cast %swap3A_372 : vector<1x16xf32> to vector<16xf32>
      %swap3A_374 = vector.shape_cast %add3A_369 : vector<16xf32> to vector<1x16xf32>
      tpu.vector_store %arg7[%swap3A_370, %swap3A_371], %swap3A_374 {strides = array<i32>} : memref<512x128xf32, #tpu.memory_space<vmem>>, vector<1x16xf32>,
      %broadcast_in_dim3A_375 = arith.constant 3 : i32
      %broadcast_in_dim3A_376 = vector.broadcast %broadcast_in_dim3A_375 : i32 to vector<16xi32>
      %lt3A_377 = arith.constant 0 : i32
      %lt3A_378 = vector.broadcast %lt3A_377 : i32 to vector<16xi32>
      %lt3A_379 = arith.cmpi slt, %broadcast_in_dim3A_376, %lt3A_378 : vector<16xi32>
      %add3A_380 = arith.constant 16 : i32
      %add3A_381 = vector.broadcast %add3A_380 : i32 to vector<16xi32>
      %add3A_382 = arith.addi %broadcast_in_dim3A_376, %add3A_381 : vector<16xi32>
      %select_n3A_383 = arith.select %lt3A_379, %add3A_382, %broadcast_in_dim3A_376 : vector<16xi1>, vector<16xi32>
      %broadcast_in_dim3A_384 = vector.shape_cast %select_n3A_383 : vector<16xi32> to vector<16x1xi32>
      %gather3A_385 = vector.shape_cast %broadcast_in_dim3A_384 : vector<16x1xi32> to vector<16xi32>
      %gather3A_386 = tpu.dynamic_gather %get3A_161[%gather3A_385] in [0] : vector<16xi32>, vector<16xi32> -> vector<16xi32>
      %convert_element_type3A_387 = arith.sitofp %gather3A_386 : vector<16xi32> to vector<16xf32>
      %mul3A_388 = arith.constant 16 : i32
      %mul3A_389 = arith.muli %scan3A_156, %mul3A_388 : i32
      %add3A_390 = arith.constant 3 : i32
      %add3A_391 = arith.addi %mul3A_389, %add3A_390 : i32
      %mul3A_392 = arith.mulf %convert_element_type3A_387, %sub3A : vector<16xf32>
      %add3A_393 = arith.addf %get3A_14, %mul3A_392 : vector<16xf32>
      %swap3A_394 = arith.index_cast %add3A_391 : i32 to index
      %swap3A_395 = arith.constant 0 : index
      %swap3A_396 = tpu.vector_load %arg7[%swap3A_394, %swap3A_395] {strides = array<i32>} : memref<512x128xf32, #tpu.memory_space<vmem>>, vector<1x16xf32>,
      %swap3A_397 = vector.shape_cast %swap3A_396 : vector<1x16xf32> to vector<16xf32>
      %swap3A_398 = vector.shape_cast %add3A_393 : vector<16xf32> to vector<1x16xf32>
      tpu.vector_store %arg7[%swap3A_394, %swap3A_395], %swap3A_398 {strides = array<i32>} : memref<512x128xf32, #tpu.memory_space<vmem>>, vector<1x16xf32>,
      %mul3A_399 = arith.mulf %convert_element_type3A_387, %sub3A_60 : vector<16xf32>
      %add3A_400 = arith.addf %get3A_19, %mul3A_399 : vector<16xf32>
      %swap3A_401 = arith.index_cast %add3A_391 : i32 to index
      %swap3A_402 = arith.constant 16 : index
      %swap3A_403 = tpu.vector_load %arg7[%swap3A_401, %swap3A_402] {strides = array<i32>} : memref<512x128xf32, #tpu.memory_space<vmem>>, vector<1x16xf32>,
      %swap3A_404 = vector.shape_cast %swap3A_403 : vector<1x16xf32> to vector<16xf32>
      %swap3A_405 = vector.shape_cast %add3A_400 : vector<16xf32> to vector<1x16xf32>
      tpu.vector_store %arg7[%swap3A_401, %swap3A_402], %swap3A_405 {strides = array<i32>} : memref<512x128xf32, #tpu.memory_space<vmem>>, vector<1x16xf32>,
      %mul3A_406 = arith.mulf %convert_element_type3A_387, %sub3A_66 : vector<16xf32>
      %add3A_407 = arith.addf %get3A_24, %mul3A_406 : vector<16xf32>
      %swap3A_408 = arith.index_cast %add3A_391 : i32 to index
      %swap3A_409 = arith.constant 32 : index
      %swap3A_410 = tpu.vector_load %arg7[%swap3A_408, %swap3A_409] {strides = array<i32>} : memref<512x128xf32, #tpu.memory_space<vmem>>, vector<1x16xf32>,
      %swap3A_411 = vector.shape_cast %swap3A_410 : vector<1x16xf32> to vector<16xf32>
      %swap3A_412 = vector.shape_cast %add3A_407 : vector<16xf32> to vector<1x16xf32>
      tpu.vector_store %arg7[%swap3A_408, %swap3A_409], %swap3A_412 {strides = array<i32>} : memref<512x128xf32, #tpu.memory_space<vmem>>, vector<1x16xf32>,
      %mul3A_413 = arith.mulf %convert_element_type3A_387, %sub3A_72 : vector<16xf32>
      %add3A_414 = arith.addf %get3A_29, %mul3A_413 : vector<16xf32>
      %swap3A_415 = arith.index_cast %add3A_391 : i32 to index
      %swap3A_416 = arith.constant 48 : index
      %swap3A_417 = tpu.vector_load %arg7[%swap3A_415, %swap3A_416] {strides = array<i32>} : memref<512x128xf32, #tpu.memory_space<vmem>>, vector<1x16xf32>,
      %swap3A_418 = vector.shape_cast %swap3A_417 : vector<1x16xf32> to vector<16xf32>
      %swap3A_419 = vector.shape_cast %add3A_414 : vector<16xf32> to vector<1x16xf32>
      tpu.vector_store %arg7[%swap3A_415, %swap3A_416], %swap3A_419 {strides = array<i32>} : memref<512x128xf32, #tpu.memory_space<vmem>>, vector<1x16xf32>,
      %mul3A_420 = arith.mulf %convert_element_type3A_387, %sub3A_78 : vector<16xf32>
      %add3A_421 = arith.addf %get3A_34, %mul3A_420 : vector<16xf32>
      %swap3A_422 = arith.index_cast %add3A_391 : i32 to index
      %swap3A_423 = arith.constant 64 : index
      %swap3A_424 = tpu.vector_load %arg7[%swap3A_422, %swap3A_423] {strides = array<i32>} : memref<512x128xf32, #tpu.memory_space<vmem>>, vector<1x16xf32>,
      %swap3A_425 = vector.shape_cast %swap3A_424 : vector<1x16xf32> to vector<16xf32>
      %swap3A_426 = vector.shape_cast %add3A_421 : vector<16xf32> to vector<1x16xf32>
      tpu.vector_store %arg7[%swap3A_422, %swap3A_423], %swap3A_426 {strides = array<i32>} : memref<512x128xf32, #tpu.memory_space<vmem>>, vector<1x16xf32>,
      %mul3A_427 = arith.mulf %convert_element_type3A_387, %sub3A_84 : vector<16xf32>
      %add3A_428 = arith.addf %get3A_39, %mul3A_427 : vector<16xf32>
      %swap3A_429 = arith.index_cast %add3A_391 : i32 to index
      %swap3A_430 = arith.constant 80 : index
      %swap3A_431 = tpu.vector_load %arg7[%swap3A_429, %swap3A_430] {strides = array<i32>} : memref<512x128xf32, #tpu.memory_space<vmem>>, vector<1x16xf32>,
      %swap3A_432 = vector.shape_cast %swap3A_431 : vector<1x16xf32> to vector<16xf32>
      %swap3A_433 = vector.shape_cast %add3A_428 : vector<16xf32> to vector<1x16xf32>
      tpu.vector_store %arg7[%swap3A_429, %swap3A_430], %swap3A_433 {strides = array<i32>} : memref<512x128xf32, #tpu.memory_space<vmem>>, vector<1x16xf32>,
      %mul3A_434 = arith.mulf %convert_element_type3A_387, %sub3A_90 : vector<16xf32>
      %add3A_435 = arith.addf %get3A_44, %mul3A_434 : vector<16xf32>
      %swap3A_436 = arith.index_cast %add3A_391 : i32 to index
      %swap3A_437 = arith.constant 96 : index
      %swap3A_438 = tpu.vector_load %arg7[%swap3A_436, %swap3A_437] {strides = array<i32>} : memref<512x128xf32, #tpu.memory_space<vmem>>, vector<1x16xf32>,
      %swap3A_439 = vector.shape_cast %swap3A_438 : vector<1x16xf32> to vector<16xf32>
      %swap3A_440 = vector.shape_cast %add3A_435 : vector<16xf32> to vector<1x16xf32>
      tpu.vector_store %arg7[%swap3A_436, %swap3A_437], %swap3A_440 {strides = array<i32>} : memref<512x128xf32, #tpu.memory_space<vmem>>, vector<1x16xf32>,
      %mul3A_441 = arith.mulf %convert_element_type3A_387, %sub3A_96 : vector<16xf32>
      %add3A_442 = arith.addf %get3A_49, %mul3A_441 : vector<16xf32>
      %swap3A_443 = arith.index_cast %add3A_391 : i32 to index
      %swap3A_444 = arith.constant 112 : index
      %swap3A_445 = tpu.vector_load %arg7[%swap3A_443, %swap3A_444] {strides = array<i32>} : memref<512x128xf32, #tpu.memory_space<vmem>>, vector<1x16xf32>,
      %swap3A_446 = vector.shape_cast %swap3A_445 : vector<1x16xf32> to vector<16xf32>
      %swap3A_447 = vector.shape_cast %add3A_442 : vector<16xf32> to vector<1x16xf32>
      tpu.vector_store %arg7[%swap3A_443, %swap3A_444], %swap3A_447 {strides = array<i32>} : memref<512x128xf32, #tpu.memory_space<vmem>>, vector<1x16xf32>,
      %broadcast_in_dim3A_448 = arith.constant 4 : i32
      %broadcast_in_dim3A_449 = vector.broadcast %broadcast_in_dim3A_448 : i32 to vector<16xi32>
      %lt3A_450 = arith.constant 0 : i32
      %lt3A_451 = vector.broadcast %lt3A_450 : i32 to vector<16xi32>
      %lt3A_452 = arith.cmpi slt, %broadcast_in_dim3A_449, %lt3A_451 : vector<16xi32>
      %add3A_453 = arith.constant 16 : i32
      %add3A_454 = vector.broadcast %add3A_453 : i32 to vector<16xi32>
      %add3A_455 = arith.addi %broadcast_in_dim3A_449, %add3A_454 : vector<16xi32>
      %select_n3A_456 = arith.select %lt3A_452, %add3A_455, %broadcast_in_dim3A_449 : vector<16xi1>, vector<16xi32>
      %broadcast_in_dim3A_457 = vector.shape_cast %select_n3A_456 : vector<16xi32> to vector<16x1xi32>
      %gather3A_458 = vector.shape_cast %broadcast_in_dim3A_457 : vector<16x1xi32> to vector<16xi32>
      %gather3A_459 = tpu.dynamic_gather %get3A_161[%gather3A_458] in [0] : vector<16xi32>, vector<16xi32> -> vector<16xi32>
      %convert_element_type3A_460 = arith.sitofp %gather3A_459 : vector<16xi32> to vector<16xf32>
      %mul3A_461 = arith.constant 16 : i32
      %mul3A_462 = arith.muli %scan3A_156, %mul3A_461 : i32
      %add3A_463 = arith.constant 4 : i32
      %add3A_464 = arith.addi %mul3A_462, %add3A_463 : i32
      %mul3A_465 = arith.mulf %convert_element_type3A_460, %sub3A : vector<16xf32>
      %add3A_466 = arith.addf %get3A_14, %mul3A_465 : vector<16xf32>
      %swap3A_467 = arith.index_cast %add3A_464 : i32 to index
      %swap3A_468 = arith.constant 0 : index
      %swap3A_469 = tpu.vector_load %arg7[%swap3A_467, %swap3A_468] {strides = array<i32>} : memref<512x128xf32, #tpu.memory_space<vmem>>, vector<1x16xf32>,
      %swap3A_470 = vector.shape_cast %swap3A_469 : vector<1x16xf32> to vector<16xf32>
      %swap3A_471 = vector.shape_cast %add3A_466 : vector<16xf32> to vector<1x16xf32>
      tpu.vector_store %arg7[%swap3A_467, %swap3A_468], %swap3A_471 {strides = array<i32>} : memref<512x128xf32, #tpu.memory_space<vmem>>, vector<1x16xf32>,
      %mul3A_472 = arith.mulf %convert_element_type3A_460, %sub3A_60 : vector<16xf32>
      %add3A_473 = arith.addf %get3A_19, %mul3A_472 : vector<16xf32>
      %swap3A_474 = arith.index_cast %add3A_464 : i32 to index
      %swap3A_475 = arith.constant 16 : index
      %swap3A_476 = tpu.vector_load %arg7[%swap3A_474, %swap3A_475] {strides = array<i32>} : memref<512x128xf32, #tpu.memory_space<vmem>>, vector<1x16xf32>,
      %swap3A_477 = vector.shape_cast %swap3A_476 : vector<1x16xf32> to vector<16xf32>
      %swap3A_478 = vector.shape_cast %add3A_473 : vector<16xf32> to vector<1x16xf32>
      tpu.vector_store %arg7[%swap3A_474, %swap3A_475], %swap3A_478 {strides = array<i32>} : memref<512x128xf32, #tpu.memory_space<vmem>>, vector<1x16xf32>,
      %mul3A_479 = arith.mulf %convert_element_type3A_460, %sub3A_66 : vector<16xf32>
      %add3A_480 = arith.addf %get3A_24, %mul3A_479 : vector<16xf32>
      %swap3A_481 = arith.index_cast %add3A_464 : i32 to index
      %swap3A_482 = arith.constant 32 : index
      %swap3A_483 = tpu.vector_load %arg7[%swap3A_481, %swap3A_482] {strides = array<i32>} : memref<512x128xf32, #tpu.memory_space<vmem>>, vector<1x16xf32>,
      %swap3A_484 = vector.shape_cast %swap3A_483 : vector<1x16xf32> to vector<16xf32>
      %swap3A_485 = vector.shape_cast %add3A_480 : vector<16xf32> to vector<1x16xf32>
      tpu.vector_store %arg7[%swap3A_481, %swap3A_482], %swap3A_485 {strides = array<i32>} : memref<512x128xf32, #tpu.memory_space<vmem>>, vector<1x16xf32>,
      %mul3A_486 = arith.mulf %convert_element_type3A_460, %sub3A_72 : vector<16xf32>
      %add3A_487 = arith.addf %get3A_29, %mul3A_486 : vector<16xf32>
      %swap3A_488 = arith.index_cast %add3A_464 : i32 to index
      %swap3A_489 = arith.constant 48 : index
      %swap3A_490 = tpu.vector_load %arg7[%swap3A_488, %swap3A_489] {strides = array<i32>} : memref<512x128xf32, #tpu.memory_space<vmem>>, vector<1x16xf32>,
      %swap3A_491 = vector.shape_cast %swap3A_490 : vector<1x16xf32> to vector<16xf32>
      %swap3A_492 = vector.shape_cast %add3A_487 : vector<16xf32> to vector<1x16xf32>
      tpu.vector_store %arg7[%swap3A_488, %swap3A_489], %swap3A_492 {strides = array<i32>} : memref<512x128xf32, #tpu.memory_space<vmem>>, vector<1x16xf32>,
      %mul3A_493 = arith.mulf %convert_element_type3A_460, %sub3A_78 : vector<16xf32>
      %add3A_494 = arith.addf %get3A_34, %mul3A_493 : vector<16xf32>
      %swap3A_495 = arith.index_cast %add3A_464 : i32 to index
      %swap3A_496 = arith.constant 64 : index
      %swap3A_497 = tpu.vector_load %arg7[%swap3A_495, %swap3A_496] {strides = array<i32>} : memref<512x128xf32, #tpu.memory_space<vmem>>, vector<1x16xf32>,
      %swap3A_498 = vector.shape_cast %swap3A_497 : vector<1x16xf32> to vector<16xf32>
      %swap3A_499 = vector.shape_cast %add3A_494 : vector<16xf32> to vector<1x16xf32>
      tpu.vector_store %arg7[%swap3A_495, %swap3A_496], %swap3A_499 {strides = array<i32>} : memref<512x128xf32, #tpu.memory_space<vmem>>, vector<1x16xf32>,
      %mul3A_500 = arith.mulf %convert_element_type3A_460, %sub3A_84 : vector<16xf32>
      %add3A_501 = arith.addf %get3A_39, %mul3A_500 : vector<16xf32>
      %swap3A_502 = arith.index_cast %add3A_464 : i32 to index
      %swap3A_503 = arith.constant 80 : index
      %swap3A_504 = tpu.vector_load %arg7[%swap3A_502, %swap3A_503] {strides = array<i32>} : memref<512x128xf32, #tpu.memory_space<vmem>>, vector<1x16xf32>,
      %swap3A_505 = vector.shape_cast %swap3A_504 : vector<1x16xf32> to vector<16xf32>
      %swap3A_506 = vector.shape_cast %add3A_501 : vector<16xf32> to vector<1x16xf32>
      tpu.vector_store %arg7[%swap3A_502, %swap3A_503], %swap3A_506 {strides = array<i32>} : memref<512x128xf32, #tpu.memory_space<vmem>>, vector<1x16xf32>,
      %mul3A_507 = arith.mulf %convert_element_type3A_460, %sub3A_90 : vector<16xf32>
      %add3A_508 = arith.addf %get3A_44, %mul3A_507 : vector<16xf32>
      %swap3A_509 = arith.index_cast %add3A_464 : i32 to index
      %swap3A_510 = arith.constant 96 : index
      %swap3A_511 = tpu.vector_load %arg7[%swap3A_509, %swap3A_510] {strides = array<i32>} : memref<512x128xf32, #tpu.memory_space<vmem>>, vector<1x16xf32>,
      %swap3A_512 = vector.shape_cast %swap3A_511 : vector<1x16xf32> to vector<16xf32>
      %swap3A_513 = vector.shape_cast %add3A_508 : vector<16xf32> to vector<1x16xf32>
      tpu.vector_store %arg7[%swap3A_509, %swap3A_510], %swap3A_513 {strides = array<i32>} : memref<512x128xf32, #tpu.memory_space<vmem>>, vector<1x16xf32>,
      %mul3A_514 = arith.mulf %convert_element_type3A_460, %sub3A_96 : vector<16xf32>
      %add3A_515 = arith.addf %get3A_49, %mul3A_514 : vector<16xf32>
      %swap3A_516 = arith.index_cast %add3A_464 : i32 to index
      %swap3A_517 = arith.constant 112 : index
      %swap3A_518 = tpu.vector_load %arg7[%swap3A_516, %swap3A_517] {strides = array<i32>} : memref<512x128xf32, #tpu.memory_space<vmem>>, vector<1x16xf32>,
      %swap3A_519 = vector.shape_cast %swap3A_518 : vector<1x16xf32> to vector<16xf32>
      %swap3A_520 = vector.shape_cast %add3A_515 : vector<16xf32> to vector<1x16xf32>
      tpu.vector_store %arg7[%swap3A_516, %swap3A_517], %swap3A_520 {strides = array<i32>} : memref<512x128xf32, #tpu.memory_space<vmem>>, vector<1x16xf32>,
      %broadcast_in_dim3A_521 = arith.constant 5 : i32
      %broadcast_in_dim3A_522 = vector.broadcast %broadcast_in_dim3A_521 : i32 to vector<16xi32>
      %lt3A_523 = arith.constant 0 : i32
      %lt3A_524 = vector.broadcast %lt3A_523 : i32 to vector<16xi32>
      %lt3A_525 = arith.cmpi slt, %broadcast_in_dim3A_522, %lt3A_524 : vector<16xi32>
      %add3A_526 = arith.constant 16 : i32
      %add3A_527 = vector.broadcast %add3A_526 : i32 to vector<16xi32>
      %add3A_528 = arith.addi %broadcast_in_dim3A_522, %add3A_527 : vector<16xi32>
      %select_n3A_529 = arith.select %lt3A_525, %add3A_528, %broadcast_in_dim3A_522 : vector<16xi1>, vector<16xi32>
      %broadcast_in_dim3A_530 = vector.shape_cast %select_n3A_529 : vector<16xi32> to vector<16x1xi32>
      %gather3A_531 = vector.shape_cast %broadcast_in_dim3A_530 : vector<16x1xi32> to vector<16xi32>
      %gather3A_532 = tpu.dynamic_gather %get3A_161[%gather3A_531] in [0] : vector<16xi32>, vector<16xi32> -> vector<16xi32>
      %convert_element_type3A_533 = arith.sitofp %gather3A_532 : vector<16xi32> to vector<16xf32>
      %mul3A_534 = arith.constant 16 : i32
      %mul3A_535 = arith.muli %scan3A_156, %mul3A_534 : i32
      %add3A_536 = arith.constant 5 : i32
      %add3A_537 = arith.addi %mul3A_535, %add3A_536 : i32
      %mul3A_538 = arith.mulf %convert_element_type3A_533, %sub3A : vector<16xf32>
      %add3A_539 = arith.addf %get3A_14, %mul3A_538 : vector<16xf32>
      %swap3A_540 = arith.index_cast %add3A_537 : i32 to index
      %swap3A_541 = arith.constant 0 : index
      %swap3A_542 = tpu.vector_load %arg7[%swap3A_540, %swap3A_541] {strides = array<i32>} : memref<512x128xf32, #tpu.memory_space<vmem>>, vector<1x16xf32>,
      %swap3A_543 = vector.shape_cast %swap3A_542 : vector<1x16xf32> to vector<16xf32>
      %swap3A_544 = vector.shape_cast %add3A_539 : vector<16xf32> to vector<1x16xf32>
      tpu.vector_store %arg7[%swap3A_540, %swap3A_541], %swap3A_544 {strides = array<i32>} : memref<512x128xf32, #tpu.memory_space<vmem>>, vector<1x16xf32>,
      %mul3A_545 = arith.mulf %convert_element_type3A_533, %sub3A_60 : vector<16xf32>
      %add3A_546 = arith.addf %get3A_19, %mul3A_545 : vector<16xf32>
      %swap3A_547 = arith.index_cast %add3A_537 : i32 to index
      %swap3A_548 = arith.constant 16 : index
      %swap3A_549 = tpu.vector_load %arg7[%swap3A_547, %swap3A_548] {strides = array<i32>} : memref<512x128xf32, #tpu.memory_space<vmem>>, vector<1x16xf32>,
      %swap3A_550 = vector.shape_cast %swap3A_549 : vector<1x16xf32> to vector<16xf32>
      %swap3A_551 = vector.shape_cast %add3A_546 : vector<16xf32> to vector<1x16xf32>
      tpu.vector_store %arg7[%swap3A_547, %swap3A_548], %swap3A_551 {strides = array<i32>} : memref<512x128xf32, #tpu.memory_space<vmem>>, vector<1x16xf32>,
      %mul3A_552 = arith.mulf %convert_element_type3A_533, %sub3A_66 : vector<16xf32>
      %add3A_553 = arith.addf %get3A_24, %mul3A_552 : vector<16xf32>
      %swap3A_554 = arith.index_cast %add3A_537 : i32 to index
      %swap3A_555 = arith.constant 32 : index
      %swap3A_556 = tpu.vector_load %arg7[%swap3A_554, %swap3A_555] {strides = array<i32>} : memref<512x128xf32, #tpu.memory_space<vmem>>, vector<1x16xf32>,
      %swap3A_557 = vector.shape_cast %swap3A_556 : vector<1x16xf32> to vector<16xf32>
      %swap3A_558 = vector.shape_cast %add3A_553 : vector<16xf32> to vector<1x16xf32>
      tpu.vector_store %arg7[%swap3A_554, %swap3A_555], %swap3A_558 {strides = array<i32>} : memref<512x128xf32, #tpu.memory_space<vmem>>, vector<1x16xf32>,
      %mul3A_559 = arith.mulf %convert_element_type3A_533, %sub3A_72 : vector<16xf32>
      %add3A_560 = arith.addf %get3A_29, %mul3A_559 : vector<16xf32>
      %swap3A_561 = arith.index_cast %add3A_537 : i32 to index
      %swap3A_562 = arith.constant 48 : index
      %swap3A_563 = tpu.vector_load %arg7[%swap3A_561, %swap3A_562] {strides = array<i32>} : memref<512x128xf32, #tpu.memory_space<vmem>>, vector<1x16xf32>,
      %swap3A_564 = vector.shape_cast %swap3A_563 : vector<1x16xf32> to vector<16xf32>
      %swap3A_565 = vector.shape_cast %add3A_560 : vector<16xf32> to vector<1x16xf32>
      tpu.vector_store %arg7[%swap3A_561, %swap3A_562], %swap3A_565 {strides = array<i32>} : memref<512x128xf32, #tpu.memory_space<vmem>>, vector<1x16xf32>,
      %mul3A_566 = arith.mulf %convert_element_type3A_533, %sub3A_78 : vector<16xf32>
      %add3A_567 = arith.addf %get3A_34, %mul3A_566 : vector<16xf32>
      %swap3A_568 = arith.index_cast %add3A_537 : i32 to index
      %swap3A_569 = arith.constant 64 : index
      %swap3A_570 = tpu.vector_load %arg7[%swap3A_568, %swap3A_569] {strides = array<i32>} : memref<512x128xf32, #tpu.memory_space<vmem>>, vector<1x16xf32>,
      %swap3A_571 = vector.shape_cast %swap3A_570 : vector<1x16xf32> to vector<16xf32>
      %swap3A_572 = vector.shape_cast %add3A_567 : vector<16xf32> to vector<1x16xf32>
      tpu.vector_store %arg7[%swap3A_568, %swap3A_569], %swap3A_572 {strides = array<i32>} : memref<512x128xf32, #tpu.memory_space<vmem>>, vector<1x16xf32>,
      %mul3A_573 = arith.mulf %convert_element_type3A_533, %sub3A_84 : vector<16xf32>
      %add3A_574 = arith.addf %get3A_39, %mul3A_573 : vector<16xf32>
      %swap3A_575 = arith.index_cast %add3A_537 : i32 to index
      %swap3A_576 = arith.constant 80 : index
      %swap3A_577 = tpu.vector_load %arg7[%swap3A_575, %swap3A_576] {strides = array<i32>} : memref<512x128xf32, #tpu.memory_space<vmem>>, vector<1x16xf32>,
      %swap3A_578 = vector.shape_cast %swap3A_577 : vector<1x16xf32> to vector<16xf32>
      %swap3A_579 = vector.shape_cast %add3A_574 : vector<16xf32> to vector<1x16xf32>
      tpu.vector_store %arg7[%swap3A_575, %swap3A_576], %swap3A_579 {strides = array<i32>} : memref<512x128xf32, #tpu.memory_space<vmem>>, vector<1x16xf32>,
      %mul3A_580 = arith.mulf %convert_element_type3A_533, %sub3A_90 : vector<16xf32>
      %add3A_581 = arith.addf %get3A_44, %mul3A_580 : vector<16xf32>
      %swap3A_582 = arith.index_cast %add3A_537 : i32 to index
      %swap3A_583 = arith.constant 96 : index
      %swap3A_584 = tpu.vector_load %arg7[%swap3A_582, %swap3A_583] {strides = array<i32>} : memref<512x128xf32, #tpu.memory_space<vmem>>, vector<1x16xf32>,
      %swap3A_585 = vector.shape_cast %swap3A_584 : vector<1x16xf32> to vector<16xf32>
      %swap3A_586 = vector.shape_cast %add3A_581 : vector<16xf32> to vector<1x16xf32>
      tpu.vector_store %arg7[%swap3A_582, %swap3A_583], %swap3A_586 {strides = array<i32>} : memref<512x128xf32, #tpu.memory_space<vmem>>, vector<1x16xf32>,
      %mul3A_587 = arith.mulf %convert_element_type3A_533, %sub3A_96 : vector<16xf32>
      %add3A_588 = arith.addf %get3A_49, %mul3A_587 : vector<16xf32>
      %swap3A_589 = arith.index_cast %add3A_537 : i32 to index
      %swap3A_590 = arith.constant 112 : index
      %swap3A_591 = tpu.vector_load %arg7[%swap3A_589, %swap3A_590] {strides = array<i32>} : memref<512x128xf32, #tpu.memory_space<vmem>>, vector<1x16xf32>,
      %swap3A_592 = vector.shape_cast %swap3A_591 : vector<1x16xf32> to vector<16xf32>
      %swap3A_593 = vector.shape_cast %add3A_588 : vector<16xf32> to vector<1x16xf32>
      tpu.vector_store %arg7[%swap3A_589, %swap3A_590], %swap3A_593 {strides = array<i32>} : memref<512x128xf32, #tpu.memory_space<vmem>>, vector<1x16xf32>,
      %broadcast_in_dim3A_594 = arith.constant 6 : i32
      %broadcast_in_dim3A_595 = vector.broadcast %broadcast_in_dim3A_594 : i32 to vector<16xi32>
      %lt3A_596 = arith.constant 0 : i32
      %lt3A_597 = vector.broadcast %lt3A_596 : i32 to vector<16xi32>
      %lt3A_598 = arith.cmpi slt, %broadcast_in_dim3A_595, %lt3A_597 : vector<16xi32>
      %add3A_599 = arith.constant 16 : i32
      %add3A_600 = vector.broadcast %add3A_599 : i32 to vector<16xi32>
      %add3A_601 = arith.addi %broadcast_in_dim3A_595, %add3A_600 : vector<16xi32>
      %select_n3A_602 = arith.select %lt3A_598, %add3A_601, %broadcast_in_dim3A_595 : vector<16xi1>, vector<16xi32>
      %broadcast_in_dim3A_603 = vector.shape_cast %select_n3A_602 : vector<16xi32> to vector<16x1xi32>
      %gather3A_604 = vector.shape_cast %broadcast_in_dim3A_603 : vector<16x1xi32> to vector<16xi32>
      %gather3A_605 = tpu.dynamic_gather %get3A_161[%gather3A_604] in [0] : vector<16xi32>, vector<16xi32> -> vector<16xi32>
      %convert_element_type3A_606 = arith.sitofp %gather3A_605 : vector<16xi32> to vector<16xf32>
      %mul3A_607 = arith.constant 16 : i32
      %mul3A_608 = arith.muli %scan3A_156, %mul3A_607 : i32
      %add3A_609 = arith.constant 6 : i32
      %add3A_610 = arith.addi %mul3A_608, %add3A_609 : i32
      %mul3A_611 = arith.mulf %convert_element_type3A_606, %sub3A : vector<16xf32>
      %add3A_612 = arith.addf %get3A_14, %mul3A_611 : vector<16xf32>
      %swap3A_613 = arith.index_cast %add3A_610 : i32 to index
      %swap3A_614 = arith.constant 0 : index
      %swap3A_615 = tpu.vector_load %arg7[%swap3A_613, %swap3A_614] {strides = array<i32>} : memref<512x128xf32, #tpu.memory_space<vmem>>, vector<1x16xf32>,
      %swap3A_616 = vector.shape_cast %swap3A_615 : vector<1x16xf32> to vector<16xf32>
      %swap3A_617 = vector.shape_cast %add3A_612 : vector<16xf32> to vector<1x16xf32>
      tpu.vector_store %arg7[%swap3A_613, %swap3A_614], %swap3A_617 {strides = array<i32>} : memref<512x128xf32, #tpu.memory_space<vmem>>, vector<1x16xf32>,
      %mul3A_618 = arith.mulf %convert_element_type3A_606, %sub3A_60 : vector<16xf32>
      %add3A_619 = arith.addf %get3A_19, %mul3A_618 : vector<16xf32>
      %swap3A_620 = arith.index_cast %add3A_610 : i32 to index
      %swap3A_621 = arith.constant 16 : index
      %swap3A_622 = tpu.vector_load %arg7[%swap3A_620, %swap3A_621] {strides = array<i32>} : memref<512x128xf32, #tpu.memory_space<vmem>>, vector<1x16xf32>,
      %swap3A_623 = vector.shape_cast %swap3A_622 : vector<1x16xf32> to vector<16xf32>
      %swap3A_624 = vector.shape_cast %add3A_619 : vector<16xf32> to vector<1x16xf32>
      tpu.vector_store %arg7[%swap3A_620, %swap3A_621], %swap3A_624 {strides = array<i32>} : memref<512x128xf32, #tpu.memory_space<vmem>>, vector<1x16xf32>,
      %mul3A_625 = arith.mulf %convert_element_type3A_606, %sub3A_66 : vector<16xf32>
      %add3A_626 = arith.addf %get3A_24, %mul3A_625 : vector<16xf32>
      %swap3A_627 = arith.index_cast %add3A_610 : i32 to index
      %swap3A_628 = arith.constant 32 : index
      %swap3A_629 = tpu.vector_load %arg7[%swap3A_627, %swap3A_628] {strides = array<i32>} : memref<512x128xf32, #tpu.memory_space<vmem>>, vector<1x16xf32>,
      %swap3A_630 = vector.shape_cast %swap3A_629 : vector<1x16xf32> to vector<16xf32>
      %swap3A_631 = vector.shape_cast %add3A_626 : vector<16xf32> to vector<1x16xf32>
      tpu.vector_store %arg7[%swap3A_627, %swap3A_628], %swap3A_631 {strides = array<i32>} : memref<512x128xf32, #tpu.memory_space<vmem>>, vector<1x16xf32>,
      %mul3A_632 = arith.mulf %convert_element_type3A_606, %sub3A_72 : vector<16xf32>
      %add3A_633 = arith.addf %get3A_29, %mul3A_632 : vector<16xf32>
      %swap3A_634 = arith.index_cast %add3A_610 : i32 to index
      %swap3A_635 = arith.constant 48 : index
      %swap3A_636 = tpu.vector_load %arg7[%swap3A_634, %swap3A_635] {strides = array<i32>} : memref<512x128xf32, #tpu.memory_space<vmem>>, vector<1x16xf32>,
      %swap3A_637 = vector.shape_cast %swap3A_636 : vector<1x16xf32> to vector<16xf32>
      %swap3A_638 = vector.shape_cast %add3A_633 : vector<16xf32> to vector<1x16xf32>
      tpu.vector_store %arg7[%swap3A_634, %swap3A_635], %swap3A_638 {strides = array<i32>} : memref<512x128xf32, #tpu.memory_space<vmem>>, vector<1x16xf32>,
      %mul3A_639 = arith.mulf %convert_element_type3A_606, %sub3A_78 : vector<16xf32>
      %add3A_640 = arith.addf %get3A_34, %mul3A_639 : vector<16xf32>
      %swap3A_641 = arith.index_cast %add3A_610 : i32 to index
      %swap3A_642 = arith.constant 64 : index
      %swap3A_643 = tpu.vector_load %arg7[%swap3A_641, %swap3A_642] {strides = array<i32>} : memref<512x128xf32, #tpu.memory_space<vmem>>, vector<1x16xf32>,
      %swap3A_644 = vector.shape_cast %swap3A_643 : vector<1x16xf32> to vector<16xf32>
      %swap3A_645 = vector.shape_cast %add3A_640 : vector<16xf32> to vector<1x16xf32>
      tpu.vector_store %arg7[%swap3A_641, %swap3A_642], %swap3A_645 {strides = array<i32>} : memref<512x128xf32, #tpu.memory_space<vmem>>, vector<1x16xf32>,
      %mul3A_646 = arith.mulf %convert_element_type3A_606, %sub3A_84 : vector<16xf32>
      %add3A_647 = arith.addf %get3A_39, %mul3A_646 : vector<16xf32>
      %swap3A_648 = arith.index_cast %add3A_610 : i32 to index
      %swap3A_649 = arith.constant 80 : index
      %swap3A_650 = tpu.vector_load %arg7[%swap3A_648, %swap3A_649] {strides = array<i32>} : memref<512x128xf32, #tpu.memory_space<vmem>>, vector<1x16xf32>,
      %swap3A_651 = vector.shape_cast %swap3A_650 : vector<1x16xf32> to vector<16xf32>
      %swap3A_652 = vector.shape_cast %add3A_647 : vector<16xf32> to vector<1x16xf32>
      tpu.vector_store %arg7[%swap3A_648, %swap3A_649], %swap3A_652 {strides = array<i32>} : memref<512x128xf32, #tpu.memory_space<vmem>>, vector<1x16xf32>,
      %mul3A_653 = arith.mulf %convert_element_type3A_606, %sub3A_90 : vector<16xf32>
      %add3A_654 = arith.addf %get3A_44, %mul3A_653 : vector<16xf32>
      %swap3A_655 = arith.index_cast %add3A_610 : i32 to index
      %swap3A_656 = arith.constant 96 : index
      %swap3A_657 = tpu.vector_load %arg7[%swap3A_655, %swap3A_656] {strides = array<i32>} : memref<512x128xf32, #tpu.memory_space<vmem>>, vector<1x16xf32>,
      %swap3A_658 = vector.shape_cast %swap3A_657 : vector<1x16xf32> to vector<16xf32>
      %swap3A_659 = vector.shape_cast %add3A_654 : vector<16xf32> to vector<1x16xf32>
      tpu.vector_store %arg7[%swap3A_655, %swap3A_656], %swap3A_659 {strides = array<i32>} : memref<512x128xf32, #tpu.memory_space<vmem>>, vector<1x16xf32>,
      %mul3A_660 = arith.mulf %convert_element_type3A_606, %sub3A_96 : vector<16xf32>
      %add3A_661 = arith.addf %get3A_49, %mul3A_660 : vector<16xf32>
      %swap3A_662 = arith.index_cast %add3A_610 : i32 to index
      %swap3A_663 = arith.constant 112 : index
      %swap3A_664 = tpu.vector_load %arg7[%swap3A_662, %swap3A_663] {strides = array<i32>} : memref<512x128xf32, #tpu.memory_space<vmem>>, vector<1x16xf32>,
      %swap3A_665 = vector.shape_cast %swap3A_664 : vector<1x16xf32> to vector<16xf32>
      %swap3A_666 = vector.shape_cast %add3A_661 : vector<16xf32> to vector<1x16xf32>
      tpu.vector_store %arg7[%swap3A_662, %swap3A_663], %swap3A_666 {strides = array<i32>} : memref<512x128xf32, #tpu.memory_space<vmem>>, vector<1x16xf32>,
      %broadcast_in_dim3A_667 = arith.constant 7 : i32
      %broadcast_in_dim3A_668 = vector.broadcast %broadcast_in_dim3A_667 : i32 to vector<16xi32>
      %lt3A_669 = arith.constant 0 : i32
      %lt3A_670 = vector.broadcast %lt3A_669 : i32 to vector<16xi32>
      %lt3A_671 = arith.cmpi slt, %broadcast_in_dim3A_668, %lt3A_670 : vector<16xi32>
      %add3A_672 = arith.constant 16 : i32
      %add3A_673 = vector.broadcast %add3A_672 : i32 to vector<16xi32>
      %add3A_674 = arith.addi %broadcast_in_dim3A_668, %add3A_673 : vector<16xi32>
      %select_n3A_675 = arith.select %lt3A_671, %add3A_674, %broadcast_in_dim3A_668 : vector<16xi1>, vector<16xi32>
      %broadcast_in_dim3A_676 = vector.shape_cast %select_n3A_675 : vector<16xi32> to vector<16x1xi32>
      %gather3A_677 = vector.shape_cast %broadcast_in_dim3A_676 : vector<16x1xi32> to vector<16xi32>
      %gather3A_678 = tpu.dynamic_gather %get3A_161[%gather3A_677] in [0] : vector<16xi32>, vector<16xi32> -> vector<16xi32>
      %convert_element_type3A_679 = arith.sitofp %gather3A_678 : vector<16xi32> to vector<16xf32>
      %mul3A_680 = arith.constant 16 : i32
      %mul3A_681 = arith.muli %scan3A_156, %mul3A_680 : i32
      %add3A_682 = arith.constant 7 : i32
      %add3A_683 = arith.addi %mul3A_681, %add3A_682 : i32
      %mul3A_684 = arith.mulf %convert_element_type3A_679, %sub3A : vector<16xf32>
      %add3A_685 = arith.addf %get3A_14, %mul3A_684 : vector<16xf32>
      %swap3A_686 = arith.index_cast %add3A_683 : i32 to index
      %swap3A_687 = arith.constant 0 : index
      %swap3A_688 = tpu.vector_load %arg7[%swap3A_686, %swap3A_687] {strides = array<i32>} : memref<512x128xf32, #tpu.memory_space<vmem>>, vector<1x16xf32>,
      %swap3A_689 = vector.shape_cast %swap3A_688 : vector<1x16xf32> to vector<16xf32>
      %swap3A_690 = vector.shape_cast %add3A_685 : vector<16xf32> to vector<1x16xf32>
      tpu.vector_store %arg7[%swap3A_686, %swap3A_687], %swap3A_690 {strides = array<i32>} : memref<512x128xf32, #tpu.memory_space<vmem>>, vector<1x16xf32>,
      %mul3A_691 = arith.mulf %convert_element_type3A_679, %sub3A_60 : vector<16xf32>
      %add3A_692 = arith.addf %get3A_19, %mul3A_691 : vector<16xf32>
      %swap3A_693 = arith.index_cast %add3A_683 : i32 to index
      %swap3A_694 = arith.constant 16 : index
      %swap3A_695 = tpu.vector_load %arg7[%swap3A_693, %swap3A_694] {strides = array<i32>} : memref<512x128xf32, #tpu.memory_space<vmem>>, vector<1x16xf32>,
      %swap3A_696 = vector.shape_cast %swap3A_695 : vector<1x16xf32> to vector<16xf32>
      %swap3A_697 = vector.shape_cast %add3A_692 : vector<16xf32> to vector<1x16xf32>
      tpu.vector_store %arg7[%swap3A_693, %swap3A_694], %swap3A_697 {strides = array<i32>} : memref<512x128xf32, #tpu.memory_space<vmem>>, vector<1x16xf32>,
      %mul3A_698 = arith.mulf %convert_element_type3A_679, %sub3A_66 : vector<16xf32>
      %add3A_699 = arith.addf %get3A_24, %mul3A_698 : vector<16xf32>
      %swap3A_700 = arith.index_cast %add3A_683 : i32 to index
      %swap3A_701 = arith.constant 32 : index
      %swap3A_702 = tpu.vector_load %arg7[%swap3A_700, %swap3A_701] {strides = array<i32>} : memref<512x128xf32, #tpu.memory_space<vmem>>, vector<1x16xf32>,
      %swap3A_703 = vector.shape_cast %swap3A_702 : vector<1x16xf32> to vector<16xf32>
      %swap3A_704 = vector.shape_cast %add3A_699 : vector<16xf32> to vector<1x16xf32>
      tpu.vector_store %arg7[%swap3A_700, %swap3A_701], %swap3A_704 {strides = array<i32>} : memref<512x128xf32, #tpu.memory_space<vmem>>, vector<1x16xf32>,
      %mul3A_705 = arith.mulf %convert_element_type3A_679, %sub3A_72 : vector<16xf32>
      %add3A_706 = arith.addf %get3A_29, %mul3A_705 : vector<16xf32>
      %swap3A_707 = arith.index_cast %add3A_683 : i32 to index
      %swap3A_708 = arith.constant 48 : index
      %swap3A_709 = tpu.vector_load %arg7[%swap3A_707, %swap3A_708] {strides = array<i32>} : memref<512x128xf32, #tpu.memory_space<vmem>>, vector<1x16xf32>,
      %swap3A_710 = vector.shape_cast %swap3A_709 : vector<1x16xf32> to vector<16xf32>
      %swap3A_711 = vector.shape_cast %add3A_706 : vector<16xf32> to vector<1x16xf32>
      tpu.vector_store %arg7[%swap3A_707, %swap3A_708], %swap3A_711 {strides = array<i32>} : memref<512x128xf32, #tpu.memory_space<vmem>>, vector<1x16xf32>,
      %mul3A_712 = arith.mulf %convert_element_type3A_679, %sub3A_78 : vector<16xf32>
      %add3A_713 = arith.addf %get3A_34, %mul3A_712 : vector<16xf32>
      %swap3A_714 = arith.index_cast %add3A_683 : i32 to index
      %swap3A_715 = arith.constant 64 : index
      %swap3A_716 = tpu.vector_load %arg7[%swap3A_714, %swap3A_715] {strides = array<i32>} : memref<512x128xf32, #tpu.memory_space<vmem>>, vector<1x16xf32>,
      %swap3A_717 = vector.shape_cast %swap3A_716 : vector<1x16xf32> to vector<16xf32>
      %swap3A_718 = vector.shape_cast %add3A_713 : vector<16xf32> to vector<1x16xf32>
      tpu.vector_store %arg7[%swap3A_714, %swap3A_715], %swap3A_718 {strides = array<i32>} : memref<512x128xf32, #tpu.memory_space<vmem>>, vector<1x16xf32>,
      %mul3A_719 = arith.mulf %convert_element_type3A_679, %sub3A_84 : vector<16xf32>
      %add3A_720 = arith.addf %get3A_39, %mul3A_719 : vector<16xf32>
      %swap3A_721 = arith.index_cast %add3A_683 : i32 to index
      %swap3A_722 = arith.constant 80 : index
      %swap3A_723 = tpu.vector_load %arg7[%swap3A_721, %swap3A_722] {strides = array<i32>} : memref<512x128xf32, #tpu.memory_space<vmem>>, vector<1x16xf32>,
      %swap3A_724 = vector.shape_cast %swap3A_723 : vector<1x16xf32> to vector<16xf32>
      %swap3A_725 = vector.shape_cast %add3A_720 : vector<16xf32> to vector<1x16xf32>
      tpu.vector_store %arg7[%swap3A_721, %swap3A_722], %swap3A_725 {strides = array<i32>} : memref<512x128xf32, #tpu.memory_space<vmem>>, vector<1x16xf32>,
      %mul3A_726 = arith.mulf %convert_element_type3A_679, %sub3A_90 : vector<16xf32>
      %add3A_727 = arith.addf %get3A_44, %mul3A_726 : vector<16xf32>
      %swap3A_728 = arith.index_cast %add3A_683 : i32 to index
      %swap3A_729 = arith.constant 96 : index
      %swap3A_730 = tpu.vector_load %arg7[%swap3A_728, %swap3A_729] {strides = array<i32>} : memref<512x128xf32, #tpu.memory_space<vmem>>, vector<1x16xf32>,
      %swap3A_731 = vector.shape_cast %swap3A_730 : vector<1x16xf32> to vector<16xf32>
      %swap3A_732 = vector.shape_cast %add3A_727 : vector<16xf32> to vector<1x16xf32>
      tpu.vector_store %arg7[%swap3A_728, %swap3A_729], %swap3A_732 {strides = array<i32>} : memref<512x128xf32, #tpu.memory_space<vmem>>, vector<1x16xf32>,
      %mul3A_733 = arith.mulf %convert_element_type3A_679, %sub3A_96 : vector<16xf32>
      %add3A_734 = arith.addf %get3A_49, %mul3A_733 : vector<16xf32>
      %swap3A_735 = arith.index_cast %add3A_683 : i32 to index
      %swap3A_736 = arith.constant 112 : index
      %swap3A_737 = tpu.vector_load %arg7[%swap3A_735, %swap3A_736] {strides = array<i32>} : memref<512x128xf32, #tpu.memory_space<vmem>>, vector<1x16xf32>,
      %swap3A_738 = vector.shape_cast %swap3A_737 : vector<1x16xf32> to vector<16xf32>
      %swap3A_739 = vector.shape_cast %add3A_734 : vector<16xf32> to vector<1x16xf32>
      tpu.vector_store %arg7[%swap3A_735, %swap3A_736], %swap3A_739 {strides = array<i32>} : memref<512x128xf32, #tpu.memory_space<vmem>>, vector<1x16xf32>,
      %broadcast_in_dim3A_740 = arith.constant 8 : i32
      %broadcast_in_dim3A_741 = vector.broadcast %broadcast_in_dim3A_740 : i32 to vector<16xi32>
      %lt3A_742 = arith.constant 0 : i32
      %lt3A_743 = vector.broadcast %lt3A_742 : i32 to vector<16xi32>
      %lt3A_744 = arith.cmpi slt, %broadcast_in_dim3A_741, %lt3A_743 : vector<16xi32>
      %add3A_745 = arith.constant 16 : i32
      %add3A_746 = vector.broadcast %add3A_745 : i32 to vector<16xi32>
      %add3A_747 = arith.addi %broadcast_in_dim3A_741, %add3A_746 : vector<16xi32>
      %select_n3A_748 = arith.select %lt3A_744, %add3A_747, %broadcast_in_dim3A_741 : vector<16xi1>, vector<16xi32>
      %broadcast_in_dim3A_749 = vector.shape_cast %select_n3A_748 : vector<16xi32> to vector<16x1xi32>
      %gather3A_750 = vector.shape_cast %broadcast_in_dim3A_749 : vector<16x1xi32> to vector<16xi32>
      %gather3A_751 = tpu.dynamic_gather %get3A_161[%gather3A_750] in [0] : vector<16xi32>, vector<16xi32> -> vector<16xi32>
      %convert_element_type3A_752 = arith.sitofp %gather3A_751 : vector<16xi32> to vector<16xf32>
      %mul3A_753 = arith.constant 16 : i32
      %mul3A_754 = arith.muli %scan3A_156, %mul3A_753 : i32
      %add3A_755 = arith.constant 8 : i32
      %add3A_756 = arith.addi %mul3A_754, %add3A_755 : i32
      %mul3A_757 = arith.mulf %convert_element_type3A_752, %sub3A : vector<16xf32>
      %add3A_758 = arith.addf %get3A_14, %mul3A_757 : vector<16xf32>
      %swap3A_759 = arith.index_cast %add3A_756 : i32 to index
      %swap3A_760 = arith.constant 0 : index
      %swap3A_761 = tpu.vector_load %arg7[%swap3A_759, %swap3A_760] {strides = array<i32>} : memref<512x128xf32, #tpu.memory_space<vmem>>, vector<1x16xf32>,
      %swap3A_762 = vector.shape_cast %swap3A_761 : vector<1x16xf32> to vector<16xf32>
      %swap3A_763 = vector.shape_cast %add3A_758 : vector<16xf32> to vector<1x16xf32>
      tpu.vector_store %arg7[%swap3A_759, %swap3A_760], %swap3A_763 {strides = array<i32>} : memref<512x128xf32, #tpu.memory_space<vmem>>, vector<1x16xf32>,
      %mul3A_764 = arith.mulf %convert_element_type3A_752, %sub3A_60 : vector<16xf32>
      %add3A_765 = arith.addf %get3A_19, %mul3A_764 : vector<16xf32>
      %swap3A_766 = arith.index_cast %add3A_756 : i32 to index
      %swap3A_767 = arith.constant 16 : index
      %swap3A_768 = tpu.vector_load %arg7[%swap3A_766, %swap3A_767] {strides = array<i32>} : memref<512x128xf32, #tpu.memory_space<vmem>>, vector<1x16xf32>,
      %swap3A_769 = vector.shape_cast %swap3A_768 : vector<1x16xf32> to vector<16xf32>
      %swap3A_770 = vector.shape_cast %add3A_765 : vector<16xf32> to vector<1x16xf32>
      tpu.vector_store %arg7[%swap3A_766, %swap3A_767], %swap3A_770 {strides = array<i32>} : memref<512x128xf32, #tpu.memory_space<vmem>>, vector<1x16xf32>,
      %mul3A_771 = arith.mulf %convert_element_type3A_752, %sub3A_66 : vector<16xf32>
      %add3A_772 = arith.addf %get3A_24, %mul3A_771 : vector<16xf32>
      %swap3A_773 = arith.index_cast %add3A_756 : i32 to index
      %swap3A_774 = arith.constant 32 : index
      %swap3A_775 = tpu.vector_load %arg7[%swap3A_773, %swap3A_774] {strides = array<i32>} : memref<512x128xf32, #tpu.memory_space<vmem>>, vector<1x16xf32>,
      %swap3A_776 = vector.shape_cast %swap3A_775 : vector<1x16xf32> to vector<16xf32>
      %swap3A_777 = vector.shape_cast %add3A_772 : vector<16xf32> to vector<1x16xf32>
      tpu.vector_store %arg7[%swap3A_773, %swap3A_774], %swap3A_777 {strides = array<i32>} : memref<512x128xf32, #tpu.memory_space<vmem>>, vector<1x16xf32>,
      %mul3A_778 = arith.mulf %convert_element_type3A_752, %sub3A_72 : vector<16xf32>
      %add3A_779 = arith.addf %get3A_29, %mul3A_778 : vector<16xf32>
      %swap3A_780 = arith.index_cast %add3A_756 : i32 to index
      %swap3A_781 = arith.constant 48 : index
      %swap3A_782 = tpu.vector_load %arg7[%swap3A_780, %swap3A_781] {strides = array<i32>} : memref<512x128xf32, #tpu.memory_space<vmem>>, vector<1x16xf32>,
      %swap3A_783 = vector.shape_cast %swap3A_782 : vector<1x16xf32> to vector<16xf32>
      %swap3A_784 = vector.shape_cast %add3A_779 : vector<16xf32> to vector<1x16xf32>
      tpu.vector_store %arg7[%swap3A_780, %swap3A_781], %swap3A_784 {strides = array<i32>} : memref<512x128xf32, #tpu.memory_space<vmem>>, vector<1x16xf32>,
      %mul3A_785 = arith.mulf %convert_element_type3A_752, %sub3A_78 : vector<16xf32>
      %add3A_786 = arith.addf %get3A_34, %mul3A_785 : vector<16xf32>
      %swap3A_787 = arith.index_cast %add3A_756 : i32 to index
      %swap3A_788 = arith.constant 64 : index
      %swap3A_789 = tpu.vector_load %arg7[%swap3A_787, %swap3A_788] {strides = array<i32>} : memref<512x128xf32, #tpu.memory_space<vmem>>, vector<1x16xf32>,
      %swap3A_790 = vector.shape_cast %swap3A_789 : vector<1x16xf32> to vector<16xf32>
      %swap3A_791 = vector.shape_cast %add3A_786 : vector<16xf32> to vector<1x16xf32>
      tpu.vector_store %arg7[%swap3A_787, %swap3A_788], %swap3A_791 {strides = array<i32>} : memref<512x128xf32, #tpu.memory_space<vmem>>, vector<1x16xf32>,
      %mul3A_792 = arith.mulf %convert_element_type3A_752, %sub3A_84 : vector<16xf32>
      %add3A_793 = arith.addf %get3A_39, %mul3A_792 : vector<16xf32>
      %swap3A_794 = arith.index_cast %add3A_756 : i32 to index
      %swap3A_795 = arith.constant 80 : index
      %swap3A_796 = tpu.vector_load %arg7[%swap3A_794, %swap3A_795] {strides = array<i32>} : memref<512x128xf32, #tpu.memory_space<vmem>>, vector<1x16xf32>,
      %swap3A_797 = vector.shape_cast %swap3A_796 : vector<1x16xf32> to vector<16xf32>
      %swap3A_798 = vector.shape_cast %add3A_793 : vector<16xf32> to vector<1x16xf32>
      tpu.vector_store %arg7[%swap3A_794, %swap3A_795], %swap3A_798 {strides = array<i32>} : memref<512x128xf32, #tpu.memory_space<vmem>>, vector<1x16xf32>,
      %mul3A_799 = arith.mulf %convert_element_type3A_752, %sub3A_90 : vector<16xf32>
      %add3A_800 = arith.addf %get3A_44, %mul3A_799 : vector<16xf32>
      %swap3A_801 = arith.index_cast %add3A_756 : i32 to index
      %swap3A_802 = arith.constant 96 : index
      %swap3A_803 = tpu.vector_load %arg7[%swap3A_801, %swap3A_802] {strides = array<i32>} : memref<512x128xf32, #tpu.memory_space<vmem>>, vector<1x16xf32>,
      %swap3A_804 = vector.shape_cast %swap3A_803 : vector<1x16xf32> to vector<16xf32>
      %swap3A_805 = vector.shape_cast %add3A_800 : vector<16xf32> to vector<1x16xf32>
      tpu.vector_store %arg7[%swap3A_801, %swap3A_802], %swap3A_805 {strides = array<i32>} : memref<512x128xf32, #tpu.memory_space<vmem>>, vector<1x16xf32>,
      %mul3A_806 = arith.mulf %convert_element_type3A_752, %sub3A_96 : vector<16xf32>
      %add3A_807 = arith.addf %get3A_49, %mul3A_806 : vector<16xf32>
      %swap3A_808 = arith.index_cast %add3A_756 : i32 to index
      %swap3A_809 = arith.constant 112 : index
      %swap3A_810 = tpu.vector_load %arg7[%swap3A_808, %swap3A_809] {strides = array<i32>} : memref<512x128xf32, #tpu.memory_space<vmem>>, vector<1x16xf32>,
      %swap3A_811 = vector.shape_cast %swap3A_810 : vector<1x16xf32> to vector<16xf32>
      %swap3A_812 = vector.shape_cast %add3A_807 : vector<16xf32> to vector<1x16xf32>
      tpu.vector_store %arg7[%swap3A_808, %swap3A_809], %swap3A_812 {strides = array<i32>} : memref<512x128xf32, #tpu.memory_space<vmem>>, vector<1x16xf32>,
      %broadcast_in_dim3A_813 = arith.constant 9 : i32
      %broadcast_in_dim3A_814 = vector.broadcast %broadcast_in_dim3A_813 : i32 to vector<16xi32>
      %lt3A_815 = arith.constant 0 : i32
      %lt3A_816 = vector.broadcast %lt3A_815 : i32 to vector<16xi32>
      %lt3A_817 = arith.cmpi slt, %broadcast_in_dim3A_814, %lt3A_816 : vector<16xi32>
      %add3A_818 = arith.constant 16 : i32
      %add3A_819 = vector.broadcast %add3A_818 : i32 to vector<16xi32>
      %add3A_820 = arith.addi %broadcast_in_dim3A_814, %add3A_819 : vector<16xi32>
      %select_n3A_821 = arith.select %lt3A_817, %add3A_820, %broadcast_in_dim3A_814 : vector<16xi1>, vector<16xi32>
      %broadcast_in_dim3A_822 = vector.shape_cast %select_n3A_821 : vector<16xi32> to vector<16x1xi32>
      %gather3A_823 = vector.shape_cast %broadcast_in_dim3A_822 : vector<16x1xi32> to vector<16xi32>
      %gather3A_824 = tpu.dynamic_gather %get3A_161[%gather3A_823] in [0] : vector<16xi32>, vector<16xi32> -> vector<16xi32>
      %convert_element_type3A_825 = arith.sitofp %gather3A_824 : vector<16xi32> to vector<16xf32>
      %mul3A_826 = arith.constant 16 : i32
      %mul3A_827 = arith.muli %scan3A_156, %mul3A_826 : i32
      %add3A_828 = arith.constant 9 : i32
      %add3A_829 = arith.addi %mul3A_827, %add3A_828 : i32
      %mul3A_830 = arith.mulf %convert_element_type3A_825, %sub3A : vector<16xf32>
      %add3A_831 = arith.addf %get3A_14, %mul3A_830 : vector<16xf32>
      %swap3A_832 = arith.index_cast %add3A_829 : i32 to index
      %swap3A_833 = arith.constant 0 : index
      %swap3A_834 = tpu.vector_load %arg7[%swap3A_832, %swap3A_833] {strides = array<i32>} : memref<512x128xf32, #tpu.memory_space<vmem>>, vector<1x16xf32>,
      %swap3A_835 = vector.shape_cast %swap3A_834 : vector<1x16xf32> to vector<16xf32>
      %swap3A_836 = vector.shape_cast %add3A_831 : vector<16xf32> to vector<1x16xf32>
      tpu.vector_store %arg7[%swap3A_832, %swap3A_833], %swap3A_836 {strides = array<i32>} : memref<512x128xf32, #tpu.memory_space<vmem>>, vector<1x16xf32>,
      %mul3A_837 = arith.mulf %convert_element_type3A_825, %sub3A_60 : vector<16xf32>
      %add3A_838 = arith.addf %get3A_19, %mul3A_837 : vector<16xf32>
      %swap3A_839 = arith.index_cast %add3A_829 : i32 to index
      %swap3A_840 = arith.constant 16 : index
      %swap3A_841 = tpu.vector_load %arg7[%swap3A_839, %swap3A_840] {strides = array<i32>} : memref<512x128xf32, #tpu.memory_space<vmem>>, vector<1x16xf32>,
      %swap3A_842 = vector.shape_cast %swap3A_841 : vector<1x16xf32> to vector<16xf32>
      %swap3A_843 = vector.shape_cast %add3A_838 : vector<16xf32> to vector<1x16xf32>
      tpu.vector_store %arg7[%swap3A_839, %swap3A_840], %swap3A_843 {strides = array<i32>} : memref<512x128xf32, #tpu.memory_space<vmem>>, vector<1x16xf32>,
      %mul3A_844 = arith.mulf %convert_element_type3A_825, %sub3A_66 : vector<16xf32>
      %add3A_845 = arith.addf %get3A_24, %mul3A_844 : vector<16xf32>
      %swap3A_846 = arith.index_cast %add3A_829 : i32 to index
      %swap3A_847 = arith.constant 32 : index
      %swap3A_848 = tpu.vector_load %arg7[%swap3A_846, %swap3A_847] {strides = array<i32>} : memref<512x128xf32, #tpu.memory_space<vmem>>, vector<1x16xf32>,
      %swap3A_849 = vector.shape_cast %swap3A_848 : vector<1x16xf32> to vector<16xf32>
      %swap3A_850 = vector.shape_cast %add3A_845 : vector<16xf32> to vector<1x16xf32>
      tpu.vector_store %arg7[%swap3A_846, %swap3A_847], %swap3A_850 {strides = array<i32>} : memref<512x128xf32, #tpu.memory_space<vmem>>, vector<1x16xf32>,
      %mul3A_851 = arith.mulf %convert_element_type3A_825, %sub3A_72 : vector<16xf32>
      %add3A_852 = arith.addf %get3A_29, %mul3A_851 : vector<16xf32>
      %swap3A_853 = arith.index_cast %add3A_829 : i32 to index
      %swap3A_854 = arith.constant 48 : index
      %swap3A_855 = tpu.vector_load %arg7[%swap3A_853, %swap3A_854] {strides = array<i32>} : memref<512x128xf32, #tpu.memory_space<vmem>>, vector<1x16xf32>,
      %swap3A_856 = vector.shape_cast %swap3A_855 : vector<1x16xf32> to vector<16xf32>
      %swap3A_857 = vector.shape_cast %add3A_852 : vector<16xf32> to vector<1x16xf32>
      tpu.vector_store %arg7[%swap3A_853, %swap3A_854], %swap3A_857 {strides = array<i32>} : memref<512x128xf32, #tpu.memory_space<vmem>>, vector<1x16xf32>,
      %mul3A_858 = arith.mulf %convert_element_type3A_825, %sub3A_78 : vector<16xf32>
      %add3A_859 = arith.addf %get3A_34, %mul3A_858 : vector<16xf32>
      %swap3A_860 = arith.index_cast %add3A_829 : i32 to index
      %swap3A_861 = arith.constant 64 : index
      %swap3A_862 = tpu.vector_load %arg7[%swap3A_860, %swap3A_861] {strides = array<i32>} : memref<512x128xf32, #tpu.memory_space<vmem>>, vector<1x16xf32>,
      %swap3A_863 = vector.shape_cast %swap3A_862 : vector<1x16xf32> to vector<16xf32>
      %swap3A_864 = vector.shape_cast %add3A_859 : vector<16xf32> to vector<1x16xf32>
      tpu.vector_store %arg7[%swap3A_860, %swap3A_861], %swap3A_864 {strides = array<i32>} : memref<512x128xf32, #tpu.memory_space<vmem>>, vector<1x16xf32>,
      %mul3A_865 = arith.mulf %convert_element_type3A_825, %sub3A_84 : vector<16xf32>
      %add3A_866 = arith.addf %get3A_39, %mul3A_865 : vector<16xf32>
      %swap3A_867 = arith.index_cast %add3A_829 : i32 to index
      %swap3A_868 = arith.constant 80 : index
      %swap3A_869 = tpu.vector_load %arg7[%swap3A_867, %swap3A_868] {strides = array<i32>} : memref<512x128xf32, #tpu.memory_space<vmem>>, vector<1x16xf32>,
      %swap3A_870 = vector.shape_cast %swap3A_869 : vector<1x16xf32> to vector<16xf32>
      %swap3A_871 = vector.shape_cast %add3A_866 : vector<16xf32> to vector<1x16xf32>
      tpu.vector_store %arg7[%swap3A_867, %swap3A_868], %swap3A_871 {strides = array<i32>} : memref<512x128xf32, #tpu.memory_space<vmem>>, vector<1x16xf32>,
      %mul3A_872 = arith.mulf %convert_element_type3A_825, %sub3A_90 : vector<16xf32>
      %add3A_873 = arith.addf %get3A_44, %mul3A_872 : vector<16xf32>
      %swap3A_874 = arith.index_cast %add3A_829 : i32 to index
      %swap3A_875 = arith.constant 96 : index
      %swap3A_876 = tpu.vector_load %arg7[%swap3A_874, %swap3A_875] {strides = array<i32>} : memref<512x128xf32, #tpu.memory_space<vmem>>, vector<1x16xf32>,
      %swap3A_877 = vector.shape_cast %swap3A_876 : vector<1x16xf32> to vector<16xf32>
      %swap3A_878 = vector.shape_cast %add3A_873 : vector<16xf32> to vector<1x16xf32>
      tpu.vector_store %arg7[%swap3A_874, %swap3A_875], %swap3A_878 {strides = array<i32>} : memref<512x128xf32, #tpu.memory_space<vmem>>, vector<1x16xf32>,
      %mul3A_879 = arith.mulf %convert_element_type3A_825, %sub3A_96 : vector<16xf32>
      %add3A_880 = arith.addf %get3A_49, %mul3A_879 : vector<16xf32>
      %swap3A_881 = arith.index_cast %add3A_829 : i32 to index
      %swap3A_882 = arith.constant 112 : index
      %swap3A_883 = tpu.vector_load %arg7[%swap3A_881, %swap3A_882] {strides = array<i32>} : memref<512x128xf32, #tpu.memory_space<vmem>>, vector<1x16xf32>,
      %swap3A_884 = vector.shape_cast %swap3A_883 : vector<1x16xf32> to vector<16xf32>
      %swap3A_885 = vector.shape_cast %add3A_880 : vector<16xf32> to vector<1x16xf32>
      tpu.vector_store %arg7[%swap3A_881, %swap3A_882], %swap3A_885 {strides = array<i32>} : memref<512x128xf32, #tpu.memory_space<vmem>>, vector<1x16xf32>,
      %broadcast_in_dim3A_886 = arith.constant 10 : i32
      %broadcast_in_dim3A_887 = vector.broadcast %broadcast_in_dim3A_886 : i32 to vector<16xi32>
      %lt3A_888 = arith.constant 0 : i32
      %lt3A_889 = vector.broadcast %lt3A_888 : i32 to vector<16xi32>
      %lt3A_890 = arith.cmpi slt, %broadcast_in_dim3A_887, %lt3A_889 : vector<16xi32>
      %add3A_891 = arith.constant 16 : i32
      %add3A_892 = vector.broadcast %add3A_891 : i32 to vector<16xi32>
      %add3A_893 = arith.addi %broadcast_in_dim3A_887, %add3A_892 : vector<16xi32>
      %select_n3A_894 = arith.select %lt3A_890, %add3A_893, %broadcast_in_dim3A_887 : vector<16xi1>, vector<16xi32>
      %broadcast_in_dim3A_895 = vector.shape_cast %select_n3A_894 : vector<16xi32> to vector<16x1xi32>
      %gather3A_896 = vector.shape_cast %broadcast_in_dim3A_895 : vector<16x1xi32> to vector<16xi32>
      %gather3A_897 = tpu.dynamic_gather %get3A_161[%gather3A_896] in [0] : vector<16xi32>, vector<16xi32> -> vector<16xi32>
      %convert_element_type3A_898 = arith.sitofp %gather3A_897 : vector<16xi32> to vector<16xf32>
      %mul3A_899 = arith.constant 16 : i32
      %mul3A_900 = arith.muli %scan3A_156, %mul3A_899 : i32
      %add3A_901 = arith.constant 10 : i32
      %add3A_902 = arith.addi %mul3A_900, %add3A_901 : i32
      %mul3A_903 = arith.mulf %convert_element_type3A_898, %sub3A : vector<16xf32>
      %add3A_904 = arith.addf %get3A_14, %mul3A_903 : vector<16xf32>
      %swap3A_905 = arith.index_cast %add3A_902 : i32 to index
      %swap3A_906 = arith.constant 0 : index
      %swap3A_907 = tpu.vector_load %arg7[%swap3A_905, %swap3A_906] {strides = array<i32>} : memref<512x128xf32, #tpu.memory_space<vmem>>, vector<1x16xf32>,
      %swap3A_908 = vector.shape_cast %swap3A_907 : vector<1x16xf32> to vector<16xf32>
      %swap3A_909 = vector.shape_cast %add3A_904 : vector<16xf32> to vector<1x16xf32>
      tpu.vector_store %arg7[%swap3A_905, %swap3A_906], %swap3A_909 {strides = array<i32>} : memref<512x128xf32, #tpu.memory_space<vmem>>, vector<1x16xf32>,
      %mul3A_910 = arith.mulf %convert_element_type3A_898, %sub3A_60 : vector<16xf32>
      %add3A_911 = arith.addf %get3A_19, %mul3A_910 : vector<16xf32>
      %swap3A_912 = arith.index_cast %add3A_902 : i32 to index
      %swap3A_913 = arith.constant 16 : index
      %swap3A_914 = tpu.vector_load %arg7[%swap3A_912, %swap3A_913] {strides = array<i32>} : memref<512x128xf32, #tpu.memory_space<vmem>>, vector<1x16xf32>,
      %swap3A_915 = vector.shape_cast %swap3A_914 : vector<1x16xf32> to vector<16xf32>
      %swap3A_916 = vector.shape_cast %add3A_911 : vector<16xf32> to vector<1x16xf32>
      tpu.vector_store %arg7[%swap3A_912, %swap3A_913], %swap3A_916 {strides = array<i32>} : memref<512x128xf32, #tpu.memory_space<vmem>>, vector<1x16xf32>,
      %mul3A_917 = arith.mulf %convert_element_type3A_898, %sub3A_66 : vector<16xf32>
      %add3A_918 = arith.addf %get3A_24, %mul3A_917 : vector<16xf32>
      %swap3A_919 = arith.index_cast %add3A_902 : i32 to index
      %swap3A_920 = arith.constant 32 : index
      %swap3A_921 = tpu.vector_load %arg7[%swap3A_919, %swap3A_920] {strides = array<i32>} : memref<512x128xf32, #tpu.memory_space<vmem>>, vector<1x16xf32>,
      %swap3A_922 = vector.shape_cast %swap3A_921 : vector<1x16xf32> to vector<16xf32>
      %swap3A_923 = vector.shape_cast %add3A_918 : vector<16xf32> to vector<1x16xf32>
      tpu.vector_store %arg7[%swap3A_919, %swap3A_920], %swap3A_923 {strides = array<i32>} : memref<512x128xf32, #tpu.memory_space<vmem>>, vector<1x16xf32>,
      %mul3A_924 = arith.mulf %convert_element_type3A_898, %sub3A_72 : vector<16xf32>
      %add3A_925 = arith.addf %get3A_29, %mul3A_924 : vector<16xf32>
      %swap3A_926 = arith.index_cast %add3A_902 : i32 to index
      %swap3A_927 = arith.constant 48 : index
      %swap3A_928 = tpu.vector_load %arg7[%swap3A_926, %swap3A_927] {strides = array<i32>} : memref<512x128xf32, #tpu.memory_space<vmem>>, vector<1x16xf32>,
      %swap3A_929 = vector.shape_cast %swap3A_928 : vector<1x16xf32> to vector<16xf32>
      %swap3A_930 = vector.shape_cast %add3A_925 : vector<16xf32> to vector<1x16xf32>
      tpu.vector_store %arg7[%swap3A_926, %swap3A_927], %swap3A_930 {strides = array<i32>} : memref<512x128xf32, #tpu.memory_space<vmem>>, vector<1x16xf32>,
      %mul3A_931 = arith.mulf %convert_element_type3A_898, %sub3A_78 : vector<16xf32>
      %add3A_932 = arith.addf %get3A_34, %mul3A_931 : vector<16xf32>
      %swap3A_933 = arith.index_cast %add3A_902 : i32 to index
      %swap3A_934 = arith.constant 64 : index
      %swap3A_935 = tpu.vector_load %arg7[%swap3A_933, %swap3A_934] {strides = array<i32>} : memref<512x128xf32, #tpu.memory_space<vmem>>, vector<1x16xf32>,
      %swap3A_936 = vector.shape_cast %swap3A_935 : vector<1x16xf32> to vector<16xf32>
      %swap3A_937 = vector.shape_cast %add3A_932 : vector<16xf32> to vector<1x16xf32>
      tpu.vector_store %arg7[%swap3A_933, %swap3A_934], %swap3A_937 {strides = array<i32>} : memref<512x128xf32, #tpu.memory_space<vmem>>, vector<1x16xf32>,
      %mul3A_938 = arith.mulf %convert_element_type3A_898, %sub3A_84 : vector<16xf32>
      %add3A_939 = arith.addf %get3A_39, %mul3A_938 : vector<16xf32>
      %swap3A_940 = arith.index_cast %add3A_902 : i32 to index
      %swap3A_941 = arith.constant 80 : index
      %swap3A_942 = tpu.vector_load %arg7[%swap3A_940, %swap3A_941] {strides = array<i32>} : memref<512x128xf32, #tpu.memory_space<vmem>>, vector<1x16xf32>,
      %swap3A_943 = vector.shape_cast %swap3A_942 : vector<1x16xf32> to vector<16xf32>
      %swap3A_944 = vector.shape_cast %add3A_939 : vector<16xf32> to vector<1x16xf32>
      tpu.vector_store %arg7[%swap3A_940, %swap3A_941], %swap3A_944 {strides = array<i32>} : memref<512x128xf32, #tpu.memory_space<vmem>>, vector<1x16xf32>,
      %mul3A_945 = arith.mulf %convert_element_type3A_898, %sub3A_90 : vector<16xf32>
      %add3A_946 = arith.addf %get3A_44, %mul3A_945 : vector<16xf32>
      %swap3A_947 = arith.index_cast %add3A_902 : i32 to index
      %swap3A_948 = arith.constant 96 : index
      %swap3A_949 = tpu.vector_load %arg7[%swap3A_947, %swap3A_948] {strides = array<i32>} : memref<512x128xf32, #tpu.memory_space<vmem>>, vector<1x16xf32>,
      %swap3A_950 = vector.shape_cast %swap3A_949 : vector<1x16xf32> to vector<16xf32>
      %swap3A_951 = vector.shape_cast %add3A_946 : vector<16xf32> to vector<1x16xf32>
      tpu.vector_store %arg7[%swap3A_947, %swap3A_948], %swap3A_951 {strides = array<i32>} : memref<512x128xf32, #tpu.memory_space<vmem>>, vector<1x16xf32>,
      %mul3A_952 = arith.mulf %convert_element_type3A_898, %sub3A_96 : vector<16xf32>
      %add3A_953 = arith.addf %get3A_49, %mul3A_952 : vector<16xf32>
      %swap3A_954 = arith.index_cast %add3A_902 : i32 to index
      %swap3A_955 = arith.constant 112 : index
      %swap3A_956 = tpu.vector_load %arg7[%swap3A_954, %swap3A_955] {strides = array<i32>} : memref<512x128xf32, #tpu.memory_space<vmem>>, vector<1x16xf32>,
      %swap3A_957 = vector.shape_cast %swap3A_956 : vector<1x16xf32> to vector<16xf32>
      %swap3A_958 = vector.shape_cast %add3A_953 : vector<16xf32> to vector<1x16xf32>
      tpu.vector_store %arg7[%swap3A_954, %swap3A_955], %swap3A_958 {strides = array<i32>} : memref<512x128xf32, #tpu.memory_space<vmem>>, vector<1x16xf32>,
      %broadcast_in_dim3A_959 = arith.constant 11 : i32
      %broadcast_in_dim3A_960 = vector.broadcast %broadcast_in_dim3A_959 : i32 to vector<16xi32>
      %lt3A_961 = arith.constant 0 : i32
      %lt3A_962 = vector.broadcast %lt3A_961 : i32 to vector<16xi32>
      %lt3A_963 = arith.cmpi slt, %broadcast_in_dim3A_960, %lt3A_962 : vector<16xi32>
      %add3A_964 = arith.constant 16 : i32
      %add3A_965 = vector.broadcast %add3A_964 : i32 to vector<16xi32>
      %add3A_966 = arith.addi %broadcast_in_dim3A_960, %add3A_965 : vector<16xi32>
      %select_n3A_967 = arith.select %lt3A_963, %add3A_966, %broadcast_in_dim3A_960 : vector<16xi1>, vector<16xi32>
      %broadcast_in_dim3A_968 = vector.shape_cast %select_n3A_967 : vector<16xi32> to vector<16x1xi32>
      %gather3A_969 = vector.shape_cast %broadcast_in_dim3A_968 : vector<16x1xi32> to vector<16xi32>
      %gather3A_970 = tpu.dynamic_gather %get3A_161[%gather3A_969] in [0] : vector<16xi32>, vector<16xi32> -> vector<16xi32>
      %convert_element_type3A_971 = arith.sitofp %gather3A_970 : vector<16xi32> to vector<16xf32>
      %mul3A_972 = arith.constant 16 : i32
      %mul3A_973 = arith.muli %scan3A_156, %mul3A_972 : i32
      %add3A_974 = arith.constant 11 : i32
      %add3A_975 = arith.addi %mul3A_973, %add3A_974 : i32
      %mul3A_976 = arith.mulf %convert_element_type3A_971, %sub3A : vector<16xf32>
      %add3A_977 = arith.addf %get3A_14, %mul3A_976 : vector<16xf32>
      %swap3A_978 = arith.index_cast %add3A_975 : i32 to index
      %swap3A_979 = arith.constant 0 : index
      %swap3A_980 = tpu.vector_load %arg7[%swap3A_978, %swap3A_979] {strides = array<i32>} : memref<512x128xf32, #tpu.memory_space<vmem>>, vector<1x16xf32>,
      %swap3A_981 = vector.shape_cast %swap3A_980 : vector<1x16xf32> to vector<16xf32>
      %swap3A_982 = vector.shape_cast %add3A_977 : vector<16xf32> to vector<1x16xf32>
      tpu.vector_store %arg7[%swap3A_978, %swap3A_979], %swap3A_982 {strides = array<i32>} : memref<512x128xf32, #tpu.memory_space<vmem>>, vector<1x16xf32>,
      %mul3A_983 = arith.mulf %convert_element_type3A_971, %sub3A_60 : vector<16xf32>
      %add3A_984 = arith.addf %get3A_19, %mul3A_983 : vector<16xf32>
      %swap3A_985 = arith.index_cast %add3A_975 : i32 to index
      %swap3A_986 = arith.constant 16 : index
      %swap3A_987 = tpu.vector_load %arg7[%swap3A_985, %swap3A_986] {strides = array<i32>} : memref<512x128xf32, #tpu.memory_space<vmem>>, vector<1x16xf32>,
      %swap3A_988 = vector.shape_cast %swap3A_987 : vector<1x16xf32> to vector<16xf32>
      %swap3A_989 = vector.shape_cast %add3A_984 : vector<16xf32> to vector<1x16xf32>
      tpu.vector_store %arg7[%swap3A_985, %swap3A_986], %swap3A_989 {strides = array<i32>} : memref<512x128xf32, #tpu.memory_space<vmem>>, vector<1x16xf32>,
      %mul3A_990 = arith.mulf %convert_element_type3A_971, %sub3A_66 : vector<16xf32>
      %add3A_991 = arith.addf %get3A_24, %mul3A_990 : vector<16xf32>
      %swap3A_992 = arith.index_cast %add3A_975 : i32 to index
      %swap3A_993 = arith.constant 32 : index
      %swap3A_994 = tpu.vector_load %arg7[%swap3A_992, %swap3A_993] {strides = array<i32>} : memref<512x128xf32, #tpu.memory_space<vmem>>, vector<1x16xf32>,
      %swap3A_995 = vector.shape_cast %swap3A_994 : vector<1x16xf32> to vector<16xf32>
      %swap3A_996 = vector.shape_cast %add3A_991 : vector<16xf32> to vector<1x16xf32>
      tpu.vector_store %arg7[%swap3A_992, %swap3A_993], %swap3A_996 {strides = array<i32>} : memref<512x128xf32, #tpu.memory_space<vmem>>, vector<1x16xf32>,
      %mul3A_997 = arith.mulf %convert_element_type3A_971, %sub3A_72 : vector<16xf32>
      %add3A_998 = arith.addf %get3A_29, %mul3A_997 : vector<16xf32>
      %swap3A_999 = arith.index_cast %add3A_975 : i32 to index
      %swap3A_1000 = arith.constant 48 : index
      %swap3A_1001 = tpu.vector_load %arg7[%swap3A_999, %swap3A_1000] {strides = array<i32>} : memref<512x128xf32, #tpu.memory_space<vmem>>, vector<1x16xf32>,
      %swap3A_1002 = vector.shape_cast %swap3A_1001 : vector<1x16xf32> to vector<16xf32>
      %swap3A_1003 = vector.shape_cast %add3A_998 : vector<16xf32> to vector<1x16xf32>
      tpu.vector_store %arg7[%swap3A_999, %swap3A_1000], %swap3A_1003 {strides = array<i32>} : memref<512x128xf32, #tpu.memory_space<vmem>>, vector<1x16xf32>,
      %mul3A_1004 = arith.mulf %convert_element_type3A_971, %sub3A_78 : vector<16xf32>
      %add3A_1005 = arith.addf %get3A_34, %mul3A_1004 : vector<16xf32>
      %swap3A_1006 = arith.index_cast %add3A_975 : i32 to index
      %swap3A_1007 = arith.constant 64 : index
      %swap3A_1008 = tpu.vector_load %arg7[%swap3A_1006, %swap3A_1007] {strides = array<i32>} : memref<512x128xf32, #tpu.memory_space<vmem>>, vector<1x16xf32>,
      %swap3A_1009 = vector.shape_cast %swap3A_1008 : vector<1x16xf32> to vector<16xf32>
      %swap3A_1010 = vector.shape_cast %add3A_1005 : vector<16xf32> to vector<1x16xf32>
      tpu.vector_store %arg7[%swap3A_1006, %swap3A_1007], %swap3A_1010 {strides = array<i32>} : memref<512x128xf32, #tpu.memory_space<vmem>>, vector<1x16xf32>,
      %mul3A_1011 = arith.mulf %convert_element_type3A_971, %sub3A_84 : vector<16xf32>
      %add3A_1012 = arith.addf %get3A_39, %mul3A_1011 : vector<16xf32>
      %swap3A_1013 = arith.index_cast %add3A_975 : i32 to index
      %swap3A_1014 = arith.constant 80 : index
      %swap3A_1015 = tpu.vector_load %arg7[%swap3A_1013, %swap3A_1014] {strides = array<i32>} : memref<512x128xf32, #tpu.memory_space<vmem>>, vector<1x16xf32>,
      %swap3A_1016 = vector.shape_cast %swap3A_1015 : vector<1x16xf32> to vector<16xf32>
      %swap3A_1017 = vector.shape_cast %add3A_1012 : vector<16xf32> to vector<1x16xf32>
      tpu.vector_store %arg7[%swap3A_1013, %swap3A_1014], %swap3A_1017 {strides = array<i32>} : memref<512x128xf32, #tpu.memory_space<vmem>>, vector<1x16xf32>,
      %mul3A_1018 = arith.mulf %convert_element_type3A_971, %sub3A_90 : vector<16xf32>
      %add3A_1019 = arith.addf %get3A_44, %mul3A_1018 : vector<16xf32>
      %swap3A_1020 = arith.index_cast %add3A_975 : i32 to index
      %swap3A_1021 = arith.constant 96 : index
      %swap3A_1022 = tpu.vector_load %arg7[%swap3A_1020, %swap3A_1021] {strides = array<i32>} : memref<512x128xf32, #tpu.memory_space<vmem>>, vector<1x16xf32>,
      %swap3A_1023 = vector.shape_cast %swap3A_1022 : vector<1x16xf32> to vector<16xf32>
      %swap3A_1024 = vector.shape_cast %add3A_1019 : vector<16xf32> to vector<1x16xf32>
      tpu.vector_store %arg7[%swap3A_1020, %swap3A_1021], %swap3A_1024 {strides = array<i32>} : memref<512x128xf32, #tpu.memory_space<vmem>>, vector<1x16xf32>,
      %mul3A_1025 = arith.mulf %convert_element_type3A_971, %sub3A_96 : vector<16xf32>
      %add3A_1026 = arith.addf %get3A_49, %mul3A_1025 : vector<16xf32>
      %swap3A_1027 = arith.index_cast %add3A_975 : i32 to index
      %swap3A_1028 = arith.constant 112 : index
      %swap3A_1029 = tpu.vector_load %arg7[%swap3A_1027, %swap3A_1028] {strides = array<i32>} : memref<512x128xf32, #tpu.memory_space<vmem>>, vector<1x16xf32>,
      %swap3A_1030 = vector.shape_cast %swap3A_1029 : vector<1x16xf32> to vector<16xf32>
      %swap3A_1031 = vector.shape_cast %add3A_1026 : vector<16xf32> to vector<1x16xf32>
      tpu.vector_store %arg7[%swap3A_1027, %swap3A_1028], %swap3A_1031 {strides = array<i32>} : memref<512x128xf32, #tpu.memory_space<vmem>>, vector<1x16xf32>,
      %broadcast_in_dim3A_1032 = arith.constant 12 : i32
      %broadcast_in_dim3A_1033 = vector.broadcast %broadcast_in_dim3A_1032 : i32 to vector<16xi32>
      %lt3A_1034 = arith.constant 0 : i32
      %lt3A_1035 = vector.broadcast %lt3A_1034 : i32 to vector<16xi32>
      %lt3A_1036 = arith.cmpi slt, %broadcast_in_dim3A_1033, %lt3A_1035 : vector<16xi32>
      %add3A_1037 = arith.constant 16 : i32
      %add3A_1038 = vector.broadcast %add3A_1037 : i32 to vector<16xi32>
      %add3A_1039 = arith.addi %broadcast_in_dim3A_1033, %add3A_1038 : vector<16xi32>
      %select_n3A_1040 = arith.select %lt3A_1036, %add3A_1039, %broadcast_in_dim3A_1033 : vector<16xi1>, vector<16xi32>
      %broadcast_in_dim3A_1041 = vector.shape_cast %select_n3A_1040 : vector<16xi32> to vector<16x1xi32>
      %gather3A_1042 = vector.shape_cast %broadcast_in_dim3A_1041 : vector<16x1xi32> to vector<16xi32>
      %gather3A_1043 = tpu.dynamic_gather %get3A_161[%gather3A_1042] in [0] : vector<16xi32>, vector<16xi32> -> vector<16xi32>
      %convert_element_type3A_1044 = arith.sitofp %gather3A_1043 : vector<16xi32> to vector<16xf32>
      %mul3A_1045 = arith.constant 16 : i32
      %mul3A_1046 = arith.muli %scan3A_156, %mul3A_1045 : i32
      %add3A_1047 = arith.constant 12 : i32
      %add3A_1048 = arith.addi %mul3A_1046, %add3A_1047 : i32
      %mul3A_1049 = arith.mulf %convert_element_type3A_1044, %sub3A : vector<16xf32>
      %add3A_1050 = arith.addf %get3A_14, %mul3A_1049 : vector<16xf32>
      %swap3A_1051 = arith.index_cast %add3A_1048 : i32 to index
      %swap3A_1052 = arith.constant 0 : index
      %swap3A_1053 = tpu.vector_load %arg7[%swap3A_1051, %swap3A_1052] {strides = array<i32>} : memref<512x128xf32, #tpu.memory_space<vmem>>, vector<1x16xf32>,
      %swap3A_1054 = vector.shape_cast %swap3A_1053 : vector<1x16xf32> to vector<16xf32>
      %swap3A_1055 = vector.shape_cast %add3A_1050 : vector<16xf32> to vector<1x16xf32>
      tpu.vector_store %arg7[%swap3A_1051, %swap3A_1052], %swap3A_1055 {strides = array<i32>} : memref<512x128xf32, #tpu.memory_space<vmem>>, vector<1x16xf32>,
      %mul3A_1056 = arith.mulf %convert_element_type3A_1044, %sub3A_60 : vector<16xf32>
      %add3A_1057 = arith.addf %get3A_19, %mul3A_1056 : vector<16xf32>
      %swap3A_1058 = arith.index_cast %add3A_1048 : i32 to index
      %swap3A_1059 = arith.constant 16 : index
      %swap3A_1060 = tpu.vector_load %arg7[%swap3A_1058, %swap3A_1059] {strides = array<i32>} : memref<512x128xf32, #tpu.memory_space<vmem>>, vector<1x16xf32>,
      %swap3A_1061 = vector.shape_cast %swap3A_1060 : vector<1x16xf32> to vector<16xf32>
      %swap3A_1062 = vector.shape_cast %add3A_1057 : vector<16xf32> to vector<1x16xf32>
      tpu.vector_store %arg7[%swap3A_1058, %swap3A_1059], %swap3A_1062 {strides = array<i32>} : memref<512x128xf32, #tpu.memory_space<vmem>>, vector<1x16xf32>,
      %mul3A_1063 = arith.mulf %convert_element_type3A_1044, %sub3A_66 : vector<16xf32>
      %add3A_1064 = arith.addf %get3A_24, %mul3A_1063 : vector<16xf32>
      %swap3A_1065 = arith.index_cast %add3A_1048 : i32 to index
      %swap3A_1066 = arith.constant 32 : index
      %swap3A_1067 = tpu.vector_load %arg7[%swap3A_1065, %swap3A_1066] {strides = array<i32>} : memref<512x128xf32, #tpu.memory_space<vmem>>, vector<1x16xf32>,
      %swap3A_1068 = vector.shape_cast %swap3A_1067 : vector<1x16xf32> to vector<16xf32>
      %swap3A_1069 = vector.shape_cast %add3A_1064 : vector<16xf32> to vector<1x16xf32>
      tpu.vector_store %arg7[%swap3A_1065, %swap3A_1066], %swap3A_1069 {strides = array<i32>} : memref<512x128xf32, #tpu.memory_space<vmem>>, vector<1x16xf32>,
      %mul3A_1070 = arith.mulf %convert_element_type3A_1044, %sub3A_72 : vector<16xf32>
      %add3A_1071 = arith.addf %get3A_29, %mul3A_1070 : vector<16xf32>
      %swap3A_1072 = arith.index_cast %add3A_1048 : i32 to index
      %swap3A_1073 = arith.constant 48 : index
      %swap3A_1074 = tpu.vector_load %arg7[%swap3A_1072, %swap3A_1073] {strides = array<i32>} : memref<512x128xf32, #tpu.memory_space<vmem>>, vector<1x16xf32>,
      %swap3A_1075 = vector.shape_cast %swap3A_1074 : vector<1x16xf32> to vector<16xf32>
      %swap3A_1076 = vector.shape_cast %add3A_1071 : vector<16xf32> to vector<1x16xf32>
      tpu.vector_store %arg7[%swap3A_1072, %swap3A_1073], %swap3A_1076 {strides = array<i32>} : memref<512x128xf32, #tpu.memory_space<vmem>>, vector<1x16xf32>,
      %mul3A_1077 = arith.mulf %convert_element_type3A_1044, %sub3A_78 : vector<16xf32>
      %add3A_1078 = arith.addf %get3A_34, %mul3A_1077 : vector<16xf32>
      %swap3A_1079 = arith.index_cast %add3A_1048 : i32 to index
      %swap3A_1080 = arith.constant 64 : index
      %swap3A_1081 = tpu.vector_load %arg7[%swap3A_1079, %swap3A_1080] {strides = array<i32>} : memref<512x128xf32, #tpu.memory_space<vmem>>, vector<1x16xf32>,
      %swap3A_1082 = vector.shape_cast %swap3A_1081 : vector<1x16xf32> to vector<16xf32>
      %swap3A_1083 = vector.shape_cast %add3A_1078 : vector<16xf32> to vector<1x16xf32>
      tpu.vector_store %arg7[%swap3A_1079, %swap3A_1080], %swap3A_1083 {strides = array<i32>} : memref<512x128xf32, #tpu.memory_space<vmem>>, vector<1x16xf32>,
      %mul3A_1084 = arith.mulf %convert_element_type3A_1044, %sub3A_84 : vector<16xf32>
      %add3A_1085 = arith.addf %get3A_39, %mul3A_1084 : vector<16xf32>
      %swap3A_1086 = arith.index_cast %add3A_1048 : i32 to index
      %swap3A_1087 = arith.constant 80 : index
      %swap3A_1088 = tpu.vector_load %arg7[%swap3A_1086, %swap3A_1087] {strides = array<i32>} : memref<512x128xf32, #tpu.memory_space<vmem>>, vector<1x16xf32>,
      %swap3A_1089 = vector.shape_cast %swap3A_1088 : vector<1x16xf32> to vector<16xf32>
      %swap3A_1090 = vector.shape_cast %add3A_1085 : vector<16xf32> to vector<1x16xf32>
      tpu.vector_store %arg7[%swap3A_1086, %swap3A_1087], %swap3A_1090 {strides = array<i32>} : memref<512x128xf32, #tpu.memory_space<vmem>>, vector<1x16xf32>,
      %mul3A_1091 = arith.mulf %convert_element_type3A_1044, %sub3A_90 : vector<16xf32>
      %add3A_1092 = arith.addf %get3A_44, %mul3A_1091 : vector<16xf32>
      %swap3A_1093 = arith.index_cast %add3A_1048 : i32 to index
      %swap3A_1094 = arith.constant 96 : index
      %swap3A_1095 = tpu.vector_load %arg7[%swap3A_1093, %swap3A_1094] {strides = array<i32>} : memref<512x128xf32, #tpu.memory_space<vmem>>, vector<1x16xf32>,
      %swap3A_1096 = vector.shape_cast %swap3A_1095 : vector<1x16xf32> to vector<16xf32>
      %swap3A_1097 = vector.shape_cast %add3A_1092 : vector<16xf32> to vector<1x16xf32>
      tpu.vector_store %arg7[%swap3A_1093, %swap3A_1094], %swap3A_1097 {strides = array<i32>} : memref<512x128xf32, #tpu.memory_space<vmem>>, vector<1x16xf32>,
      %mul3A_1098 = arith.mulf %convert_element_type3A_1044, %sub3A_96 : vector<16xf32>
      %add3A_1099 = arith.addf %get3A_49, %mul3A_1098 : vector<16xf32>
      %swap3A_1100 = arith.index_cast %add3A_1048 : i32 to index
      %swap3A_1101 = arith.constant 112 : index
      %swap3A_1102 = tpu.vector_load %arg7[%swap3A_1100, %swap3A_1101] {strides = array<i32>} : memref<512x128xf32, #tpu.memory_space<vmem>>, vector<1x16xf32>,
      %swap3A_1103 = vector.shape_cast %swap3A_1102 : vector<1x16xf32> to vector<16xf32>
      %swap3A_1104 = vector.shape_cast %add3A_1099 : vector<16xf32> to vector<1x16xf32>
      tpu.vector_store %arg7[%swap3A_1100, %swap3A_1101], %swap3A_1104 {strides = array<i32>} : memref<512x128xf32, #tpu.memory_space<vmem>>, vector<1x16xf32>,
      %broadcast_in_dim3A_1105 = arith.constant 13 : i32
      %broadcast_in_dim3A_1106 = vector.broadcast %broadcast_in_dim3A_1105 : i32 to vector<16xi32>
      %lt3A_1107 = arith.constant 0 : i32
      %lt3A_1108 = vector.broadcast %lt3A_1107 : i32 to vector<16xi32>
      %lt3A_1109 = arith.cmpi slt, %broadcast_in_dim3A_1106, %lt3A_1108 : vector<16xi32>
      %add3A_1110 = arith.constant 16 : i32
      %add3A_1111 = vector.broadcast %add3A_1110 : i32 to vector<16xi32>
      %add3A_1112 = arith.addi %broadcast_in_dim3A_1106, %add3A_1111 : vector<16xi32>
      %select_n3A_1113 = arith.select %lt3A_1109, %add3A_1112, %broadcast_in_dim3A_1106 : vector<16xi1>, vector<16xi32>
      %broadcast_in_dim3A_1114 = vector.shape_cast %select_n3A_1113 : vector<16xi32> to vector<16x1xi32>
      %gather3A_1115 = vector.shape_cast %broadcast_in_dim3A_1114 : vector<16x1xi32> to vector<16xi32>
      %gather3A_1116 = tpu.dynamic_gather %get3A_161[%gather3A_1115] in [0] : vector<16xi32>, vector<16xi32> -> vector<16xi32>
      %convert_element_type3A_1117 = arith.sitofp %gather3A_1116 : vector<16xi32> to vector<16xf32>
      %mul3A_1118 = arith.constant 16 : i32
      %mul3A_1119 = arith.muli %scan3A_156, %mul3A_1118 : i32
      %add3A_1120 = arith.constant 13 : i32
      %add3A_1121 = arith.addi %mul3A_1119, %add3A_1120 : i32
      %mul3A_1122 = arith.mulf %convert_element_type3A_1117, %sub3A : vector<16xf32>
      %add3A_1123 = arith.addf %get3A_14, %mul3A_1122 : vector<16xf32>
      %swap3A_1124 = arith.index_cast %add3A_1121 : i32 to index
      %swap3A_1125 = arith.constant 0 : index
      %swap3A_1126 = tpu.vector_load %arg7[%swap3A_1124, %swap3A_1125] {strides = array<i32>} : memref<512x128xf32, #tpu.memory_space<vmem>>, vector<1x16xf32>,
      %swap3A_1127 = vector.shape_cast %swap3A_1126 : vector<1x16xf32> to vector<16xf32>
      %swap3A_1128 = vector.shape_cast %add3A_1123 : vector<16xf32> to vector<1x16xf32>
      tpu.vector_store %arg7[%swap3A_1124, %swap3A_1125], %swap3A_1128 {strides = array<i32>} : memref<512x128xf32, #tpu.memory_space<vmem>>, vector<1x16xf32>,
      %mul3A_1129 = arith.mulf %convert_element_type3A_1117, %sub3A_60 : vector<16xf32>
      %add3A_1130 = arith.addf %get3A_19, %mul3A_1129 : vector<16xf32>
      %swap3A_1131 = arith.index_cast %add3A_1121 : i32 to index
      %swap3A_1132 = arith.constant 16 : index
      %swap3A_1133 = tpu.vector_load %arg7[%swap3A_1131, %swap3A_1132] {strides = array<i32>} : memref<512x128xf32, #tpu.memory_space<vmem>>, vector<1x16xf32>,
      %swap3A_1134 = vector.shape_cast %swap3A_1133 : vector<1x16xf32> to vector<16xf32>
      %swap3A_1135 = vector.shape_cast %add3A_1130 : vector<16xf32> to vector<1x16xf32>
      tpu.vector_store %arg7[%swap3A_1131, %swap3A_1132], %swap3A_1135 {strides = array<i32>} : memref<512x128xf32, #tpu.memory_space<vmem>>, vector<1x16xf32>,
      %mul3A_1136 = arith.mulf %convert_element_type3A_1117, %sub3A_66 : vector<16xf32>
      %add3A_1137 = arith.addf %get3A_24, %mul3A_1136 : vector<16xf32>
      %swap3A_1138 = arith.index_cast %add3A_1121 : i32 to index
      %swap3A_1139 = arith.constant 32 : index
      %swap3A_1140 = tpu.vector_load %arg7[%swap3A_1138, %swap3A_1139] {strides = array<i32>} : memref<512x128xf32, #tpu.memory_space<vmem>>, vector<1x16xf32>,
      %swap3A_1141 = vector.shape_cast %swap3A_1140 : vector<1x16xf32> to vector<16xf32>
      %swap3A_1142 = vector.shape_cast %add3A_1137 : vector<16xf32> to vector<1x16xf32>
      tpu.vector_store %arg7[%swap3A_1138, %swap3A_1139], %swap3A_1142 {strides = array<i32>} : memref<512x128xf32, #tpu.memory_space<vmem>>, vector<1x16xf32>,
      %mul3A_1143 = arith.mulf %convert_element_type3A_1117, %sub3A_72 : vector<16xf32>
      %add3A_1144 = arith.addf %get3A_29, %mul3A_1143 : vector<16xf32>
      %swap3A_1145 = arith.index_cast %add3A_1121 : i32 to index
      %swap3A_1146 = arith.constant 48 : index
      %swap3A_1147 = tpu.vector_load %arg7[%swap3A_1145, %swap3A_1146] {strides = array<i32>} : memref<512x128xf32, #tpu.memory_space<vmem>>, vector<1x16xf32>,
      %swap3A_1148 = vector.shape_cast %swap3A_1147 : vector<1x16xf32> to vector<16xf32>
      %swap3A_1149 = vector.shape_cast %add3A_1144 : vector<16xf32> to vector<1x16xf32>
      tpu.vector_store %arg7[%swap3A_1145, %swap3A_1146], %swap3A_1149 {strides = array<i32>} : memref<512x128xf32, #tpu.memory_space<vmem>>, vector<1x16xf32>,
      %mul3A_1150 = arith.mulf %convert_element_type3A_1117, %sub3A_78 : vector<16xf32>
      %add3A_1151 = arith.addf %get3A_34, %mul3A_1150 : vector<16xf32>
      %swap3A_1152 = arith.index_cast %add3A_1121 : i32 to index
      %swap3A_1153 = arith.constant 64 : index
      %swap3A_1154 = tpu.vector_load %arg7[%swap3A_1152, %swap3A_1153] {strides = array<i32>} : memref<512x128xf32, #tpu.memory_space<vmem>>, vector<1x16xf32>,
      %swap3A_1155 = vector.shape_cast %swap3A_1154 : vector<1x16xf32> to vector<16xf32>
      %swap3A_1156 = vector.shape_cast %add3A_1151 : vector<16xf32> to vector<1x16xf32>
      tpu.vector_store %arg7[%swap3A_1152, %swap3A_1153], %swap3A_1156 {strides = array<i32>} : memref<512x128xf32, #tpu.memory_space<vmem>>, vector<1x16xf32>,
      %mul3A_1157 = arith.mulf %convert_element_type3A_1117, %sub3A_84 : vector<16xf32>
      %add3A_1158 = arith.addf %get3A_39, %mul3A_1157 : vector<16xf32>
      %swap3A_1159 = arith.index_cast %add3A_1121 : i32 to index
      %swap3A_1160 = arith.constant 80 : index
      %swap3A_1161 = tpu.vector_load %arg7[%swap3A_1159, %swap3A_1160] {strides = array<i32>} : memref<512x128xf32, #tpu.memory_space<vmem>>, vector<1x16xf32>,
      %swap3A_1162 = vector.shape_cast %swap3A_1161 : vector<1x16xf32> to vector<16xf32>
      %swap3A_1163 = vector.shape_cast %add3A_1158 : vector<16xf32> to vector<1x16xf32>
      tpu.vector_store %arg7[%swap3A_1159, %swap3A_1160], %swap3A_1163 {strides = array<i32>} : memref<512x128xf32, #tpu.memory_space<vmem>>, vector<1x16xf32>,
      %mul3A_1164 = arith.mulf %convert_element_type3A_1117, %sub3A_90 : vector<16xf32>
      %add3A_1165 = arith.addf %get3A_44, %mul3A_1164 : vector<16xf32>
      %swap3A_1166 = arith.index_cast %add3A_1121 : i32 to index
      %swap3A_1167 = arith.constant 96 : index
      %swap3A_1168 = tpu.vector_load %arg7[%swap3A_1166, %swap3A_1167] {strides = array<i32>} : memref<512x128xf32, #tpu.memory_space<vmem>>, vector<1x16xf32>,
      %swap3A_1169 = vector.shape_cast %swap3A_1168 : vector<1x16xf32> to vector<16xf32>
      %swap3A_1170 = vector.shape_cast %add3A_1165 : vector<16xf32> to vector<1x16xf32>
      tpu.vector_store %arg7[%swap3A_1166, %swap3A_1167], %swap3A_1170 {strides = array<i32>} : memref<512x128xf32, #tpu.memory_space<vmem>>, vector<1x16xf32>,
      %mul3A_1171 = arith.mulf %convert_element_type3A_1117, %sub3A_96 : vector<16xf32>
      %add3A_1172 = arith.addf %get3A_49, %mul3A_1171 : vector<16xf32>
      %swap3A_1173 = arith.index_cast %add3A_1121 : i32 to index
      %swap3A_1174 = arith.constant 112 : index
      %swap3A_1175 = tpu.vector_load %arg7[%swap3A_1173, %swap3A_1174] {strides = array<i32>} : memref<512x128xf32, #tpu.memory_space<vmem>>, vector<1x16xf32>,
      %swap3A_1176 = vector.shape_cast %swap3A_1175 : vector<1x16xf32> to vector<16xf32>
      %swap3A_1177 = vector.shape_cast %add3A_1172 : vector<16xf32> to vector<1x16xf32>
      tpu.vector_store %arg7[%swap3A_1173, %swap3A_1174], %swap3A_1177 {strides = array<i32>} : memref<512x128xf32, #tpu.memory_space<vmem>>, vector<1x16xf32>,
      %broadcast_in_dim3A_1178 = arith.constant 14 : i32
      %broadcast_in_dim3A_1179 = vector.broadcast %broadcast_in_dim3A_1178 : i32 to vector<16xi32>
      %lt3A_1180 = arith.constant 0 : i32
      %lt3A_1181 = vector.broadcast %lt3A_1180 : i32 to vector<16xi32>
      %lt3A_1182 = arith.cmpi slt, %broadcast_in_dim3A_1179, %lt3A_1181 : vector<16xi32>
      %add3A_1183 = arith.constant 16 : i32
      %add3A_1184 = vector.broadcast %add3A_1183 : i32 to vector<16xi32>
      %add3A_1185 = arith.addi %broadcast_in_dim3A_1179, %add3A_1184 : vector<16xi32>
      %select_n3A_1186 = arith.select %lt3A_1182, %add3A_1185, %broadcast_in_dim3A_1179 : vector<16xi1>, vector<16xi32>
      %broadcast_in_dim3A_1187 = vector.shape_cast %select_n3A_1186 : vector<16xi32> to vector<16x1xi32>
      %gather3A_1188 = vector.shape_cast %broadcast_in_dim3A_1187 : vector<16x1xi32> to vector<16xi32>
      %gather3A_1189 = tpu.dynamic_gather %get3A_161[%gather3A_1188] in [0] : vector<16xi32>, vector<16xi32> -> vector<16xi32>
      %convert_element_type3A_1190 = arith.sitofp %gather3A_1189 : vector<16xi32> to vector<16xf32>
      %mul3A_1191 = arith.constant 16 : i32
      %mul3A_1192 = arith.muli %scan3A_156, %mul3A_1191 : i32
      %add3A_1193 = arith.constant 14 : i32
      %add3A_1194 = arith.addi %mul3A_1192, %add3A_1193 : i32
      %mul3A_1195 = arith.mulf %convert_element_type3A_1190, %sub3A : vector<16xf32>
      %add3A_1196 = arith.addf %get3A_14, %mul3A_1195 : vector<16xf32>
      %swap3A_1197 = arith.index_cast %add3A_1194 : i32 to index
      %swap3A_1198 = arith.constant 0 : index
      %swap3A_1199 = tpu.vector_load %arg7[%swap3A_1197, %swap3A_1198] {strides = array<i32>} : memref<512x128xf32, #tpu.memory_space<vmem>>, vector<1x16xf32>,
      %swap3A_1200 = vector.shape_cast %swap3A_1199 : vector<1x16xf32> to vector<16xf32>
      %swap3A_1201 = vector.shape_cast %add3A_1196 : vector<16xf32> to vector<1x16xf32>
      tpu.vector_store %arg7[%swap3A_1197, %swap3A_1198], %swap3A_1201 {strides = array<i32>} : memref<512x128xf32, #tpu.memory_space<vmem>>, vector<1x16xf32>,
      %mul3A_1202 = arith.mulf %convert_element_type3A_1190, %sub3A_60 : vector<16xf32>
      %add3A_1203 = arith.addf %get3A_19, %mul3A_1202 : vector<16xf32>
      %swap3A_1204 = arith.index_cast %add3A_1194 : i32 to index
      %swap3A_1205 = arith.constant 16 : index
      %swap3A_1206 = tpu.vector_load %arg7[%swap3A_1204, %swap3A_1205] {strides = array<i32>} : memref<512x128xf32, #tpu.memory_space<vmem>>, vector<1x16xf32>,
      %swap3A_1207 = vector.shape_cast %swap3A_1206 : vector<1x16xf32> to vector<16xf32>
      %swap3A_1208 = vector.shape_cast %add3A_1203 : vector<16xf32> to vector<1x16xf32>
      tpu.vector_store %arg7[%swap3A_1204, %swap3A_1205], %swap3A_1208 {strides = array<i32>} : memref<512x128xf32, #tpu.memory_space<vmem>>, vector<1x16xf32>,
      %mul3A_1209 = arith.mulf %convert_element_type3A_1190, %sub3A_66 : vector<16xf32>
      %add3A_1210 = arith.addf %get3A_24, %mul3A_1209 : vector<16xf32>
      %swap3A_1211 = arith.index_cast %add3A_1194 : i32 to index
      %swap3A_1212 = arith.constant 32 : index
      %swap3A_1213 = tpu.vector_load %arg7[%swap3A_1211, %swap3A_1212] {strides = array<i32>} : memref<512x128xf32, #tpu.memory_space<vmem>>, vector<1x16xf32>,
      %swap3A_1214 = vector.shape_cast %swap3A_1213 : vector<1x16xf32> to vector<16xf32>
      %swap3A_1215 = vector.shape_cast %add3A_1210 : vector<16xf32> to vector<1x16xf32>
      tpu.vector_store %arg7[%swap3A_1211, %swap3A_1212], %swap3A_1215 {strides = array<i32>} : memref<512x128xf32, #tpu.memory_space<vmem>>, vector<1x16xf32>,
      %mul3A_1216 = arith.mulf %convert_element_type3A_1190, %sub3A_72 : vector<16xf32>
      %add3A_1217 = arith.addf %get3A_29, %mul3A_1216 : vector<16xf32>
      %swap3A_1218 = arith.index_cast %add3A_1194 : i32 to index
      %swap3A_1219 = arith.constant 48 : index
      %swap3A_1220 = tpu.vector_load %arg7[%swap3A_1218, %swap3A_1219] {strides = array<i32>} : memref<512x128xf32, #tpu.memory_space<vmem>>, vector<1x16xf32>,
      %swap3A_1221 = vector.shape_cast %swap3A_1220 : vector<1x16xf32> to vector<16xf32>
      %swap3A_1222 = vector.shape_cast %add3A_1217 : vector<16xf32> to vector<1x16xf32>
      tpu.vector_store %arg7[%swap3A_1218, %swap3A_1219], %swap3A_1222 {strides = array<i32>} : memref<512x128xf32, #tpu.memory_space<vmem>>, vector<1x16xf32>,
      %mul3A_1223 = arith.mulf %convert_element_type3A_1190, %sub3A_78 : vector<16xf32>
      %add3A_1224 = arith.addf %get3A_34, %mul3A_1223 : vector<16xf32>
      %swap3A_1225 = arith.index_cast %add3A_1194 : i32 to index
      %swap3A_1226 = arith.constant 64 : index
      %swap3A_1227 = tpu.vector_load %arg7[%swap3A_1225, %swap3A_1226] {strides = array<i32>} : memref<512x128xf32, #tpu.memory_space<vmem>>, vector<1x16xf32>,
      %swap3A_1228 = vector.shape_cast %swap3A_1227 : vector<1x16xf32> to vector<16xf32>
      %swap3A_1229 = vector.shape_cast %add3A_1224 : vector<16xf32> to vector<1x16xf32>
      tpu.vector_store %arg7[%swap3A_1225, %swap3A_1226], %swap3A_1229 {strides = array<i32>} : memref<512x128xf32, #tpu.memory_space<vmem>>, vector<1x16xf32>,
      %mul3A_1230 = arith.mulf %convert_element_type3A_1190, %sub3A_84 : vector<16xf32>
      %add3A_1231 = arith.addf %get3A_39, %mul3A_1230 : vector<16xf32>
      %swap3A_1232 = arith.index_cast %add3A_1194 : i32 to index
      %swap3A_1233 = arith.constant 80 : index
      %swap3A_1234 = tpu.vector_load %arg7[%swap3A_1232, %swap3A_1233] {strides = array<i32>} : memref<512x128xf32, #tpu.memory_space<vmem>>, vector<1x16xf32>,
      %swap3A_1235 = vector.shape_cast %swap3A_1234 : vector<1x16xf32> to vector<16xf32>
      %swap3A_1236 = vector.shape_cast %add3A_1231 : vector<16xf32> to vector<1x16xf32>
      tpu.vector_store %arg7[%swap3A_1232, %swap3A_1233], %swap3A_1236 {strides = array<i32>} : memref<512x128xf32, #tpu.memory_space<vmem>>, vector<1x16xf32>,
      %mul3A_1237 = arith.mulf %convert_element_type3A_1190, %sub3A_90 : vector<16xf32>
      %add3A_1238 = arith.addf %get3A_44, %mul3A_1237 : vector<16xf32>
      %swap3A_1239 = arith.index_cast %add3A_1194 : i32 to index
      %swap3A_1240 = arith.constant 96 : index
      %swap3A_1241 = tpu.vector_load %arg7[%swap3A_1239, %swap3A_1240] {strides = array<i32>} : memref<512x128xf32, #tpu.memory_space<vmem>>, vector<1x16xf32>,
      %swap3A_1242 = vector.shape_cast %swap3A_1241 : vector<1x16xf32> to vector<16xf32>
      %swap3A_1243 = vector.shape_cast %add3A_1238 : vector<16xf32> to vector<1x16xf32>
      tpu.vector_store %arg7[%swap3A_1239, %swap3A_1240], %swap3A_1243 {strides = array<i32>} : memref<512x128xf32, #tpu.memory_space<vmem>>, vector<1x16xf32>,
      %mul3A_1244 = arith.mulf %convert_element_type3A_1190, %sub3A_96 : vector<16xf32>
      %add3A_1245 = arith.addf %get3A_49, %mul3A_1244 : vector<16xf32>
      %swap3A_1246 = arith.index_cast %add3A_1194 : i32 to index
      %swap3A_1247 = arith.constant 112 : index
      %swap3A_1248 = tpu.vector_load %arg7[%swap3A_1246, %swap3A_1247] {strides = array<i32>} : memref<512x128xf32, #tpu.memory_space<vmem>>, vector<1x16xf32>,
      %swap3A_1249 = vector.shape_cast %swap3A_1248 : vector<1x16xf32> to vector<16xf32>
      %swap3A_1250 = vector.shape_cast %add3A_1245 : vector<16xf32> to vector<1x16xf32>
      tpu.vector_store %arg7[%swap3A_1246, %swap3A_1247], %swap3A_1250 {strides = array<i32>} : memref<512x128xf32, #tpu.memory_space<vmem>>, vector<1x16xf32>,
      %broadcast_in_dim3A_1251 = arith.constant 15 : i32
      %broadcast_in_dim3A_1252 = vector.broadcast %broadcast_in_dim3A_1251 : i32 to vector<16xi32>
      %lt3A_1253 = arith.constant 0 : i32
      %lt3A_1254 = vector.broadcast %lt3A_1253 : i32 to vector<16xi32>
      %lt3A_1255 = arith.cmpi slt, %broadcast_in_dim3A_1252, %lt3A_1254 : vector<16xi32>
      %add3A_1256 = arith.constant 16 : i32
      %add3A_1257 = vector.broadcast %add3A_1256 : i32 to vector<16xi32>
      %add3A_1258 = arith.addi %broadcast_in_dim3A_1252, %add3A_1257 : vector<16xi32>
      %select_n3A_1259 = arith.select %lt3A_1255, %add3A_1258, %broadcast_in_dim3A_1252 : vector<16xi1>, vector<16xi32>
      %broadcast_in_dim3A_1260 = vector.shape_cast %select_n3A_1259 : vector<16xi32> to vector<16x1xi32>
      %gather3A_1261 = vector.shape_cast %broadcast_in_dim3A_1260 : vector<16x1xi32> to vector<16xi32>
      %gather3A_1262 = tpu.dynamic_gather %get3A_161[%gather3A_1261] in [0] : vector<16xi32>, vector<16xi32> -> vector<16xi32>
      %convert_element_type3A_1263 = arith.sitofp %gather3A_1262 : vector<16xi32> to vector<16xf32>
      %mul3A_1264 = arith.constant 16 : i32
      %mul3A_1265 = arith.muli %scan3A_156, %mul3A_1264 : i32
      %add3A_1266 = arith.constant 15 : i32
      %add3A_1267 = arith.addi %mul3A_1265, %add3A_1266 : i32
      %mul3A_1268 = arith.mulf %convert_element_type3A_1263, %sub3A : vector<16xf32>
      %add3A_1269 = arith.addf %get3A_14, %mul3A_1268 : vector<16xf32>
      %swap3A_1270 = arith.index_cast %add3A_1267 : i32 to index
      %swap3A_1271 = arith.constant 0 : index
      %swap3A_1272 = tpu.vector_load %arg7[%swap3A_1270, %swap3A_1271] {strides = array<i32>} : memref<512x128xf32, #tpu.memory_space<vmem>>, vector<1x16xf32>,
      %swap3A_1273 = vector.shape_cast %swap3A_1272 : vector<1x16xf32> to vector<16xf32>
      %swap3A_1274 = vector.shape_cast %add3A_1269 : vector<16xf32> to vector<1x16xf32>
      tpu.vector_store %arg7[%swap3A_1270, %swap3A_1271], %swap3A_1274 {strides = array<i32>} : memref<512x128xf32, #tpu.memory_space<vmem>>, vector<1x16xf32>,
      %mul3A_1275 = arith.mulf %convert_element_type3A_1263, %sub3A_60 : vector<16xf32>
      %add3A_1276 = arith.addf %get3A_19, %mul3A_1275 : vector<16xf32>
      %swap3A_1277 = arith.index_cast %add3A_1267 : i32 to index
      %swap3A_1278 = arith.constant 16 : index
      %swap3A_1279 = tpu.vector_load %arg7[%swap3A_1277, %swap3A_1278] {strides = array<i32>} : memref<512x128xf32, #tpu.memory_space<vmem>>, vector<1x16xf32>,
      %swap3A_1280 = vector.shape_cast %swap3A_1279 : vector<1x16xf32> to vector<16xf32>
      %swap3A_1281 = vector.shape_cast %add3A_1276 : vector<16xf32> to vector<1x16xf32>
      tpu.vector_store %arg7[%swap3A_1277, %swap3A_1278], %swap3A_1281 {strides = array<i32>} : memref<512x128xf32, #tpu.memory_space<vmem>>, vector<1x16xf32>,
      %mul3A_1282 = arith.mulf %convert_element_type3A_1263, %sub3A_66 : vector<16xf32>
      %add3A_1283 = arith.addf %get3A_24, %mul3A_1282 : vector<16xf32>
      %swap3A_1284 = arith.index_cast %add3A_1267 : i32 to index
      %swap3A_1285 = arith.constant 32 : index
      %swap3A_1286 = tpu.vector_load %arg7[%swap3A_1284, %swap3A_1285] {strides = array<i32>} : memref<512x128xf32, #tpu.memory_space<vmem>>, vector<1x16xf32>,
      %swap3A_1287 = vector.shape_cast %swap3A_1286 : vector<1x16xf32> to vector<16xf32>
      %swap3A_1288 = vector.shape_cast %add3A_1283 : vector<16xf32> to vector<1x16xf32>
      tpu.vector_store %arg7[%swap3A_1284, %swap3A_1285], %swap3A_1288 {strides = array<i32>} : memref<512x128xf32, #tpu.memory_space<vmem>>, vector<1x16xf32>,
      %mul3A_1289 = arith.mulf %convert_element_type3A_1263, %sub3A_72 : vector<16xf32>
      %add3A_1290 = arith.addf %get3A_29, %mul3A_1289 : vector<16xf32>
      %swap3A_1291 = arith.index_cast %add3A_1267 : i32 to index
      %swap3A_1292 = arith.constant 48 : index
      %swap3A_1293 = tpu.vector_load %arg7[%swap3A_1291, %swap3A_1292] {strides = array<i32>} : memref<512x128xf32, #tpu.memory_space<vmem>>, vector<1x16xf32>,
      %swap3A_1294 = vector.shape_cast %swap3A_1293 : vector<1x16xf32> to vector<16xf32>
      %swap3A_1295 = vector.shape_cast %add3A_1290 : vector<16xf32> to vector<1x16xf32>
      tpu.vector_store %arg7[%swap3A_1291, %swap3A_1292], %swap3A_1295 {strides = array<i32>} : memref<512x128xf32, #tpu.memory_space<vmem>>, vector<1x16xf32>,
      %mul3A_1296 = arith.mulf %convert_element_type3A_1263, %sub3A_78 : vector<16xf32>
      %add3A_1297 = arith.addf %get3A_34, %mul3A_1296 : vector<16xf32>
      %swap3A_1298 = arith.index_cast %add3A_1267 : i32 to index
      %swap3A_1299 = arith.constant 64 : index
      %swap3A_1300 = tpu.vector_load %arg7[%swap3A_1298, %swap3A_1299] {strides = array<i32>} : memref<512x128xf32, #tpu.memory_space<vmem>>, vector<1x16xf32>,
      %swap3A_1301 = vector.shape_cast %swap3A_1300 : vector<1x16xf32> to vector<16xf32>
      %swap3A_1302 = vector.shape_cast %add3A_1297 : vector<16xf32> to vector<1x16xf32>
      tpu.vector_store %arg7[%swap3A_1298, %swap3A_1299], %swap3A_1302 {strides = array<i32>} : memref<512x128xf32, #tpu.memory_space<vmem>>, vector<1x16xf32>,
      %mul3A_1303 = arith.mulf %convert_element_type3A_1263, %sub3A_84 : vector<16xf32>
      %add3A_1304 = arith.addf %get3A_39, %mul3A_1303 : vector<16xf32>
      %swap3A_1305 = arith.index_cast %add3A_1267 : i32 to index
      %swap3A_1306 = arith.constant 80 : index
      %swap3A_1307 = tpu.vector_load %arg7[%swap3A_1305, %swap3A_1306] {strides = array<i32>} : memref<512x128xf32, #tpu.memory_space<vmem>>, vector<1x16xf32>,
      %swap3A_1308 = vector.shape_cast %swap3A_1307 : vector<1x16xf32> to vector<16xf32>
      %swap3A_1309 = vector.shape_cast %add3A_1304 : vector<16xf32> to vector<1x16xf32>
      tpu.vector_store %arg7[%swap3A_1305, %swap3A_1306], %swap3A_1309 {strides = array<i32>} : memref<512x128xf32, #tpu.memory_space<vmem>>, vector<1x16xf32>,
      %mul3A_1310 = arith.mulf %convert_element_type3A_1263, %sub3A_90 : vector<16xf32>
      %add3A_1311 = arith.addf %get3A_44, %mul3A_1310 : vector<16xf32>
      %swap3A_1312 = arith.index_cast %add3A_1267 : i32 to index
      %swap3A_1313 = arith.constant 96 : index
      %swap3A_1314 = tpu.vector_load %arg7[%swap3A_1312, %swap3A_1313] {strides = array<i32>} : memref<512x128xf32, #tpu.memory_space<vmem>>, vector<1x16xf32>,
      %swap3A_1315 = vector.shape_cast %swap3A_1314 : vector<1x16xf32> to vector<16xf32>
      %swap3A_1316 = vector.shape_cast %add3A_1311 : vector<16xf32> to vector<1x16xf32>
      tpu.vector_store %arg7[%swap3A_1312, %swap3A_1313], %swap3A_1316 {strides = array<i32>} : memref<512x128xf32, #tpu.memory_space<vmem>>, vector<1x16xf32>,
      %mul3A_1317 = arith.mulf %convert_element_type3A_1263, %sub3A_96 : vector<16xf32>
      %add3A_1318 = arith.addf %get3A_49, %mul3A_1317 : vector<16xf32>
      %swap3A_1319 = arith.index_cast %add3A_1267 : i32 to index
      %swap3A_1320 = arith.constant 112 : index
      %swap3A_1321 = tpu.vector_load %arg7[%swap3A_1319, %swap3A_1320] {strides = array<i32>} : memref<512x128xf32, #tpu.memory_space<vmem>>, vector<1x16xf32>,
      %swap3A_1322 = vector.shape_cast %swap3A_1321 : vector<1x16xf32> to vector<16xf32>
      %swap3A_1323 = vector.shape_cast %add3A_1318 : vector<16xf32> to vector<1x16xf32>
      tpu.vector_store %arg7[%swap3A_1319, %swap3A_1320], %swap3A_1323 {strides = array<i32>} : memref<512x128xf32, #tpu.memory_space<vmem>>, vector<1x16xf32>,
    }
    %scan3A_101 = arith.constant 16 : i32
    %mul3A_102 = arith.constant 512 : i32
    %mul3A_103 = arith.muli %add3A, %mul3A_102 : i32
    %add3A_104 = arith.constant 0 : i32
    %add3A_105 = arith.addi %mul3A_103, %add3A_104 : i32
    %dma_start3A_106 = arith.constant 0 : i32
    %dma_start3A_107 = arith.constant 0 : i32
    %dma_start3A_108 = tpu.memref_slice %arg7[%dma_start3A_106, %dma_start3A_107] : memref<512x128xf32, #tpu.memory_space<vmem>> -> memref<256x128xf32, #tpu.memory_space<vmem>>
    %dma_start3A_109 = arith.constant 0 : i32
    %dma_start3A_110 = tpu.memref_slice %arg4[%add3A_105, %dma_start3A_109] : memref<16384x128xf32, #tpu.memory_space<hbm>> -> memref<256x128xf32, #tpu.memory_space<hbm>>
    %dma_start3A_111 = arith.constant 0 : i32
    %dma_start3A_112 = tpu.memref_slice %arg4[%add3A_105, %dma_start3A_111] : memref<16384x128xf32, #tpu.memory_space<hbm>> -> memref<256x128xf32, #tpu.memory_space<hbm>>
    %dma_start3A_113 = arith.constant 0 : i32
    %dma_start3A_114 = arith.constant 0 : i32
    %dma_start3A_115 = tpu.memref_slice %arg7[%dma_start3A_113, %dma_start3A_114] : memref<512x128xf32, #tpu.memory_space<vmem>> -> memref<256x128xf32, #tpu.memory_space<vmem>>
    tpu.enqueue_dma source(%dma_start3A_115 : memref<256x128xf32, #tpu.memory_space<vmem>>) target(%dma_start3A_112 : memref<256x128xf32, #tpu.memory_space<hbm>>) target_semaphore(%arg8 : memref<!tpu.dma_semaphore, #tpu.memory_space<semaphore_mem>>)
    %scan3A_116 = arith.constant 0 : i32
    %scan3A_117 = arith.constant 16 : i32
    %scan3A_118 = arith.constant 16 : i32
    %scan3A_119 = arith.addi %scan3A_117, %scan3A_118 : i32
    %scan3A_120 = arith.constant 1 : i32
    scf.for %scan3A_156 = %scan3A_117 to %scan3A_119 step %scan3A_120  : i32 {
      %mul3A_157 = arith.constant 16 : i32
      %mul3A_158 = arith.muli %scan3A_156, %mul3A_157 : i32
      %get3A_159 = arith.index_cast %mul3A_158 : i32 to index
      %get3A_160 = tpu.vector_load %arg5[%get3A_159] {strides = array<i32>} : memref<512xi32, #tpu.memory_space<vmem>>, vector<16xi32>,
      %get3A_161 = vector.shape_cast %get3A_160 : vector<16xi32> to vector<16xi32>
      %broadcast_in_dim3A = arith.constant 0 : i32
      %broadcast_in_dim3A_162 = vector.broadcast %broadcast_in_dim3A : i32 to vector<16xi32>
      %lt3A = arith.constant 0 : i32
      %lt3A_163 = vector.broadcast %lt3A : i32 to vector<16xi32>
      %lt3A_164 = arith.cmpi slt, %broadcast_in_dim3A_162, %lt3A_163 : vector<16xi32>
      %add3A_165 = arith.constant 16 : i32
      %add3A_166 = vector.broadcast %add3A_165 : i32 to vector<16xi32>
      %add3A_167 = arith.addi %broadcast_in_dim3A_162, %add3A_166 : vector<16xi32>
      %select_n3A = arith.select %lt3A_164, %add3A_167, %broadcast_in_dim3A_162 : vector<16xi1>, vector<16xi32>
      %broadcast_in_dim3A_168 = vector.shape_cast %select_n3A : vector<16xi32> to vector<16x1xi32>
      %gather3A = vector.shape_cast %broadcast_in_dim3A_168 : vector<16x1xi32> to vector<16xi32>
      %gather3A_169 = tpu.dynamic_gather %get3A_161[%gather3A] in [0] : vector<16xi32>, vector<16xi32> -> vector<16xi32>
      %convert_element_type3A = arith.sitofp %gather3A_169 : vector<16xi32> to vector<16xf32>
      %mul3A_170 = arith.constant 16 : i32
      %mul3A_171 = arith.muli %scan3A_156, %mul3A_170 : i32
      %add3A_172 = arith.constant 0 : i32
      %add3A_173 = arith.addi %mul3A_171, %add3A_172 : i32
      %mul3A_174 = arith.mulf %convert_element_type3A, %sub3A : vector<16xf32>
      %add3A_175 = arith.addf %get3A_14, %mul3A_174 : vector<16xf32>
      %swap3A = arith.index_cast %add3A_173 : i32 to index
      %swap3A_176 = arith.constant 0 : index
      %swap3A_177 = tpu.vector_load %arg7[%swap3A, %swap3A_176] {strides = array<i32>} : memref<512x128xf32, #tpu.memory_space<vmem>>, vector<1x16xf32>,
      %swap3A_178 = vector.shape_cast %swap3A_177 : vector<1x16xf32> to vector<16xf32>
      %swap3A_179 = vector.shape_cast %add3A_175 : vector<16xf32> to vector<1x16xf32>
      tpu.vector_store %arg7[%swap3A, %swap3A_176], %swap3A_179 {strides = array<i32>} : memref<512x128xf32, #tpu.memory_space<vmem>>, vector<1x16xf32>,
      %mul3A_180 = arith.mulf %convert_element_type3A, %sub3A_60 : vector<16xf32>
      %add3A_181 = arith.addf %get3A_19, %mul3A_180 : vector<16xf32>
      %swap3A_182 = arith.index_cast %add3A_173 : i32 to index
      %swap3A_183 = arith.constant 16 : index
      %swap3A_184 = tpu.vector_load %arg7[%swap3A_182, %swap3A_183] {strides = array<i32>} : memref<512x128xf32, #tpu.memory_space<vmem>>, vector<1x16xf32>,
      %swap3A_185 = vector.shape_cast %swap3A_184 : vector<1x16xf32> to vector<16xf32>
      %swap3A_186 = vector.shape_cast %add3A_181 : vector<16xf32> to vector<1x16xf32>
      tpu.vector_store %arg7[%swap3A_182, %swap3A_183], %swap3A_186 {strides = array<i32>} : memref<512x128xf32, #tpu.memory_space<vmem>>, vector<1x16xf32>,
      %mul3A_187 = arith.mulf %convert_element_type3A, %sub3A_66 : vector<16xf32>
      %add3A_188 = arith.addf %get3A_24, %mul3A_187 : vector<16xf32>
      %swap3A_189 = arith.index_cast %add3A_173 : i32 to index
      %swap3A_190 = arith.constant 32 : index
      %swap3A_191 = tpu.vector_load %arg7[%swap3A_189, %swap3A_190] {strides = array<i32>} : memref<512x128xf32, #tpu.memory_space<vmem>>, vector<1x16xf32>,
      %swap3A_192 = vector.shape_cast %swap3A_191 : vector<1x16xf32> to vector<16xf32>
      %swap3A_193 = vector.shape_cast %add3A_188 : vector<16xf32> to vector<1x16xf32>
      tpu.vector_store %arg7[%swap3A_189, %swap3A_190], %swap3A_193 {strides = array<i32>} : memref<512x128xf32, #tpu.memory_space<vmem>>, vector<1x16xf32>,
      %mul3A_194 = arith.mulf %convert_element_type3A, %sub3A_72 : vector<16xf32>
      %add3A_195 = arith.addf %get3A_29, %mul3A_194 : vector<16xf32>
      %swap3A_196 = arith.index_cast %add3A_173 : i32 to index
      %swap3A_197 = arith.constant 48 : index
      %swap3A_198 = tpu.vector_load %arg7[%swap3A_196, %swap3A_197] {strides = array<i32>} : memref<512x128xf32, #tpu.memory_space<vmem>>, vector<1x16xf32>,
      %swap3A_199 = vector.shape_cast %swap3A_198 : vector<1x16xf32> to vector<16xf32>
      %swap3A_200 = vector.shape_cast %add3A_195 : vector<16xf32> to vector<1x16xf32>
      tpu.vector_store %arg7[%swap3A_196, %swap3A_197], %swap3A_200 {strides = array<i32>} : memref<512x128xf32, #tpu.memory_space<vmem>>, vector<1x16xf32>,
      %mul3A_201 = arith.mulf %convert_element_type3A, %sub3A_78 : vector<16xf32>
      %add3A_202 = arith.addf %get3A_34, %mul3A_201 : vector<16xf32>
      %swap3A_203 = arith.index_cast %add3A_173 : i32 to index
      %swap3A_204 = arith.constant 64 : index
      %swap3A_205 = tpu.vector_load %arg7[%swap3A_203, %swap3A_204] {strides = array<i32>} : memref<512x128xf32, #tpu.memory_space<vmem>>, vector<1x16xf32>,
      %swap3A_206 = vector.shape_cast %swap3A_205 : vector<1x16xf32> to vector<16xf32>
      %swap3A_207 = vector.shape_cast %add3A_202 : vector<16xf32> to vector<1x16xf32>
      tpu.vector_store %arg7[%swap3A_203, %swap3A_204], %swap3A_207 {strides = array<i32>} : memref<512x128xf32, #tpu.memory_space<vmem>>, vector<1x16xf32>,
      %mul3A_208 = arith.mulf %convert_element_type3A, %sub3A_84 : vector<16xf32>
      %add3A_209 = arith.addf %get3A_39, %mul3A_208 : vector<16xf32>
      %swap3A_210 = arith.index_cast %add3A_173 : i32 to index
      %swap3A_211 = arith.constant 80 : index
      %swap3A_212 = tpu.vector_load %arg7[%swap3A_210, %swap3A_211] {strides = array<i32>} : memref<512x128xf32, #tpu.memory_space<vmem>>, vector<1x16xf32>,
      %swap3A_213 = vector.shape_cast %swap3A_212 : vector<1x16xf32> to vector<16xf32>
      %swap3A_214 = vector.shape_cast %add3A_209 : vector<16xf32> to vector<1x16xf32>
      tpu.vector_store %arg7[%swap3A_210, %swap3A_211], %swap3A_214 {strides = array<i32>} : memref<512x128xf32, #tpu.memory_space<vmem>>, vector<1x16xf32>,
      %mul3A_215 = arith.mulf %convert_element_type3A, %sub3A_90 : vector<16xf32>
      %add3A_216 = arith.addf %get3A_44, %mul3A_215 : vector<16xf32>
      %swap3A_217 = arith.index_cast %add3A_173 : i32 to index
      %swap3A_218 = arith.constant 96 : index
      %swap3A_219 = tpu.vector_load %arg7[%swap3A_217, %swap3A_218] {strides = array<i32>} : memref<512x128xf32, #tpu.memory_space<vmem>>, vector<1x16xf32>,
      %swap3A_220 = vector.shape_cast %swap3A_219 : vector<1x16xf32> to vector<16xf32>
      %swap3A_221 = vector.shape_cast %add3A_216 : vector<16xf32> to vector<1x16xf32>
      tpu.vector_store %arg7[%swap3A_217, %swap3A_218], %swap3A_221 {strides = array<i32>} : memref<512x128xf32, #tpu.memory_space<vmem>>, vector<1x16xf32>,
      %mul3A_222 = arith.mulf %convert_element_type3A, %sub3A_96 : vector<16xf32>
      %add3A_223 = arith.addf %get3A_49, %mul3A_222 : vector<16xf32>
      %swap3A_224 = arith.index_cast %add3A_173 : i32 to index
      %swap3A_225 = arith.constant 112 : index
      %swap3A_226 = tpu.vector_load %arg7[%swap3A_224, %swap3A_225] {strides = array<i32>} : memref<512x128xf32, #tpu.memory_space<vmem>>, vector<1x16xf32>,
      %swap3A_227 = vector.shape_cast %swap3A_226 : vector<1x16xf32> to vector<16xf32>
      %swap3A_228 = vector.shape_cast %add3A_223 : vector<16xf32> to vector<1x16xf32>
      tpu.vector_store %arg7[%swap3A_224, %swap3A_225], %swap3A_228 {strides = array<i32>} : memref<512x128xf32, #tpu.memory_space<vmem>>, vector<1x16xf32>,
      %broadcast_in_dim3A_229 = arith.constant 1 : i32
      %broadcast_in_dim3A_230 = vector.broadcast %broadcast_in_dim3A_229 : i32 to vector<16xi32>
      %lt3A_231 = arith.constant 0 : i32
      %lt3A_232 = vector.broadcast %lt3A_231 : i32 to vector<16xi32>
      %lt3A_233 = arith.cmpi slt, %broadcast_in_dim3A_230, %lt3A_232 : vector<16xi32>
      %add3A_234 = arith.constant 16 : i32
      %add3A_235 = vector.broadcast %add3A_234 : i32 to vector<16xi32>
      %add3A_236 = arith.addi %broadcast_in_dim3A_230, %add3A_235 : vector<16xi32>
      %select_n3A_237 = arith.select %lt3A_233, %add3A_236, %broadcast_in_dim3A_230 : vector<16xi1>, vector<16xi32>
      %broadcast_in_dim3A_238 = vector.shape_cast %select_n3A_237 : vector<16xi32> to vector<16x1xi32>
      %gather3A_239 = vector.shape_cast %broadcast_in_dim3A_238 : vector<16x1xi32> to vector<16xi32>
      %gather3A_240 = tpu.dynamic_gather %get3A_161[%gather3A_239] in [0] : vector<16xi32>, vector<16xi32> -> vector<16xi32>
      %convert_element_type3A_241 = arith.sitofp %gather3A_240 : vector<16xi32> to vector<16xf32>
      %mul3A_242 = arith.constant 16 : i32
      %mul3A_243 = arith.muli %scan3A_156, %mul3A_242 : i32
      %add3A_244 = arith.constant 1 : i32
      %add3A_245 = arith.addi %mul3A_243, %add3A_244 : i32
      %mul3A_246 = arith.mulf %convert_element_type3A_241, %sub3A : vector<16xf32>
      %add3A_247 = arith.addf %get3A_14, %mul3A_246 : vector<16xf32>
      %swap3A_248 = arith.index_cast %add3A_245 : i32 to index
      %swap3A_249 = arith.constant 0 : index
      %swap3A_250 = tpu.vector_load %arg7[%swap3A_248, %swap3A_249] {strides = array<i32>} : memref<512x128xf32, #tpu.memory_space<vmem>>, vector<1x16xf32>,
      %swap3A_251 = vector.shape_cast %swap3A_250 : vector<1x16xf32> to vector<16xf32>
      %swap3A_252 = vector.shape_cast %add3A_247 : vector<16xf32> to vector<1x16xf32>
      tpu.vector_store %arg7[%swap3A_248, %swap3A_249], %swap3A_252 {strides = array<i32>} : memref<512x128xf32, #tpu.memory_space<vmem>>, vector<1x16xf32>,
      %mul3A_253 = arith.mulf %convert_element_type3A_241, %sub3A_60 : vector<16xf32>
      %add3A_254 = arith.addf %get3A_19, %mul3A_253 : vector<16xf32>
      %swap3A_255 = arith.index_cast %add3A_245 : i32 to index
      %swap3A_256 = arith.constant 16 : index
      %swap3A_257 = tpu.vector_load %arg7[%swap3A_255, %swap3A_256] {strides = array<i32>} : memref<512x128xf32, #tpu.memory_space<vmem>>, vector<1x16xf32>,
      %swap3A_258 = vector.shape_cast %swap3A_257 : vector<1x16xf32> to vector<16xf32>
      %swap3A_259 = vector.shape_cast %add3A_254 : vector<16xf32> to vector<1x16xf32>
      tpu.vector_store %arg7[%swap3A_255, %swap3A_256], %swap3A_259 {strides = array<i32>} : memref<512x128xf32, #tpu.memory_space<vmem>>, vector<1x16xf32>,
      %mul3A_260 = arith.mulf %convert_element_type3A_241, %sub3A_66 : vector<16xf32>
      %add3A_261 = arith.addf %get3A_24, %mul3A_260 : vector<16xf32>
      %swap3A_262 = arith.index_cast %add3A_245 : i32 to index
      %swap3A_263 = arith.constant 32 : index
      %swap3A_264 = tpu.vector_load %arg7[%swap3A_262, %swap3A_263] {strides = array<i32>} : memref<512x128xf32, #tpu.memory_space<vmem>>, vector<1x16xf32>,
      %swap3A_265 = vector.shape_cast %swap3A_264 : vector<1x16xf32> to vector<16xf32>
      %swap3A_266 = vector.shape_cast %add3A_261 : vector<16xf32> to vector<1x16xf32>
      tpu.vector_store %arg7[%swap3A_262, %swap3A_263], %swap3A_266 {strides = array<i32>} : memref<512x128xf32, #tpu.memory_space<vmem>>, vector<1x16xf32>,
      %mul3A_267 = arith.mulf %convert_element_type3A_241, %sub3A_72 : vector<16xf32>
      %add3A_268 = arith.addf %get3A_29, %mul3A_267 : vector<16xf32>
      %swap3A_269 = arith.index_cast %add3A_245 : i32 to index
      %swap3A_270 = arith.constant 48 : index
      %swap3A_271 = tpu.vector_load %arg7[%swap3A_269, %swap3A_270] {strides = array<i32>} : memref<512x128xf32, #tpu.memory_space<vmem>>, vector<1x16xf32>,
      %swap3A_272 = vector.shape_cast %swap3A_271 : vector<1x16xf32> to vector<16xf32>
      %swap3A_273 = vector.shape_cast %add3A_268 : vector<16xf32> to vector<1x16xf32>
      tpu.vector_store %arg7[%swap3A_269, %swap3A_270], %swap3A_273 {strides = array<i32>} : memref<512x128xf32, #tpu.memory_space<vmem>>, vector<1x16xf32>,
      %mul3A_274 = arith.mulf %convert_element_type3A_241, %sub3A_78 : vector<16xf32>
      %add3A_275 = arith.addf %get3A_34, %mul3A_274 : vector<16xf32>
      %swap3A_276 = arith.index_cast %add3A_245 : i32 to index
      %swap3A_277 = arith.constant 64 : index
      %swap3A_278 = tpu.vector_load %arg7[%swap3A_276, %swap3A_277] {strides = array<i32>} : memref<512x128xf32, #tpu.memory_space<vmem>>, vector<1x16xf32>,
      %swap3A_279 = vector.shape_cast %swap3A_278 : vector<1x16xf32> to vector<16xf32>
      %swap3A_280 = vector.shape_cast %add3A_275 : vector<16xf32> to vector<1x16xf32>
      tpu.vector_store %arg7[%swap3A_276, %swap3A_277], %swap3A_280 {strides = array<i32>} : memref<512x128xf32, #tpu.memory_space<vmem>>, vector<1x16xf32>,
      %mul3A_281 = arith.mulf %convert_element_type3A_241, %sub3A_84 : vector<16xf32>
      %add3A_282 = arith.addf %get3A_39, %mul3A_281 : vector<16xf32>
      %swap3A_283 = arith.index_cast %add3A_245 : i32 to index
      %swap3A_284 = arith.constant 80 : index
      %swap3A_285 = tpu.vector_load %arg7[%swap3A_283, %swap3A_284] {strides = array<i32>} : memref<512x128xf32, #tpu.memory_space<vmem>>, vector<1x16xf32>,
      %swap3A_286 = vector.shape_cast %swap3A_285 : vector<1x16xf32> to vector<16xf32>
      %swap3A_287 = vector.shape_cast %add3A_282 : vector<16xf32> to vector<1x16xf32>
      tpu.vector_store %arg7[%swap3A_283, %swap3A_284], %swap3A_287 {strides = array<i32>} : memref<512x128xf32, #tpu.memory_space<vmem>>, vector<1x16xf32>,
      %mul3A_288 = arith.mulf %convert_element_type3A_241, %sub3A_90 : vector<16xf32>
      %add3A_289 = arith.addf %get3A_44, %mul3A_288 : vector<16xf32>
      %swap3A_290 = arith.index_cast %add3A_245 : i32 to index
      %swap3A_291 = arith.constant 96 : index
      %swap3A_292 = tpu.vector_load %arg7[%swap3A_290, %swap3A_291] {strides = array<i32>} : memref<512x128xf32, #tpu.memory_space<vmem>>, vector<1x16xf32>,
      %swap3A_293 = vector.shape_cast %swap3A_292 : vector<1x16xf32> to vector<16xf32>
      %swap3A_294 = vector.shape_cast %add3A_289 : vector<16xf32> to vector<1x16xf32>
      tpu.vector_store %arg7[%swap3A_290, %swap3A_291], %swap3A_294 {strides = array<i32>} : memref<512x128xf32, #tpu.memory_space<vmem>>, vector<1x16xf32>,
      %mul3A_295 = arith.mulf %convert_element_type3A_241, %sub3A_96 : vector<16xf32>
      %add3A_296 = arith.addf %get3A_49, %mul3A_295 : vector<16xf32>
      %swap3A_297 = arith.index_cast %add3A_245 : i32 to index
      %swap3A_298 = arith.constant 112 : index
      %swap3A_299 = tpu.vector_load %arg7[%swap3A_297, %swap3A_298] {strides = array<i32>} : memref<512x128xf32, #tpu.memory_space<vmem>>, vector<1x16xf32>,
      %swap3A_300 = vector.shape_cast %swap3A_299 : vector<1x16xf32> to vector<16xf32>
      %swap3A_301 = vector.shape_cast %add3A_296 : vector<16xf32> to vector<1x16xf32>
      tpu.vector_store %arg7[%swap3A_297, %swap3A_298], %swap3A_301 {strides = array<i32>} : memref<512x128xf32, #tpu.memory_space<vmem>>, vector<1x16xf32>,
      %broadcast_in_dim3A_302 = arith.constant 2 : i32
      %broadcast_in_dim3A_303 = vector.broadcast %broadcast_in_dim3A_302 : i32 to vector<16xi32>
      %lt3A_304 = arith.constant 0 : i32
      %lt3A_305 = vector.broadcast %lt3A_304 : i32 to vector<16xi32>
      %lt3A_306 = arith.cmpi slt, %broadcast_in_dim3A_303, %lt3A_305 : vector<16xi32>
      %add3A_307 = arith.constant 16 : i32
      %add3A_308 = vector.broadcast %add3A_307 : i32 to vector<16xi32>
      %add3A_309 = arith.addi %broadcast_in_dim3A_303, %add3A_308 : vector<16xi32>
      %select_n3A_310 = arith.select %lt3A_306, %add3A_309, %broadcast_in_dim3A_303 : vector<16xi1>, vector<16xi32>
      %broadcast_in_dim3A_311 = vector.shape_cast %select_n3A_310 : vector<16xi32> to vector<16x1xi32>
      %gather3A_312 = vector.shape_cast %broadcast_in_dim3A_311 : vector<16x1xi32> to vector<16xi32>
      %gather3A_313 = tpu.dynamic_gather %get3A_161[%gather3A_312] in [0] : vector<16xi32>, vector<16xi32> -> vector<16xi32>
      %convert_element_type3A_314 = arith.sitofp %gather3A_313 : vector<16xi32> to vector<16xf32>
      %mul3A_315 = arith.constant 16 : i32
      %mul3A_316 = arith.muli %scan3A_156, %mul3A_315 : i32
      %add3A_317 = arith.constant 2 : i32
      %add3A_318 = arith.addi %mul3A_316, %add3A_317 : i32
      %mul3A_319 = arith.mulf %convert_element_type3A_314, %sub3A : vector<16xf32>
      %add3A_320 = arith.addf %get3A_14, %mul3A_319 : vector<16xf32>
      %swap3A_321 = arith.index_cast %add3A_318 : i32 to index
      %swap3A_322 = arith.constant 0 : index
      %swap3A_323 = tpu.vector_load %arg7[%swap3A_321, %swap3A_322] {strides = array<i32>} : memref<512x128xf32, #tpu.memory_space<vmem>>, vector<1x16xf32>,
      %swap3A_324 = vector.shape_cast %swap3A_323 : vector<1x16xf32> to vector<16xf32>
      %swap3A_325 = vector.shape_cast %add3A_320 : vector<16xf32> to vector<1x16xf32>
      tpu.vector_store %arg7[%swap3A_321, %swap3A_322], %swap3A_325 {strides = array<i32>} : memref<512x128xf32, #tpu.memory_space<vmem>>, vector<1x16xf32>,
      %mul3A_326 = arith.mulf %convert_element_type3A_314, %sub3A_60 : vector<16xf32>
      %add3A_327 = arith.addf %get3A_19, %mul3A_326 : vector<16xf32>
      %swap3A_328 = arith.index_cast %add3A_318 : i32 to index
      %swap3A_329 = arith.constant 16 : index
      %swap3A_330 = tpu.vector_load %arg7[%swap3A_328, %swap3A_329] {strides = array<i32>} : memref<512x128xf32, #tpu.memory_space<vmem>>, vector<1x16xf32>,
      %swap3A_331 = vector.shape_cast %swap3A_330 : vector<1x16xf32> to vector<16xf32>
      %swap3A_332 = vector.shape_cast %add3A_327 : vector<16xf32> to vector<1x16xf32>
      tpu.vector_store %arg7[%swap3A_328, %swap3A_329], %swap3A_332 {strides = array<i32>} : memref<512x128xf32, #tpu.memory_space<vmem>>, vector<1x16xf32>,
      %mul3A_333 = arith.mulf %convert_element_type3A_314, %sub3A_66 : vector<16xf32>
      %add3A_334 = arith.addf %get3A_24, %mul3A_333 : vector<16xf32>
      %swap3A_335 = arith.index_cast %add3A_318 : i32 to index
      %swap3A_336 = arith.constant 32 : index
      %swap3A_337 = tpu.vector_load %arg7[%swap3A_335, %swap3A_336] {strides = array<i32>} : memref<512x128xf32, #tpu.memory_space<vmem>>, vector<1x16xf32>,
      %swap3A_338 = vector.shape_cast %swap3A_337 : vector<1x16xf32> to vector<16xf32>
      %swap3A_339 = vector.shape_cast %add3A_334 : vector<16xf32> to vector<1x16xf32>
      tpu.vector_store %arg7[%swap3A_335, %swap3A_336], %swap3A_339 {strides = array<i32>} : memref<512x128xf32, #tpu.memory_space<vmem>>, vector<1x16xf32>,
      %mul3A_340 = arith.mulf %convert_element_type3A_314, %sub3A_72 : vector<16xf32>
      %add3A_341 = arith.addf %get3A_29, %mul3A_340 : vector<16xf32>
      %swap3A_342 = arith.index_cast %add3A_318 : i32 to index
      %swap3A_343 = arith.constant 48 : index
      %swap3A_344 = tpu.vector_load %arg7[%swap3A_342, %swap3A_343] {strides = array<i32>} : memref<512x128xf32, #tpu.memory_space<vmem>>, vector<1x16xf32>,
      %swap3A_345 = vector.shape_cast %swap3A_344 : vector<1x16xf32> to vector<16xf32>
      %swap3A_346 = vector.shape_cast %add3A_341 : vector<16xf32> to vector<1x16xf32>
      tpu.vector_store %arg7[%swap3A_342, %swap3A_343], %swap3A_346 {strides = array<i32>} : memref<512x128xf32, #tpu.memory_space<vmem>>, vector<1x16xf32>,
      %mul3A_347 = arith.mulf %convert_element_type3A_314, %sub3A_78 : vector<16xf32>
      %add3A_348 = arith.addf %get3A_34, %mul3A_347 : vector<16xf32>
      %swap3A_349 = arith.index_cast %add3A_318 : i32 to index
      %swap3A_350 = arith.constant 64 : index
      %swap3A_351 = tpu.vector_load %arg7[%swap3A_349, %swap3A_350] {strides = array<i32>} : memref<512x128xf32, #tpu.memory_space<vmem>>, vector<1x16xf32>,
      %swap3A_352 = vector.shape_cast %swap3A_351 : vector<1x16xf32> to vector<16xf32>
      %swap3A_353 = vector.shape_cast %add3A_348 : vector<16xf32> to vector<1x16xf32>
      tpu.vector_store %arg7[%swap3A_349, %swap3A_350], %swap3A_353 {strides = array<i32>} : memref<512x128xf32, #tpu.memory_space<vmem>>, vector<1x16xf32>,
      %mul3A_354 = arith.mulf %convert_element_type3A_314, %sub3A_84 : vector<16xf32>
      %add3A_355 = arith.addf %get3A_39, %mul3A_354 : vector<16xf32>
      %swap3A_356 = arith.index_cast %add3A_318 : i32 to index
      %swap3A_357 = arith.constant 80 : index
      %swap3A_358 = tpu.vector_load %arg7[%swap3A_356, %swap3A_357] {strides = array<i32>} : memref<512x128xf32, #tpu.memory_space<vmem>>, vector<1x16xf32>,
      %swap3A_359 = vector.shape_cast %swap3A_358 : vector<1x16xf32> to vector<16xf32>
      %swap3A_360 = vector.shape_cast %add3A_355 : vector<16xf32> to vector<1x16xf32>
      tpu.vector_store %arg7[%swap3A_356, %swap3A_357], %swap3A_360 {strides = array<i32>} : memref<512x128xf32, #tpu.memory_space<vmem>>, vector<1x16xf32>,
      %mul3A_361 = arith.mulf %convert_element_type3A_314, %sub3A_90 : vector<16xf32>
      %add3A_362 = arith.addf %get3A_44, %mul3A_361 : vector<16xf32>
      %swap3A_363 = arith.index_cast %add3A_318 : i32 to index
      %swap3A_364 = arith.constant 96 : index
      %swap3A_365 = tpu.vector_load %arg7[%swap3A_363, %swap3A_364] {strides = array<i32>} : memref<512x128xf32, #tpu.memory_space<vmem>>, vector<1x16xf32>,
      %swap3A_366 = vector.shape_cast %swap3A_365 : vector<1x16xf32> to vector<16xf32>
      %swap3A_367 = vector.shape_cast %add3A_362 : vector<16xf32> to vector<1x16xf32>
      tpu.vector_store %arg7[%swap3A_363, %swap3A_364], %swap3A_367 {strides = array<i32>} : memref<512x128xf32, #tpu.memory_space<vmem>>, vector<1x16xf32>,
      %mul3A_368 = arith.mulf %convert_element_type3A_314, %sub3A_96 : vector<16xf32>
      %add3A_369 = arith.addf %get3A_49, %mul3A_368 : vector<16xf32>
      %swap3A_370 = arith.index_cast %add3A_318 : i32 to index
      %swap3A_371 = arith.constant 112 : index
      %swap3A_372 = tpu.vector_load %arg7[%swap3A_370, %swap3A_371] {strides = array<i32>} : memref<512x128xf32, #tpu.memory_space<vmem>>, vector<1x16xf32>,
      %swap3A_373 = vector.shape_cast %swap3A_372 : vector<1x16xf32> to vector<16xf32>
      %swap3A_374 = vector.shape_cast %add3A_369 : vector<16xf32> to vector<1x16xf32>
      tpu.vector_store %arg7[%swap3A_370, %swap3A_371], %swap3A_374 {strides = array<i32>} : memref<512x128xf32, #tpu.memory_space<vmem>>, vector<1x16xf32>,
      %broadcast_in_dim3A_375 = arith.constant 3 : i32
      %broadcast_in_dim3A_376 = vector.broadcast %broadcast_in_dim3A_375 : i32 to vector<16xi32>
      %lt3A_377 = arith.constant 0 : i32
      %lt3A_378 = vector.broadcast %lt3A_377 : i32 to vector<16xi32>
      %lt3A_379 = arith.cmpi slt, %broadcast_in_dim3A_376, %lt3A_378 : vector<16xi32>
      %add3A_380 = arith.constant 16 : i32
      %add3A_381 = vector.broadcast %add3A_380 : i32 to vector<16xi32>
      %add3A_382 = arith.addi %broadcast_in_dim3A_376, %add3A_381 : vector<16xi32>
      %select_n3A_383 = arith.select %lt3A_379, %add3A_382, %broadcast_in_dim3A_376 : vector<16xi1>, vector<16xi32>
      %broadcast_in_dim3A_384 = vector.shape_cast %select_n3A_383 : vector<16xi32> to vector<16x1xi32>
      %gather3A_385 = vector.shape_cast %broadcast_in_dim3A_384 : vector<16x1xi32> to vector<16xi32>
      %gather3A_386 = tpu.dynamic_gather %get3A_161[%gather3A_385] in [0] : vector<16xi32>, vector<16xi32> -> vector<16xi32>
      %convert_element_type3A_387 = arith.sitofp %gather3A_386 : vector<16xi32> to vector<16xf32>
      %mul3A_388 = arith.constant 16 : i32
      %mul3A_389 = arith.muli %scan3A_156, %mul3A_388 : i32
      %add3A_390 = arith.constant 3 : i32
      %add3A_391 = arith.addi %mul3A_389, %add3A_390 : i32
      %mul3A_392 = arith.mulf %convert_element_type3A_387, %sub3A : vector<16xf32>
      %add3A_393 = arith.addf %get3A_14, %mul3A_392 : vector<16xf32>
      %swap3A_394 = arith.index_cast %add3A_391 : i32 to index
      %swap3A_395 = arith.constant 0 : index
      %swap3A_396 = tpu.vector_load %arg7[%swap3A_394, %swap3A_395] {strides = array<i32>} : memref<512x128xf32, #tpu.memory_space<vmem>>, vector<1x16xf32>,
      %swap3A_397 = vector.shape_cast %swap3A_396 : vector<1x16xf32> to vector<16xf32>
      %swap3A_398 = vector.shape_cast %add3A_393 : vector<16xf32> to vector<1x16xf32>
      tpu.vector_store %arg7[%swap3A_394, %swap3A_395], %swap3A_398 {strides = array<i32>} : memref<512x128xf32, #tpu.memory_space<vmem>>, vector<1x16xf32>,
      %mul3A_399 = arith.mulf %convert_element_type3A_387, %sub3A_60 : vector<16xf32>
      %add3A_400 = arith.addf %get3A_19, %mul3A_399 : vector<16xf32>
      %swap3A_401 = arith.index_cast %add3A_391 : i32 to index
      %swap3A_402 = arith.constant 16 : index
      %swap3A_403 = tpu.vector_load %arg7[%swap3A_401, %swap3A_402] {strides = array<i32>} : memref<512x128xf32, #tpu.memory_space<vmem>>, vector<1x16xf32>,
      %swap3A_404 = vector.shape_cast %swap3A_403 : vector<1x16xf32> to vector<16xf32>
      %swap3A_405 = vector.shape_cast %add3A_400 : vector<16xf32> to vector<1x16xf32>
      tpu.vector_store %arg7[%swap3A_401, %swap3A_402], %swap3A_405 {strides = array<i32>} : memref<512x128xf32, #tpu.memory_space<vmem>>, vector<1x16xf32>,
      %mul3A_406 = arith.mulf %convert_element_type3A_387, %sub3A_66 : vector<16xf32>
      %add3A_407 = arith.addf %get3A_24, %mul3A_406 : vector<16xf32>
      %swap3A_408 = arith.index_cast %add3A_391 : i32 to index
      %swap3A_409 = arith.constant 32 : index
      %swap3A_410 = tpu.vector_load %arg7[%swap3A_408, %swap3A_409] {strides = array<i32>} : memref<512x128xf32, #tpu.memory_space<vmem>>, vector<1x16xf32>,
      %swap3A_411 = vector.shape_cast %swap3A_410 : vector<1x16xf32> to vector<16xf32>
      %swap3A_412 = vector.shape_cast %add3A_407 : vector<16xf32> to vector<1x16xf32>
      tpu.vector_store %arg7[%swap3A_408, %swap3A_409], %swap3A_412 {strides = array<i32>} : memref<512x128xf32, #tpu.memory_space<vmem>>, vector<1x16xf32>,
      %mul3A_413 = arith.mulf %convert_element_type3A_387, %sub3A_72 : vector<16xf32>
      %add3A_414 = arith.addf %get3A_29, %mul3A_413 : vector<16xf32>
      %swap3A_415 = arith.index_cast %add3A_391 : i32 to index
      %swap3A_416 = arith.constant 48 : index
      %swap3A_417 = tpu.vector_load %arg7[%swap3A_415, %swap3A_416] {strides = array<i32>} : memref<512x128xf32, #tpu.memory_space<vmem>>, vector<1x16xf32>,
      %swap3A_418 = vector.shape_cast %swap3A_417 : vector<1x16xf32> to vector<16xf32>
      %swap3A_419 = vector.shape_cast %add3A_414 : vector<16xf32> to vector<1x16xf32>
      tpu.vector_store %arg7[%swap3A_415, %swap3A_416], %swap3A_419 {strides = array<i32>} : memref<512x128xf32, #tpu.memory_space<vmem>>, vector<1x16xf32>,
      %mul3A_420 = arith.mulf %convert_element_type3A_387, %sub3A_78 : vector<16xf32>
      %add3A_421 = arith.addf %get3A_34, %mul3A_420 : vector<16xf32>
      %swap3A_422 = arith.index_cast %add3A_391 : i32 to index
      %swap3A_423 = arith.constant 64 : index
      %swap3A_424 = tpu.vector_load %arg7[%swap3A_422, %swap3A_423] {strides = array<i32>} : memref<512x128xf32, #tpu.memory_space<vmem>>, vector<1x16xf32>,
      %swap3A_425 = vector.shape_cast %swap3A_424 : vector<1x16xf32> to vector<16xf32>
      %swap3A_426 = vector.shape_cast %add3A_421 : vector<16xf32> to vector<1x16xf32>
      tpu.vector_store %arg7[%swap3A_422, %swap3A_423], %swap3A_426 {strides = array<i32>} : memref<512x128xf32, #tpu.memory_space<vmem>>, vector<1x16xf32>,
      %mul3A_427 = arith.mulf %convert_element_type3A_387, %sub3A_84 : vector<16xf32>
      %add3A_428 = arith.addf %get3A_39, %mul3A_427 : vector<16xf32>
      %swap3A_429 = arith.index_cast %add3A_391 : i32 to index
      %swap3A_430 = arith.constant 80 : index
      %swap3A_431 = tpu.vector_load %arg7[%swap3A_429, %swap3A_430] {strides = array<i32>} : memref<512x128xf32, #tpu.memory_space<vmem>>, vector<1x16xf32>,
      %swap3A_432 = vector.shape_cast %swap3A_431 : vector<1x16xf32> to vector<16xf32>
      %swap3A_433 = vector.shape_cast %add3A_428 : vector<16xf32> to vector<1x16xf32>
      tpu.vector_store %arg7[%swap3A_429, %swap3A_430], %swap3A_433 {strides = array<i32>} : memref<512x128xf32, #tpu.memory_space<vmem>>, vector<1x16xf32>,
      %mul3A_434 = arith.mulf %convert_element_type3A_387, %sub3A_90 : vector<16xf32>
      %add3A_435 = arith.addf %get3A_44, %mul3A_434 : vector<16xf32>
      %swap3A_436 = arith.index_cast %add3A_391 : i32 to index
      %swap3A_437 = arith.constant 96 : index
      %swap3A_438 = tpu.vector_load %arg7[%swap3A_436, %swap3A_437] {strides = array<i32>} : memref<512x128xf32, #tpu.memory_space<vmem>>, vector<1x16xf32>,
      %swap3A_439 = vector.shape_cast %swap3A_438 : vector<1x16xf32> to vector<16xf32>
      %swap3A_440 = vector.shape_cast %add3A_435 : vector<16xf32> to vector<1x16xf32>
      tpu.vector_store %arg7[%swap3A_436, %swap3A_437], %swap3A_440 {strides = array<i32>} : memref<512x128xf32, #tpu.memory_space<vmem>>, vector<1x16xf32>,
      %mul3A_441 = arith.mulf %convert_element_type3A_387, %sub3A_96 : vector<16xf32>
      %add3A_442 = arith.addf %get3A_49, %mul3A_441 : vector<16xf32>
      %swap3A_443 = arith.index_cast %add3A_391 : i32 to index
      %swap3A_444 = arith.constant 112 : index
      %swap3A_445 = tpu.vector_load %arg7[%swap3A_443, %swap3A_444] {strides = array<i32>} : memref<512x128xf32, #tpu.memory_space<vmem>>, vector<1x16xf32>,
      %swap3A_446 = vector.shape_cast %swap3A_445 : vector<1x16xf32> to vector<16xf32>
      %swap3A_447 = vector.shape_cast %add3A_442 : vector<16xf32> to vector<1x16xf32>
      tpu.vector_store %arg7[%swap3A_443, %swap3A_444], %swap3A_447 {strides = array<i32>} : memref<512x128xf32, #tpu.memory_space<vmem>>, vector<1x16xf32>,
      %broadcast_in_dim3A_448 = arith.constant 4 : i32
      %broadcast_in_dim3A_449 = vector.broadcast %broadcast_in_dim3A_448 : i32 to vector<16xi32>
      %lt3A_450 = arith.constant 0 : i32
      %lt3A_451 = vector.broadcast %lt3A_450 : i32 to vector<16xi32>
      %lt3A_452 = arith.cmpi slt, %broadcast_in_dim3A_449, %lt3A_451 : vector<16xi32>
      %add3A_453 = arith.constant 16 : i32
      %add3A_454 = vector.broadcast %add3A_453 : i32 to vector<16xi32>
      %add3A_455 = arith.addi %broadcast_in_dim3A_449, %add3A_454 : vector<16xi32>
      %select_n3A_456 = arith.select %lt3A_452, %add3A_455, %broadcast_in_dim3A_449 : vector<16xi1>, vector<16xi32>
      %broadcast_in_dim3A_457 = vector.shape_cast %select_n3A_456 : vector<16xi32> to vector<16x1xi32>
      %gather3A_458 = vector.shape_cast %broadcast_in_dim3A_457 : vector<16x1xi32> to vector<16xi32>
      %gather3A_459 = tpu.dynamic_gather %get3A_161[%gather3A_458] in [0] : vector<16xi32>, vector<16xi32> -> vector<16xi32>
      %convert_element_type3A_460 = arith.sitofp %gather3A_459 : vector<16xi32> to vector<16xf32>
      %mul3A_461 = arith.constant 16 : i32
      %mul3A_462 = arith.muli %scan3A_156, %mul3A_461 : i32
      %add3A_463 = arith.constant 4 : i32
      %add3A_464 = arith.addi %mul3A_462, %add3A_463 : i32
      %mul3A_465 = arith.mulf %convert_element_type3A_460, %sub3A : vector<16xf32>
      %add3A_466 = arith.addf %get3A_14, %mul3A_465 : vector<16xf32>
      %swap3A_467 = arith.index_cast %add3A_464 : i32 to index
      %swap3A_468 = arith.constant 0 : index
      %swap3A_469 = tpu.vector_load %arg7[%swap3A_467, %swap3A_468] {strides = array<i32>} : memref<512x128xf32, #tpu.memory_space<vmem>>, vector<1x16xf32>,
      %swap3A_470 = vector.shape_cast %swap3A_469 : vector<1x16xf32> to vector<16xf32>
      %swap3A_471 = vector.shape_cast %add3A_466 : vector<16xf32> to vector<1x16xf32>
      tpu.vector_store %arg7[%swap3A_467, %swap3A_468], %swap3A_471 {strides = array<i32>} : memref<512x128xf32, #tpu.memory_space<vmem>>, vector<1x16xf32>,
      %mul3A_472 = arith.mulf %convert_element_type3A_460, %sub3A_60 : vector<16xf32>
      %add3A_473 = arith.addf %get3A_19, %mul3A_472 : vector<16xf32>
      %swap3A_474 = arith.index_cast %add3A_464 : i32 to index
      %swap3A_475 = arith.constant 16 : index
      %swap3A_476 = tpu.vector_load %arg7[%swap3A_474, %swap3A_475] {strides = array<i32>} : memref<512x128xf32, #tpu.memory_space<vmem>>, vector<1x16xf32>,
      %swap3A_477 = vector.shape_cast %swap3A_476 : vector<1x16xf32> to vector<16xf32>
      %swap3A_478 = vector.shape_cast %add3A_473 : vector<16xf32> to vector<1x16xf32>
      tpu.vector_store %arg7[%swap3A_474, %swap3A_475], %swap3A_478 {strides = array<i32>} : memref<512x128xf32, #tpu.memory_space<vmem>>, vector<1x16xf32>,
      %mul3A_479 = arith.mulf %convert_element_type3A_460, %sub3A_66 : vector<16xf32>
      %add3A_480 = arith.addf %get3A_24, %mul3A_479 : vector<16xf32>
      %swap3A_481 = arith.index_cast %add3A_464 : i32 to index
      %swap3A_482 = arith.constant 32 : index
      %swap3A_483 = tpu.vector_load %arg7[%swap3A_481, %swap3A_482] {strides = array<i32>} : memref<512x128xf32, #tpu.memory_space<vmem>>, vector<1x16xf32>,
      %swap3A_484 = vector.shape_cast %swap3A_483 : vector<1x16xf32> to vector<16xf32>
      %swap3A_485 = vector.shape_cast %add3A_480 : vector<16xf32> to vector<1x16xf32>
      tpu.vector_store %arg7[%swap3A_481, %swap3A_482], %swap3A_485 {strides = array<i32>} : memref<512x128xf32, #tpu.memory_space<vmem>>, vector<1x16xf32>,
      %mul3A_486 = arith.mulf %convert_element_type3A_460, %sub3A_72 : vector<16xf32>
      %add3A_487 = arith.addf %get3A_29, %mul3A_486 : vector<16xf32>
      %swap3A_488 = arith.index_cast %add3A_464 : i32 to index
      %swap3A_489 = arith.constant 48 : index
      %swap3A_490 = tpu.vector_load %arg7[%swap3A_488, %swap3A_489] {strides = array<i32>} : memref<512x128xf32, #tpu.memory_space<vmem>>, vector<1x16xf32>,
      %swap3A_491 = vector.shape_cast %swap3A_490 : vector<1x16xf32> to vector<16xf32>
      %swap3A_492 = vector.shape_cast %add3A_487 : vector<16xf32> to vector<1x16xf32>
      tpu.vector_store %arg7[%swap3A_488, %swap3A_489], %swap3A_492 {strides = array<i32>} : memref<512x128xf32, #tpu.memory_space<vmem>>, vector<1x16xf32>,
      %mul3A_493 = arith.mulf %convert_element_type3A_460, %sub3A_78 : vector<16xf32>
      %add3A_494 = arith.addf %get3A_34, %mul3A_493 : vector<16xf32>
      %swap3A_495 = arith.index_cast %add3A_464 : i32 to index
      %swap3A_496 = arith.constant 64 : index
      %swap3A_497 = tpu.vector_load %arg7[%swap3A_495, %swap3A_496] {strides = array<i32>} : memref<512x128xf32, #tpu.memory_space<vmem>>, vector<1x16xf32>,
      %swap3A_498 = vector.shape_cast %swap3A_497 : vector<1x16xf32> to vector<16xf32>
      %swap3A_499 = vector.shape_cast %add3A_494 : vector<16xf32> to vector<1x16xf32>
      tpu.vector_store %arg7[%swap3A_495, %swap3A_496], %swap3A_499 {strides = array<i32>} : memref<512x128xf32, #tpu.memory_space<vmem>>, vector<1x16xf32>,
      %mul3A_500 = arith.mulf %convert_element_type3A_460, %sub3A_84 : vector<16xf32>
      %add3A_501 = arith.addf %get3A_39, %mul3A_500 : vector<16xf32>
      %swap3A_502 = arith.index_cast %add3A_464 : i32 to index
      %swap3A_503 = arith.constant 80 : index
      %swap3A_504 = tpu.vector_load %arg7[%swap3A_502, %swap3A_503] {strides = array<i32>} : memref<512x128xf32, #tpu.memory_space<vmem>>, vector<1x16xf32>,
      %swap3A_505 = vector.shape_cast %swap3A_504 : vector<1x16xf32> to vector<16xf32>
      %swap3A_506 = vector.shape_cast %add3A_501 : vector<16xf32> to vector<1x16xf32>
      tpu.vector_store %arg7[%swap3A_502, %swap3A_503], %swap3A_506 {strides = array<i32>} : memref<512x128xf32, #tpu.memory_space<vmem>>, vector<1x16xf32>,
      %mul3A_507 = arith.mulf %convert_element_type3A_460, %sub3A_90 : vector<16xf32>
      %add3A_508 = arith.addf %get3A_44, %mul3A_507 : vector<16xf32>
      %swap3A_509 = arith.index_cast %add3A_464 : i32 to index
      %swap3A_510 = arith.constant 96 : index
      %swap3A_511 = tpu.vector_load %arg7[%swap3A_509, %swap3A_510] {strides = array<i32>} : memref<512x128xf32, #tpu.memory_space<vmem>>, vector<1x16xf32>,
      %swap3A_512 = vector.shape_cast %swap3A_511 : vector<1x16xf32> to vector<16xf32>
      %swap3A_513 = vector.shape_cast %add3A_508 : vector<16xf32> to vector<1x16xf32>
      tpu.vector_store %arg7[%swap3A_509, %swap3A_510], %swap3A_513 {strides = array<i32>} : memref<512x128xf32, #tpu.memory_space<vmem>>, vector<1x16xf32>,
      %mul3A_514 = arith.mulf %convert_element_type3A_460, %sub3A_96 : vector<16xf32>
      %add3A_515 = arith.addf %get3A_49, %mul3A_514 : vector<16xf32>
      %swap3A_516 = arith.index_cast %add3A_464 : i32 to index
      %swap3A_517 = arith.constant 112 : index
      %swap3A_518 = tpu.vector_load %arg7[%swap3A_516, %swap3A_517] {strides = array<i32>} : memref<512x128xf32, #tpu.memory_space<vmem>>, vector<1x16xf32>,
      %swap3A_519 = vector.shape_cast %swap3A_518 : vector<1x16xf32> to vector<16xf32>
      %swap3A_520 = vector.shape_cast %add3A_515 : vector<16xf32> to vector<1x16xf32>
      tpu.vector_store %arg7[%swap3A_516, %swap3A_517], %swap3A_520 {strides = array<i32>} : memref<512x128xf32, #tpu.memory_space<vmem>>, vector<1x16xf32>,
      %broadcast_in_dim3A_521 = arith.constant 5 : i32
      %broadcast_in_dim3A_522 = vector.broadcast %broadcast_in_dim3A_521 : i32 to vector<16xi32>
      %lt3A_523 = arith.constant 0 : i32
      %lt3A_524 = vector.broadcast %lt3A_523 : i32 to vector<16xi32>
      %lt3A_525 = arith.cmpi slt, %broadcast_in_dim3A_522, %lt3A_524 : vector<16xi32>
      %add3A_526 = arith.constant 16 : i32
      %add3A_527 = vector.broadcast %add3A_526 : i32 to vector<16xi32>
      %add3A_528 = arith.addi %broadcast_in_dim3A_522, %add3A_527 : vector<16xi32>
      %select_n3A_529 = arith.select %lt3A_525, %add3A_528, %broadcast_in_dim3A_522 : vector<16xi1>, vector<16xi32>
      %broadcast_in_dim3A_530 = vector.shape_cast %select_n3A_529 : vector<16xi32> to vector<16x1xi32>
      %gather3A_531 = vector.shape_cast %broadcast_in_dim3A_530 : vector<16x1xi32> to vector<16xi32>
      %gather3A_532 = tpu.dynamic_gather %get3A_161[%gather3A_531] in [0] : vector<16xi32>, vector<16xi32> -> vector<16xi32>
      %convert_element_type3A_533 = arith.sitofp %gather3A_532 : vector<16xi32> to vector<16xf32>
      %mul3A_534 = arith.constant 16 : i32
      %mul3A_535 = arith.muli %scan3A_156, %mul3A_534 : i32
      %add3A_536 = arith.constant 5 : i32
      %add3A_537 = arith.addi %mul3A_535, %add3A_536 : i32
      %mul3A_538 = arith.mulf %convert_element_type3A_533, %sub3A : vector<16xf32>
      %add3A_539 = arith.addf %get3A_14, %mul3A_538 : vector<16xf32>
      %swap3A_540 = arith.index_cast %add3A_537 : i32 to index
      %swap3A_541 = arith.constant 0 : index
      %swap3A_542 = tpu.vector_load %arg7[%swap3A_540, %swap3A_541] {strides = array<i32>} : memref<512x128xf32, #tpu.memory_space<vmem>>, vector<1x16xf32>,
      %swap3A_543 = vector.shape_cast %swap3A_542 : vector<1x16xf32> to vector<16xf32>
      %swap3A_544 = vector.shape_cast %add3A_539 : vector<16xf32> to vector<1x16xf32>
      tpu.vector_store %arg7[%swap3A_540, %swap3A_541], %swap3A_544 {strides = array<i32>} : memref<512x128xf32, #tpu.memory_space<vmem>>, vector<1x16xf32>,
      %mul3A_545 = arith.mulf %convert_element_type3A_533, %sub3A_60 : vector<16xf32>
      %add3A_546 = arith.addf %get3A_19, %mul3A_545 : vector<16xf32>
      %swap3A_547 = arith.index_cast %add3A_537 : i32 to index
      %swap3A_548 = arith.constant 16 : index
      %swap3A_549 = tpu.vector_load %arg7[%swap3A_547, %swap3A_548] {strides = array<i32>} : memref<512x128xf32, #tpu.memory_space<vmem>>, vector<1x16xf32>,
      %swap3A_550 = vector.shape_cast %swap3A_549 : vector<1x16xf32> to vector<16xf32>
      %swap3A_551 = vector.shape_cast %add3A_546 : vector<16xf32> to vector<1x16xf32>
      tpu.vector_store %arg7[%swap3A_547, %swap3A_548], %swap3A_551 {strides = array<i32>} : memref<512x128xf32, #tpu.memory_space<vmem>>, vector<1x16xf32>,
      %mul3A_552 = arith.mulf %convert_element_type3A_533, %sub3A_66 : vector<16xf32>
      %add3A_553 = arith.addf %get3A_24, %mul3A_552 : vector<16xf32>
      %swap3A_554 = arith.index_cast %add3A_537 : i32 to index
      %swap3A_555 = arith.constant 32 : index
      %swap3A_556 = tpu.vector_load %arg7[%swap3A_554, %swap3A_555] {strides = array<i32>} : memref<512x128xf32, #tpu.memory_space<vmem>>, vector<1x16xf32>,
      %swap3A_557 = vector.shape_cast %swap3A_556 : vector<1x16xf32> to vector<16xf32>
      %swap3A_558 = vector.shape_cast %add3A_553 : vector<16xf32> to vector<1x16xf32>
      tpu.vector_store %arg7[%swap3A_554, %swap3A_555], %swap3A_558 {strides = array<i32>} : memref<512x128xf32, #tpu.memory_space<vmem>>, vector<1x16xf32>,
      %mul3A_559 = arith.mulf %convert_element_type3A_533, %sub3A_72 : vector<16xf32>
      %add3A_560 = arith.addf %get3A_29, %mul3A_559 : vector<16xf32>
      %swap3A_561 = arith.index_cast %add3A_537 : i32 to index
      %swap3A_562 = arith.constant 48 : index
      %swap3A_563 = tpu.vector_load %arg7[%swap3A_561, %swap3A_562] {strides = array<i32>} : memref<512x128xf32, #tpu.memory_space<vmem>>, vector<1x16xf32>,
      %swap3A_564 = vector.shape_cast %swap3A_563 : vector<1x16xf32> to vector<16xf32>
      %swap3A_565 = vector.shape_cast %add3A_560 : vector<16xf32> to vector<1x16xf32>
      tpu.vector_store %arg7[%swap3A_561, %swap3A_562], %swap3A_565 {strides = array<i32>} : memref<512x128xf32, #tpu.memory_space<vmem>>, vector<1x16xf32>,
      %mul3A_566 = arith.mulf %convert_element_type3A_533, %sub3A_78 : vector<16xf32>
      %add3A_567 = arith.addf %get3A_34, %mul3A_566 : vector<16xf32>
      %swap3A_568 = arith.index_cast %add3A_537 : i32 to index
      %swap3A_569 = arith.constant 64 : index
      %swap3A_570 = tpu.vector_load %arg7[%swap3A_568, %swap3A_569] {strides = array<i32>} : memref<512x128xf32, #tpu.memory_space<vmem>>, vector<1x16xf32>,
      %swap3A_571 = vector.shape_cast %swap3A_570 : vector<1x16xf32> to vector<16xf32>
      %swap3A_572 = vector.shape_cast %add3A_567 : vector<16xf32> to vector<1x16xf32>
      tpu.vector_store %arg7[%swap3A_568, %swap3A_569], %swap3A_572 {strides = array<i32>} : memref<512x128xf32, #tpu.memory_space<vmem>>, vector<1x16xf32>,
      %mul3A_573 = arith.mulf %convert_element_type3A_533, %sub3A_84 : vector<16xf32>
      %add3A_574 = arith.addf %get3A_39, %mul3A_573 : vector<16xf32>
      %swap3A_575 = arith.index_cast %add3A_537 : i32 to index
      %swap3A_576 = arith.constant 80 : index
      %swap3A_577 = tpu.vector_load %arg7[%swap3A_575, %swap3A_576] {strides = array<i32>} : memref<512x128xf32, #tpu.memory_space<vmem>>, vector<1x16xf32>,
      %swap3A_578 = vector.shape_cast %swap3A_577 : vector<1x16xf32> to vector<16xf32>
      %swap3A_579 = vector.shape_cast %add3A_574 : vector<16xf32> to vector<1x16xf32>
      tpu.vector_store %arg7[%swap3A_575, %swap3A_576], %swap3A_579 {strides = array<i32>} : memref<512x128xf32, #tpu.memory_space<vmem>>, vector<1x16xf32>,
      %mul3A_580 = arith.mulf %convert_element_type3A_533, %sub3A_90 : vector<16xf32>
      %add3A_581 = arith.addf %get3A_44, %mul3A_580 : vector<16xf32>
      %swap3A_582 = arith.index_cast %add3A_537 : i32 to index
      %swap3A_583 = arith.constant 96 : index
      %swap3A_584 = tpu.vector_load %arg7[%swap3A_582, %swap3A_583] {strides = array<i32>} : memref<512x128xf32, #tpu.memory_space<vmem>>, vector<1x16xf32>,
      %swap3A_585 = vector.shape_cast %swap3A_584 : vector<1x16xf32> to vector<16xf32>
      %swap3A_586 = vector.shape_cast %add3A_581 : vector<16xf32> to vector<1x16xf32>
      tpu.vector_store %arg7[%swap3A_582, %swap3A_583], %swap3A_586 {strides = array<i32>} : memref<512x128xf32, #tpu.memory_space<vmem>>, vector<1x16xf32>,
      %mul3A_587 = arith.mulf %convert_element_type3A_533, %sub3A_96 : vector<16xf32>
      %add3A_588 = arith.addf %get3A_49, %mul3A_587 : vector<16xf32>
      %swap3A_589 = arith.index_cast %add3A_537 : i32 to index
      %swap3A_590 = arith.constant 112 : index
      %swap3A_591 = tpu.vector_load %arg7[%swap3A_589, %swap3A_590] {strides = array<i32>} : memref<512x128xf32, #tpu.memory_space<vmem>>, vector<1x16xf32>,
      %swap3A_592 = vector.shape_cast %swap3A_591 : vector<1x16xf32> to vector<16xf32>
      %swap3A_593 = vector.shape_cast %add3A_588 : vector<16xf32> to vector<1x16xf32>
      tpu.vector_store %arg7[%swap3A_589, %swap3A_590], %swap3A_593 {strides = array<i32>} : memref<512x128xf32, #tpu.memory_space<vmem>>, vector<1x16xf32>,
      %broadcast_in_dim3A_594 = arith.constant 6 : i32
      %broadcast_in_dim3A_595 = vector.broadcast %broadcast_in_dim3A_594 : i32 to vector<16xi32>
      %lt3A_596 = arith.constant 0 : i32
      %lt3A_597 = vector.broadcast %lt3A_596 : i32 to vector<16xi32>
      %lt3A_598 = arith.cmpi slt, %broadcast_in_dim3A_595, %lt3A_597 : vector<16xi32>
      %add3A_599 = arith.constant 16 : i32
      %add3A_600 = vector.broadcast %add3A_599 : i32 to vector<16xi32>
      %add3A_601 = arith.addi %broadcast_in_dim3A_595, %add3A_600 : vector<16xi32>
      %select_n3A_602 = arith.select %lt3A_598, %add3A_601, %broadcast_in_dim3A_595 : vector<16xi1>, vector<16xi32>
      %broadcast_in_dim3A_603 = vector.shape_cast %select_n3A_602 : vector<16xi32> to vector<16x1xi32>
      %gather3A_604 = vector.shape_cast %broadcast_in_dim3A_603 : vector<16x1xi32> to vector<16xi32>
      %gather3A_605 = tpu.dynamic_gather %get3A_161[%gather3A_604] in [0] : vector<16xi32>, vector<16xi32> -> vector<16xi32>
      %convert_element_type3A_606 = arith.sitofp %gather3A_605 : vector<16xi32> to vector<16xf32>
      %mul3A_607 = arith.constant 16 : i32
      %mul3A_608 = arith.muli %scan3A_156, %mul3A_607 : i32
      %add3A_609 = arith.constant 6 : i32
      %add3A_610 = arith.addi %mul3A_608, %add3A_609 : i32
      %mul3A_611 = arith.mulf %convert_element_type3A_606, %sub3A : vector<16xf32>
      %add3A_612 = arith.addf %get3A_14, %mul3A_611 : vector<16xf32>
      %swap3A_613 = arith.index_cast %add3A_610 : i32 to index
      %swap3A_614 = arith.constant 0 : index
      %swap3A_615 = tpu.vector_load %arg7[%swap3A_613, %swap3A_614] {strides = array<i32>} : memref<512x128xf32, #tpu.memory_space<vmem>>, vector<1x16xf32>,
      %swap3A_616 = vector.shape_cast %swap3A_615 : vector<1x16xf32> to vector<16xf32>
      %swap3A_617 = vector.shape_cast %add3A_612 : vector<16xf32> to vector<1x16xf32>
      tpu.vector_store %arg7[%swap3A_613, %swap3A_614], %swap3A_617 {strides = array<i32>} : memref<512x128xf32, #tpu.memory_space<vmem>>, vector<1x16xf32>,
      %mul3A_618 = arith.mulf %convert_element_type3A_606, %sub3A_60 : vector<16xf32>
      %add3A_619 = arith.addf %get3A_19, %mul3A_618 : vector<16xf32>
      %swap3A_620 = arith.index_cast %add3A_610 : i32 to index
      %swap3A_621 = arith.constant 16 : index
      %swap3A_622 = tpu.vector_load %arg7[%swap3A_620, %swap3A_621] {strides = array<i32>} : memref<512x128xf32, #tpu.memory_space<vmem>>, vector<1x16xf32>,
      %swap3A_623 = vector.shape_cast %swap3A_622 : vector<1x16xf32> to vector<16xf32>
      %swap3A_624 = vector.shape_cast %add3A_619 : vector<16xf32> to vector<1x16xf32>
      tpu.vector_store %arg7[%swap3A_620, %swap3A_621], %swap3A_624 {strides = array<i32>} : memref<512x128xf32, #tpu.memory_space<vmem>>, vector<1x16xf32>,
      %mul3A_625 = arith.mulf %convert_element_type3A_606, %sub3A_66 : vector<16xf32>
      %add3A_626 = arith.addf %get3A_24, %mul3A_625 : vector<16xf32>
      %swap3A_627 = arith.index_cast %add3A_610 : i32 to index
      %swap3A_628 = arith.constant 32 : index
      %swap3A_629 = tpu.vector_load %arg7[%swap3A_627, %swap3A_628] {strides = array<i32>} : memref<512x128xf32, #tpu.memory_space<vmem>>, vector<1x16xf32>,
      %swap3A_630 = vector.shape_cast %swap3A_629 : vector<1x16xf32> to vector<16xf32>
      %swap3A_631 = vector.shape_cast %add3A_626 : vector<16xf32> to vector<1x16xf32>
      tpu.vector_store %arg7[%swap3A_627, %swap3A_628], %swap3A_631 {strides = array<i32>} : memref<512x128xf32, #tpu.memory_space<vmem>>, vector<1x16xf32>,
      %mul3A_632 = arith.mulf %convert_element_type3A_606, %sub3A_72 : vector<16xf32>
      %add3A_633 = arith.addf %get3A_29, %mul3A_632 : vector<16xf32>
      %swap3A_634 = arith.index_cast %add3A_610 : i32 to index
      %swap3A_635 = arith.constant 48 : index
      %swap3A_636 = tpu.vector_load %arg7[%swap3A_634, %swap3A_635] {strides = array<i32>} : memref<512x128xf32, #tpu.memory_space<vmem>>, vector<1x16xf32>,
      %swap3A_637 = vector.shape_cast %swap3A_636 : vector<1x16xf32> to vector<16xf32>
      %swap3A_638 = vector.shape_cast %add3A_633 : vector<16xf32> to vector<1x16xf32>
      tpu.vector_store %arg7[%swap3A_634, %swap3A_635], %swap3A_638 {strides = array<i32>} : memref<512x128xf32, #tpu.memory_space<vmem>>, vector<1x16xf32>,
      %mul3A_639 = arith.mulf %convert_element_type3A_606, %sub3A_78 : vector<16xf32>
      %add3A_640 = arith.addf %get3A_34, %mul3A_639 : vector<16xf32>
      %swap3A_641 = arith.index_cast %add3A_610 : i32 to index
      %swap3A_642 = arith.constant 64 : index
      %swap3A_643 = tpu.vector_load %arg7[%swap3A_641, %swap3A_642] {strides = array<i32>} : memref<512x128xf32, #tpu.memory_space<vmem>>, vector<1x16xf32>,
      %swap3A_644 = vector.shape_cast %swap3A_643 : vector<1x16xf32> to vector<16xf32>
      %swap3A_645 = vector.shape_cast %add3A_640 : vector<16xf32> to vector<1x16xf32>
      tpu.vector_store %arg7[%swap3A_641, %swap3A_642], %swap3A_645 {strides = array<i32>} : memref<512x128xf32, #tpu.memory_space<vmem>>, vector<1x16xf32>,
      %mul3A_646 = arith.mulf %convert_element_type3A_606, %sub3A_84 : vector<16xf32>
      %add3A_647 = arith.addf %get3A_39, %mul3A_646 : vector<16xf32>
      %swap3A_648 = arith.index_cast %add3A_610 : i32 to index
      %swap3A_649 = arith.constant 80 : index
      %swap3A_650 = tpu.vector_load %arg7[%swap3A_648, %swap3A_649] {strides = array<i32>} : memref<512x128xf32, #tpu.memory_space<vmem>>, vector<1x16xf32>,
      %swap3A_651 = vector.shape_cast %swap3A_650 : vector<1x16xf32> to vector<16xf32>
      %swap3A_652 = vector.shape_cast %add3A_647 : vector<16xf32> to vector<1x16xf32>
      tpu.vector_store %arg7[%swap3A_648, %swap3A_649], %swap3A_652 {strides = array<i32>} : memref<512x128xf32, #tpu.memory_space<vmem>>, vector<1x16xf32>,
      %mul3A_653 = arith.mulf %convert_element_type3A_606, %sub3A_90 : vector<16xf32>
      %add3A_654 = arith.addf %get3A_44, %mul3A_653 : vector<16xf32>
      %swap3A_655 = arith.index_cast %add3A_610 : i32 to index
      %swap3A_656 = arith.constant 96 : index
      %swap3A_657 = tpu.vector_load %arg7[%swap3A_655, %swap3A_656] {strides = array<i32>} : memref<512x128xf32, #tpu.memory_space<vmem>>, vector<1x16xf32>,
      %swap3A_658 = vector.shape_cast %swap3A_657 : vector<1x16xf32> to vector<16xf32>
      %swap3A_659 = vector.shape_cast %add3A_654 : vector<16xf32> to vector<1x16xf32>
      tpu.vector_store %arg7[%swap3A_655, %swap3A_656], %swap3A_659 {strides = array<i32>} : memref<512x128xf32, #tpu.memory_space<vmem>>, vector<1x16xf32>,
      %mul3A_660 = arith.mulf %convert_element_type3A_606, %sub3A_96 : vector<16xf32>
      %add3A_661 = arith.addf %get3A_49, %mul3A_660 : vector<16xf32>
      %swap3A_662 = arith.index_cast %add3A_610 : i32 to index
      %swap3A_663 = arith.constant 112 : index
      %swap3A_664 = tpu.vector_load %arg7[%swap3A_662, %swap3A_663] {strides = array<i32>} : memref<512x128xf32, #tpu.memory_space<vmem>>, vector<1x16xf32>,
      %swap3A_665 = vector.shape_cast %swap3A_664 : vector<1x16xf32> to vector<16xf32>
      %swap3A_666 = vector.shape_cast %add3A_661 : vector<16xf32> to vector<1x16xf32>
      tpu.vector_store %arg7[%swap3A_662, %swap3A_663], %swap3A_666 {strides = array<i32>} : memref<512x128xf32, #tpu.memory_space<vmem>>, vector<1x16xf32>,
      %broadcast_in_dim3A_667 = arith.constant 7 : i32
      %broadcast_in_dim3A_668 = vector.broadcast %broadcast_in_dim3A_667 : i32 to vector<16xi32>
      %lt3A_669 = arith.constant 0 : i32
      %lt3A_670 = vector.broadcast %lt3A_669 : i32 to vector<16xi32>
      %lt3A_671 = arith.cmpi slt, %broadcast_in_dim3A_668, %lt3A_670 : vector<16xi32>
      %add3A_672 = arith.constant 16 : i32
      %add3A_673 = vector.broadcast %add3A_672 : i32 to vector<16xi32>
      %add3A_674 = arith.addi %broadcast_in_dim3A_668, %add3A_673 : vector<16xi32>
      %select_n3A_675 = arith.select %lt3A_671, %add3A_674, %broadcast_in_dim3A_668 : vector<16xi1>, vector<16xi32>
      %broadcast_in_dim3A_676 = vector.shape_cast %select_n3A_675 : vector<16xi32> to vector<16x1xi32>
      %gather3A_677 = vector.shape_cast %broadcast_in_dim3A_676 : vector<16x1xi32> to vector<16xi32>
      %gather3A_678 = tpu.dynamic_gather %get3A_161[%gather3A_677] in [0] : vector<16xi32>, vector<16xi32> -> vector<16xi32>
      %convert_element_type3A_679 = arith.sitofp %gather3A_678 : vector<16xi32> to vector<16xf32>
      %mul3A_680 = arith.constant 16 : i32
      %mul3A_681 = arith.muli %scan3A_156, %mul3A_680 : i32
      %add3A_682 = arith.constant 7 : i32
      %add3A_683 = arith.addi %mul3A_681, %add3A_682 : i32
      %mul3A_684 = arith.mulf %convert_element_type3A_679, %sub3A : vector<16xf32>
      %add3A_685 = arith.addf %get3A_14, %mul3A_684 : vector<16xf32>
      %swap3A_686 = arith.index_cast %add3A_683 : i32 to index
      %swap3A_687 = arith.constant 0 : index
      %swap3A_688 = tpu.vector_load %arg7[%swap3A_686, %swap3A_687] {strides = array<i32>} : memref<512x128xf32, #tpu.memory_space<vmem>>, vector<1x16xf32>,
      %swap3A_689 = vector.shape_cast %swap3A_688 : vector<1x16xf32> to vector<16xf32>
      %swap3A_690 = vector.shape_cast %add3A_685 : vector<16xf32> to vector<1x16xf32>
      tpu.vector_store %arg7[%swap3A_686, %swap3A_687], %swap3A_690 {strides = array<i32>} : memref<512x128xf32, #tpu.memory_space<vmem>>, vector<1x16xf32>,
      %mul3A_691 = arith.mulf %convert_element_type3A_679, %sub3A_60 : vector<16xf32>
      %add3A_692 = arith.addf %get3A_19, %mul3A_691 : vector<16xf32>
      %swap3A_693 = arith.index_cast %add3A_683 : i32 to index
      %swap3A_694 = arith.constant 16 : index
      %swap3A_695 = tpu.vector_load %arg7[%swap3A_693, %swap3A_694] {strides = array<i32>} : memref<512x128xf32, #tpu.memory_space<vmem>>, vector<1x16xf32>,
      %swap3A_696 = vector.shape_cast %swap3A_695 : vector<1x16xf32> to vector<16xf32>
      %swap3A_697 = vector.shape_cast %add3A_692 : vector<16xf32> to vector<1x16xf32>
      tpu.vector_store %arg7[%swap3A_693, %swap3A_694], %swap3A_697 {strides = array<i32>} : memref<512x128xf32, #tpu.memory_space<vmem>>, vector<1x16xf32>,
      %mul3A_698 = arith.mulf %convert_element_type3A_679, %sub3A_66 : vector<16xf32>
      %add3A_699 = arith.addf %get3A_24, %mul3A_698 : vector<16xf32>
      %swap3A_700 = arith.index_cast %add3A_683 : i32 to index
      %swap3A_701 = arith.constant 32 : index
      %swap3A_702 = tpu.vector_load %arg7[%swap3A_700, %swap3A_701] {strides = array<i32>} : memref<512x128xf32, #tpu.memory_space<vmem>>, vector<1x16xf32>,
      %swap3A_703 = vector.shape_cast %swap3A_702 : vector<1x16xf32> to vector<16xf32>
      %swap3A_704 = vector.shape_cast %add3A_699 : vector<16xf32> to vector<1x16xf32>
      tpu.vector_store %arg7[%swap3A_700, %swap3A_701], %swap3A_704 {strides = array<i32>} : memref<512x128xf32, #tpu.memory_space<vmem>>, vector<1x16xf32>,
      %mul3A_705 = arith.mulf %convert_element_type3A_679, %sub3A_72 : vector<16xf32>
      %add3A_706 = arith.addf %get3A_29, %mul3A_705 : vector<16xf32>
      %swap3A_707 = arith.index_cast %add3A_683 : i32 to index
      %swap3A_708 = arith.constant 48 : index
      %swap3A_709 = tpu.vector_load %arg7[%swap3A_707, %swap3A_708] {strides = array<i32>} : memref<512x128xf32, #tpu.memory_space<vmem>>, vector<1x16xf32>,
      %swap3A_710 = vector.shape_cast %swap3A_709 : vector<1x16xf32> to vector<16xf32>
      %swap3A_711 = vector.shape_cast %add3A_706 : vector<16xf32> to vector<1x16xf32>
      tpu.vector_store %arg7[%swap3A_707, %swap3A_708], %swap3A_711 {strides = array<i32>} : memref<512x128xf32, #tpu.memory_space<vmem>>, vector<1x16xf32>,
      %mul3A_712 = arith.mulf %convert_element_type3A_679, %sub3A_78 : vector<16xf32>
      %add3A_713 = arith.addf %get3A_34, %mul3A_712 : vector<16xf32>
      %swap3A_714 = arith.index_cast %add3A_683 : i32 to index
      %swap3A_715 = arith.constant 64 : index
      %swap3A_716 = tpu.vector_load %arg7[%swap3A_714, %swap3A_715] {strides = array<i32>} : memref<512x128xf32, #tpu.memory_space<vmem>>, vector<1x16xf32>,
      %swap3A_717 = vector.shape_cast %swap3A_716 : vector<1x16xf32> to vector<16xf32>
      %swap3A_718 = vector.shape_cast %add3A_713 : vector<16xf32> to vector<1x16xf32>
      tpu.vector_store %arg7[%swap3A_714, %swap3A_715], %swap3A_718 {strides = array<i32>} : memref<512x128xf32, #tpu.memory_space<vmem>>, vector<1x16xf32>,
      %mul3A_719 = arith.mulf %convert_element_type3A_679, %sub3A_84 : vector<16xf32>
      %add3A_720 = arith.addf %get3A_39, %mul3A_719 : vector<16xf32>
      %swap3A_721 = arith.index_cast %add3A_683 : i32 to index
      %swap3A_722 = arith.constant 80 : index
      %swap3A_723 = tpu.vector_load %arg7[%swap3A_721, %swap3A_722] {strides = array<i32>} : memref<512x128xf32, #tpu.memory_space<vmem>>, vector<1x16xf32>,
      %swap3A_724 = vector.shape_cast %swap3A_723 : vector<1x16xf32> to vector<16xf32>
      %swap3A_725 = vector.shape_cast %add3A_720 : vector<16xf32> to vector<1x16xf32>
      tpu.vector_store %arg7[%swap3A_721, %swap3A_722], %swap3A_725 {strides = array<i32>} : memref<512x128xf32, #tpu.memory_space<vmem>>, vector<1x16xf32>,
      %mul3A_726 = arith.mulf %convert_element_type3A_679, %sub3A_90 : vector<16xf32>
      %add3A_727 = arith.addf %get3A_44, %mul3A_726 : vector<16xf32>
      %swap3A_728 = arith.index_cast %add3A_683 : i32 to index
      %swap3A_729 = arith.constant 96 : index
      %swap3A_730 = tpu.vector_load %arg7[%swap3A_728, %swap3A_729] {strides = array<i32>} : memref<512x128xf32, #tpu.memory_space<vmem>>, vector<1x16xf32>,
      %swap3A_731 = vector.shape_cast %swap3A_730 : vector<1x16xf32> to vector<16xf32>
      %swap3A_732 = vector.shape_cast %add3A_727 : vector<16xf32> to vector<1x16xf32>
      tpu.vector_store %arg7[%swap3A_728, %swap3A_729], %swap3A_732 {strides = array<i32>} : memref<512x128xf32, #tpu.memory_space<vmem>>, vector<1x16xf32>,
      %mul3A_733 = arith.mulf %convert_element_type3A_679, %sub3A_96 : vector<16xf32>
      %add3A_734 = arith.addf %get3A_49, %mul3A_733 : vector<16xf32>
      %swap3A_735 = arith.index_cast %add3A_683 : i32 to index
      %swap3A_736 = arith.constant 112 : index
      %swap3A_737 = tpu.vector_load %arg7[%swap3A_735, %swap3A_736] {strides = array<i32>} : memref<512x128xf32, #tpu.memory_space<vmem>>, vector<1x16xf32>,
      %swap3A_738 = vector.shape_cast %swap3A_737 : vector<1x16xf32> to vector<16xf32>
      %swap3A_739 = vector.shape_cast %add3A_734 : vector<16xf32> to vector<1x16xf32>
      tpu.vector_store %arg7[%swap3A_735, %swap3A_736], %swap3A_739 {strides = array<i32>} : memref<512x128xf32, #tpu.memory_space<vmem>>, vector<1x16xf32>,
      %broadcast_in_dim3A_740 = arith.constant 8 : i32
      %broadcast_in_dim3A_741 = vector.broadcast %broadcast_in_dim3A_740 : i32 to vector<16xi32>
      %lt3A_742 = arith.constant 0 : i32
      %lt3A_743 = vector.broadcast %lt3A_742 : i32 to vector<16xi32>
      %lt3A_744 = arith.cmpi slt, %broadcast_in_dim3A_741, %lt3A_743 : vector<16xi32>
      %add3A_745 = arith.constant 16 : i32
      %add3A_746 = vector.broadcast %add3A_745 : i32 to vector<16xi32>
      %add3A_747 = arith.addi %broadcast_in_dim3A_741, %add3A_746 : vector<16xi32>
      %select_n3A_748 = arith.select %lt3A_744, %add3A_747, %broadcast_in_dim3A_741 : vector<16xi1>, vector<16xi32>
      %broadcast_in_dim3A_749 = vector.shape_cast %select_n3A_748 : vector<16xi32> to vector<16x1xi32>
      %gather3A_750 = vector.shape_cast %broadcast_in_dim3A_749 : vector<16x1xi32> to vector<16xi32>
      %gather3A_751 = tpu.dynamic_gather %get3A_161[%gather3A_750] in [0] : vector<16xi32>, vector<16xi32> -> vector<16xi32>
      %convert_element_type3A_752 = arith.sitofp %gather3A_751 : vector<16xi32> to vector<16xf32>
      %mul3A_753 = arith.constant 16 : i32
      %mul3A_754 = arith.muli %scan3A_156, %mul3A_753 : i32
      %add3A_755 = arith.constant 8 : i32
      %add3A_756 = arith.addi %mul3A_754, %add3A_755 : i32
      %mul3A_757 = arith.mulf %convert_element_type3A_752, %sub3A : vector<16xf32>
      %add3A_758 = arith.addf %get3A_14, %mul3A_757 : vector<16xf32>
      %swap3A_759 = arith.index_cast %add3A_756 : i32 to index
      %swap3A_760 = arith.constant 0 : index
      %swap3A_761 = tpu.vector_load %arg7[%swap3A_759, %swap3A_760] {strides = array<i32>} : memref<512x128xf32, #tpu.memory_space<vmem>>, vector<1x16xf32>,
      %swap3A_762 = vector.shape_cast %swap3A_761 : vector<1x16xf32> to vector<16xf32>
      %swap3A_763 = vector.shape_cast %add3A_758 : vector<16xf32> to vector<1x16xf32>
      tpu.vector_store %arg7[%swap3A_759, %swap3A_760], %swap3A_763 {strides = array<i32>} : memref<512x128xf32, #tpu.memory_space<vmem>>, vector<1x16xf32>,
      %mul3A_764 = arith.mulf %convert_element_type3A_752, %sub3A_60 : vector<16xf32>
      %add3A_765 = arith.addf %get3A_19, %mul3A_764 : vector<16xf32>
      %swap3A_766 = arith.index_cast %add3A_756 : i32 to index
      %swap3A_767 = arith.constant 16 : index
      %swap3A_768 = tpu.vector_load %arg7[%swap3A_766, %swap3A_767] {strides = array<i32>} : memref<512x128xf32, #tpu.memory_space<vmem>>, vector<1x16xf32>,
      %swap3A_769 = vector.shape_cast %swap3A_768 : vector<1x16xf32> to vector<16xf32>
      %swap3A_770 = vector.shape_cast %add3A_765 : vector<16xf32> to vector<1x16xf32>
      tpu.vector_store %arg7[%swap3A_766, %swap3A_767], %swap3A_770 {strides = array<i32>} : memref<512x128xf32, #tpu.memory_space<vmem>>, vector<1x16xf32>,
      %mul3A_771 = arith.mulf %convert_element_type3A_752, %sub3A_66 : vector<16xf32>
      %add3A_772 = arith.addf %get3A_24, %mul3A_771 : vector<16xf32>
      %swap3A_773 = arith.index_cast %add3A_756 : i32 to index
      %swap3A_774 = arith.constant 32 : index
      %swap3A_775 = tpu.vector_load %arg7[%swap3A_773, %swap3A_774] {strides = array<i32>} : memref<512x128xf32, #tpu.memory_space<vmem>>, vector<1x16xf32>,
      %swap3A_776 = vector.shape_cast %swap3A_775 : vector<1x16xf32> to vector<16xf32>
      %swap3A_777 = vector.shape_cast %add3A_772 : vector<16xf32> to vector<1x16xf32>
      tpu.vector_store %arg7[%swap3A_773, %swap3A_774], %swap3A_777 {strides = array<i32>} : memref<512x128xf32, #tpu.memory_space<vmem>>, vector<1x16xf32>,
      %mul3A_778 = arith.mulf %convert_element_type3A_752, %sub3A_72 : vector<16xf32>
      %add3A_779 = arith.addf %get3A_29, %mul3A_778 : vector<16xf32>
      %swap3A_780 = arith.index_cast %add3A_756 : i32 to index
      %swap3A_781 = arith.constant 48 : index
      %swap3A_782 = tpu.vector_load %arg7[%swap3A_780, %swap3A_781] {strides = array<i32>} : memref<512x128xf32, #tpu.memory_space<vmem>>, vector<1x16xf32>,
      %swap3A_783 = vector.shape_cast %swap3A_782 : vector<1x16xf32> to vector<16xf32>
      %swap3A_784 = vector.shape_cast %add3A_779 : vector<16xf32> to vector<1x16xf32>
      tpu.vector_store %arg7[%swap3A_780, %swap3A_781], %swap3A_784 {strides = array<i32>} : memref<512x128xf32, #tpu.memory_space<vmem>>, vector<1x16xf32>,
      %mul3A_785 = arith.mulf %convert_element_type3A_752, %sub3A_78 : vector<16xf32>
      %add3A_786 = arith.addf %get3A_34, %mul3A_785 : vector<16xf32>
      %swap3A_787 = arith.index_cast %add3A_756 : i32 to index
      %swap3A_788 = arith.constant 64 : index
      %swap3A_789 = tpu.vector_load %arg7[%swap3A_787, %swap3A_788] {strides = array<i32>} : memref<512x128xf32, #tpu.memory_space<vmem>>, vector<1x16xf32>,
      %swap3A_790 = vector.shape_cast %swap3A_789 : vector<1x16xf32> to vector<16xf32>
      %swap3A_791 = vector.shape_cast %add3A_786 : vector<16xf32> to vector<1x16xf32>
      tpu.vector_store %arg7[%swap3A_787, %swap3A_788], %swap3A_791 {strides = array<i32>} : memref<512x128xf32, #tpu.memory_space<vmem>>, vector<1x16xf32>,
      %mul3A_792 = arith.mulf %convert_element_type3A_752, %sub3A_84 : vector<16xf32>
      %add3A_793 = arith.addf %get3A_39, %mul3A_792 : vector<16xf32>
      %swap3A_794 = arith.index_cast %add3A_756 : i32 to index
      %swap3A_795 = arith.constant 80 : index
      %swap3A_796 = tpu.vector_load %arg7[%swap3A_794, %swap3A_795] {strides = array<i32>} : memref<512x128xf32, #tpu.memory_space<vmem>>, vector<1x16xf32>,
      %swap3A_797 = vector.shape_cast %swap3A_796 : vector<1x16xf32> to vector<16xf32>
      %swap3A_798 = vector.shape_cast %add3A_793 : vector<16xf32> to vector<1x16xf32>
      tpu.vector_store %arg7[%swap3A_794, %swap3A_795], %swap3A_798 {strides = array<i32>} : memref<512x128xf32, #tpu.memory_space<vmem>>, vector<1x16xf32>,
      %mul3A_799 = arith.mulf %convert_element_type3A_752, %sub3A_90 : vector<16xf32>
      %add3A_800 = arith.addf %get3A_44, %mul3A_799 : vector<16xf32>
      %swap3A_801 = arith.index_cast %add3A_756 : i32 to index
      %swap3A_802 = arith.constant 96 : index
      %swap3A_803 = tpu.vector_load %arg7[%swap3A_801, %swap3A_802] {strides = array<i32>} : memref<512x128xf32, #tpu.memory_space<vmem>>, vector<1x16xf32>,
      %swap3A_804 = vector.shape_cast %swap3A_803 : vector<1x16xf32> to vector<16xf32>
      %swap3A_805 = vector.shape_cast %add3A_800 : vector<16xf32> to vector<1x16xf32>
      tpu.vector_store %arg7[%swap3A_801, %swap3A_802], %swap3A_805 {strides = array<i32>} : memref<512x128xf32, #tpu.memory_space<vmem>>, vector<1x16xf32>,
      %mul3A_806 = arith.mulf %convert_element_type3A_752, %sub3A_96 : vector<16xf32>
      %add3A_807 = arith.addf %get3A_49, %mul3A_806 : vector<16xf32>
      %swap3A_808 = arith.index_cast %add3A_756 : i32 to index
      %swap3A_809 = arith.constant 112 : index
      %swap3A_810 = tpu.vector_load %arg7[%swap3A_808, %swap3A_809] {strides = array<i32>} : memref<512x128xf32, #tpu.memory_space<vmem>>, vector<1x16xf32>,
      %swap3A_811 = vector.shape_cast %swap3A_810 : vector<1x16xf32> to vector<16xf32>
      %swap3A_812 = vector.shape_cast %add3A_807 : vector<16xf32> to vector<1x16xf32>
      tpu.vector_store %arg7[%swap3A_808, %swap3A_809], %swap3A_812 {strides = array<i32>} : memref<512x128xf32, #tpu.memory_space<vmem>>, vector<1x16xf32>,
      %broadcast_in_dim3A_813 = arith.constant 9 : i32
      %broadcast_in_dim3A_814 = vector.broadcast %broadcast_in_dim3A_813 : i32 to vector<16xi32>
      %lt3A_815 = arith.constant 0 : i32
      %lt3A_816 = vector.broadcast %lt3A_815 : i32 to vector<16xi32>
      %lt3A_817 = arith.cmpi slt, %broadcast_in_dim3A_814, %lt3A_816 : vector<16xi32>
      %add3A_818 = arith.constant 16 : i32
      %add3A_819 = vector.broadcast %add3A_818 : i32 to vector<16xi32>
      %add3A_820 = arith.addi %broadcast_in_dim3A_814, %add3A_819 : vector<16xi32>
      %select_n3A_821 = arith.select %lt3A_817, %add3A_820, %broadcast_in_dim3A_814 : vector<16xi1>, vector<16xi32>
      %broadcast_in_dim3A_822 = vector.shape_cast %select_n3A_821 : vector<16xi32> to vector<16x1xi32>
      %gather3A_823 = vector.shape_cast %broadcast_in_dim3A_822 : vector<16x1xi32> to vector<16xi32>
      %gather3A_824 = tpu.dynamic_gather %get3A_161[%gather3A_823] in [0] : vector<16xi32>, vector<16xi32> -> vector<16xi32>
      %convert_element_type3A_825 = arith.sitofp %gather3A_824 : vector<16xi32> to vector<16xf32>
      %mul3A_826 = arith.constant 16 : i32
      %mul3A_827 = arith.muli %scan3A_156, %mul3A_826 : i32
      %add3A_828 = arith.constant 9 : i32
      %add3A_829 = arith.addi %mul3A_827, %add3A_828 : i32
      %mul3A_830 = arith.mulf %convert_element_type3A_825, %sub3A : vector<16xf32>
      %add3A_831 = arith.addf %get3A_14, %mul3A_830 : vector<16xf32>
      %swap3A_832 = arith.index_cast %add3A_829 : i32 to index
      %swap3A_833 = arith.constant 0 : index
      %swap3A_834 = tpu.vector_load %arg7[%swap3A_832, %swap3A_833] {strides = array<i32>} : memref<512x128xf32, #tpu.memory_space<vmem>>, vector<1x16xf32>,
      %swap3A_835 = vector.shape_cast %swap3A_834 : vector<1x16xf32> to vector<16xf32>
      %swap3A_836 = vector.shape_cast %add3A_831 : vector<16xf32> to vector<1x16xf32>
      tpu.vector_store %arg7[%swap3A_832, %swap3A_833], %swap3A_836 {strides = array<i32>} : memref<512x128xf32, #tpu.memory_space<vmem>>, vector<1x16xf32>,
      %mul3A_837 = arith.mulf %convert_element_type3A_825, %sub3A_60 : vector<16xf32>
      %add3A_838 = arith.addf %get3A_19, %mul3A_837 : vector<16xf32>
      %swap3A_839 = arith.index_cast %add3A_829 : i32 to index
      %swap3A_840 = arith.constant 16 : index
      %swap3A_841 = tpu.vector_load %arg7[%swap3A_839, %swap3A_840] {strides = array<i32>} : memref<512x128xf32, #tpu.memory_space<vmem>>, vector<1x16xf32>,
      %swap3A_842 = vector.shape_cast %swap3A_841 : vector<1x16xf32> to vector<16xf32>
      %swap3A_843 = vector.shape_cast %add3A_838 : vector<16xf32> to vector<1x16xf32>
      tpu.vector_store %arg7[%swap3A_839, %swap3A_840], %swap3A_843 {strides = array<i32>} : memref<512x128xf32, #tpu.memory_space<vmem>>, vector<1x16xf32>,
      %mul3A_844 = arith.mulf %convert_element_type3A_825, %sub3A_66 : vector<16xf32>
      %add3A_845 = arith.addf %get3A_24, %mul3A_844 : vector<16xf32>
      %swap3A_846 = arith.index_cast %add3A_829 : i32 to index
      %swap3A_847 = arith.constant 32 : index
      %swap3A_848 = tpu.vector_load %arg7[%swap3A_846, %swap3A_847] {strides = array<i32>} : memref<512x128xf32, #tpu.memory_space<vmem>>, vector<1x16xf32>,
      %swap3A_849 = vector.shape_cast %swap3A_848 : vector<1x16xf32> to vector<16xf32>
      %swap3A_850 = vector.shape_cast %add3A_845 : vector<16xf32> to vector<1x16xf32>
      tpu.vector_store %arg7[%swap3A_846, %swap3A_847], %swap3A_850 {strides = array<i32>} : memref<512x128xf32, #tpu.memory_space<vmem>>, vector<1x16xf32>,
      %mul3A_851 = arith.mulf %convert_element_type3A_825, %sub3A_72 : vector<16xf32>
      %add3A_852 = arith.addf %get3A_29, %mul3A_851 : vector<16xf32>
      %swap3A_853 = arith.index_cast %add3A_829 : i32 to index
      %swap3A_854 = arith.constant 48 : index
      %swap3A_855 = tpu.vector_load %arg7[%swap3A_853, %swap3A_854] {strides = array<i32>} : memref<512x128xf32, #tpu.memory_space<vmem>>, vector<1x16xf32>,
      %swap3A_856 = vector.shape_cast %swap3A_855 : vector<1x16xf32> to vector<16xf32>
      %swap3A_857 = vector.shape_cast %add3A_852 : vector<16xf32> to vector<1x16xf32>
      tpu.vector_store %arg7[%swap3A_853, %swap3A_854], %swap3A_857 {strides = array<i32>} : memref<512x128xf32, #tpu.memory_space<vmem>>, vector<1x16xf32>,
      %mul3A_858 = arith.mulf %convert_element_type3A_825, %sub3A_78 : vector<16xf32>
      %add3A_859 = arith.addf %get3A_34, %mul3A_858 : vector<16xf32>
      %swap3A_860 = arith.index_cast %add3A_829 : i32 to index
      %swap3A_861 = arith.constant 64 : index
      %swap3A_862 = tpu.vector_load %arg7[%swap3A_860, %swap3A_861] {strides = array<i32>} : memref<512x128xf32, #tpu.memory_space<vmem>>, vector<1x16xf32>,
      %swap3A_863 = vector.shape_cast %swap3A_862 : vector<1x16xf32> to vector<16xf32>
      %swap3A_864 = vector.shape_cast %add3A_859 : vector<16xf32> to vector<1x16xf32>
      tpu.vector_store %arg7[%swap3A_860, %swap3A_861], %swap3A_864 {strides = array<i32>} : memref<512x128xf32, #tpu.memory_space<vmem>>, vector<1x16xf32>,
      %mul3A_865 = arith.mulf %convert_element_type3A_825, %sub3A_84 : vector<16xf32>
      %add3A_866 = arith.addf %get3A_39, %mul3A_865 : vector<16xf32>
      %swap3A_867 = arith.index_cast %add3A_829 : i32 to index
      %swap3A_868 = arith.constant 80 : index
      %swap3A_869 = tpu.vector_load %arg7[%swap3A_867, %swap3A_868] {strides = array<i32>} : memref<512x128xf32, #tpu.memory_space<vmem>>, vector<1x16xf32>,
      %swap3A_870 = vector.shape_cast %swap3A_869 : vector<1x16xf32> to vector<16xf32>
      %swap3A_871 = vector.shape_cast %add3A_866 : vector<16xf32> to vector<1x16xf32>
      tpu.vector_store %arg7[%swap3A_867, %swap3A_868], %swap3A_871 {strides = array<i32>} : memref<512x128xf32, #tpu.memory_space<vmem>>, vector<1x16xf32>,
      %mul3A_872 = arith.mulf %convert_element_type3A_825, %sub3A_90 : vector<16xf32>
      %add3A_873 = arith.addf %get3A_44, %mul3A_872 : vector<16xf32>
      %swap3A_874 = arith.index_cast %add3A_829 : i32 to index
      %swap3A_875 = arith.constant 96 : index
      %swap3A_876 = tpu.vector_load %arg7[%swap3A_874, %swap3A_875] {strides = array<i32>} : memref<512x128xf32, #tpu.memory_space<vmem>>, vector<1x16xf32>,
      %swap3A_877 = vector.shape_cast %swap3A_876 : vector<1x16xf32> to vector<16xf32>
      %swap3A_878 = vector.shape_cast %add3A_873 : vector<16xf32> to vector<1x16xf32>
      tpu.vector_store %arg7[%swap3A_874, %swap3A_875], %swap3A_878 {strides = array<i32>} : memref<512x128xf32, #tpu.memory_space<vmem>>, vector<1x16xf32>,
      %mul3A_879 = arith.mulf %convert_element_type3A_825, %sub3A_96 : vector<16xf32>
      %add3A_880 = arith.addf %get3A_49, %mul3A_879 : vector<16xf32>
      %swap3A_881 = arith.index_cast %add3A_829 : i32 to index
      %swap3A_882 = arith.constant 112 : index
      %swap3A_883 = tpu.vector_load %arg7[%swap3A_881, %swap3A_882] {strides = array<i32>} : memref<512x128xf32, #tpu.memory_space<vmem>>, vector<1x16xf32>,
      %swap3A_884 = vector.shape_cast %swap3A_883 : vector<1x16xf32> to vector<16xf32>
      %swap3A_885 = vector.shape_cast %add3A_880 : vector<16xf32> to vector<1x16xf32>
      tpu.vector_store %arg7[%swap3A_881, %swap3A_882], %swap3A_885 {strides = array<i32>} : memref<512x128xf32, #tpu.memory_space<vmem>>, vector<1x16xf32>,
      %broadcast_in_dim3A_886 = arith.constant 10 : i32
      %broadcast_in_dim3A_887 = vector.broadcast %broadcast_in_dim3A_886 : i32 to vector<16xi32>
      %lt3A_888 = arith.constant 0 : i32
      %lt3A_889 = vector.broadcast %lt3A_888 : i32 to vector<16xi32>
      %lt3A_890 = arith.cmpi slt, %broadcast_in_dim3A_887, %lt3A_889 : vector<16xi32>
      %add3A_891 = arith.constant 16 : i32
      %add3A_892 = vector.broadcast %add3A_891 : i32 to vector<16xi32>
      %add3A_893 = arith.addi %broadcast_in_dim3A_887, %add3A_892 : vector<16xi32>
      %select_n3A_894 = arith.select %lt3A_890, %add3A_893, %broadcast_in_dim3A_887 : vector<16xi1>, vector<16xi32>
      %broadcast_in_dim3A_895 = vector.shape_cast %select_n3A_894 : vector<16xi32> to vector<16x1xi32>
      %gather3A_896 = vector.shape_cast %broadcast_in_dim3A_895 : vector<16x1xi32> to vector<16xi32>
      %gather3A_897 = tpu.dynamic_gather %get3A_161[%gather3A_896] in [0] : vector<16xi32>, vector<16xi32> -> vector<16xi32>
      %convert_element_type3A_898 = arith.sitofp %gather3A_897 : vector<16xi32> to vector<16xf32>
      %mul3A_899 = arith.constant 16 : i32
      %mul3A_900 = arith.muli %scan3A_156, %mul3A_899 : i32
      %add3A_901 = arith.constant 10 : i32
      %add3A_902 = arith.addi %mul3A_900, %add3A_901 : i32
      %mul3A_903 = arith.mulf %convert_element_type3A_898, %sub3A : vector<16xf32>
      %add3A_904 = arith.addf %get3A_14, %mul3A_903 : vector<16xf32>
      %swap3A_905 = arith.index_cast %add3A_902 : i32 to index
      %swap3A_906 = arith.constant 0 : index
      %swap3A_907 = tpu.vector_load %arg7[%swap3A_905, %swap3A_906] {strides = array<i32>} : memref<512x128xf32, #tpu.memory_space<vmem>>, vector<1x16xf32>,
      %swap3A_908 = vector.shape_cast %swap3A_907 : vector<1x16xf32> to vector<16xf32>
      %swap3A_909 = vector.shape_cast %add3A_904 : vector<16xf32> to vector<1x16xf32>
      tpu.vector_store %arg7[%swap3A_905, %swap3A_906], %swap3A_909 {strides = array<i32>} : memref<512x128xf32, #tpu.memory_space<vmem>>, vector<1x16xf32>,
      %mul3A_910 = arith.mulf %convert_element_type3A_898, %sub3A_60 : vector<16xf32>
      %add3A_911 = arith.addf %get3A_19, %mul3A_910 : vector<16xf32>
      %swap3A_912 = arith.index_cast %add3A_902 : i32 to index
      %swap3A_913 = arith.constant 16 : index
      %swap3A_914 = tpu.vector_load %arg7[%swap3A_912, %swap3A_913] {strides = array<i32>} : memref<512x128xf32, #tpu.memory_space<vmem>>, vector<1x16xf32>,
      %swap3A_915 = vector.shape_cast %swap3A_914 : vector<1x16xf32> to vector<16xf32>
      %swap3A_916 = vector.shape_cast %add3A_911 : vector<16xf32> to vector<1x16xf32>
      tpu.vector_store %arg7[%swap3A_912, %swap3A_913], %swap3A_916 {strides = array<i32>} : memref<512x128xf32, #tpu.memory_space<vmem>>, vector<1x16xf32>,
      %mul3A_917 = arith.mulf %convert_element_type3A_898, %sub3A_66 : vector<16xf32>
      %add3A_918 = arith.addf %get3A_24, %mul3A_917 : vector<16xf32>
      %swap3A_919 = arith.index_cast %add3A_902 : i32 to index
      %swap3A_920 = arith.constant 32 : index
      %swap3A_921 = tpu.vector_load %arg7[%swap3A_919, %swap3A_920] {strides = array<i32>} : memref<512x128xf32, #tpu.memory_space<vmem>>, vector<1x16xf32>,
      %swap3A_922 = vector.shape_cast %swap3A_921 : vector<1x16xf32> to vector<16xf32>
      %swap3A_923 = vector.shape_cast %add3A_918 : vector<16xf32> to vector<1x16xf32>
      tpu.vector_store %arg7[%swap3A_919, %swap3A_920], %swap3A_923 {strides = array<i32>} : memref<512x128xf32, #tpu.memory_space<vmem>>, vector<1x16xf32>,
      %mul3A_924 = arith.mulf %convert_element_type3A_898, %sub3A_72 : vector<16xf32>
      %add3A_925 = arith.addf %get3A_29, %mul3A_924 : vector<16xf32>
      %swap3A_926 = arith.index_cast %add3A_902 : i32 to index
      %swap3A_927 = arith.constant 48 : index
      %swap3A_928 = tpu.vector_load %arg7[%swap3A_926, %swap3A_927] {strides = array<i32>} : memref<512x128xf32, #tpu.memory_space<vmem>>, vector<1x16xf32>,
      %swap3A_929 = vector.shape_cast %swap3A_928 : vector<1x16xf32> to vector<16xf32>
      %swap3A_930 = vector.shape_cast %add3A_925 : vector<16xf32> to vector<1x16xf32>
      tpu.vector_store %arg7[%swap3A_926, %swap3A_927], %swap3A_930 {strides = array<i32>} : memref<512x128xf32, #tpu.memory_space<vmem>>, vector<1x16xf32>,
      %mul3A_931 = arith.mulf %convert_element_type3A_898, %sub3A_78 : vector<16xf32>
      %add3A_932 = arith.addf %get3A_34, %mul3A_931 : vector<16xf32>
      %swap3A_933 = arith.index_cast %add3A_902 : i32 to index
      %swap3A_934 = arith.constant 64 : index
      %swap3A_935 = tpu.vector_load %arg7[%swap3A_933, %swap3A_934] {strides = array<i32>} : memref<512x128xf32, #tpu.memory_space<vmem>>, vector<1x16xf32>,
      %swap3A_936 = vector.shape_cast %swap3A_935 : vector<1x16xf32> to vector<16xf32>
      %swap3A_937 = vector.shape_cast %add3A_932 : vector<16xf32> to vector<1x16xf32>
      tpu.vector_store %arg7[%swap3A_933, %swap3A_934], %swap3A_937 {strides = array<i32>} : memref<512x128xf32, #tpu.memory_space<vmem>>, vector<1x16xf32>,
      %mul3A_938 = arith.mulf %convert_element_type3A_898, %sub3A_84 : vector<16xf32>
      %add3A_939 = arith.addf %get3A_39, %mul3A_938 : vector<16xf32>
      %swap3A_940 = arith.index_cast %add3A_902 : i32 to index
      %swap3A_941 = arith.constant 80 : index
      %swap3A_942 = tpu.vector_load %arg7[%swap3A_940, %swap3A_941] {strides = array<i32>} : memref<512x128xf32, #tpu.memory_space<vmem>>, vector<1x16xf32>,
      %swap3A_943 = vector.shape_cast %swap3A_942 : vector<1x16xf32> to vector<16xf32>
      %swap3A_944 = vector.shape_cast %add3A_939 : vector<16xf32> to vector<1x16xf32>
      tpu.vector_store %arg7[%swap3A_940, %swap3A_941], %swap3A_944 {strides = array<i32>} : memref<512x128xf32, #tpu.memory_space<vmem>>, vector<1x16xf32>,
      %mul3A_945 = arith.mulf %convert_element_type3A_898, %sub3A_90 : vector<16xf32>
      %add3A_946 = arith.addf %get3A_44, %mul3A_945 : vector<16xf32>
      %swap3A_947 = arith.index_cast %add3A_902 : i32 to index
      %swap3A_948 = arith.constant 96 : index
      %swap3A_949 = tpu.vector_load %arg7[%swap3A_947, %swap3A_948] {strides = array<i32>} : memref<512x128xf32, #tpu.memory_space<vmem>>, vector<1x16xf32>,
      %swap3A_950 = vector.shape_cast %swap3A_949 : vector<1x16xf32> to vector<16xf32>
      %swap3A_951 = vector.shape_cast %add3A_946 : vector<16xf32> to vector<1x16xf32>
      tpu.vector_store %arg7[%swap3A_947, %swap3A_948], %swap3A_951 {strides = array<i32>} : memref<512x128xf32, #tpu.memory_space<vmem>>, vector<1x16xf32>,
      %mul3A_952 = arith.mulf %convert_element_type3A_898, %sub3A_96 : vector<16xf32>
      %add3A_953 = arith.addf %get3A_49, %mul3A_952 : vector<16xf32>
      %swap3A_954 = arith.index_cast %add3A_902 : i32 to index
      %swap3A_955 = arith.constant 112 : index
      %swap3A_956 = tpu.vector_load %arg7[%swap3A_954, %swap3A_955] {strides = array<i32>} : memref<512x128xf32, #tpu.memory_space<vmem>>, vector<1x16xf32>,
      %swap3A_957 = vector.shape_cast %swap3A_956 : vector<1x16xf32> to vector<16xf32>
      %swap3A_958 = vector.shape_cast %add3A_953 : vector<16xf32> to vector<1x16xf32>
      tpu.vector_store %arg7[%swap3A_954, %swap3A_955], %swap3A_958 {strides = array<i32>} : memref<512x128xf32, #tpu.memory_space<vmem>>, vector<1x16xf32>,
      %broadcast_in_dim3A_959 = arith.constant 11 : i32
      %broadcast_in_dim3A_960 = vector.broadcast %broadcast_in_dim3A_959 : i32 to vector<16xi32>
      %lt3A_961 = arith.constant 0 : i32
      %lt3A_962 = vector.broadcast %lt3A_961 : i32 to vector<16xi32>
      %lt3A_963 = arith.cmpi slt, %broadcast_in_dim3A_960, %lt3A_962 : vector<16xi32>
      %add3A_964 = arith.constant 16 : i32
      %add3A_965 = vector.broadcast %add3A_964 : i32 to vector<16xi32>
      %add3A_966 = arith.addi %broadcast_in_dim3A_960, %add3A_965 : vector<16xi32>
      %select_n3A_967 = arith.select %lt3A_963, %add3A_966, %broadcast_in_dim3A_960 : vector<16xi1>, vector<16xi32>
      %broadcast_in_dim3A_968 = vector.shape_cast %select_n3A_967 : vector<16xi32> to vector<16x1xi32>
      %gather3A_969 = vector.shape_cast %broadcast_in_dim3A_968 : vector<16x1xi32> to vector<16xi32>
      %gather3A_970 = tpu.dynamic_gather %get3A_161[%gather3A_969] in [0] : vector<16xi32>, vector<16xi32> -> vector<16xi32>
      %convert_element_type3A_971 = arith.sitofp %gather3A_970 : vector<16xi32> to vector<16xf32>
      %mul3A_972 = arith.constant 16 : i32
      %mul3A_973 = arith.muli %scan3A_156, %mul3A_972 : i32
      %add3A_974 = arith.constant 11 : i32
      %add3A_975 = arith.addi %mul3A_973, %add3A_974 : i32
      %mul3A_976 = arith.mulf %convert_element_type3A_971, %sub3A : vector<16xf32>
      %add3A_977 = arith.addf %get3A_14, %mul3A_976 : vector<16xf32>
      %swap3A_978 = arith.index_cast %add3A_975 : i32 to index
      %swap3A_979 = arith.constant 0 : index
      %swap3A_980 = tpu.vector_load %arg7[%swap3A_978, %swap3A_979] {strides = array<i32>} : memref<512x128xf32, #tpu.memory_space<vmem>>, vector<1x16xf32>,
      %swap3A_981 = vector.shape_cast %swap3A_980 : vector<1x16xf32> to vector<16xf32>
      %swap3A_982 = vector.shape_cast %add3A_977 : vector<16xf32> to vector<1x16xf32>
      tpu.vector_store %arg7[%swap3A_978, %swap3A_979], %swap3A_982 {strides = array<i32>} : memref<512x128xf32, #tpu.memory_space<vmem>>, vector<1x16xf32>,
      %mul3A_983 = arith.mulf %convert_element_type3A_971, %sub3A_60 : vector<16xf32>
      %add3A_984 = arith.addf %get3A_19, %mul3A_983 : vector<16xf32>
      %swap3A_985 = arith.index_cast %add3A_975 : i32 to index
      %swap3A_986 = arith.constant 16 : index
      %swap3A_987 = tpu.vector_load %arg7[%swap3A_985, %swap3A_986] {strides = array<i32>} : memref<512x128xf32, #tpu.memory_space<vmem>>, vector<1x16xf32>,
      %swap3A_988 = vector.shape_cast %swap3A_987 : vector<1x16xf32> to vector<16xf32>
      %swap3A_989 = vector.shape_cast %add3A_984 : vector<16xf32> to vector<1x16xf32>
      tpu.vector_store %arg7[%swap3A_985, %swap3A_986], %swap3A_989 {strides = array<i32>} : memref<512x128xf32, #tpu.memory_space<vmem>>, vector<1x16xf32>,
      %mul3A_990 = arith.mulf %convert_element_type3A_971, %sub3A_66 : vector<16xf32>
      %add3A_991 = arith.addf %get3A_24, %mul3A_990 : vector<16xf32>
      %swap3A_992 = arith.index_cast %add3A_975 : i32 to index
      %swap3A_993 = arith.constant 32 : index
      %swap3A_994 = tpu.vector_load %arg7[%swap3A_992, %swap3A_993] {strides = array<i32>} : memref<512x128xf32, #tpu.memory_space<vmem>>, vector<1x16xf32>,
      %swap3A_995 = vector.shape_cast %swap3A_994 : vector<1x16xf32> to vector<16xf32>
      %swap3A_996 = vector.shape_cast %add3A_991 : vector<16xf32> to vector<1x16xf32>
      tpu.vector_store %arg7[%swap3A_992, %swap3A_993], %swap3A_996 {strides = array<i32>} : memref<512x128xf32, #tpu.memory_space<vmem>>, vector<1x16xf32>,
      %mul3A_997 = arith.mulf %convert_element_type3A_971, %sub3A_72 : vector<16xf32>
      %add3A_998 = arith.addf %get3A_29, %mul3A_997 : vector<16xf32>
      %swap3A_999 = arith.index_cast %add3A_975 : i32 to index
      %swap3A_1000 = arith.constant 48 : index
      %swap3A_1001 = tpu.vector_load %arg7[%swap3A_999, %swap3A_1000] {strides = array<i32>} : memref<512x128xf32, #tpu.memory_space<vmem>>, vector<1x16xf32>,
      %swap3A_1002 = vector.shape_cast %swap3A_1001 : vector<1x16xf32> to vector<16xf32>
      %swap3A_1003 = vector.shape_cast %add3A_998 : vector<16xf32> to vector<1x16xf32>
      tpu.vector_store %arg7[%swap3A_999, %swap3A_1000], %swap3A_1003 {strides = array<i32>} : memref<512x128xf32, #tpu.memory_space<vmem>>, vector<1x16xf32>,
      %mul3A_1004 = arith.mulf %convert_element_type3A_971, %sub3A_78 : vector<16xf32>
      %add3A_1005 = arith.addf %get3A_34, %mul3A_1004 : vector<16xf32>
      %swap3A_1006 = arith.index_cast %add3A_975 : i32 to index
      %swap3A_1007 = arith.constant 64 : index
      %swap3A_1008 = tpu.vector_load %arg7[%swap3A_1006, %swap3A_1007] {strides = array<i32>} : memref<512x128xf32, #tpu.memory_space<vmem>>, vector<1x16xf32>,
      %swap3A_1009 = vector.shape_cast %swap3A_1008 : vector<1x16xf32> to vector<16xf32>
      %swap3A_1010 = vector.shape_cast %add3A_1005 : vector<16xf32> to vector<1x16xf32>
      tpu.vector_store %arg7[%swap3A_1006, %swap3A_1007], %swap3A_1010 {strides = array<i32>} : memref<512x128xf32, #tpu.memory_space<vmem>>, vector<1x16xf32>,
      %mul3A_1011 = arith.mulf %convert_element_type3A_971, %sub3A_84 : vector<16xf32>
      %add3A_1012 = arith.addf %get3A_39, %mul3A_1011 : vector<16xf32>
      %swap3A_1013 = arith.index_cast %add3A_975 : i32 to index
      %swap3A_1014 = arith.constant 80 : index
      %swap3A_1015 = tpu.vector_load %arg7[%swap3A_1013, %swap3A_1014] {strides = array<i32>} : memref<512x128xf32, #tpu.memory_space<vmem>>, vector<1x16xf32>,
      %swap3A_1016 = vector.shape_cast %swap3A_1015 : vector<1x16xf32> to vector<16xf32>
      %swap3A_1017 = vector.shape_cast %add3A_1012 : vector<16xf32> to vector<1x16xf32>
      tpu.vector_store %arg7[%swap3A_1013, %swap3A_1014], %swap3A_1017 {strides = array<i32>} : memref<512x128xf32, #tpu.memory_space<vmem>>, vector<1x16xf32>,
      %mul3A_1018 = arith.mulf %convert_element_type3A_971, %sub3A_90 : vector<16xf32>
      %add3A_1019 = arith.addf %get3A_44, %mul3A_1018 : vector<16xf32>
      %swap3A_1020 = arith.index_cast %add3A_975 : i32 to index
      %swap3A_1021 = arith.constant 96 : index
      %swap3A_1022 = tpu.vector_load %arg7[%swap3A_1020, %swap3A_1021] {strides = array<i32>} : memref<512x128xf32, #tpu.memory_space<vmem>>, vector<1x16xf32>,
      %swap3A_1023 = vector.shape_cast %swap3A_1022 : vector<1x16xf32> to vector<16xf32>
      %swap3A_1024 = vector.shape_cast %add3A_1019 : vector<16xf32> to vector<1x16xf32>
      tpu.vector_store %arg7[%swap3A_1020, %swap3A_1021], %swap3A_1024 {strides = array<i32>} : memref<512x128xf32, #tpu.memory_space<vmem>>, vector<1x16xf32>,
      %mul3A_1025 = arith.mulf %convert_element_type3A_971, %sub3A_96 : vector<16xf32>
      %add3A_1026 = arith.addf %get3A_49, %mul3A_1025 : vector<16xf32>
      %swap3A_1027 = arith.index_cast %add3A_975 : i32 to index
      %swap3A_1028 = arith.constant 112 : index
      %swap3A_1029 = tpu.vector_load %arg7[%swap3A_1027, %swap3A_1028] {strides = array<i32>} : memref<512x128xf32, #tpu.memory_space<vmem>>, vector<1x16xf32>,
      %swap3A_1030 = vector.shape_cast %swap3A_1029 : vector<1x16xf32> to vector<16xf32>
      %swap3A_1031 = vector.shape_cast %add3A_1026 : vector<16xf32> to vector<1x16xf32>
      tpu.vector_store %arg7[%swap3A_1027, %swap3A_1028], %swap3A_1031 {strides = array<i32>} : memref<512x128xf32, #tpu.memory_space<vmem>>, vector<1x16xf32>,
      %broadcast_in_dim3A_1032 = arith.constant 12 : i32
      %broadcast_in_dim3A_1033 = vector.broadcast %broadcast_in_dim3A_1032 : i32 to vector<16xi32>
      %lt3A_1034 = arith.constant 0 : i32
      %lt3A_1035 = vector.broadcast %lt3A_1034 : i32 to vector<16xi32>
      %lt3A_1036 = arith.cmpi slt, %broadcast_in_dim3A_1033, %lt3A_1035 : vector<16xi32>
      %add3A_1037 = arith.constant 16 : i32
      %add3A_1038 = vector.broadcast %add3A_1037 : i32 to vector<16xi32>
      %add3A_1039 = arith.addi %broadcast_in_dim3A_1033, %add3A_1038 : vector<16xi32>
      %select_n3A_1040 = arith.select %lt3A_1036, %add3A_1039, %broadcast_in_dim3A_1033 : vector<16xi1>, vector<16xi32>
      %broadcast_in_dim3A_1041 = vector.shape_cast %select_n3A_1040 : vector<16xi32> to vector<16x1xi32>
      %gather3A_1042 = vector.shape_cast %broadcast_in_dim3A_1041 : vector<16x1xi32> to vector<16xi32>
      %gather3A_1043 = tpu.dynamic_gather %get3A_161[%gather3A_1042] in [0] : vector<16xi32>, vector<16xi32> -> vector<16xi32>
      %convert_element_type3A_1044 = arith.sitofp %gather3A_1043 : vector<16xi32> to vector<16xf32>
      %mul3A_1045 = arith.constant 16 : i32
      %mul3A_1046 = arith.muli %scan3A_156, %mul3A_1045 : i32
      %add3A_1047 = arith.constant 12 : i32
      %add3A_1048 = arith.addi %mul3A_1046, %add3A_1047 : i32
      %mul3A_1049 = arith.mulf %convert_element_type3A_1044, %sub3A : vector<16xf32>
      %add3A_1050 = arith.addf %get3A_14, %mul3A_1049 : vector<16xf32>
      %swap3A_1051 = arith.index_cast %add3A_1048 : i32 to index
      %swap3A_1052 = arith.constant 0 : index
      %swap3A_1053 = tpu.vector_load %arg7[%swap3A_1051, %swap3A_1052] {strides = array<i32>} : memref<512x128xf32, #tpu.memory_space<vmem>>, vector<1x16xf32>,
      %swap3A_1054 = vector.shape_cast %swap3A_1053 : vector<1x16xf32> to vector<16xf32>
      %swap3A_1055 = vector.shape_cast %add3A_1050 : vector<16xf32> to vector<1x16xf32>
      tpu.vector_store %arg7[%swap3A_1051, %swap3A_1052], %swap3A_1055 {strides = array<i32>} : memref<512x128xf32, #tpu.memory_space<vmem>>, vector<1x16xf32>,
      %mul3A_1056 = arith.mulf %convert_element_type3A_1044, %sub3A_60 : vector<16xf32>
      %add3A_1057 = arith.addf %get3A_19, %mul3A_1056 : vector<16xf32>
      %swap3A_1058 = arith.index_cast %add3A_1048 : i32 to index
      %swap3A_1059 = arith.constant 16 : index
      %swap3A_1060 = tpu.vector_load %arg7[%swap3A_1058, %swap3A_1059] {strides = array<i32>} : memref<512x128xf32, #tpu.memory_space<vmem>>, vector<1x16xf32>,
      %swap3A_1061 = vector.shape_cast %swap3A_1060 : vector<1x16xf32> to vector<16xf32>
      %swap3A_1062 = vector.shape_cast %add3A_1057 : vector<16xf32> to vector<1x16xf32>
      tpu.vector_store %arg7[%swap3A_1058, %swap3A_1059], %swap3A_1062 {strides = array<i32>} : memref<512x128xf32, #tpu.memory_space<vmem>>, vector<1x16xf32>,
      %mul3A_1063 = arith.mulf %convert_element_type3A_1044, %sub3A_66 : vector<16xf32>
      %add3A_1064 = arith.addf %get3A_24, %mul3A_1063 : vector<16xf32>
      %swap3A_1065 = arith.index_cast %add3A_1048 : i32 to index
      %swap3A_1066 = arith.constant 32 : index
      %swap3A_1067 = tpu.vector_load %arg7[%swap3A_1065, %swap3A_1066] {strides = array<i32>} : memref<512x128xf32, #tpu.memory_space<vmem>>, vector<1x16xf32>,
      %swap3A_1068 = vector.shape_cast %swap3A_1067 : vector<1x16xf32> to vector<16xf32>
      %swap3A_1069 = vector.shape_cast %add3A_1064 : vector<16xf32> to vector<1x16xf32>
      tpu.vector_store %arg7[%swap3A_1065, %swap3A_1066], %swap3A_1069 {strides = array<i32>} : memref<512x128xf32, #tpu.memory_space<vmem>>, vector<1x16xf32>,
      %mul3A_1070 = arith.mulf %convert_element_type3A_1044, %sub3A_72 : vector<16xf32>
      %add3A_1071 = arith.addf %get3A_29, %mul3A_1070 : vector<16xf32>
      %swap3A_1072 = arith.index_cast %add3A_1048 : i32 to index
      %swap3A_1073 = arith.constant 48 : index
      %swap3A_1074 = tpu.vector_load %arg7[%swap3A_1072, %swap3A_1073] {strides = array<i32>} : memref<512x128xf32, #tpu.memory_space<vmem>>, vector<1x16xf32>,
      %swap3A_1075 = vector.shape_cast %swap3A_1074 : vector<1x16xf32> to vector<16xf32>
      %swap3A_1076 = vector.shape_cast %add3A_1071 : vector<16xf32> to vector<1x16xf32>
      tpu.vector_store %arg7[%swap3A_1072, %swap3A_1073], %swap3A_1076 {strides = array<i32>} : memref<512x128xf32, #tpu.memory_space<vmem>>, vector<1x16xf32>,
      %mul3A_1077 = arith.mulf %convert_element_type3A_1044, %sub3A_78 : vector<16xf32>
      %add3A_1078 = arith.addf %get3A_34, %mul3A_1077 : vector<16xf32>
      %swap3A_1079 = arith.index_cast %add3A_1048 : i32 to index
      %swap3A_1080 = arith.constant 64 : index
      %swap3A_1081 = tpu.vector_load %arg7[%swap3A_1079, %swap3A_1080] {strides = array<i32>} : memref<512x128xf32, #tpu.memory_space<vmem>>, vector<1x16xf32>,
      %swap3A_1082 = vector.shape_cast %swap3A_1081 : vector<1x16xf32> to vector<16xf32>
      %swap3A_1083 = vector.shape_cast %add3A_1078 : vector<16xf32> to vector<1x16xf32>
      tpu.vector_store %arg7[%swap3A_1079, %swap3A_1080], %swap3A_1083 {strides = array<i32>} : memref<512x128xf32, #tpu.memory_space<vmem>>, vector<1x16xf32>,
      %mul3A_1084 = arith.mulf %convert_element_type3A_1044, %sub3A_84 : vector<16xf32>
      %add3A_1085 = arith.addf %get3A_39, %mul3A_1084 : vector<16xf32>
      %swap3A_1086 = arith.index_cast %add3A_1048 : i32 to index
      %swap3A_1087 = arith.constant 80 : index
      %swap3A_1088 = tpu.vector_load %arg7[%swap3A_1086, %swap3A_1087] {strides = array<i32>} : memref<512x128xf32, #tpu.memory_space<vmem>>, vector<1x16xf32>,
      %swap3A_1089 = vector.shape_cast %swap3A_1088 : vector<1x16xf32> to vector<16xf32>
      %swap3A_1090 = vector.shape_cast %add3A_1085 : vector<16xf32> to vector<1x16xf32>
      tpu.vector_store %arg7[%swap3A_1086, %swap3A_1087], %swap3A_1090 {strides = array<i32>} : memref<512x128xf32, #tpu.memory_space<vmem>>, vector<1x16xf32>,
      %mul3A_1091 = arith.mulf %convert_element_type3A_1044, %sub3A_90 : vector<16xf32>
      %add3A_1092 = arith.addf %get3A_44, %mul3A_1091 : vector<16xf32>
      %swap3A_1093 = arith.index_cast %add3A_1048 : i32 to index
      %swap3A_1094 = arith.constant 96 : index
      %swap3A_1095 = tpu.vector_load %arg7[%swap3A_1093, %swap3A_1094] {strides = array<i32>} : memref<512x128xf32, #tpu.memory_space<vmem>>, vector<1x16xf32>,
      %swap3A_1096 = vector.shape_cast %swap3A_1095 : vector<1x16xf32> to vector<16xf32>
      %swap3A_1097 = vector.shape_cast %add3A_1092 : vector<16xf32> to vector<1x16xf32>
      tpu.vector_store %arg7[%swap3A_1093, %swap3A_1094], %swap3A_1097 {strides = array<i32>} : memref<512x128xf32, #tpu.memory_space<vmem>>, vector<1x16xf32>,
      %mul3A_1098 = arith.mulf %convert_element_type3A_1044, %sub3A_96 : vector<16xf32>
      %add3A_1099 = arith.addf %get3A_49, %mul3A_1098 : vector<16xf32>
      %swap3A_1100 = arith.index_cast %add3A_1048 : i32 to index
      %swap3A_1101 = arith.constant 112 : index
      %swap3A_1102 = tpu.vector_load %arg7[%swap3A_1100, %swap3A_1101] {strides = array<i32>} : memref<512x128xf32, #tpu.memory_space<vmem>>, vector<1x16xf32>,
      %swap3A_1103 = vector.shape_cast %swap3A_1102 : vector<1x16xf32> to vector<16xf32>
      %swap3A_1104 = vector.shape_cast %add3A_1099 : vector<16xf32> to vector<1x16xf32>
      tpu.vector_store %arg7[%swap3A_1100, %swap3A_1101], %swap3A_1104 {strides = array<i32>} : memref<512x128xf32, #tpu.memory_space<vmem>>, vector<1x16xf32>,
      %broadcast_in_dim3A_1105 = arith.constant 13 : i32
      %broadcast_in_dim3A_1106 = vector.broadcast %broadcast_in_dim3A_1105 : i32 to vector<16xi32>
      %lt3A_1107 = arith.constant 0 : i32
      %lt3A_1108 = vector.broadcast %lt3A_1107 : i32 to vector<16xi32>
      %lt3A_1109 = arith.cmpi slt, %broadcast_in_dim3A_1106, %lt3A_1108 : vector<16xi32>
      %add3A_1110 = arith.constant 16 : i32
      %add3A_1111 = vector.broadcast %add3A_1110 : i32 to vector<16xi32>
      %add3A_1112 = arith.addi %broadcast_in_dim3A_1106, %add3A_1111 : vector<16xi32>
      %select_n3A_1113 = arith.select %lt3A_1109, %add3A_1112, %broadcast_in_dim3A_1106 : vector<16xi1>, vector<16xi32>
      %broadcast_in_dim3A_1114 = vector.shape_cast %select_n3A_1113 : vector<16xi32> to vector<16x1xi32>
      %gather3A_1115 = vector.shape_cast %broadcast_in_dim3A_1114 : vector<16x1xi32> to vector<16xi32>
      %gather3A_1116 = tpu.dynamic_gather %get3A_161[%gather3A_1115] in [0] : vector<16xi32>, vector<16xi32> -> vector<16xi32>
      %convert_element_type3A_1117 = arith.sitofp %gather3A_1116 : vector<16xi32> to vector<16xf32>
      %mul3A_1118 = arith.constant 16 : i32
      %mul3A_1119 = arith.muli %scan3A_156, %mul3A_1118 : i32
      %add3A_1120 = arith.constant 13 : i32
      %add3A_1121 = arith.addi %mul3A_1119, %add3A_1120 : i32
      %mul3A_1122 = arith.mulf %convert_element_type3A_1117, %sub3A : vector<16xf32>
      %add3A_1123 = arith.addf %get3A_14, %mul3A_1122 : vector<16xf32>
      %swap3A_1124 = arith.index_cast %add3A_1121 : i32 to index
      %swap3A_1125 = arith.constant 0 : index
      %swap3A_1126 = tpu.vector_load %arg7[%swap3A_1124, %swap3A_1125] {strides = array<i32>} : memref<512x128xf32, #tpu.memory_space<vmem>>, vector<1x16xf32>,
      %swap3A_1127 = vector.shape_cast %swap3A_1126 : vector<1x16xf32> to vector<16xf32>
      %swap3A_1128 = vector.shape_cast %add3A_1123 : vector<16xf32> to vector<1x16xf32>
      tpu.vector_store %arg7[%swap3A_1124, %swap3A_1125], %swap3A_1128 {strides = array<i32>} : memref<512x128xf32, #tpu.memory_space<vmem>>, vector<1x16xf32>,
      %mul3A_1129 = arith.mulf %convert_element_type3A_1117, %sub3A_60 : vector<16xf32>
      %add3A_1130 = arith.addf %get3A_19, %mul3A_1129 : vector<16xf32>
      %swap3A_1131 = arith.index_cast %add3A_1121 : i32 to index
      %swap3A_1132 = arith.constant 16 : index
      %swap3A_1133 = tpu.vector_load %arg7[%swap3A_1131, %swap3A_1132] {strides = array<i32>} : memref<512x128xf32, #tpu.memory_space<vmem>>, vector<1x16xf32>,
      %swap3A_1134 = vector.shape_cast %swap3A_1133 : vector<1x16xf32> to vector<16xf32>
      %swap3A_1135 = vector.shape_cast %add3A_1130 : vector<16xf32> to vector<1x16xf32>
      tpu.vector_store %arg7[%swap3A_1131, %swap3A_1132], %swap3A_1135 {strides = array<i32>} : memref<512x128xf32, #tpu.memory_space<vmem>>, vector<1x16xf32>,
      %mul3A_1136 = arith.mulf %convert_element_type3A_1117, %sub3A_66 : vector<16xf32>
      %add3A_1137 = arith.addf %get3A_24, %mul3A_1136 : vector<16xf32>
      %swap3A_1138 = arith.index_cast %add3A_1121 : i32 to index
      %swap3A_1139 = arith.constant 32 : index
      %swap3A_1140 = tpu.vector_load %arg7[%swap3A_1138, %swap3A_1139] {strides = array<i32>} : memref<512x128xf32, #tpu.memory_space<vmem>>, vector<1x16xf32>,
      %swap3A_1141 = vector.shape_cast %swap3A_1140 : vector<1x16xf32> to vector<16xf32>
      %swap3A_1142 = vector.shape_cast %add3A_1137 : vector<16xf32> to vector<1x16xf32>
      tpu.vector_store %arg7[%swap3A_1138, %swap3A_1139], %swap3A_1142 {strides = array<i32>} : memref<512x128xf32, #tpu.memory_space<vmem>>, vector<1x16xf32>,
      %mul3A_1143 = arith.mulf %convert_element_type3A_1117, %sub3A_72 : vector<16xf32>
      %add3A_1144 = arith.addf %get3A_29, %mul3A_1143 : vector<16xf32>
      %swap3A_1145 = arith.index_cast %add3A_1121 : i32 to index
      %swap3A_1146 = arith.constant 48 : index
      %swap3A_1147 = tpu.vector_load %arg7[%swap3A_1145, %swap3A_1146] {strides = array<i32>} : memref<512x128xf32, #tpu.memory_space<vmem>>, vector<1x16xf32>,
      %swap3A_1148 = vector.shape_cast %swap3A_1147 : vector<1x16xf32> to vector<16xf32>
      %swap3A_1149 = vector.shape_cast %add3A_1144 : vector<16xf32> to vector<1x16xf32>
      tpu.vector_store %arg7[%swap3A_1145, %swap3A_1146], %swap3A_1149 {strides = array<i32>} : memref<512x128xf32, #tpu.memory_space<vmem>>, vector<1x16xf32>,
      %mul3A_1150 = arith.mulf %convert_element_type3A_1117, %sub3A_78 : vector<16xf32>
      %add3A_1151 = arith.addf %get3A_34, %mul3A_1150 : vector<16xf32>
      %swap3A_1152 = arith.index_cast %add3A_1121 : i32 to index
      %swap3A_1153 = arith.constant 64 : index
      %swap3A_1154 = tpu.vector_load %arg7[%swap3A_1152, %swap3A_1153] {strides = array<i32>} : memref<512x128xf32, #tpu.memory_space<vmem>>, vector<1x16xf32>,
      %swap3A_1155 = vector.shape_cast %swap3A_1154 : vector<1x16xf32> to vector<16xf32>
      %swap3A_1156 = vector.shape_cast %add3A_1151 : vector<16xf32> to vector<1x16xf32>
      tpu.vector_store %arg7[%swap3A_1152, %swap3A_1153], %swap3A_1156 {strides = array<i32>} : memref<512x128xf32, #tpu.memory_space<vmem>>, vector<1x16xf32>,
      %mul3A_1157 = arith.mulf %convert_element_type3A_1117, %sub3A_84 : vector<16xf32>
      %add3A_1158 = arith.addf %get3A_39, %mul3A_1157 : vector<16xf32>
      %swap3A_1159 = arith.index_cast %add3A_1121 : i32 to index
      %swap3A_1160 = arith.constant 80 : index
      %swap3A_1161 = tpu.vector_load %arg7[%swap3A_1159, %swap3A_1160] {strides = array<i32>} : memref<512x128xf32, #tpu.memory_space<vmem>>, vector<1x16xf32>,
      %swap3A_1162 = vector.shape_cast %swap3A_1161 : vector<1x16xf32> to vector<16xf32>
      %swap3A_1163 = vector.shape_cast %add3A_1158 : vector<16xf32> to vector<1x16xf32>
      tpu.vector_store %arg7[%swap3A_1159, %swap3A_1160], %swap3A_1163 {strides = array<i32>} : memref<512x128xf32, #tpu.memory_space<vmem>>, vector<1x16xf32>,
      %mul3A_1164 = arith.mulf %convert_element_type3A_1117, %sub3A_90 : vector<16xf32>
      %add3A_1165 = arith.addf %get3A_44, %mul3A_1164 : vector<16xf32>
      %swap3A_1166 = arith.index_cast %add3A_1121 : i32 to index
      %swap3A_1167 = arith.constant 96 : index
      %swap3A_1168 = tpu.vector_load %arg7[%swap3A_1166, %swap3A_1167] {strides = array<i32>} : memref<512x128xf32, #tpu.memory_space<vmem>>, vector<1x16xf32>,
      %swap3A_1169 = vector.shape_cast %swap3A_1168 : vector<1x16xf32> to vector<16xf32>
      %swap3A_1170 = vector.shape_cast %add3A_1165 : vector<16xf32> to vector<1x16xf32>
      tpu.vector_store %arg7[%swap3A_1166, %swap3A_1167], %swap3A_1170 {strides = array<i32>} : memref<512x128xf32, #tpu.memory_space<vmem>>, vector<1x16xf32>,
      %mul3A_1171 = arith.mulf %convert_element_type3A_1117, %sub3A_96 : vector<16xf32>
      %add3A_1172 = arith.addf %get3A_49, %mul3A_1171 : vector<16xf32>
      %swap3A_1173 = arith.index_cast %add3A_1121 : i32 to index
      %swap3A_1174 = arith.constant 112 : index
      %swap3A_1175 = tpu.vector_load %arg7[%swap3A_1173, %swap3A_1174] {strides = array<i32>} : memref<512x128xf32, #tpu.memory_space<vmem>>, vector<1x16xf32>,
      %swap3A_1176 = vector.shape_cast %swap3A_1175 : vector<1x16xf32> to vector<16xf32>
      %swap3A_1177 = vector.shape_cast %add3A_1172 : vector<16xf32> to vector<1x16xf32>
      tpu.vector_store %arg7[%swap3A_1173, %swap3A_1174], %swap3A_1177 {strides = array<i32>} : memref<512x128xf32, #tpu.memory_space<vmem>>, vector<1x16xf32>,
      %broadcast_in_dim3A_1178 = arith.constant 14 : i32
      %broadcast_in_dim3A_1179 = vector.broadcast %broadcast_in_dim3A_1178 : i32 to vector<16xi32>
      %lt3A_1180 = arith.constant 0 : i32
      %lt3A_1181 = vector.broadcast %lt3A_1180 : i32 to vector<16xi32>
      %lt3A_1182 = arith.cmpi slt, %broadcast_in_dim3A_1179, %lt3A_1181 : vector<16xi32>
      %add3A_1183 = arith.constant 16 : i32
      %add3A_1184 = vector.broadcast %add3A_1183 : i32 to vector<16xi32>
      %add3A_1185 = arith.addi %broadcast_in_dim3A_1179, %add3A_1184 : vector<16xi32>
      %select_n3A_1186 = arith.select %lt3A_1182, %add3A_1185, %broadcast_in_dim3A_1179 : vector<16xi1>, vector<16xi32>
      %broadcast_in_dim3A_1187 = vector.shape_cast %select_n3A_1186 : vector<16xi32> to vector<16x1xi32>
      %gather3A_1188 = vector.shape_cast %broadcast_in_dim3A_1187 : vector<16x1xi32> to vector<16xi32>
      %gather3A_1189 = tpu.dynamic_gather %get3A_161[%gather3A_1188] in [0] : vector<16xi32>, vector<16xi32> -> vector<16xi32>
      %convert_element_type3A_1190 = arith.sitofp %gather3A_1189 : vector<16xi32> to vector<16xf32>
      %mul3A_1191 = arith.constant 16 : i32
      %mul3A_1192 = arith.muli %scan3A_156, %mul3A_1191 : i32
      %add3A_1193 = arith.constant 14 : i32
      %add3A_1194 = arith.addi %mul3A_1192, %add3A_1193 : i32
      %mul3A_1195 = arith.mulf %convert_element_type3A_1190, %sub3A : vector<16xf32>
      %add3A_1196 = arith.addf %get3A_14, %mul3A_1195 : vector<16xf32>
      %swap3A_1197 = arith.index_cast %add3A_1194 : i32 to index
      %swap3A_1198 = arith.constant 0 : index
      %swap3A_1199 = tpu.vector_load %arg7[%swap3A_1197, %swap3A_1198] {strides = array<i32>} : memref<512x128xf32, #tpu.memory_space<vmem>>, vector<1x16xf32>,
      %swap3A_1200 = vector.shape_cast %swap3A_1199 : vector<1x16xf32> to vector<16xf32>
      %swap3A_1201 = vector.shape_cast %add3A_1196 : vector<16xf32> to vector<1x16xf32>
      tpu.vector_store %arg7[%swap3A_1197, %swap3A_1198], %swap3A_1201 {strides = array<i32>} : memref<512x128xf32, #tpu.memory_space<vmem>>, vector<1x16xf32>,
      %mul3A_1202 = arith.mulf %convert_element_type3A_1190, %sub3A_60 : vector<16xf32>
      %add3A_1203 = arith.addf %get3A_19, %mul3A_1202 : vector<16xf32>
      %swap3A_1204 = arith.index_cast %add3A_1194 : i32 to index
      %swap3A_1205 = arith.constant 16 : index
      %swap3A_1206 = tpu.vector_load %arg7[%swap3A_1204, %swap3A_1205] {strides = array<i32>} : memref<512x128xf32, #tpu.memory_space<vmem>>, vector<1x16xf32>,
      %swap3A_1207 = vector.shape_cast %swap3A_1206 : vector<1x16xf32> to vector<16xf32>
      %swap3A_1208 = vector.shape_cast %add3A_1203 : vector<16xf32> to vector<1x16xf32>
      tpu.vector_store %arg7[%swap3A_1204, %swap3A_1205], %swap3A_1208 {strides = array<i32>} : memref<512x128xf32, #tpu.memory_space<vmem>>, vector<1x16xf32>,
      %mul3A_1209 = arith.mulf %convert_element_type3A_1190, %sub3A_66 : vector<16xf32>
      %add3A_1210 = arith.addf %get3A_24, %mul3A_1209 : vector<16xf32>
      %swap3A_1211 = arith.index_cast %add3A_1194 : i32 to index
      %swap3A_1212 = arith.constant 32 : index
      %swap3A_1213 = tpu.vector_load %arg7[%swap3A_1211, %swap3A_1212] {strides = array<i32>} : memref<512x128xf32, #tpu.memory_space<vmem>>, vector<1x16xf32>,
      %swap3A_1214 = vector.shape_cast %swap3A_1213 : vector<1x16xf32> to vector<16xf32>
      %swap3A_1215 = vector.shape_cast %add3A_1210 : vector<16xf32> to vector<1x16xf32>
      tpu.vector_store %arg7[%swap3A_1211, %swap3A_1212], %swap3A_1215 {strides = array<i32>} : memref<512x128xf32, #tpu.memory_space<vmem>>, vector<1x16xf32>,
      %mul3A_1216 = arith.mulf %convert_element_type3A_1190, %sub3A_72 : vector<16xf32>
      %add3A_1217 = arith.addf %get3A_29, %mul3A_1216 : vector<16xf32>
      %swap3A_1218 = arith.index_cast %add3A_1194 : i32 to index
      %swap3A_1219 = arith.constant 48 : index
      %swap3A_1220 = tpu.vector_load %arg7[%swap3A_1218, %swap3A_1219] {strides = array<i32>} : memref<512x128xf32, #tpu.memory_space<vmem>>, vector<1x16xf32>,
      %swap3A_1221 = vector.shape_cast %swap3A_1220 : vector<1x16xf32> to vector<16xf32>
      %swap3A_1222 = vector.shape_cast %add3A_1217 : vector<16xf32> to vector<1x16xf32>
      tpu.vector_store %arg7[%swap3A_1218, %swap3A_1219], %swap3A_1222 {strides = array<i32>} : memref<512x128xf32, #tpu.memory_space<vmem>>, vector<1x16xf32>,
      %mul3A_1223 = arith.mulf %convert_element_type3A_1190, %sub3A_78 : vector<16xf32>
      %add3A_1224 = arith.addf %get3A_34, %mul3A_1223 : vector<16xf32>
      %swap3A_1225 = arith.index_cast %add3A_1194 : i32 to index
      %swap3A_1226 = arith.constant 64 : index
      %swap3A_1227 = tpu.vector_load %arg7[%swap3A_1225, %swap3A_1226] {strides = array<i32>} : memref<512x128xf32, #tpu.memory_space<vmem>>, vector<1x16xf32>,
      %swap3A_1228 = vector.shape_cast %swap3A_1227 : vector<1x16xf32> to vector<16xf32>
      %swap3A_1229 = vector.shape_cast %add3A_1224 : vector<16xf32> to vector<1x16xf32>
      tpu.vector_store %arg7[%swap3A_1225, %swap3A_1226], %swap3A_1229 {strides = array<i32>} : memref<512x128xf32, #tpu.memory_space<vmem>>, vector<1x16xf32>,
      %mul3A_1230 = arith.mulf %convert_element_type3A_1190, %sub3A_84 : vector<16xf32>
      %add3A_1231 = arith.addf %get3A_39, %mul3A_1230 : vector<16xf32>
      %swap3A_1232 = arith.index_cast %add3A_1194 : i32 to index
      %swap3A_1233 = arith.constant 80 : index
      %swap3A_1234 = tpu.vector_load %arg7[%swap3A_1232, %swap3A_1233] {strides = array<i32>} : memref<512x128xf32, #tpu.memory_space<vmem>>, vector<1x16xf32>,
      %swap3A_1235 = vector.shape_cast %swap3A_1234 : vector<1x16xf32> to vector<16xf32>
      %swap3A_1236 = vector.shape_cast %add3A_1231 : vector<16xf32> to vector<1x16xf32>
      tpu.vector_store %arg7[%swap3A_1232, %swap3A_1233], %swap3A_1236 {strides = array<i32>} : memref<512x128xf32, #tpu.memory_space<vmem>>, vector<1x16xf32>,
      %mul3A_1237 = arith.mulf %convert_element_type3A_1190, %sub3A_90 : vector<16xf32>
      %add3A_1238 = arith.addf %get3A_44, %mul3A_1237 : vector<16xf32>
      %swap3A_1239 = arith.index_cast %add3A_1194 : i32 to index
      %swap3A_1240 = arith.constant 96 : index
      %swap3A_1241 = tpu.vector_load %arg7[%swap3A_1239, %swap3A_1240] {strides = array<i32>} : memref<512x128xf32, #tpu.memory_space<vmem>>, vector<1x16xf32>,
      %swap3A_1242 = vector.shape_cast %swap3A_1241 : vector<1x16xf32> to vector<16xf32>
      %swap3A_1243 = vector.shape_cast %add3A_1238 : vector<16xf32> to vector<1x16xf32>
      tpu.vector_store %arg7[%swap3A_1239, %swap3A_1240], %swap3A_1243 {strides = array<i32>} : memref<512x128xf32, #tpu.memory_space<vmem>>, vector<1x16xf32>,
      %mul3A_1244 = arith.mulf %convert_element_type3A_1190, %sub3A_96 : vector<16xf32>
      %add3A_1245 = arith.addf %get3A_49, %mul3A_1244 : vector<16xf32>
      %swap3A_1246 = arith.index_cast %add3A_1194 : i32 to index
      %swap3A_1247 = arith.constant 112 : index
      %swap3A_1248 = tpu.vector_load %arg7[%swap3A_1246, %swap3A_1247] {strides = array<i32>} : memref<512x128xf32, #tpu.memory_space<vmem>>, vector<1x16xf32>,
      %swap3A_1249 = vector.shape_cast %swap3A_1248 : vector<1x16xf32> to vector<16xf32>
      %swap3A_1250 = vector.shape_cast %add3A_1245 : vector<16xf32> to vector<1x16xf32>
      tpu.vector_store %arg7[%swap3A_1246, %swap3A_1247], %swap3A_1250 {strides = array<i32>} : memref<512x128xf32, #tpu.memory_space<vmem>>, vector<1x16xf32>,
      %broadcast_in_dim3A_1251 = arith.constant 15 : i32
      %broadcast_in_dim3A_1252 = vector.broadcast %broadcast_in_dim3A_1251 : i32 to vector<16xi32>
      %lt3A_1253 = arith.constant 0 : i32
      %lt3A_1254 = vector.broadcast %lt3A_1253 : i32 to vector<16xi32>
      %lt3A_1255 = arith.cmpi slt, %broadcast_in_dim3A_1252, %lt3A_1254 : vector<16xi32>
      %add3A_1256 = arith.constant 16 : i32
      %add3A_1257 = vector.broadcast %add3A_1256 : i32 to vector<16xi32>
      %add3A_1258 = arith.addi %broadcast_in_dim3A_1252, %add3A_1257 : vector<16xi32>
      %select_n3A_1259 = arith.select %lt3A_1255, %add3A_1258, %broadcast_in_dim3A_1252 : vector<16xi1>, vector<16xi32>
      %broadcast_in_dim3A_1260 = vector.shape_cast %select_n3A_1259 : vector<16xi32> to vector<16x1xi32>
      %gather3A_1261 = vector.shape_cast %broadcast_in_dim3A_1260 : vector<16x1xi32> to vector<16xi32>
      %gather3A_1262 = tpu.dynamic_gather %get3A_161[%gather3A_1261] in [0] : vector<16xi32>, vector<16xi32> -> vector<16xi32>
      %convert_element_type3A_1263 = arith.sitofp %gather3A_1262 : vector<16xi32> to vector<16xf32>
      %mul3A_1264 = arith.constant 16 : i32
      %mul3A_1265 = arith.muli %scan3A_156, %mul3A_1264 : i32
      %add3A_1266 = arith.constant 15 : i32
      %add3A_1267 = arith.addi %mul3A_1265, %add3A_1266 : i32
      %mul3A_1268 = arith.mulf %convert_element_type3A_1263, %sub3A : vector<16xf32>
      %add3A_1269 = arith.addf %get3A_14, %mul3A_1268 : vector<16xf32>
      %swap3A_1270 = arith.index_cast %add3A_1267 : i32 to index
      %swap3A_1271 = arith.constant 0 : index
      %swap3A_1272 = tpu.vector_load %arg7[%swap3A_1270, %swap3A_1271] {strides = array<i32>} : memref<512x128xf32, #tpu.memory_space<vmem>>, vector<1x16xf32>,
      %swap3A_1273 = vector.shape_cast %swap3A_1272 : vector<1x16xf32> to vector<16xf32>
      %swap3A_1274 = vector.shape_cast %add3A_1269 : vector<16xf32> to vector<1x16xf32>
      tpu.vector_store %arg7[%swap3A_1270, %swap3A_1271], %swap3A_1274 {strides = array<i32>} : memref<512x128xf32, #tpu.memory_space<vmem>>, vector<1x16xf32>,
      %mul3A_1275 = arith.mulf %convert_element_type3A_1263, %sub3A_60 : vector<16xf32>
      %add3A_1276 = arith.addf %get3A_19, %mul3A_1275 : vector<16xf32>
      %swap3A_1277 = arith.index_cast %add3A_1267 : i32 to index
      %swap3A_1278 = arith.constant 16 : index
      %swap3A_1279 = tpu.vector_load %arg7[%swap3A_1277, %swap3A_1278] {strides = array<i32>} : memref<512x128xf32, #tpu.memory_space<vmem>>, vector<1x16xf32>,
      %swap3A_1280 = vector.shape_cast %swap3A_1279 : vector<1x16xf32> to vector<16xf32>
      %swap3A_1281 = vector.shape_cast %add3A_1276 : vector<16xf32> to vector<1x16xf32>
      tpu.vector_store %arg7[%swap3A_1277, %swap3A_1278], %swap3A_1281 {strides = array<i32>} : memref<512x128xf32, #tpu.memory_space<vmem>>, vector<1x16xf32>,
      %mul3A_1282 = arith.mulf %convert_element_type3A_1263, %sub3A_66 : vector<16xf32>
      %add3A_1283 = arith.addf %get3A_24, %mul3A_1282 : vector<16xf32>
      %swap3A_1284 = arith.index_cast %add3A_1267 : i32 to index
      %swap3A_1285 = arith.constant 32 : index
      %swap3A_1286 = tpu.vector_load %arg7[%swap3A_1284, %swap3A_1285] {strides = array<i32>} : memref<512x128xf32, #tpu.memory_space<vmem>>, vector<1x16xf32>,
      %swap3A_1287 = vector.shape_cast %swap3A_1286 : vector<1x16xf32> to vector<16xf32>
      %swap3A_1288 = vector.shape_cast %add3A_1283 : vector<16xf32> to vector<1x16xf32>
      tpu.vector_store %arg7[%swap3A_1284, %swap3A_1285], %swap3A_1288 {strides = array<i32>} : memref<512x128xf32, #tpu.memory_space<vmem>>, vector<1x16xf32>,
      %mul3A_1289 = arith.mulf %convert_element_type3A_1263, %sub3A_72 : vector<16xf32>
      %add3A_1290 = arith.addf %get3A_29, %mul3A_1289 : vector<16xf32>
      %swap3A_1291 = arith.index_cast %add3A_1267 : i32 to index
      %swap3A_1292 = arith.constant 48 : index
      %swap3A_1293 = tpu.vector_load %arg7[%swap3A_1291, %swap3A_1292] {strides = array<i32>} : memref<512x128xf32, #tpu.memory_space<vmem>>, vector<1x16xf32>,
      %swap3A_1294 = vector.shape_cast %swap3A_1293 : vector<1x16xf32> to vector<16xf32>
      %swap3A_1295 = vector.shape_cast %add3A_1290 : vector<16xf32> to vector<1x16xf32>
      tpu.vector_store %arg7[%swap3A_1291, %swap3A_1292], %swap3A_1295 {strides = array<i32>} : memref<512x128xf32, #tpu.memory_space<vmem>>, vector<1x16xf32>,
      %mul3A_1296 = arith.mulf %convert_element_type3A_1263, %sub3A_78 : vector<16xf32>
      %add3A_1297 = arith.addf %get3A_34, %mul3A_1296 : vector<16xf32>
      %swap3A_1298 = arith.index_cast %add3A_1267 : i32 to index
      %swap3A_1299 = arith.constant 64 : index
      %swap3A_1300 = tpu.vector_load %arg7[%swap3A_1298, %swap3A_1299] {strides = array<i32>} : memref<512x128xf32, #tpu.memory_space<vmem>>, vector<1x16xf32>,
      %swap3A_1301 = vector.shape_cast %swap3A_1300 : vector<1x16xf32> to vector<16xf32>
      %swap3A_1302 = vector.shape_cast %add3A_1297 : vector<16xf32> to vector<1x16xf32>
      tpu.vector_store %arg7[%swap3A_1298, %swap3A_1299], %swap3A_1302 {strides = array<i32>} : memref<512x128xf32, #tpu.memory_space<vmem>>, vector<1x16xf32>,
      %mul3A_1303 = arith.mulf %convert_element_type3A_1263, %sub3A_84 : vector<16xf32>
      %add3A_1304 = arith.addf %get3A_39, %mul3A_1303 : vector<16xf32>
      %swap3A_1305 = arith.index_cast %add3A_1267 : i32 to index
      %swap3A_1306 = arith.constant 80 : index
      %swap3A_1307 = tpu.vector_load %arg7[%swap3A_1305, %swap3A_1306] {strides = array<i32>} : memref<512x128xf32, #tpu.memory_space<vmem>>, vector<1x16xf32>,
      %swap3A_1308 = vector.shape_cast %swap3A_1307 : vector<1x16xf32> to vector<16xf32>
      %swap3A_1309 = vector.shape_cast %add3A_1304 : vector<16xf32> to vector<1x16xf32>
      tpu.vector_store %arg7[%swap3A_1305, %swap3A_1306], %swap3A_1309 {strides = array<i32>} : memref<512x128xf32, #tpu.memory_space<vmem>>, vector<1x16xf32>,
      %mul3A_1310 = arith.mulf %convert_element_type3A_1263, %sub3A_90 : vector<16xf32>
      %add3A_1311 = arith.addf %get3A_44, %mul3A_1310 : vector<16xf32>
      %swap3A_1312 = arith.index_cast %add3A_1267 : i32 to index
      %swap3A_1313 = arith.constant 96 : index
      %swap3A_1314 = tpu.vector_load %arg7[%swap3A_1312, %swap3A_1313] {strides = array<i32>} : memref<512x128xf32, #tpu.memory_space<vmem>>, vector<1x16xf32>,
      %swap3A_1315 = vector.shape_cast %swap3A_1314 : vector<1x16xf32> to vector<16xf32>
      %swap3A_1316 = vector.shape_cast %add3A_1311 : vector<16xf32> to vector<1x16xf32>
      tpu.vector_store %arg7[%swap3A_1312, %swap3A_1313], %swap3A_1316 {strides = array<i32>} : memref<512x128xf32, #tpu.memory_space<vmem>>, vector<1x16xf32>,
      %mul3A_1317 = arith.mulf %convert_element_type3A_1263, %sub3A_96 : vector<16xf32>
      %add3A_1318 = arith.addf %get3A_49, %mul3A_1317 : vector<16xf32>
      %swap3A_1319 = arith.index_cast %add3A_1267 : i32 to index
      %swap3A_1320 = arith.constant 112 : index
      %swap3A_1321 = tpu.vector_load %arg7[%swap3A_1319, %swap3A_1320] {strides = array<i32>} : memref<512x128xf32, #tpu.memory_space<vmem>>, vector<1x16xf32>,
      %swap3A_1322 = vector.shape_cast %swap3A_1321 : vector<1x16xf32> to vector<16xf32>
      %swap3A_1323 = vector.shape_cast %add3A_1318 : vector<16xf32> to vector<1x16xf32>
      tpu.vector_store %arg7[%swap3A_1319, %swap3A_1320], %swap3A_1323 {strides = array<i32>} : memref<512x128xf32, #tpu.memory_space<vmem>>, vector<1x16xf32>,
    }
    %scan3A_121 = arith.constant 16 : i32
    %mul3A_122 = arith.constant 512 : i32
    %mul3A_123 = arith.muli %add3A, %mul3A_122 : i32
    %add3A_124 = arith.constant 256 : i32
    %add3A_125 = arith.addi %mul3A_123, %add3A_124 : i32
    %dma_start3A_126 = arith.constant 256 : i32
    %dma_start3A_127 = arith.constant 0 : i32
    %dma_start3A_128 = tpu.memref_slice %arg7[%dma_start3A_126, %dma_start3A_127] : memref<512x128xf32, #tpu.memory_space<vmem>> -> memref<256x128xf32, #tpu.memory_space<vmem>>
    %dma_start3A_129 = arith.constant 0 : i32
    %dma_start3A_130 = tpu.memref_slice %arg4[%add3A_125, %dma_start3A_129] : memref<16384x128xf32, #tpu.memory_space<hbm>> -> memref<256x128xf32, #tpu.memory_space<hbm>>
    %dma_start3A_131 = arith.constant 0 : i32
    %dma_start3A_132 = tpu.memref_slice %arg4[%add3A_125, %dma_start3A_131] : memref<16384x128xf32, #tpu.memory_space<hbm>> -> memref<256x128xf32, #tpu.memory_space<hbm>>
    %dma_start3A_133 = arith.constant 256 : i32
    %dma_start3A_134 = arith.constant 0 : i32
    %dma_start3A_135 = tpu.memref_slice %arg7[%dma_start3A_133, %dma_start3A_134] : memref<512x128xf32, #tpu.memory_space<vmem>> -> memref<256x128xf32, #tpu.memory_space<vmem>>
    tpu.enqueue_dma source(%dma_start3A_135 : memref<256x128xf32, #tpu.memory_space<vmem>>) target(%dma_start3A_132 : memref<256x128xf32, #tpu.memory_space<hbm>>) target_semaphore(%arg8 : memref<!tpu.dma_semaphore, #tpu.memory_space<semaphore_mem>>)
    %dma_wait3A_136 = arith.constant 0 : i32
    %dma_wait3A_137 = arith.constant 0 : i32
    %dma_wait3A_138 = tpu.memref_slice %arg7[%dma_wait3A_136, %dma_wait3A_137] : memref<512x128xf32, #tpu.memory_space<vmem>> -> memref<256x128xf32, #tpu.memory_space<vmem>>
    %dma_wait3A_139 = arith.constant 0 : i32
    %dma_wait3A_140 = tpu.memref_slice %arg4[%add3A_105, %dma_wait3A_139] : memref<16384x128xf32, #tpu.memory_space<hbm>> -> memref<256x128xf32, #tpu.memory_space<hbm>>
    %dma_wait3A_141 = arith.constant 0 : i32
    %dma_wait3A_142 = tpu.memref_slice %arg4[%add3A_105, %dma_wait3A_141] : memref<16384x128xf32, #tpu.memory_space<hbm>> -> memref<256x128xf32, #tpu.memory_space<hbm>>
    %dma_wait3A_143 = arith.constant 0 : i32
    %dma_wait3A_144 = arith.constant 0 : i32
    %dma_wait3A_145 = tpu.memref_slice %arg7[%dma_wait3A_143, %dma_wait3A_144] : memref<512x128xf32, #tpu.memory_space<vmem>> -> memref<256x128xf32, #tpu.memory_space<vmem>>
    tpu.wait_dma2 semaphore(%arg8 : memref<!tpu.dma_semaphore, #tpu.memory_space<semaphore_mem>>) src(%dma_wait3A_145 : memref<256x128xf32, #tpu.memory_space<vmem>>) dst(%dma_wait3A_142 : memref<256x128xf32, #tpu.memory_space<hbm>>)
    %dma_wait3A_146 = arith.constant 256 : i32
    %dma_wait3A_147 = arith.constant 0 : i32
    %dma_wait3A_148 = tpu.memref_slice %arg7[%dma_wait3A_146, %dma_wait3A_147] : memref<512x128xf32, #tpu.memory_space<vmem>> -> memref<256x128xf32, #tpu.memory_space<vmem>>
    %dma_wait3A_149 = arith.constant 0 : i32
    %dma_wait3A_150 = tpu.memref_slice %arg4[%add3A_125, %dma_wait3A_149] : memref<16384x128xf32, #tpu.memory_space<hbm>> -> memref<256x128xf32, #tpu.memory_space<hbm>>
    %dma_wait3A_151 = arith.constant 0 : i32
    %dma_wait3A_152 = tpu.memref_slice %arg4[%add3A_125, %dma_wait3A_151] : memref<16384x128xf32, #tpu.memory_space<hbm>> -> memref<256x128xf32, #tpu.memory_space<hbm>>
    %dma_wait3A_153 = arith.constant 256 : i32
    %dma_wait3A_154 = arith.constant 0 : i32
    %dma_wait3A_155 = tpu.memref_slice %arg7[%dma_wait3A_153, %dma_wait3A_154] : memref<512x128xf32, #tpu.memory_space<vmem>> -> memref<256x128xf32, #tpu.memory_space<vmem>>
    tpu.wait_dma2 semaphore(%arg8 : memref<!tpu.dma_semaphore, #tpu.memory_space<semaphore_mem>>) src(%dma_wait3A_155 : memref<256x128xf32, #tpu.memory_space<vmem>>) dst(%dma_wait3A_152 : memref<256x128xf32, #tpu.memory_space<hbm>>)
    return
  }
}

</mosaic_0001>

<sc_bundles>
// kernel: _sc_embed.3.cloned.1.call-start
scs
__scs_entry_jumppad:
0x0: {  	(pc) =	sbr.rel $0x88, $3  }
0x1: {  	(tag) =	ssettag $0x0;
	lr =	simm.s32 $0x1  }
0x2: {  	[smem:$0x3F9F] =	sst lr;
	_ =	strace $0xD0000000  }
0x3: {  	_ = 	snop  }
0x4: {  	_ = 	snop  }
0x5: {  	_ = 	snop  }
0x6: {  	_ = 	snop  }
0x7: {  	_ = 	snop  }
__scs_overlays_trampoline_lowered:
0x8: {  	[smem:$0x3FAE] =	sst s0  }
0x9: {  	[smem:$0x3FAF] =	sst s1  }
0xa: {  	[smem:$0x3FB0] =	sst s2  }
0xb: {  	[smem:$0x3FB1] =	sst s3  }
0xc: {  	[smem:$0x3FB2] =	sst s4  }
0xd: {  	[smem:$0x3FB3] =	sst s5  }
0xe: {  	[smem:$0x3FB4] =	sst s6  }
0xf: {  	[smem:$0x3FB5] =	sst s7  }
0x10: {  	[smem:$0x3FB6] =	sst s8  }
0x11: {  	[smem:$0x3FB7] =	sst s9;
	s0 =	simm.s32 @!p0 $0x0  }
0x12: {  	s1 =	sld [smem:$0x3F9D];
	s0 =	simm.s32 @p0 $0x1  }
0x13: {  	[smem:$0x3FB8] =	sst s0;
	s0 =	simm.s32 @!p1 $0x0  }
0x14: {  	s2 =	sld [smem:$0x3F9C];
	s0 =	simm.s32 @p1 $0x1  }
0x15: {  	[smem:$0x3FB9] =	sst s0;
	s0 =	simm.s32 @!p2 $0x0  }
0x16: {  	s3 =	sld [smem:$0x3FDB];
	s0 =	simm.s32 @p2 $0x1  }
0x17: {  	s4 =	simm.s32 $0x1BF5;
	[smem:$0x3FBB] =	sst s0  }
0x18: {  	s0 =	sld [smem:$0x3F9E];
	_ =	swait.ge [sflag:s4], $0x0  }
0x19: {  	s7 =	sld [smem:$0x3F9F]  }
0x1a: {  	s8 =	sadd.s32 $0xFFFFE003, lr  }
0x1b: {  	s9 =	sadd.s32 $0xFFFFFEF7, lr;
	s5 =	simm.s32 $0xFFFFFFFF;
	p2 =	slt.u32 s8, $0xFFFFF086  }
0x1c: {  	p1 =	slt.u32 s9, $0xF7A;
	s5 =	simm.s32 @!p2 $0x0  }
0x1d: {  	s5 =	simm.s32 @p1 $0x1;
	p0 =	seq.s32 s7, s2  }
0x1e: {  	s7 =	smul.u32 @!p0 $0xF7A, s2;
	p2 =	seq.s32 @!p0 s5, $0x0  }
0x1f: {  	s9 =	smul.u32 $0xF7A, s1;
	s8 =	simm.s32 @!p0 $0x1BF5;
	p2 =	por !p2, p0  }
0x20: {  	[sflag:s8] =	ssyncset.s32 @!p0 $0xFFFFF086;
	s6 =	sadd.s32 @!p0 s3, s7;
	s7 =	simm.s32 @!p0 $0x108  }
0x21: {  	s3 =	sadd.s32 s3, s9;
	s6 =	sadd.s32 @!p0 $0x88, s6;
	s7 =	simm.s32 @p2 $0x1082  }
0x22: {  	[simem:s7], [sflag:s8] =	dma.local @!p0 [hbm:s6], $0xF7A  }
0x23: {  	s9 =	sor.u32 $0xD0000000, s2;
	s6 =	simm.s32 $0x108;
	_ =	swait.ge @!p0 [sflag:s8], $0x0  }
0x24: {  	s3 =	sadd.s32 $0x88, s3;
	s6 =	simm.s32 @!p1 $0x1082;
	[sflag:s4] =	ssyncset.s32 $0xFFFFF086  }
0x25: {  	[simem:s6], [sflag:s4] =	dma.local [hbm:s3], $0xF7A  }
0x26: {  	[smem:$0x3F9F] =	sst s1;
	(tag) =	ssettag s2;
	_ =	strace s9  }
0x27: {  	s1 =	sld [smem:$0x3FAF]  }
0x28: {  	s2 =	sld [smem:$0x3FB0]  }
0x29: {  	s4 =	sld [smem:$0x3FB2]  }
0x2a: {  	p0 =	seq.s32 s5, $0x0;
	s5 =	sld [smem:$0x3FB3]  }
0x2b: {  	s6 =	sld [smem:$0x3FB4]  }
0x2c: {  	s7 =	sld [smem:$0x3FB5]  }
0x2d: {  	s3 =	simm.s32 $0x108;
	s8 =	sld [smem:$0x3FB6]  }
0x2e: {  	s3 =	simm.s32 @!p0 $0x1082;
	s9 =	sld [smem:$0x3FB7]  }
0x2f: {  	lr =	sadd.s32 s0, s3;
	s0 =	sld [smem:$0x3FAE]  }
0x30: {  	s3 =	sld [smem:$0x3FB1]  }
0x31: {  	[smem:$0x3FBA] =	sst s10  }
0x32: {  	s10 =	sld [smem:$0x3FB8];
	_ =	sdelay $0x3  }
0x33: {  	p0 =	seq.s32 s10, $0x1;
	s10 =	sld [smem:$0x3FBA];
	_ =	sdelay $0x3  }
0x34: {  	[smem:$0x3FBA] =	sst s10  }
0x35: {  	s10 =	sld [smem:$0x3FB9];
	_ =	sdelay $0x3  }
0x36: {  	p1 =	seq.s32 s10, $0x1;
	s10 =	sld [smem:$0x3FBA];
	_ =	sdelay $0x3  }
0x37: {  	[smem:$0x3FBA] =	sst s10  }
0x38: {  	s10 =	sld [smem:$0x3FBB]  }
0x39: {  	_ = 	snop;
	(pc) =	sbr.ind lr, $3  }
0x3a: {  	_ = 	snop  }
0x3b: {  	_ = 	snop  }
0x3c: {  	p2 =	seq.s32 s10, $0x1;
	s10 =	sld [smem:$0x3FBA]  }
0x3d: {  	_ =	shalt  }
0x3e: {  	_ =	shalt  }
0x3f: {  	_ =	shalt  }
0x40: {  	_ =	shalt  }
0x41: {  	_ =	shalt  }
0x42: {  	_ =	shalt  }
0x43: {  	_ =	shalt  }
0x44: {  	_ =	shalt  }
0x45: {  	_ =	shalt  }
0x46: {  	_ =	shalt  }
0x47: {  	_ =	shalt  }
0x48: {  	_ =	shalt  }
0x49: {  	_ =	shalt  }
0x4a: {  	_ =	shalt  }
0x4b: {  	_ =	shalt  }
0x4c: {  	_ =	shalt  }
0x4d: {  	_ =	shalt  }
0x4e: {  	_ =	shalt  }
0x4f: {  	_ =	shalt  }
0x50: {  	_ =	shalt  }
0x51: {  	_ =	shalt  }
0x52: {  	_ =	shalt  }
0x53: {  	_ =	shalt  }
0x54: {  	_ =	shalt  }
0x55: {  	_ =	shalt  }
0x56: {  	_ =	shalt  }
0x57: {  	_ =	shalt  }
0x58: {  	_ =	shalt  }
0x59: {  	_ =	shalt  }
0x5a: {  	_ =	shalt  }
0x5b: {  	_ =	shalt  }
0x5c: {  	_ =	shalt  }
0x5d: {  	_ =	shalt  }
0x5e: {  	_ =	shalt  }
0x5f: {  	_ =	shalt  }
0x60: {  	_ =	shalt  }
0x61: {  	_ =	shalt  }
0x62: {  	_ =	shalt  }
0x63: {  	_ =	shalt  }
0x64: {  	_ =	shalt  }
0x65: {  	_ =	shalt  }
0x66: {  	_ =	shalt  }
0x67: {  	_ =	shalt  }
0x68: {  	_ =	shalt  }
0x69: {  	_ =	shalt  }
0x6a: {  	_ =	shalt  }
0x6b: {  	_ =	shalt  }
0x6c: {  	_ =	shalt  }
0x6d: {  	_ =	shalt  }
0x6e: {  	_ =	shalt  }
0x6f: {  	_ =	shalt  }
0x70: {  	_ =	shalt  }
0x71: {  	_ =	shalt  }
0x72: {  	_ =	shalt  }
0x73: {  	_ =	shalt  }
0x74: {  	_ =	shalt  }
0x75: {  	_ =	shalt  }
0x76: {  	_ =	shalt  }
0x77: {  	_ =	shalt  }
0x78: {  	_ =	shalt  }
0x79: {  	_ =	shalt  }
0x7a: {  	_ =	shalt  }
0x7b: {  	_ =	shalt  }
0x7c: {  	_ =	shalt  }
0x7d: {  	_ =	shalt  }
0x7e: {  	_ =	shalt  }
0x7f: {  	_ =	shalt  }
0x80: {  	_ =	shalt  }
0x81: {  	_ =	shalt  }
0x82: {  	_ =	shalt  }
0x83: {  	_ =	shalt  }
0x84: {  	_ =	shalt  }
0x85: {  	_ =	shalt  }
0x86: {  	_ =	shalt  }
0x87: {  	_ =	shalt  }
.Lfunc_end0:
.L_simem_size_0:
called_computation_lowered:
.L_overlay_start_0:
0x88: {  	s2 =	sld [smem:$0x3FD9]  }
0x89: {  	s3 =	sld [smem:$0x3FFE];
	_ =	sdelay $0x1  }
0x8a: {  	s1 =	srdreg.scid  }
0x8b: {  	s0 =	sand.u32 $0x1, s1  }
0x8c: {  	s18 =	sshll.u32 s0, $0xA;
	s2 =	sadd.s32 s3, s2  }
0x8d: {  	s2 =	sadd.s32 s2, s18  }
0x8e: {  	[smem:$0x3FC6] =	sst s2  }
0x8f: {  	_ = 	snop  }
0x90: {  	s2 =	sld [smem:$0x3FC9]  }
0x91: {  	s19 =	sld [smem:$0x3FC8]  }
0x92: {  	s4 =	sld [smem:$0x3FD0];
	(tm) =	ssettm $0x1  }
0x93: {  	s5 =	sld [smem:$0x3FFB];
	_ =	sdelay $0x3  }
0x94: {  	_ =	strace s5  }
0x95: {  	s5 =	sld [smem:$0x3FFC];
	_ =	sdelay $0x3  }
0x96: {  	_ =	strace s5  }
0x97: {  	s5 =	sld [smem:$0x3FFD];
	_ =	sdelay $0x3  }
0x98: {  	_ =	strace s5  }
0x99: {  	_ =	strace $0x8FFFFFFF  }
0x9a: {  	s20 =	sld [smem:$0x3FDB];
	_ =	sdelay $0x1  }
0x9b: {  	s6 =	simm.s32 $_scs_section_size  }
0x9c: {  	s7 =	simm.s32 $_size__tile_overlayer_lowered;
	s8 =	simm.s32 $_tile_overlayer_lowered  }
0x9d: {  	s23 =	simm.s32 $0x1BFF;
	s22 =	sshll.u32 s8, $0x1;
	s5 =	sadd.s32 s6, s20  }
0x9e: {  	s9 =	simm.s32 $0x0;
	s21 =	sshll.u32 s7, $0x1;
	s7 =	sadd.s32 s22, s5  }
0x9f: {  	[timem:s9], [sflag:s23] =	dma.local [hbm:s7], s21  }
0xa0: {  	_ =	swait.ge [sflag:s23], s21  }
0xa1: {  	s6 =	ssub.s32 $0x0, s21;
	[sflag:s23] =	ssyncset.done $0x0  }
0xa2: {  	[sflag:s23] =	ssyncadd.s32 s6;
	_ =	sdelay $0x1  }
0xa3: {  	s24 =	simm.s32 $0x1B8B  }
0xa4: {  	_ =	swait.ge [sflag:s24], $0x1  }
0xa5: {  	[sflag:s24] =	ssyncset.done $0x0  }
0xa6: {  	s25 =	simm.s32 $0x1B8E;
	[sflag:s24] =	ssyncadd.s32 $0xFFFFFFFF  }
0xa7: {  	s26 =	simm.s32 $execute0_lowered;
	[smem:$0x3FD2] =	sst s25  }
0xa8: {  	s6 =	sshll.u32 s26, $0x1;
	_ =	strace $0x80000046;
	[dreg:$0x1] =	wrdreg $0xFFFFFFFF  }
0xa9: {  	s28 =	simm.s32 $_size_execute0_lowered;
	s5 =	sadd.s32 s5, s6;
	[dreg:$0x0] =	wrdreg $0x0  }
0xaa: {  	s6 =	sshll.u32 s28, $0x1;
	[dreg:$0x2] =	wrdreg s5  }
0xab: {  	[dreg:$0x3] =	wrdreg s6  }
0xac: {  	[dreg:$0x4] =	wrdreg $0xC0  }
0xad: {  	_ =	task [dreg:s9], $0x5FFFF  }
0xae: {  	[dreg:$0x1] =	wrdreg $0xFFFFFFFF  }
0xaf: {  	[dreg:$0x0] =	wrdreg $0x60  }
0xb0: {  	[dreg:$0x2] =	wrdreg s2  }
0xb1: {  	[dreg:$0x3] =	wrdreg s19  }
0xb2: {  	[dreg:$0x4] =	wrdreg s4  }
0xb3: {  	[dreg:$0x5] =	wrdreg $0x9  }
0xb4: {  	_ =	task.clear_ibuf [dreg:s9], $0x6FFFF;
	_ =	strace $0x90000046  }
0xb5: {  	s29 =	simm.s32 $0x9;
	_ =	strace $0x80000048  }
0xb6: {  	_ =	swait.ge [sflag:s29], $0x1  }
0xb7: {  	[sflag:s29] =	ssyncadd.s32 $0xFFFFFFFF  }
0xb8: {  	_ =	strace $0x90000048  }
0xb9: {  	_ =	sfence  }
0xba: {  	s30 =	sld [smem:$0x0];
	_ =	sdelay $0x2  }
0xbb: {  	s31 =	sshll.u32 s1, $0xD;
	s1 =	sshrl.u32 s1, $0x2  }
0xbc: {  	s3 =	sand.u32 $0x4000, s31;
	s1 =	sadd.s32 s1, s30  }
0xbd: {  	s0 =	sor.u32 s3, s0;
	s1 =	sshll.u32 s1, $0x11  }
0xbe: {  	s0 =	sor.u32 s1, s0  }
0xbf: {  	s0 =	sadd.s32 $0x8F2B, s0  }
0xc0: {  	[sflag:s0] =	ssyncadd.remote.s32 $0x1  }
0xc1: {  	_ =	sfence.sel $0xFFFF  }
0xc2: {  	[dreg:$0x0] =	wrdreg $0xFFFFFFFF;
	(pc) =	sbr.abs _section_cstart, $3  }
0xc3: {  	[dreg:$0x1] =	wrdreg $0xFFFFFFFF  }
0xc4: {  	_ =	task.clear_ibuf [dreg:s9], $0x2FFFF;
	_ =	strace $0x9FFFFFFF  }
0xc5: {  	(tm) =	ssettm $0x7FFFFFFF  }
tec
execute0_lowered:
.L_overlay_start_1:
0x0: {  	(tag) =	ssettag $0x1  }
0x1: {  	s4 =	rddreg [dreg:$0x0]  }
0x2: {  	s1 =	rddreg [dreg:$0x1]  }
0x3: {  	s5 =	rddreg [dreg:$0x2]  }
0x4: {  	s0 =	rddreg [dreg:$0x3];
	s3 =	simm.s32 $0x0;
	s6 =	srdreg.scid  }
0x5: {  	s2 =	stileid.u32;
	s11 =	simm.s32 $0x2;
	s12 =	simm.s32 $0x300  }
0x6: {  	s13 =	simm.s32 $0x8300;
	s14 =	simm.s32 $0x1;
	s15 =	simm.s32 $0x0  }
0x7: {  	[smem:$0x7FF] =	sst s3;
	s6 =	sand.u32 $0x1, s6;
	s8 =	sshll.u32 s2, $0x1  }
0x8: {  	s31 =	sshll.u32 s2, $0x7;
	_ =	strace $0x80000047;
	s7 =	ssub.s32 $0x2, s6  }
0x9: {  	v2 =	vimm.s32 $0x2;
	v3 =	vimm.s32 $0x3;
	s6 =	sor.u32 s6, s8;
	s8 =	sand.u32 $0x600, s31;
	s9 =	sshrl.u32 s7, $0x1  }
0xa: {  	v4 =	vimm.s32 $0x4;
	v5 =	vimm.s32 $0x5;
	v6 =	vimm.s32 $0x6;
	s10 =	sshll.u32 s6, $0x4;
	s6 =	sshll.u32 s6, $0xD;
	s8 =	sadd.s32 s4, s8  }
0xb: {  	v7 =	vimm.s32 $0x7;
	v8 =	vimm.s32 $0x8;
	v9 =	vimm.s32 $0x9;
	s10 =	sand.u32 $0x70, s10;
	s4 =	sadd.s32 s5, s6;
	s7 =	ssub.s32 s7, s9  }
0xc: {  	v10 =	vimm.s32 $0xA;
	v11 =	vimm.s32 $0xB;
	v12 =	vimm.s32 $0xC;
	s9 =	simm.s32 $0x400;
	s5 =	sadd.s32 s10, s8;
	s6 =	sadd.s32 $0x1000, s4  }
0xd: {  	v13 =	vimm.s32 $0xD;
	v14 =	vimm.s32 $0xE;
	v15 =	vimm.s32 $0xF;
	s7 =	smax.u32 s7, $0x1;
	s8 =	simm.s32 $0x80;
	s10 =	simm.s32 $0x200  }
.LBB2_1:
0xe: {  	[tilespmem:s3], [sflag:$0x2] =	stream.strided.gather [hbm4b:s5+s8], $0x200, s9, s8, $0x38;
	[tilespmem:$0x10300] =	vst v63  }
0xf: {  	_ = 	snop  }
0x10: {  	[tilespmem:s10], [sflag:$0x2] =	stream.linear.gather [hbm4b:s1+s3], $0x100, $0x38;
	[tilespmem:$0x10300] =	vst v63  }
0x11: {  	_ =	swait.ge [sflag:s11], $0x200  }
0x12: {  	[sflag:s11] =	ssyncset.done $0x0  }
0x13: {  	[sflag:s11] =	ssyncadd.s32 $0xFFFFFE00  }
0x14: {  	_ =	swait.ge [sflag:s11], $0x100  }
0x15: {  	[sflag:s11] =	ssyncset.done $0x0  }
0x16: {  	[sflag:s11] =	ssyncadd.s32 $0xFFFFFF00  }
0x17: {  	v23 =	vld [tilespmem:$0x200]  }
0x18: {  	v21 =	vld [tilespmem:$0x210]  }
0x19: {  	v20 =	vld [tilespmem:$0x220]  }
0x1a: {  	v19 =	vld [tilespmem:$0x230]  }
0x1b: {  	v18 =	vld [tilespmem:$0x240]  }
0x1c: {  	s16 =	simm.s32 $0x0;
	v17 =	vld [tilespmem:$0x250]  }
0x1d: {  	v32 =	vld [tilespmem:s16+$0x0]  }
0x1e: {  	v22 =	vld [tilespmem:$0x280]  }
0x1f: {  	v24 =	vld [tilespmem:$0x290]  }
0x20: {  	v26 =	vld [tilespmem:$0x2B0]  }
0x21: {  	v0 =	vimm.s32 $0x0;
	v25 =	vld [tilespmem:$0x2A0]  }
0x22: {  	v31 =	vld [tilespmem:$0x2C0];
	v27 =	vperm.xlane v32, v0  }
0x23: {  	v33 =	vld [tilespmem:$0x2D0]  }
0x24: {  	v16 =	vld [tilespmem:$0x260];
	v29 =	vsub.f32 v22, v23;
	v35 =	vcvt.s32.f32 v27  }
0x25: {  	v34 =	vld [tilespmem:$0x2E0];
	v30 =	vsub.f32 v24, v21;
	v28 =	vsub.f32 v26, v19  }
0x26: {  	v36 =	vld [tilespmem:$0x2F0];
	v0 =	vimm.s32 $0x1;
	v27 =	vsub.f32 v25, v20;
	v25 =	vmul.f32 v35, v29  }
0x27: {  	v22 =	vld [tilespmem:$0x270];
	v26 =	vsub.f32 v31, v18;
	v39 =	vperm.xlane v32, v0;
	v31 =	vmul.f32 v35, v30  }
0x28: {  	v24 =	vsub.f32 v33, v17;
	v42 =	vmul.f32 v35, v27;
	v37 =	vadd.f32 v25, v23  }
0x29: {  	s16 =	simm.s32 $0x700;
	v46 =	vcvt.s32.f32 v39;
	v43 =	vmul.f32 v35, v28;
	v38 =	vadd.f32 v31, v21  }
0x2a: {  	v45 =	vmul.f32 v35, v24;
	v33 =	vadd.f32 v42, v20;
	[tilespmem:s16+$0xFFFFFC00] =	vst v37  }
0x2b: {  	v49 =	vmul.f32 v46, v30;
	v25 =	vsub.f32 v34, v16;
	v34 =	vadd.f32 v43, v19;
	[tilespmem:s16+$0xFFFFFC10] =	vst v38  }
0x2c: {  	v44 =	vmul.f32 v35, v26;
	v31 =	vsub.f32 v36, v22;
	v36 =	vadd.f32 v45, v17;
	[tilespmem:s16+$0xFFFFFC20] =	vst v33  }
0x2d: {  	v48 =	vmul.f32 v46, v29;
	v51 =	vadd.f32 v49, v21;
	[tilespmem:s16+$0xFFFFFC30] =	vst v34  }
0x2e: {  	v50 =	vmul.f32 v46, v27;
	v37 =	vadd.f32 v44, v18;
	[tilespmem:s16+$0xFFFFFC50] =	vst v36  }
0x2f: {  	v47 =	vmul.f32 v35, v25;
	v34 =	vadd.f32 v48, v23;
	[tilespmem:s16+$0xFFFFFC90] =	vst v51  }
0x30: {  	v35 =	vmul.f32 v35, v31;
	v36 =	vadd.f32 v50, v20;
	[tilespmem:s16+$0xFFFFFC40] =	vst v37  }
0x31: {  	v52 =	vmul.f32 v46, v28;
	v33 =	vadd.f32 v47, v16;
	[tilespmem:s16+$0xFFFFFC80] =	vst v34  }
0x32: {  	v53 =	vperm.xlane v32, v2;
	v54 =	vmul.f32 v46, v26;
	v35 =	vadd.f32 v35, v22;
	[tilespmem:s16+$0xFFFFFCA0] =	vst v36  }
0x33: {  	v56 =	vmul.f32 v46, v25;
	v37 =	vadd.f32 v52, v19;
	[tilespmem:s16+$0xFFFFFC60] =	vst v33  }
0x34: {  	v38 =	vmul.f32 v46, v31;
	v34 =	vadd.f32 v54, v18;
	[tilespmem:s16+$0xFFFFFC70] =	vst v35;
	v35 =	vcvt.s32.f32 v53  }
0x35: {  	v63 =	vperm.xlane v32, v3;
	v55 =	vmul.f32 v46, v24;
	v36 =	vadd.f32 v56, v16;
	[tilespmem:s16+$0xFFFFFCB0] =	vst v37  }
0x36: {  	v58 =	vadd.f32 v38, v22;
	[tilespmem:s16+$0xFFFFFCC0] =	vst v34;
	v57 =	vmul.f32 v35, v29  }
0x37: {  	v33 =	vadd.f32 v55, v17;
	[tilespmem:s16+$0xFFFFFCE0] =	vst v36;
	v34 =	vcvt.s32.f32 v63;
	v59 =	vmul.f32 v35, v30  }
0x38: {  	[tilespmem:s16+$0xFFFFFCF0] =	vst v58;
	v61 =	vmul.f32 v35, v27;
	v62 =	vmul.f32 v35, v28;
	v60 =	vadd.f32 v57, v23  }
0x39: {  	[tilespmem:s16+$0xFFFFFCD0] =	vst v33;
	v40 =	vmul.f32 v35, v26;
	v41 =	vmul.f32 v35, v24;
	v38 =	vadd.f32 v59, v21  }
0x3a: {  	v42 =	vmul.f32 v35, v25;
	v35 =	vmul.f32 v35, v31;
	v37 =	vadd.f32 v61, v20;
	[tilespmem:s16+$0xFFFFFD00] =	vst v60  }
0x3b: {  	v44 =	vmul.f32 v34, v29;
	v45 =	vmul.f32 v34, v30;
	v36 =	vadd.f32 v62, v19;
	[tilespmem:s16+$0xFFFFFD10] =	vst v38  }
0x3c: {  	v46 =	vmul.f32 v34, v27;
	v47 =	vmul.f32 v34, v28;
	v33 =	vadd.f32 v40, v18;
	[tilespmem:s16+$0xFFFFFD20] =	vst v37  }
0x3d: {  	v48 =	vmul.f32 v34, v26;
	v51 =	vmul.f32 v34, v25;
	v43 =	vadd.f32 v42, v16;
	[tilespmem:s16+$0xFFFFFD30] =	vst v36  }
0x3e: {  	v50 =	vmul.f32 v34, v24;
	v34 =	vmul.f32 v34, v31;
	v35 =	vadd.f32 v35, v22;
	[tilespmem:s16+$0xFFFFFD40] =	vst v33  }
0x3f: {  	v52 =	vadd.f32 v51, v16;
	[tilespmem:s16+$0xFFFFFD60] =	vst v43  }
0x40: {  	v34 =	vadd.f32 v34, v22;
	v57 =	vperm.xlane v32, v5;
	[tilespmem:s16+$0xFFFFFD70] =	vst v35  }
0x41: {  	v49 =	vperm.xlane v32, v4;
	v37 =	vadd.f32 v44, v23;
	[tilespmem:s16+$0xFFFFFDE0] =	vst v52  }
0x42: {  	v38 =	vadd.f32 v41, v17;
	[tilespmem:s16+$0xFFFFFDF0] =	vst v34;
	v34 =	vcvt.s32.f32 v57  }
0x43: {  	v33 =	vadd.f32 v45, v21;
	[tilespmem:s16+$0xFFFFFD80] =	vst v37;
	v37 =	vcvt.s32.f32 v49  }
0x44: {  	v36 =	vadd.f32 v47, v19;
	[tilespmem:s16+$0xFFFFFD50] =	vst v38;
	v61 =	vmul.f32 v34, v29;
	v62 =	vmul.f32 v34, v30  }
0x45: {  	v35 =	vadd.f32 v48, v18;
	[tilespmem:s16+$0xFFFFFD90] =	vst v33;
	v63 =	vmul.f32 v34, v27;
	v41 =	vmul.f32 v34, v28  }
0x46: {  	v38 =	vadd.f32 v46, v20;
	[tilespmem:s16+$0xFFFFFDB0] =	vst v36;
	v43 =	vmul.f32 v34, v26;
	v44 =	vmul.f32 v34, v24  }
0x47: {  	v33 =	vadd.f32 v50, v17;
	[tilespmem:s16+$0xFFFFFDC0] =	vst v35;
	v45 =	vmul.f32 v34, v25;
	v34 =	vmul.f32 v34, v31  }
0x48: {  	[tilespmem:s16+$0xFFFFFDA0] =	vst v38;
	v53 =	vmul.f32 v37, v29;
	v40 =	vadd.f32 v62, v21  }
0x49: {  	v54 =	vmul.f32 v37, v30;
	[tilespmem:s16+$0xFFFFFDD0] =	vst v33;
	v34 =	vadd.f32 v34, v22  }
0x4a: {  	v55 =	vmul.f32 v37, v27;
	v56 =	vmul.f32 v37, v28;
	v38 =	vadd.f32 v53, v23;
	[tilespmem:s16+$0xFFFFFE90] =	vst v40  }
0x4b: {  	v58 =	vmul.f32 v37, v26;
	v59 =	vmul.f32 v37, v24;
	v35 =	vadd.f32 v54, v21;
	[tilespmem:s16+$0xFFFFFEF0] =	vst v34  }
0x4c: {  	v60 =	vmul.f32 v37, v25;
	v37 =	vmul.f32 v37, v31;
	v33 =	vadd.f32 v55, v20;
	[tilespmem:s16+$0xFFFFFE00] =	vst v38  }
0x4d: {  	v36 =	vadd.f32 v56, v19;
	[tilespmem:s16+$0xFFFFFE10] =	vst v35  }
0x4e: {  	v37 =	vadd.f32 v37, v22;
	[tilespmem:s16+$0xFFFFFE20] =	vst v33  }
0x4f: {  	v38 =	vadd.f32 v58, v18;
	[tilespmem:s16+$0xFFFFFE30] =	vst v36  }
0x50: {  	v35 =	vadd.f32 v59, v17;
	[tilespmem:s16+$0xFFFFFE70] =	vst v37  }
0x51: {  	v51 =	vperm.xlane v32, v7;
	v33 =	vadd.f32 v60, v16;
	[tilespmem:s16+$0xFFFFFE40] =	vst v38  }
0x52: {  	v36 =	vadd.f32 v61, v23;
	[tilespmem:s16+$0xFFFFFE50] =	vst v35  }
0x53: {  	v42 =	vperm.xlane v32, v6;
	v34 =	vcvt.s32.f32 v51;
	[tilespmem:s16+$0xFFFFFE60] =	vst v33;
	v35 =	vadd.f32 v63, v20  }
0x54: {  	[tilespmem:s16+$0xFFFFFE80] =	vst v36;
	v38 =	vadd.f32 v41, v19  }
0x55: {  	v37 =	vcvt.s32.f32 v42;
	v40 =	vmul.f32 v34, v25;
	v36 =	vadd.f32 v43, v18;
	[tilespmem:s16+$0xFFFFFEA0] =	vst v35  }
0x56: {  	v33 =	vadd.f32 v44, v17;
	[tilespmem:s16+$0xFFFFFEB0] =	vst v38  }
0x57: {  	v46 =	vmul.f32 v37, v29;
	v41 =	vadd.f32 v40, v16;
	[tilespmem:s16+$0xFFFFFEC0] =	vst v36  }
0x58: {  	v56 =	vmul.f32 v34, v29;
	v47 =	vmul.f32 v37, v30;
	v35 =	vadd.f32 v45, v16;
	[tilespmem:s16+$0xFFFFFED0] =	vst v33  }
0x59: {  	v58 =	vmul.f32 v34, v30;
	v49 =	vmul.f32 v37, v27;
	v48 =	vadd.f32 v46, v23;
	[tilespmem:s16+$0xFFFFFFE0] =	vst v41  }
0x5a: {  	v59 =	vmul.f32 v34, v27;
	v52 =	vmul.f32 v37, v26;
	v36 =	vadd.f32 v47, v21;
	[tilespmem:s16+$0xFFFFFEE0] =	vst v35  }
0x5b: {  	v50 =	vmul.f32 v37, v28;
	v54 =	vmul.f32 v37, v25;
	v38 =	vadd.f32 v49, v20;
	[tilespmem:s16+$0xFFFFFF00] =	vst v48  }
0x5c: {  	v53 =	vmul.f32 v37, v24;
	v37 =	vmul.f32 v37, v31;
	v33 =	vadd.f32 v52, v18;
	[tilespmem:s16+$0xFFFFFF10] =	vst v36  }
0x5d: {  	v60 =	vmul.f32 v34, v28;
	v62 =	vmul.f32 v34, v26;
	v55 =	vadd.f32 v54, v16;
	[tilespmem:s16+$0xFFFFFF20] =	vst v38  }
0x5e: {  	v63 =	vmul.f32 v34, v24;
	v34 =	vmul.f32 v34, v31;
	v57 =	vadd.f32 v37, v22;
	[tilespmem:s16+$0xFFFFFF40] =	vst v33  }
0x5f: {  	v37 =	vadd.f32 v58, v21;
	[tilespmem:s16+$0xFFFFFF60] =	vst v55  }
0x60: {  	v61 =	vperm.xlane v32, v8;
	v34 =	vadd.f32 v34, v22;
	[tilespmem:s16+$0xFFFFFF70] =	vst v57  }
0x61: {  	v46 =	vperm.xlane v32, v9;
	v35 =	vadd.f32 v50, v19;
	[tilespmem:s16+$0xFFFFFF90] =	vst v37  }
0x62: {  	v36 =	vadd.f32 v53, v17;
	v33 =	vcvt.s32.f32 v61;
	[tilespmem:s16+$0xFFFFFFF0] =	vst v34  }
0x63: {  	v38 =	vadd.f32 v56, v23;
	v34 =	vcvt.s32.f32 v46;
	[tilespmem:s16+$0xFFFFFF30] =	vst v35  }
0x64: {  	v37 =	vadd.f32 v63, v17;
	[tilespmem:s16+$0xFFFFFF50] =	vst v36;
	v42 =	vmul.f32 v33, v29;
	v43 =	vmul.f32 v33, v30  }
0x65: {  	[tilespmem:s16+$0xFFFFFF80] =	vst v38;
	v36 =	vadd.f32 v59, v20;
	v44 =	vmul.f32 v33, v27;
	v45 =	vmul.f32 v33, v28  }
0x66: {  	v35 =	vadd.f32 v60, v19;
	[tilespmem:s16+$0xFFFFFFD0] =	vst v37;
	v47 =	vmul.f32 v33, v26;
	v48 =	vmul.f32 v33, v24  }
0x67: {  	v38 =	vadd.f32 v62, v18;
	v49 =	vmul.f32 v33, v25;
	v33 =	vmul.f32 v33, v31;
	[tilespmem:s16+$0xFFFFFFA0] =	vst v36  }
0x68: {  	v50 =	vmul.f32 v34, v29;
	v51 =	vmul.f32 v34, v30;
	[tilespmem:s16+$0xFFFFFFB0] =	vst v35;
	v36 =	vadd.f32 v42, v23  }
0x69: {  	v52 =	vmul.f32 v34, v27;
	v53 =	vmul.f32 v34, v28;
	[tilespmem:s16+$0xFFFFFFC0] =	vst v38;
	v38 =	vadd.f32 v43, v21  }
0x6a: {  	v55 =	vmul.f32 v34, v26;
	v56 =	vmul.f32 v34, v24;
	v37 =	vadd.f32 v44, v20;
	[tilespmem:s16+$0x0] =	vst v36  }
0x6b: {  	v57 =	vmul.f32 v34, v25;
	v34 =	vmul.f32 v34, v31;
	v35 =	vadd.f32 v45, v19;
	[tilespmem:s16+$0x10] =	vst v38  }
0x6c: {  	v33 =	vadd.f32 v33, v22;
	[tilespmem:s16+$0x20] =	vst v37  }
0x6d: {  	v34 =	vadd.f32 v34, v22;
	[tilespmem:s16+$0x30] =	vst v35  }
0x6e: {  	v36 =	vadd.f32 v47, v18;
	[tilespmem:s16+$0x70] =	vst v33  }
0x6f: {  	v38 =	vadd.f32 v48, v17;
	[tilespmem:s16+$0xF0] =	vst v34  }
0x70: {  	v37 =	vadd.f32 v49, v16;
	[tilespmem:s16+$0x40] =	vst v36  }
0x71: {  	v54 =	vperm.xlane v32, v10;
	v35 =	vadd.f32 v50, v23;
	[tilespmem:s16+$0x50] =	vst v38  }
0x72: {  	[tilespmem:s16+$0x60] =	vst v37;
	v36 =	vadd.f32 v51, v21  }
0x73: {  	v33 =	vcvt.s32.f32 v54;
	v38 =	vadd.f32 v52, v20;
	[tilespmem:s16+$0x80] =	vst v35  }
0x74: {  	v37 =	vadd.f32 v53, v19;
	[tilespmem:s16+$0x90] =	vst v36  }
0x75: {  	v35 =	vadd.f32 v55, v18;
	v58 =	vmul.f32 v33, v29;
	v59 =	vmul.f32 v33, v30;
	[tilespmem:s16+$0xA0] =	vst v38  }
0x76: {  	v61 =	vmul.f32 v33, v27;
	v62 =	vmul.f32 v33, v28;
	v36 =	vadd.f32 v56, v17;
	[tilespmem:s16+$0xB0] =	vst v37  }
0x77: {  	v63 =	vmul.f32 v33, v26;
	v41 =	vmul.f32 v33, v24;
	v38 =	vadd.f32 v57, v16;
	[tilespmem:s16+$0xC0] =	vst v35  }
0x78: {  	v42 =	vmul.f32 v33, v25;
	v33 =	vmul.f32 v33, v31;
	v60 =	vadd.f32 v58, v23;
	[tilespmem:s16+$0xD0] =	vst v36  }
0x79: {  	v40 =	vperm.xlane v32, v11;
	v35 =	vadd.f32 v59, v21;
	[tilespmem:s16+$0xE0] =	vst v38  }
0x7a: {  	v47 =	vperm.xlane v32, v12;
	v33 =	vadd.f32 v33, v22;
	[tilespmem:s16+$0x100] =	vst v60  }
0x7b: {  	v37 =	vadd.f32 v61, v20;
	[tilespmem:s16+$0x110] =	vst v35;
	v36 =	vcvt.s32.f32 v40  }
0x7c: {  	v34 =	vadd.f32 v63, v18;
	[tilespmem:s16+$0x170] =	vst v33;
	v33 =	vcvt.s32.f32 v47  }
0x7d: {  	v38 =	vadd.f32 v62, v19;
	[tilespmem:s16+$0x120] =	vst v37;
	v43 =	vmul.f32 v36, v29;
	v44 =	vmul.f32 v36, v30  }
0x7e: {  	v35 =	vadd.f32 v41, v17;
	[tilespmem:s16+$0x140] =	vst v34;
	v45 =	vmul.f32 v36, v27;
	v46 =	vmul.f32 v36, v28  }
0x7f: {  	v37 =	vadd.f32 v42, v16;
	[tilespmem:s16+$0x130] =	vst v38;
	v48 =	vmul.f32 v36, v26;
	v49 =	vmul.f32 v36, v24  }
0x80: {  	[tilespmem:s16+$0x150] =	vst v35;
	v50 =	vmul.f32 v36, v25;
	v36 =	vmul.f32 v36, v31;
	v38 =	vadd.f32 v43, v23  }
0x81: {  	[tilespmem:s16+$0x160] =	vst v37;
	v51 =	vmul.f32 v33, v29;
	v52 =	vmul.f32 v33, v30;
	v34 =	vadd.f32 v44, v21  }
0x82: {  	v53 =	vmul.f32 v33, v27;
	v55 =	vmul.f32 v33, v28;
	v35 =	vadd.f32 v45, v20;
	[tilespmem:s16+$0x180] =	vst v38  }
0x83: {  	v57 =	vmul.f32 v33, v26;
	v58 =	vmul.f32 v33, v24;
	v37 =	vadd.f32 v46, v19;
	[tilespmem:s16+$0x190] =	vst v34  }
0x84: {  	v59 =	vmul.f32 v33, v25;
	v33 =	vmul.f32 v33, v31;
	v36 =	vadd.f32 v36, v22;
	[tilespmem:s16+$0x1A0] =	vst v35  }
0x85: {  	v54 =	vadd.f32 v52, v21;
	[tilespmem:s16+$0x1B0] =	vst v37  }
0x86: {  	v33 =	vadd.f32 v33, v22;
	[tilespmem:s16+$0x1F0] =	vst v36  }
0x87: {  	v38 =	vadd.f32 v48, v18;
	[tilespmem:s16+$0x210] =	vst v54  }
0x88: {  	v34 =	vadd.f32 v49, v17;
	[tilespmem:s16+$0x270] =	vst v33  }
0x89: {  	v35 =	vadd.f32 v50, v16;
	[tilespmem:s16+$0x1C0] =	vst v38  }
0x8a: {  	v56 =	vperm.xlane v32, v13;
	v37 =	vadd.f32 v51, v23;
	[tilespmem:s16+$0x1D0] =	vst v34  }
0x8b: {  	[tilespmem:s16+$0x1E0] =	vst v35;
	v34 =	vadd.f32 v53, v20  }
0x8c: {  	v36 =	vcvt.s32.f32 v56;
	[tilespmem:s16+$0x200] =	vst v37;
	v38 =	vadd.f32 v55, v19  }
0x8d: {  	v41 =	vperm.xlane v32, v14;
	v37 =	vadd.f32 v57, v18;
	[tilespmem:s16+$0x220] =	vst v34  }
0x8e: {  	v35 =	vadd.f32 v58, v17;
	v60 =	vmul.f32 v36, v29;
	[tilespmem:s16+$0x230] =	vst v38  }
0x8f: {  	v33 =	vcvt.s32.f32 v41;
	v61 =	vmul.f32 v36, v30;
	v34 =	vadd.f32 v59, v16;
	[tilespmem:s16+$0x240] =	vst v37  }
0x90: {  	v63 =	vmul.f32 v36, v27;
	v40 =	vmul.f32 v36, v28;
	[tilespmem:s16+$0x250] =	vst v35;
	v62 =	vadd.f32 v60, v23  }
0x91: {  	v42 =	vmul.f32 v36, v26;
	v43 =	vmul.f32 v36, v24;
	v37 =	vadd.f32 v61, v21;
	[tilespmem:s16+$0x260] =	vst v34  }
0x92: {  	v44 =	vmul.f32 v36, v25;
	v36 =	vmul.f32 v36, v31;
	v38 =	vadd.f32 v63, v20;
	[tilespmem:s16+$0x280] =	vst v62  }
0x93: {  	v47 =	vmul.f32 v33, v29;
	v48 =	vmul.f32 v33, v30;
	v35 =	vadd.f32 v42, v18;
	[tilespmem:s16+$0x290] =	vst v37  }
0x94: {  	v49 =	vmul.f32 v33, v27;
	v50 =	vmul.f32 v33, v28;
	v45 =	vadd.f32 v43, v17;
	[tilespmem:s16+$0x2A0] =	vst v38  }
0x95: {  	v51 =	vmul.f32 v33, v26;
	v53 =	vmul.f32 v33, v25;
	v46 =	vadd.f32 v44, v16;
	[tilespmem:s16+$0x2C0] =	vst v35  }
0x96: {  	v52 =	vmul.f32 v33, v24;
	v33 =	vmul.f32 v33, v31;
	v36 =	vadd.f32 v36, v22;
	[tilespmem:s16+$0x2D0] =	vst v45  }
0x97: {  	v32 =	vperm.xlane v32, v15;
	v54 =	vadd.f32 v53, v16;
	[tilespmem:s16+$0x2E0] =	vst v46  }
0x98: {  	v33 =	vadd.f32 v33, v22;
	[tilespmem:s16+$0x2F0] =	vst v36  }
0x99: {  	v32 =	vcvt.s32.f32 v32;
	v34 =	vadd.f32 v40, v19;
	[tilespmem:s16+$0x360] =	vst v54  }
0x9a: {  	v35 =	vadd.f32 v47, v23;
	[tilespmem:s16+$0x370] =	vst v33  }
0x9b: {  	v56 =	vmul.f32 v32, v30;
	v58 =	vmul.f32 v32, v28;
	v37 =	vadd.f32 v49, v20;
	[tilespmem:s16+$0x2B0] =	vst v34  }
0x9c: {  	v55 =	vmul.f32 v32, v29;
	v60 =	vmul.f32 v32, v24;
	v36 =	vadd.f32 v50, v19;
	[tilespmem:s16+$0x300] =	vst v35  }
0x9d: {  	v57 =	vmul.f32 v32, v27;
	v61 =	vmul.f32 v32, v25;
	v33 =	vadd.f32 v58, v19;
	[tilespmem:s16+$0x320] =	vst v37  }
0x9e: {  	v59 =	vmul.f32 v32, v26;
	v32 =	vmul.f32 v32, v31;
	v62 =	vadd.f32 v60, v17;
	[tilespmem:s16+$0x330] =	vst v36  }
0x9f: {  	v63 =	vadd.f32 v61, v16;
	[tilespmem:s16+$0x3B0] =	vst v33  }
0xa0: {  	v32 =	vadd.f32 v32, v22;
	[tilespmem:s16+$0x3D0] =	vst v62  }
0xa1: {  	v34 =	vadd.f32 v48, v21;
	[tilespmem:s16+$0x3E0] =	vst v63  }
0xa2: {  	v35 =	vadd.f32 v51, v18;
	[tilespmem:s16+$0x3F0] =	vst v32  }
0xa3: {  	v36 =	vadd.f32 v57, v20;
	[tilespmem:s16+$0x310] =	vst v34  }
0xa4: {  	v34 =	vadd.f32 v52, v17;
	[tilespmem:s16+$0x340] =	vst v35  }
0xa5: {  	v35 =	vadd.f32 v55, v23;
	[tilespmem:s16+$0x3A0] =	vst v36  }
0xa6: {  	[tilespmem:s16+$0x350] =	vst v34;
	v34 =	vadd.f32 v56, v21  }
0xa7: {  	[tilespmem:s16+$0x380] =	vst v35;
	v35 =	vadd.f32 v59, v18  }
0xa8: {  	[tilespmem:s16+$0x390] =	vst v34  }
0xa9: {  	s18 =	simm.s32 $0x10;
	s17 =	simm.s32 $0x80;
	[tilespmem:s16+$0x3C0] =	vst v35  }
.LBB2_2:
0xaa: {  	v32 =	vld [tilespmem:s18+$0x0]  }
0xab: {  	p0 =	sne.s32 s17, $0x3C0;
	_ =	sdelay $0x2  }
0xac: {  	v0 =	vimm.s32 $0x0  }
0xad: {  	v33 =	vperm.xlane v32, v0;
	v0 =	vimm.s32 $0x1  }
0xae: {  	v34 =	vperm.xlane v32, v0  }
0xaf: {  	v35 =	vperm.xlane v32, v2;
	v36 =	vperm.xlane v32, v3  }
0xb0: {  	v33 =	vcvt.s32.f32 v33;
	v34 =	vcvt.s32.f32 v34  }
0xb1: {  	v35 =	vcvt.s32.f32 v35;
	v36 =	vcvt.s32.f32 v36  }
0xb2: {  	v37 =	vmul.f32 v33, v29;
	v38 =	vmul.f32 v33, v30  }
0xb3: {  	v39 =	vmul.f32 v33, v27;
	v40 =	vmul.f32 v33, v28  }
0xb4: {  	v41 =	vmul.f32 v33, v26;
	v37 =	vadd.f32 v37, v23;
	v38 =	vadd.f32 v38, v21  }
0xb5: {  	s16 =	sadd.s32 $0x800, s16;
	v42 =	vmul.f32 v33, v24;
	v39 =	vadd.f32 v39, v20;
	v40 =	vadd.f32 v40, v19  }
0xb6: {  	[tilespmem:s16+$0xFFFFFC00] =	vst v37;
	v37 =	vadd.f32 v41, v18;
	v41 =	vmul.f32 v33, v25;
	v33 =	vmul.f32 v33, v31  }
0xb7: {  	v43 =	vmul.f32 v34, v30;
	[tilespmem:s16+$0xFFFFFC10] =	vst v38;
	v38 =	vadd.f32 v42, v17;
	v42 =	vmul.f32 v34, v29  }
0xb8: {  	[tilespmem:s16+$0xFFFFFC20] =	vst v39;
	v39 =	vadd.f32 v41, v16;
	v33 =	vadd.f32 v33, v22;
	v41 =	vmul.f32 v34, v27  }
0xb9: {  	[tilespmem:s16+$0xFFFFFC30] =	vst v40;
	v40 =	vadd.f32 v42, v23;
	v42 =	vadd.f32 v43, v21;
	v43 =	vmul.f32 v34, v28  }
0xba: {  	v44 =	vmul.f32 v34, v24;
	[tilespmem:s16+$0xFFFFFC40] =	vst v37;
	v37 =	vadd.f32 v41, v20;
	v41 =	vmul.f32 v34, v26  }
0xbb: {  	[tilespmem:s16+$0xFFFFFC50] =	vst v38;
	v38 =	vadd.f32 v43, v19;
	v43 =	vmul.f32 v34, v25;
	v34 =	vmul.f32 v34, v31  }
0xbc: {  	[tilespmem:s16+$0xFFFFFC60] =	vst v39;
	v39 =	vadd.f32 v41, v18;
	v41 =	vadd.f32 v44, v17;
	v44 =	vmul.f32 v35, v29  }
0xbd: {  	[tilespmem:s16+$0xFFFFFC70] =	vst v33;
	v33 =	vadd.f32 v43, v16;
	v34 =	vadd.f32 v34, v22;
	v43 =	vmul.f32 v35, v30  }
0xbe: {  	v45 =	vmul.f32 v35, v28;
	[tilespmem:s16+$0xFFFFFC80] =	vst v40;
	v40 =	vadd.f32 v44, v23;
	v44 =	vmul.f32 v35, v27  }
0xbf: {  	v46 =	vmul.f32 v35, v24;
	[tilespmem:s16+$0xFFFFFC90] =	vst v42;
	v42 =	vadd.f32 v43, v21;
	v43 =	vmul.f32 v35, v26  }
0xc0: {  	[tilespmem:s16+$0xFFFFFCA0] =	vst v37;
	v37 =	vadd.f32 v44, v20;
	v44 =	vadd.f32 v45, v19;
	v45 =	vmul.f32 v35, v25  }
0xc1: {  	v35 =	vmul.f32 v35, v31;
	[tilespmem:s16+$0xFFFFFCB0] =	vst v38;
	v38 =	vadd.f32 v43, v18;
	v43 =	vadd.f32 v46, v17  }
0xc2: {  	v46 =	vmul.f32 v36, v30;
	[tilespmem:s16+$0xFFFFFCC0] =	vst v39;
	v39 =	vadd.f32 v45, v16;
	v45 =	vmul.f32 v36, v29  }
0xc3: {  	v47 =	vmul.f32 v36, v28;
	v35 =	vadd.f32 v35, v22;
	[tilespmem:s16+$0xFFFFFCD0] =	vst v41;
	v41 =	vmul.f32 v36, v27  }
0xc4: {  	[tilespmem:s16+$0xFFFFFCE0] =	vst v33;
	v33 =	vadd.f32 v45, v23;
	v45 =	vadd.f32 v46, v21;
	v46 =	vmul.f32 v36, v26  }
0xc5: {  	[tilespmem:s16+$0xFFFFFCF0] =	vst v34;
	v34 =	vadd.f32 v41, v20;
	v41 =	vadd.f32 v47, v19;
	v47 =	vmul.f32 v36, v24  }
0xc6: {  	[tilespmem:s16+$0xFFFFFD00] =	vst v40;
	v40 =	vadd.f32 v46, v18;
	v46 =	vmul.f32 v36, v25;
	v36 =	vmul.f32 v36, v31  }
0xc7: {  	v48 =	vperm.xlane v32, v5;
	[tilespmem:s16+$0xFFFFFD10] =	vst v42;
	v42 =	vadd.f32 v47, v17;
	v47 =	vperm.xlane v32, v4  }
0xc8: {  	[tilespmem:s16+$0xFFFFFD20] =	vst v37;
	v37 =	vadd.f32 v46, v16;
	v36 =	vadd.f32 v36, v22;
	v46 =	vperm.xlane v32, v6  }
0xc9: {  	[tilespmem:s16+$0xFFFFFD30] =	vst v44;
	v44 =	vcvt.s32.f32 v47;
	v47 =	vcvt.s32.f32 v48  }
0xca: {  	[tilespmem:s16+$0xFFFFFD40] =	vst v38;
	v38 =	vcvt.s32.f32 v46;
	v46 =	vperm.xlane v32, v7  }
0xcb: {  	[tilespmem:s16+$0xFFFFFD50] =	vst v43;
	v43 =	vmul.f32 v44, v29;
	v48 =	vmul.f32 v44, v30  }
0xcc: {  	v49 =	vmul.f32 v44, v28;
	[tilespmem:s16+$0xFFFFFD60] =	vst v39;
	v39 =	vmul.f32 v44, v27  }
0xcd: {  	[tilespmem:s16+$0xFFFFFD70] =	vst v35;
	v35 =	vadd.f32 v43, v23;
	v43 =	vadd.f32 v48, v21;
	v48 =	vmul.f32 v44, v26  }
0xce: {  	[tilespmem:s16+$0xFFFFFD80] =	vst v33;
	v33 =	vadd.f32 v39, v20;
	v39 =	vadd.f32 v49, v19;
	v49 =	vmul.f32 v44, v24  }
0xcf: {  	[tilespmem:s16+$0xFFFFFD90] =	vst v45;
	v45 =	vadd.f32 v48, v18;
	v48 =	vmul.f32 v44, v25;
	v44 =	vmul.f32 v44, v31  }
0xd0: {  	v50 =	vmul.f32 v47, v30;
	[tilespmem:s16+$0xFFFFFDA0] =	vst v34;
	v34 =	vadd.f32 v49, v17;
	v49 =	vmul.f32 v47, v29  }
0xd1: {  	[tilespmem:s16+$0xFFFFFDB0] =	vst v41;
	v41 =	vadd.f32 v48, v16;
	v44 =	vadd.f32 v44, v22;
	v48 =	vmul.f32 v47, v27  }
0xd2: {  	[tilespmem:s16+$0xFFFFFDC0] =	vst v40;
	v40 =	vadd.f32 v49, v23;
	v49 =	vadd.f32 v50, v21;
	v50 =	vmul.f32 v47, v28  }
0xd3: {  	v51 =	vmul.f32 v47, v24;
	[tilespmem:s16+$0xFFFFFDD0] =	vst v42;
	v42 =	vadd.f32 v48, v20;
	v48 =	vmul.f32 v47, v26  }
0xd4: {  	[tilespmem:s16+$0xFFFFFDE0] =	vst v37;
	v37 =	vadd.f32 v50, v19;
	v50 =	vmul.f32 v47, v25;
	v47 =	vmul.f32 v47, v31  }
0xd5: {  	[tilespmem:s16+$0xFFFFFDF0] =	vst v36;
	v36 =	vadd.f32 v48, v18;
	v48 =	vadd.f32 v51, v17;
	v51 =	vmul.f32 v38, v29  }
0xd6: {  	[tilespmem:s16+$0xFFFFFE00] =	vst v35;
	v35 =	vadd.f32 v50, v16;
	v47 =	vadd.f32 v47, v22;
	v50 =	vmul.f32 v38, v30  }
0xd7: {  	v52 =	vmul.f32 v38, v28;
	[tilespmem:s16+$0xFFFFFE10] =	vst v43;
	v43 =	vadd.f32 v51, v23;
	v51 =	vmul.f32 v38, v27  }
0xd8: {  	v53 =	vmul.f32 v38, v24;
	[tilespmem:s16+$0xFFFFFE20] =	vst v33;
	v33 =	vadd.f32 v50, v21;
	v50 =	vmul.f32 v38, v26  }
0xd9: {  	[tilespmem:s16+$0xFFFFFE30] =	vst v39;
	v39 =	vadd.f32 v51, v20;
	v51 =	vadd.f32 v52, v19;
	v52 =	vmul.f32 v38, v25  }
0xda: {  	v38 =	vmul.f32 v38, v31;
	[tilespmem:s16+$0xFFFFFE40] =	vst v45;
	v45 =	vadd.f32 v50, v18;
	v50 =	vadd.f32 v53, v17  }
0xdb: {  	v46 =	vcvt.s32.f32 v46;
	[tilespmem:s16+$0xFFFFFE50] =	vst v34;
	v34 =	vadd.f32 v52, v16;
	v52 =	vperm.xlane v32, v8  }
0xdc: {  	v53 =	vperm.xlane v32, v10;
	v38 =	vadd.f32 v38, v22;
	[tilespmem:s16+$0xFFFFFE60] =	vst v41;
	v41 =	vperm.xlane v32, v9  }
0xdd: {  	v54 =	vmul.f32 v46, v30;
	[tilespmem:s16+$0xFFFFFE70] =	vst v44;
	v44 =	vmul.f32 v46, v29  }
0xde: {  	v55 =	vmul.f32 v46, v28;
	[tilespmem:s16+$0xFFFFFE80] =	vst v40;
	v40 =	vmul.f32 v46, v27  }
0xdf: {  	[tilespmem:s16+$0xFFFFFE90] =	vst v49;
	v44 =	vadd.f32 v44, v23;
	v49 =	vadd.f32 v54, v21;
	v54 =	vmul.f32 v46, v26  }
0xe0: {  	[tilespmem:s16+$0xFFFFFEA0] =	vst v42;
	v40 =	vadd.f32 v40, v20;
	v42 =	vadd.f32 v55, v19;
	v55 =	vmul.f32 v46, v24  }
0xe1: {  	[tilespmem:s16+$0xFFFFFEB0] =	vst v37;
	v37 =	vadd.f32 v54, v18;
	v54 =	vmul.f32 v46, v25;
	v46 =	vmul.f32 v46, v31  }
0xe2: {  	v52 =	vcvt.s32.f32 v52;
	v41 =	vcvt.s32.f32 v41;
	[tilespmem:s16+$0xFFFFFEC0] =	vst v36;
	v36 =	vadd.f32 v55, v17  }
0xe3: {  	v53 =	vcvt.s32.f32 v53;
	[tilespmem:s16+$0xFFFFFED0] =	vst v48;
	v48 =	vadd.f32 v54, v16;
	v46 =	vadd.f32 v46, v22  }
0xe4: {  	v54 =	vmul.f32 v52, v30;
	[tilespmem:s16+$0xFFFFFEE0] =	vst v35;
	v35 =	vmul.f32 v52, v29  }
0xe5: {  	v55 =	vmul.f32 v52, v28;
	[tilespmem:s16+$0xFFFFFEF0] =	vst v47;
	v47 =	vmul.f32 v52, v27  }
0xe6: {  	[tilespmem:s16+$0xFFFFFF00] =	vst v43;
	v35 =	vadd.f32 v35, v23;
	v43 =	vadd.f32 v54, v21;
	v54 =	vmul.f32 v52, v26  }
0xe7: {  	[tilespmem:s16+$0xFFFFFF10] =	vst v33;
	v33 =	vadd.f32 v47, v20;
	v47 =	vadd.f32 v55, v19;
	v55 =	vmul.f32 v52, v24  }
0xe8: {  	[tilespmem:s16+$0xFFFFFF20] =	vst v39;
	v39 =	vadd.f32 v54, v18;
	v54 =	vmul.f32 v52, v25;
	v52 =	vmul.f32 v52, v31  }
0xe9: {  	v56 =	vmul.f32 v41, v30;
	[tilespmem:s16+$0xFFFFFF30] =	vst v51;
	v51 =	vadd.f32 v55, v17;
	v55 =	vmul.f32 v41, v29  }
0xea: {  	[tilespmem:s16+$0xFFFFFF40] =	vst v45;
	v45 =	vadd.f32 v54, v16;
	v52 =	vadd.f32 v52, v22;
	v54 =	vmul.f32 v41, v27  }
0xeb: {  	[tilespmem:s16+$0xFFFFFF50] =	vst v50;
	v50 =	vadd.f32 v55, v23;
	v55 =	vadd.f32 v56, v21;
	v56 =	vmul.f32 v41, v28  }
0xec: {  	v57 =	vmul.f32 v41, v24;
	[tilespmem:s16+$0xFFFFFF60] =	vst v34;
	v34 =	vadd.f32 v54, v20;
	v54 =	vmul.f32 v41, v26  }
0xed: {  	[tilespmem:s16+$0xFFFFFF70] =	vst v38;
	v38 =	vadd.f32 v56, v19;
	v56 =	vmul.f32 v41, v25;
	v41 =	vmul.f32 v41, v31  }
0xee: {  	[tilespmem:s16+$0xFFFFFF80] =	vst v44;
	v44 =	vadd.f32 v54, v18;
	v54 =	vadd.f32 v57, v17;
	v57 =	vmul.f32 v53, v29  }
0xef: {  	[tilespmem:s16+$0xFFFFFF90] =	vst v49;
	v49 =	vadd.f32 v56, v16;
	v41 =	vadd.f32 v41, v22;
	v56 =	vmul.f32 v53, v30  }
0xf0: {  	v58 =	vmul.f32 v53, v28;
	[tilespmem:s16+$0xFFFFFFA0] =	vst v40;
	v40 =	vadd.f32 v57, v23;
	v57 =	vmul.f32 v53, v27  }
0xf1: {  	v59 =	vmul.f32 v53, v24;
	[tilespmem:s16+$0xFFFFFFB0] =	vst v42;
	v42 =	vadd.f32 v56, v21;
	v56 =	vmul.f32 v53, v26  }
0xf2: {  	[tilespmem:s16+$0xFFFFFFC0] =	vst v37;
	v37 =	vadd.f32 v57, v20;
	v57 =	vadd.f32 v58, v19;
	v58 =	vmul.f32 v53, v25  }
0xf3: {  	v53 =	vmul.f32 v53, v31;
	[tilespmem:s16+$0xFFFFFFD0] =	vst v36;
	v36 =	vadd.f32 v56, v18;
	v56 =	vadd.f32 v59, v17  }
0xf4: {  	v59 =	vperm.xlane v32, v12;
	[tilespmem:s16+$0xFFFFFFE0] =	vst v48;
	v48 =	vadd.f32 v58, v16;
	v58 =	vperm.xlane v32, v11  }
0xf5: {  	v60 =	vperm.xlane v32, v14;
	[tilespmem:s16+$0xFFFFFFF0] =	vst v46;
	v46 =	vadd.f32 v53, v22;
	v53 =	vperm.xlane v32, v13  }
0xf6: {  	[tilespmem:s16+$0x0] =	vst v35;
	v35 =	vcvt.s32.f32 v58;
	v58 =	vcvt.s32.f32 v59  }
0xf7: {  	[tilespmem:s16+$0x10] =	vst v43;
	v43 =	vcvt.s32.f32 v53;
	v53 =	vcvt.s32.f32 v60  }
0xf8: {  	[tilespmem:s16+$0x20] =	vst v33;
	v33 =	vmul.f32 v35, v29;
	v59 =	vmul.f32 v35, v30  }
0xf9: {  	v60 =	vmul.f32 v35, v28;
	[tilespmem:s16+$0x30] =	vst v47;
	v47 =	vmul.f32 v35, v27  }
0xfa: {  	[tilespmem:s16+$0x40] =	vst v39;
	v33 =	vadd.f32 v33, v23;
	v39 =	vadd.f32 v59, v21;
	v59 =	vmul.f32 v35, v26  }
0xfb: {  	[tilespmem:s16+$0x50] =	vst v51;
	v47 =	vadd.f32 v47, v20;
	v51 =	vadd.f32 v60, v19;
	v60 =	vmul.f32 v35, v24  }
0xfc: {  	[tilespmem:s16+$0x60] =	vst v45;
	v45 =	vadd.f32 v59, v18;
	v59 =	vmul.f32 v35, v25;
	v35 =	vmul.f32 v35, v31  }
0xfd: {  	v61 =	vmul.f32 v58, v30;
	[tilespmem:s16+$0x70] =	vst v52;
	v52 =	vadd.f32 v60, v17;
	v60 =	vmul.f32 v58, v29  }
0xfe: {  	[tilespmem:s16+$0x80] =	vst v50;
	v50 =	vadd.f32 v59, v16;
	v35 =	vadd.f32 v35, v22;
	v59 =	vmul.f32 v58, v27  }
0xff: {  	[tilespmem:s16+$0x90] =	vst v55;
	v55 =	vadd.f32 v60, v23;
	v60 =	vadd.f32 v61, v21;
	v61 =	vmul.f32 v58, v28  }
0x100: {  	v62 =	vmul.f32 v58, v24;
	[tilespmem:s16+$0xA0] =	vst v34;
	v34 =	vadd.f32 v59, v20;
	v59 =	vmul.f32 v58, v26  }
0x101: {  	[tilespmem:s16+$0xB0] =	vst v38;
	v38 =	vadd.f32 v61, v19;
	v61 =	vmul.f32 v58, v25;
	v58 =	vmul.f32 v58, v31  }
0x102: {  	[tilespmem:s16+$0xC0] =	vst v44;
	v44 =	vadd.f32 v59, v18;
	v59 =	vadd.f32 v62, v17;
	v62 =	vmul.f32 v43, v29  }
0x103: {  	[tilespmem:s16+$0xD0] =	vst v54;
	v54 =	vadd.f32 v61, v16;
	v58 =	vadd.f32 v58, v22;
	v61 =	vmul.f32 v43, v30  }
0x104: {  	v63 =	vmul.f32 v43, v28;
	[tilespmem:s16+$0xE0] =	vst v49;
	v49 =	vadd.f32 v62, v23;
	v62 =	vmul.f32 v43, v27  }
0x105: {  	v0 =	vmul.f32 v43, v24;
	[tilespmem:s16+$0xF0] =	vst v41;
	v41 =	vadd.f32 v61, v21;
	v61 =	vmul.f32 v43, v26  }
0x106: {  	[tilespmem:s16+$0x100] =	vst v40;
	v40 =	vadd.f32 v62, v20;
	v62 =	vadd.f32 v63, v19;
	v63 =	vmul.f32 v43, v25  }
0x107: {  	v0 =	vadd.f32 v0, v17;
	v43 =	vmul.f32 v43, v31;
	[tilespmem:s16+$0x110] =	vst v42;
	v42 =	vadd.f32 v61, v18  }
0x108: {  	v61 =	vmul.f32 v53, v29;
	[tilespmem:s16+$0x120] =	vst v37;
	v37 =	vadd.f32 v63, v16;
	v63 =	vmul.f32 v53, v30  }
0x109: {  	v1 =	vmul.f32 v53, v28;
	v43 =	vadd.f32 v43, v22;
	[tilespmem:s16+$0x130] =	vst v57;
	v57 =	vmul.f32 v53, v27  }
0x10a: {  	[tilespmem:s16+$0x140] =	vst v36;
	v36 =	vadd.f32 v61, v23;
	v61 =	vadd.f32 v63, v21;
	v63 =	vmul.f32 v53, v26  }
0x10b: {  	v1 =	vadd.f32 v1, v19;
	[tilespmem:s16+$0x150] =	vst v56;
	v56 =	vadd.f32 v57, v20;
	v57 =	vmul.f32 v53, v24  }
0x10c: {  	[tilespmem:s16+$0x160] =	vst v48;
	v48 =	vadd.f32 v63, v18;
	v63 =	vmul.f32 v53, v25;
	v53 =	vmul.f32 v53, v31  }
0x10d: {  	v32 =	vperm.xlane v32, v15;
	[tilespmem:s16+$0x170] =	vst v46;
	v46 =	vadd.f32 v57, v17  }
0x10e: {  	[tilespmem:s16+$0x180] =	vst v33;
	v33 =	vadd.f32 v63, v16;
	v53 =	vadd.f32 v53, v22  }
0x10f: {  	v32 =	vcvt.s32.f32 v32;
	[tilespmem:s16+$0x190] =	vst v39  }
0x110: {  	[tilespmem:s16+$0x1A0] =	vst v47  }
0x111: {  	v39 =	vmul.f32 v32, v29;
	v47 =	vmul.f32 v32, v30;
	[tilespmem:s16+$0x1B0] =	vst v51  }
0x112: {  	v51 =	vmul.f32 v32, v28;
	[tilespmem:s16+$0x1C0] =	vst v45;
	v45 =	vmul.f32 v32, v27  }
0x113: {  	v39 =	vadd.f32 v39, v23;
	v47 =	vadd.f32 v47, v21;
	[tilespmem:s16+$0x1D0] =	vst v52;
	v52 =	vmul.f32 v32, v26  }
0x114: {  	[tilespmem:s16+$0x1E0] =	vst v50;
	v45 =	vadd.f32 v45, v20;
	v50 =	vadd.f32 v51, v19;
	v51 =	vmul.f32 v32, v24  }
0x115: {  	[tilespmem:s16+$0x1F0] =	vst v35;
	v35 =	vadd.f32 v52, v18;
	v52 =	vmul.f32 v32, v25;
	v32 =	vmul.f32 v32, v31  }
0x116: {  	[tilespmem:s16+$0x200] =	vst v55;
	v51 =	vadd.f32 v51, v17  }
0x117: {  	[tilespmem:s16+$0x210] =	vst v60;
	v52 =	vadd.f32 v52, v16;
	v32 =	vadd.f32 v32, v22  }
0x118: {  	[tilespmem:s16+$0x220] =	vst v34  }
0x119: {  	[tilespmem:s16+$0x230] =	vst v38  }
0x11a: {  	[tilespmem:s16+$0x240] =	vst v44  }
0x11b: {  	[tilespmem:s16+$0x250] =	vst v59  }
0x11c: {  	[tilespmem:s16+$0x260] =	vst v54  }
0x11d: {  	[tilespmem:s16+$0x270] =	vst v58  }
0x11e: {  	[tilespmem:s16+$0x280] =	vst v49  }
0x11f: {  	[tilespmem:s16+$0x290] =	vst v41  }
0x120: {  	[tilespmem:s16+$0x2A0] =	vst v40  }
0x121: {  	[tilespmem:s16+$0x2B0] =	vst v62  }
0x122: {  	[tilespmem:s16+$0x2C0] =	vst v42  }
0x123: {  	[tilespmem:s16+$0x2D0] =	vst v0  }
0x124: {  	[tilespmem:s16+$0x2E0] =	vst v37  }
0x125: {  	[tilespmem:s16+$0x2F0] =	vst v43  }
0x126: {  	[tilespmem:s16+$0x300] =	vst v36  }
0x127: {  	[tilespmem:s16+$0x310] =	vst v61  }
0x128: {  	[tilespmem:s16+$0x320] =	vst v56  }
0x129: {  	[tilespmem:s16+$0x330] =	vst v1  }
0x12a: {  	[tilespmem:s16+$0x340] =	vst v48  }
0x12b: {  	[tilespmem:s16+$0x350] =	vst v46  }
0x12c: {  	[tilespmem:s16+$0x360] =	vst v33  }
0x12d: {  	[tilespmem:s16+$0x370] =	vst v53  }
0x12e: {  	[tilespmem:s16+$0x380] =	vst v39  }
0x12f: {  	[tilespmem:s16+$0x390] =	vst v47  }
0x130: {  	[tilespmem:s16+$0x3A0] =	vst v45  }
.Ltmp0:
0x131: {  	[tilespmem:s16+$0x3B0] =	vst v50;
	(pc) =	sbr.rel @p0 .LBB2_2-.Ltmp0, $4  }
0x132: {  	[tilespmem:s16+$0x3C0] =	vst v35  }
0x133: {  	[tilespmem:s16+$0x3D0] =	vst v51  }
0x134: {  	[tilespmem:s16+$0x3E0] =	vst v52  }
0x135: {  	s18 =	sshra.s32 s17, $0x2;
	s17 =	sadd.s32 $0x40, s17;
	[tilespmem:s16+$0x3F0] =	vst v32  }
0x136: {  	v32 =	vld [tilespmem:s18+$0x0];
	_ =	sdelay $0x3  }
0x137: {  	v0 =	vimm.s32 $0x0  }
0x138: {  	v0 =	vperm.xlane v32, v0;
	_ =	sdelay $0x1  }
0x139: {  	v0 =	vcvt.s32.f32 v0;
	_ =	sdelay $0x1  }
0x13a: {  	v1 =	vmul.f32 v0, v29  }
0x13b: {  	v36 =	vimm.s32 $0x1;
	v33 =	vmul.f32 v0, v30  }
0x13c: {  	v36 =	vperm.xlane v32, v36;
	v34 =	vmul.f32 v0, v27;
	v1 =	vadd.f32 v1, v23  }
0x13d: {  	s16 =	sadd.s32 $0x800, s16;
	v35 =	vmul.f32 v0, v28;
	v33 =	vadd.f32 v33, v21  }
0x13e: {  	v36 =	vcvt.s32.f32 v36;
	v61 =	vmul.f32 v0, v24;
	v34 =	vadd.f32 v34, v20;
	[tilespmem:s16+$0xFFFFFC00] =	vst v1  }
0x13f: {  	v62 =	vmul.f32 v0, v25;
	v35 =	vadd.f32 v35, v19;
	[tilespmem:s16+$0xFFFFFC10] =	vst v33  }
0x140: {  	v63 =	vmul.f32 v36, v29;
	[tilespmem:s16+$0xFFFFFC20] =	vst v34;
	v33 =	vadd.f32 v61, v17  }
0x141: {  	v1 =	vmul.f32 v0, v26;
	[tilespmem:s16+$0xFFFFFC30] =	vst v35;
	v34 =	vadd.f32 v62, v16  }
0x142: {  	v39 =	vmul.f32 v36, v26;
	v35 =	vadd.f32 v63, v23;
	[tilespmem:s16+$0xFFFFFC50] =	vst v33  }
0x143: {  	v0 =	vmul.f32 v0, v31;
	v1 =	vadd.f32 v1, v18;
	[tilespmem:s16+$0xFFFFFC60] =	vst v34  }
0x144: {  	v46 =	vperm.xlane v32, v3;
	v37 =	vmul.f32 v36, v27;
	[tilespmem:s16+$0xFFFFFC80] =	vst v35;
	v35 =	vadd.f32 v39, v18  }
0x145: {  	v0 =	vadd.f32 v0, v22;
	[tilespmem:s16+$0xFFFFFC40] =	vst v1;
	v1 =	vmul.f32 v36, v30  }
0x146: {  	v38 =	vmul.f32 v36, v28;
	v33 =	vadd.f32 v37, v20;
	[tilespmem:s16+$0xFFFFFCC0] =	vst v35;
	v35 =	vcvt.s32.f32 v46  }
0x147: {  	v40 =	vmul.f32 v36, v25;
	[tilespmem:s16+$0xFFFFFC70] =	vst v0;
	v0 =	vperm.xlane v32, v2;
	v1 =	vadd.f32 v1, v21  }
0x148: {  	v34 =	vadd.f32 v38, v19;
	[tilespmem:s16+$0xFFFFFCA0] =	vst v33;
	v54 =	vmul.f32 v35, v25  }
0x149: {  	v33 =	vadd.f32 v40, v16;
	v0 =	vcvt.s32.f32 v0;
	[tilespmem:s16+$0xFFFFFC90] =	vst v1;
	v1 =	vmul.f32 v36, v24  }
0x14a: {  	[tilespmem:s16+$0xFFFFFCB0] =	vst v34;
	v36 =	vmul.f32 v36, v31;
	v55 =	vadd.f32 v54, v16  }
0x14b: {  	[tilespmem:s16+$0xFFFFFCE0] =	vst v33;
	v43 =	vmul.f32 v0, v30;
	v1 =	vadd.f32 v1, v17  }
0x14c: {  	v41 =	vmul.f32 v0, v29;
	v42 =	vadd.f32 v36, v22;
	[tilespmem:s16+$0xFFFFFDE0] =	vst v55  }
0x14d: {  	v44 =	vmul.f32 v0, v27;
	v36 =	vadd.f32 v43, v21;
	[tilespmem:s16+$0xFFFFFCD0] =	vst v1  }
0x14e: {  	v45 =	vmul.f32 v0, v28;
	v1 =	vadd.f32 v41, v23;
	[tilespmem:s16+$0xFFFFFCF0] =	vst v42  }
0x14f: {  	v48 =	vmul.f32 v0, v25;
	v34 =	vadd.f32 v44, v20;
	[tilespmem:s16+$0xFFFFFD10] =	vst v36  }
0x150: {  	v33 =	vadd.f32 v45, v19;
	[tilespmem:s16+$0xFFFFFD00] =	vst v1;
	v1 =	vmul.f32 v0, v26  }
0x151: {  	v47 =	vmul.f32 v0, v24;
	v49 =	vadd.f32 v48, v16;
	[tilespmem:s16+$0xFFFFFD20] =	vst v34  }
0x152: {  	v50 =	vmul.f32 v35, v29;
	[tilespmem:s16+$0xFFFFFD30] =	vst v33;
	v1 =	vadd.f32 v1, v18  }
0x153: {  	v36 =	vadd.f32 v47, v17;
	[tilespmem:s16+$0xFFFFFD60] =	vst v49;
	v0 =	vmul.f32 v0, v31  }
0x154: {  	v34 =	vadd.f32 v50, v23;
	[tilespmem:s16+$0xFFFFFD40] =	vst v1;
	v1 =	vmul.f32 v35, v30  }
0x155: {  	v53 =	vperm.xlane v32, v4;
	v52 =	vmul.f32 v35, v28;
	[tilespmem:s16+$0xFFFFFD50] =	vst v36;
	v0 =	vadd.f32 v0, v22  }
0x156: {  	v51 =	vmul.f32 v35, v27;
	[tilespmem:s16+$0xFFFFFD80] =	vst v34;
	v1 =	vadd.f32 v1, v21  }
0x157: {  	v33 =	vadd.f32 v52, v19;
	v34 =	vcvt.s32.f32 v53;
	[tilespmem:s16+$0xFFFFFD70] =	vst v0;
	v0 =	vmul.f32 v35, v26  }
0x158: {  	v36 =	vadd.f32 v51, v20;
	[tilespmem:s16+$0xFFFFFD90] =	vst v1;
	v1 =	vmul.f32 v35, v24  }
0x159: {  	[tilespmem:s16+$0xFFFFFDB0] =	vst v33;
	v56 =	vmul.f32 v34, v29;
	v0 =	vadd.f32 v0, v18  }
0x15a: {  	[tilespmem:s16+$0xFFFFFDA0] =	vst v36;
	v35 =	vmul.f32 v35, v31;
	v1 =	vadd.f32 v1, v17  }
0x15b: {  	v58 =	vmul.f32 v34, v28;
	v36 =	vadd.f32 v56, v23;
	[tilespmem:s16+$0xFFFFFDC0] =	vst v0  }
0x15c: {  	v0 =	vadd.f32 v35, v22;
	[tilespmem:s16+$0xFFFFFDD0] =	vst v1;
	v1 =	vmul.f32 v34, v27  }
0x15d: {  	v57 =	vmul.f32 v34, v30;
	v33 =	vadd.f32 v58, v19;
	[tilespmem:s16+$0xFFFFFE00] =	vst v36  }
0x15e: {  	v59 =	vmul.f32 v34, v26;
	[tilespmem:s16+$0xFFFFFDF0] =	vst v0;
	v0 =	vperm.xlane v32, v5;
	v1 =	vadd.f32 v1, v20  }
0x15f: {  	v60 =	vmul.f32 v34, v24;
	[tilespmem:s16+$0xFFFFFE30] =	vst v33;
	v35 =	vadd.f32 v57, v21  }
0x160: {  	v36 =	vadd.f32 v59, v18;
	v0 =	vcvt.s32.f32 v0;
	[tilespmem:s16+$0xFFFFFE20] =	vst v1;
	v1 =	vmul.f32 v34, v25  }
0x161: {  	[tilespmem:s16+$0xFFFFFE10] =	vst v35;
	v35 =	vadd.f32 v60, v17;
	v34 =	vmul.f32 v34, v31  }
0x162: {  	[tilespmem:s16+$0xFFFFFE40] =	vst v36;
	v61 =	vmul.f32 v0, v29;
	v1 =	vadd.f32 v1, v16  }
0x163: {  	[tilespmem:s16+$0xFFFFFE50] =	vst v35;
	v62 =	vmul.f32 v0, v30;
	v34 =	vadd.f32 v34, v22  }
0x164: {  	v63 =	vmul.f32 v0, v27;
	v33 =	vadd.f32 v61, v23;
	[tilespmem:s16+$0xFFFFFE60] =	vst v1  }
0x165: {  	v41 =	vperm.xlane v32, v6;
	v40 =	vmul.f32 v0, v28;
	v1 =	vadd.f32 v62, v21;
	[tilespmem:s16+$0xFFFFFE70] =	vst v34  }
0x166: {  	v42 =	vmul.f32 v0, v26;
	v43 =	vmul.f32 v0, v25;
	v35 =	vadd.f32 v63, v20;
	[tilespmem:s16+$0xFFFFFE80] =	vst v33  }
0x167: {  	v36 =	vadd.f32 v40, v19;
	[tilespmem:s16+$0xFFFFFE90] =	vst v1;
	v1 =	vmul.f32 v0, v24;
	v0 =	vmul.f32 v0, v31  }
0x168: {  	v34 =	vcvt.s32.f32 v41;
	[tilespmem:s16+$0xFFFFFEA0] =	vst v35;
	v33 =	vadd.f32 v42, v18  }
0x169: {  	[tilespmem:s16+$0xFFFFFEB0] =	vst v36;
	v0 =	vadd.f32 v0, v22  }
0x16a: {  	v44 =	vmul.f32 v34, v29;
	[tilespmem:s16+$0xFFFFFEC0] =	vst v33;
	v45 =	vmul.f32 v34, v30;
	v1 =	vadd.f32 v1, v17  }
0x16b: {  	v35 =	vadd.f32 v43, v16;
	v46 =	vmul.f32 v34, v27;
	[tilespmem:s16+$0xFFFFFEF0] =	vst v0;
	v0 =	vperm.xlane v32, v7  }
0x16c: {  	v47 =	vmul.f32 v34, v28;
	v48 =	vmul.f32 v34, v24;
	[tilespmem:s16+$0xFFFFFED0] =	vst v1;
	v1 =	vadd.f32 v44, v23  }
0x16d: {  	[tilespmem:s16+$0xFFFFFEE0] =	vst v35;
	v49 =	vmul.f32 v34, v25;
	v33 =	vadd.f32 v45, v21;
	v0 =	vcvt.s32.f32 v0  }
0x16e: {  	v36 =	vadd.f32 v46, v20;
	[tilespmem:s16+$0xFFFFFF00] =	vst v1;
	v1 =	vmul.f32 v34, v26;
	v34 =	vmul.f32 v34, v31  }
0x16f: {  	v35 =	vadd.f32 v47, v19;
	[tilespmem:s16+$0xFFFFFF10] =	vst v33;
	v51 =	vmul.f32 v0, v29;
	v52 =	vmul.f32 v0, v30  }
0x170: {  	v50 =	vadd.f32 v49, v16;
	[tilespmem:s16+$0xFFFFFF20] =	vst v36;
	v53 =	vmul.f32 v0, v27;
	v54 =	vmul.f32 v0, v28  }
0x171: {  	[tilespmem:s16+$0xFFFFFF30] =	vst v35;
	v1 =	vadd.f32 v1, v18;
	v55 =	vmul.f32 v0, v26;
	v56 =	vmul.f32 v0, v24  }
0x172: {  	v33 =	vadd.f32 v48, v17;
	[tilespmem:s16+$0xFFFFFF60] =	vst v50;
	v57 =	vmul.f32 v0, v25;
	v0 =	vmul.f32 v0, v31  }
0x173: {  	[tilespmem:s16+$0xFFFFFF40] =	vst v1;
	v1 =	vadd.f32 v34, v22  }
0x174: {  	[tilespmem:s16+$0xFFFFFF50] =	vst v33;
	v0 =	vadd.f32 v0, v22  }
0x175: {  	v36 =	vadd.f32 v51, v23;
	[tilespmem:s16+$0xFFFFFF70] =	vst v1;
	v1 =	vperm.xlane v32, v8  }
0x176: {  	v34 =	vadd.f32 v52, v21;
	[tilespmem:s16+$0xFFFFFFF0] =	vst v0;
	v0 =	vperm.xlane v32, v9  }
0x177: {  	v33 =	vadd.f32 v53, v20;
	[tilespmem:s16+$0xFFFFFF80] =	vst v36;
	v1 =	vcvt.s32.f32 v1  }
0x178: {  	v35 =	vadd.f32 v54, v19;
	[tilespmem:s16+$0xFFFFFF90] =	vst v34;
	v0 =	vcvt.s32.f32 v0  }
0x179: {  	v36 =	vadd.f32 v55, v18;
	[tilespmem:s16+$0xFFFFFFA0] =	vst v33;
	v58 =	vmul.f32 v1, v29;
	v59 =	vmul.f32 v1, v30  }
0x17a: {  	v34 =	vadd.f32 v56, v17;
	[tilespmem:s16+$0xFFFFFFB0] =	vst v35;
	v60 =	vmul.f32 v1, v27;
	v61 =	vmul.f32 v1, v28  }
0x17b: {  	v33 =	vadd.f32 v57, v16;
	[tilespmem:s16+$0xFFFFFFC0] =	vst v36;
	v62 =	vmul.f32 v1, v26;
	v63 =	vmul.f32 v1, v24  }
0x17c: {  	[tilespmem:s16+$0xFFFFFFD0] =	vst v34;
	v40 =	vmul.f32 v1, v25;
	v1 =	vmul.f32 v1, v31;
	v35 =	vadd.f32 v58, v23  }
0x17d: {  	[tilespmem:s16+$0xFFFFFFE0] =	vst v33;
	v41 =	vmul.f32 v0, v29;
	v42 =	vmul.f32 v0, v30;
	v36 =	vadd.f32 v59, v21  }
0x17e: {  	v43 =	vmul.f32 v0, v27;
	v45 =	vmul.f32 v0, v28;
	v34 =	vadd.f32 v60, v20;
	[tilespmem:s16+$0x0] =	vst v35  }
0x17f: {  	v46 =	vmul.f32 v0, v26;
	v47 =	vmul.f32 v0, v24;
	v33 =	vadd.f32 v61, v19;
	[tilespmem:s16+$0x10] =	vst v36  }
0x180: {  	v48 =	vmul.f32 v0, v25;
	v0 =	vmul.f32 v0, v31;
	v1 =	vadd.f32 v1, v22;
	[tilespmem:s16+$0x20] =	vst v34  }
0x181: {  	v44 =	vadd.f32 v42, v21;
	[tilespmem:s16+$0x30] =	vst v33  }
0x182: {  	v0 =	vadd.f32 v0, v22;
	[tilespmem:s16+$0x70] =	vst v1  }
0x183: {  	v35 =	vadd.f32 v62, v18;
	[tilespmem:s16+$0x90] =	vst v44  }
0x184: {  	v36 =	vadd.f32 v63, v17;
	[tilespmem:s16+$0xF0] =	vst v0  }
0x185: {  	v34 =	vadd.f32 v40, v16;
	[tilespmem:s16+$0x40] =	vst v35  }
0x186: {  	v33 =	vadd.f32 v41, v23;
	v1 =	vperm.xlane v32, v10;
	[tilespmem:s16+$0x50] =	vst v36  }
0x187: {  	[tilespmem:s16+$0x60] =	vst v34;
	v36 =	vadd.f32 v43, v20  }
0x188: {  	[tilespmem:s16+$0x80] =	vst v33;
	v35 =	vadd.f32 v45, v19;
	v1 =	vcvt.s32.f32 v1  }
0x189: {  	v33 =	vadd.f32 v46, v18;
	[tilespmem:s16+$0xA0] =	vst v36  }
0x18a: {  	v34 =	vadd.f32 v47, v17;
	[tilespmem:s16+$0xB0] =	vst v35;
	v49 =	vmul.f32 v1, v29  }
0x18b: {  	v36 =	vadd.f32 v48, v16;
	[tilespmem:s16+$0xC0] =	vst v33;
	v50 =	vmul.f32 v1, v30  }
0x18c: {  	[tilespmem:s16+$0xD0] =	vst v34;
	v52 =	vmul.f32 v1, v27;
	v51 =	vadd.f32 v49, v23  }
0x18d: {  	v53 =	vmul.f32 v1, v28;
	[tilespmem:s16+$0xE0] =	vst v36;
	v33 =	vadd.f32 v50, v21  }
0x18e: {  	v54 =	vperm.xlane v32, v11;
	v0 =	vmul.f32 v1, v26;
	v35 =	vadd.f32 v52, v20;
	[tilespmem:s16+$0x100] =	vst v51  }
0x18f: {  	v55 =	vmul.f32 v1, v24;
	v36 =	vadd.f32 v53, v19;
	[tilespmem:s16+$0x110] =	vst v33  }
0x190: {  	v56 =	vmul.f32 v1, v25;
	v34 =	vcvt.s32.f32 v54;
	v0 =	vadd.f32 v0, v18;
	[tilespmem:s16+$0x120] =	vst v35  }
0x191: {  	v1 =	vmul.f32 v1, v31;
	v33 =	vadd.f32 v55, v17;
	[tilespmem:s16+$0x130] =	vst v36  }
0x192: {  	v57 =	vmul.f32 v34, v29;
	v35 =	vadd.f32 v56, v16;
	[tilespmem:s16+$0x140] =	vst v0  }
0x193: {  	v0 =	vadd.f32 v1, v22;
	v1 =	vmul.f32 v34, v30;
	[tilespmem:s16+$0x150] =	vst v33  }
0x194: {  	v58 =	vmul.f32 v34, v27;
	v36 =	vadd.f32 v57, v23;
	[tilespmem:s16+$0x160] =	vst v35  }
0x195: {  	v59 =	vmul.f32 v34, v28;
	v1 =	vadd.f32 v1, v21;
	[tilespmem:s16+$0x170] =	vst v0  }
0x196: {  	v60 =	vmul.f32 v34, v26;
	v0 =	vperm.xlane v32, v12;
	[tilespmem:s16+$0x180] =	vst v36;
	v33 =	vadd.f32 v58, v20  }
0x197: {  	v61 =	vmul.f32 v34, v25;
	v35 =	vadd.f32 v59, v19;
	[tilespmem:s16+$0x190] =	vst v1  }
0x198: {  	v36 =	vadd.f32 v60, v18;
	v1 =	vmul.f32 v34, v24;
	v0 =	vcvt.s32.f32 v0;
	[tilespmem:s16+$0x1A0] =	vst v33  }
0x199: {  	v34 =	vmul.f32 v34, v31;
	[tilespmem:s16+$0x1B0] =	vst v35;
	v33 =	vadd.f32 v61, v16  }
0x19a: {  	[tilespmem:s16+$0x1C0] =	vst v36;
	v1 =	vadd.f32 v1, v17;
	v62 =	vmul.f32 v0, v29  }
0x19b: {  	v63 =	vmul.f32 v0, v30;
	v34 =	vadd.f32 v34, v22;
	[tilespmem:s16+$0x1E0] =	vst v33  }
0x19c: {  	v42 =	vperm.xlane v32, v13;
	v41 =	vmul.f32 v0, v28;
	[tilespmem:s16+$0x1D0] =	vst v1;
	v35 =	vadd.f32 v62, v23  }
0x19d: {  	v1 =	vmul.f32 v0, v27;
	v40 =	vadd.f32 v63, v21;
	[tilespmem:s16+$0x1F0] =	vst v34  }
0x19e: {  	v44 =	vmul.f32 v0, v24;
	v36 =	vadd.f32 v41, v19;
	v34 =	vcvt.s32.f32 v42;
	[tilespmem:s16+$0x200] =	vst v35  }
0x19f: {  	v43 =	vmul.f32 v0, v26;
	v1 =	vadd.f32 v1, v20;
	[tilespmem:s16+$0x210] =	vst v40  }
0x1a0: {  	v33 =	vadd.f32 v44, v17;
	[tilespmem:s16+$0x230] =	vst v36;
	v45 =	vmul.f32 v34, v29  }
0x1a1: {  	v35 =	vadd.f32 v43, v18;
	[tilespmem:s16+$0x220] =	vst v1;
	v1 =	vmul.f32 v0, v25  }
0x1a2: {  	[tilespmem:s16+$0x250] =	vst v33;
	v0 =	vmul.f32 v0, v31;
	v47 =	vadd.f32 v45, v23  }
0x1a3: {  	v46 =	vmul.f32 v34, v30;
	[tilespmem:s16+$0x240] =	vst v35;
	v1 =	vadd.f32 v1, v16  }
0x1a4: {  	v48 =	vmul.f32 v34, v27;
	v0 =	vadd.f32 v0, v22;
	[tilespmem:s16+$0x280] =	vst v47  }
0x1a5: {  	v49 =	vmul.f32 v34, v26;
	v35 =	vadd.f32 v46, v21;
	[tilespmem:s16+$0x260] =	vst v1  }
0x1a6: {  	v36 =	vadd.f32 v48, v20;
	v1 =	vmul.f32 v34, v28;
	[tilespmem:s16+$0x270] =	vst v0;
	v0 =	vperm.xlane v32, v14  }
0x1a7: {  	v51 =	vmul.f32 v34, v25;
	v33 =	vadd.f32 v49, v18;
	[tilespmem:s16+$0x290] =	vst v35  }
0x1a8: {  	v50 =	vmul.f32 v34, v24;
	[tilespmem:s16+$0x2A0] =	vst v36;
	v1 =	vadd.f32 v1, v19;
	v0 =	vcvt.s32.f32 v0  }
0x1a9: {  	v52 =	vadd.f32 v51, v16;
	[tilespmem:s16+$0x2C0] =	vst v33;
	v34 =	vmul.f32 v34, v31  }
0x1aa: {  	[tilespmem:s16+$0x2B0] =	vst v1;
	v1 =	vadd.f32 v50, v17;
	v53 =	vmul.f32 v0, v29  }
0x1ab: {  	[tilespmem:s16+$0x2E0] =	vst v52;
	v34 =	vadd.f32 v34, v22;
	v54 =	vmul.f32 v0, v27  }
0x1ac: {  	[tilespmem:s16+$0x2D0] =	vst v1;
	v1 =	vmul.f32 v0, v30;
	v33 =	vadd.f32 v53, v23  }
0x1ad: {  	[tilespmem:s16+$0x2F0] =	vst v34;
	v55 =	vmul.f32 v0, v28;
	v35 =	vadd.f32 v54, v20  }
0x1ae: {  	v32 =	vperm.xlane v32, v15;
	v57 =	vmul.f32 v0, v25;
	v1 =	vadd.f32 v1, v21;
	[tilespmem:s16+$0x300] =	vst v33  }
0x1af: {  	v56 =	vmul.f32 v0, v26;
	v34 =	vadd.f32 v55, v19;
	[tilespmem:s16+$0x320] =	vst v35  }
0x1b0: {  	v32 =	vcvt.s32.f32 v32;
	v58 =	vadd.f32 v57, v16;
	[tilespmem:s16+$0x310] =	vst v1;
	v1 =	vmul.f32 v0, v24  }
0x1b1: {  	v33 =	vadd.f32 v56, v18;
	[tilespmem:s16+$0x330] =	vst v34;
	v0 =	vmul.f32 v0, v31  }
0x1b2: {  	v62 =	vmul.f32 v32, v25;
	[tilespmem:s16+$0x360] =	vst v58;
	v1 =	vadd.f32 v1, v17  }
0x1b3: {  	v59 =	vmul.f32 v32, v29;
	[tilespmem:s16+$0x340] =	vst v33;
	v0 =	vadd.f32 v0, v22  }
0x1b4: {  	v63 =	vadd.f32 v62, v16;
	[tilespmem:s16+$0x350] =	vst v1;
	v1 =	vmul.f32 v32, v30  }
0x1b5: {  	v33 =	vadd.f32 v59, v23;
	[tilespmem:s16+$0x370] =	vst v0;
	v0 =	vmul.f32 v32, v28  }
0x1b6: {  	v60 =	vmul.f32 v32, v27;
	[tilespmem:s16+$0x3E0] =	vst v63;
	v1 =	vadd.f32 v1, v21  }
0x1b7: {  	v61 =	vmul.f32 v32, v26;
	[tilespmem:s16+$0x380] =	vst v33;
	v0 =	vadd.f32 v0, v19  }
0x1b8: {  	v34 =	vadd.f32 v60, v20;
	[tilespmem:s16+$0x390] =	vst v1;
	v1 =	vmul.f32 v32, v24  }
0x1b9: {  	v33 =	vadd.f32 v61, v18;
	[tilespmem:s16+$0x3B0] =	vst v0;
	v0 =	vmul.f32 v32, v31  }
0x1ba: {  	[tilespmem:s16+$0x3A0] =	vst v34;
	v1 =	vadd.f32 v1, v17  }
0x1bb: {  	[tilespmem:s16+$0x3C0] =	vst v33;
	v0 =	vadd.f32 v0, v22  }
0x1bc: {  	[tilespmem:s16+$0x3D0] =	vst v1  }
0x1bd: {  	s17 =	simm.s32 $0x100;
	[tilespmem:s16+$0x3F0] =	vst v0;
	s16 =	simm.s32 $0x0  }
0x1be: {  	[hbm4b:s4+s16] =	stream.linear.scatter [tilespmem:s12], [sflag:$0x1], $0x8000, $0x38;
	[tilespmem:$0x10300] =	vst v63  }
0x1bf: {  	s18 =	simm.s32 $0x2000;
	v32 =	vld [tilespmem:s17+$0x0]  }
.LBB2_4:
0x1c0: {  	p0 =	sne.s32 s18, $0x1E000;
	_ =	sdelay $0x2  }
0x1c1: {  	v0 =	vimm.s32 $0x0;
	v1 =	vimm.s32 $0x1  }
0x1c2: {  	v0 =	vperm.xlane v32, v0;
	v1 =	vperm.xlane v32, v1  }
0x1c3: {  	v33 =	vperm.xlane v32, v2;
	v34 =	vperm.xlane v32, v3  }
0x1c4: {  	v0 =	vcvt.s32.f32 v0;
	v1 =	vcvt.s32.f32 v1  }
0x1c5: {  	v33 =	vcvt.s32.f32 v33;
	v34 =	vcvt.s32.f32 v34  }
0x1c6: {  	v35 =	vmul.f32 v0, v29;
	v36 =	vmul.f32 v0, v30  }
0x1c7: {  	v37 =	vmul.f32 v0, v27;
	v38 =	vmul.f32 v0, v28  }
0x1c8: {  	v39 =	vmul.f32 v0, v26;
	v35 =	vadd.f32 v35, v23;
	v36 =	vadd.f32 v36, v21  }
0x1c9: {  	s19 =	sshra.s32 s16, $0x2;
	s16 =	smov.u32 s18;
	v40 =	vmul.f32 v0, v24;
	v37 =	vadd.f32 v37, v20;
	v38 =	vadd.f32 v38, v19  }
0x1ca: {  	[tilespmem:s19+$0x8300] =	vst v35;
	v35 =	vadd.f32 v39, v18;
	v39 =	vmul.f32 v0, v25;
	v0 =	vmul.f32 v0, v31  }
0x1cb: {  	v41 =	vmul.f32 v1, v30;
	[tilespmem:s19+$0x8310] =	vst v36;
	v36 =	vadd.f32 v40, v17;
	v40 =	vmul.f32 v1, v29  }
0x1cc: {  	[tilespmem:s19+$0x8320] =	vst v37;
	v37 =	vadd.f32 v39, v16;
	v0 =	vadd.f32 v0, v22;
	v39 =	vmul.f32 v1, v27  }
0x1cd: {  	[tilespmem:s19+$0x8330] =	vst v38;
	v38 =	vadd.f32 v40, v23;
	v40 =	vadd.f32 v41, v21;
	v41 =	vmul.f32 v1, v28  }
0x1ce: {  	v42 =	vmul.f32 v1, v24;
	[tilespmem:s19+$0x8340] =	vst v35;
	v35 =	vadd.f32 v39, v20;
	v39 =	vmul.f32 v1, v26  }
0x1cf: {  	[tilespmem:s19+$0x8350] =	vst v36;
	v36 =	vadd.f32 v41, v19;
	v41 =	vmul.f32 v1, v25;
	v1 =	vmul.f32 v1, v31  }
0x1d0: {  	[tilespmem:s19+$0x8360] =	vst v37;
	v37 =	vadd.f32 v39, v18;
	v39 =	vadd.f32 v42, v17;
	v42 =	vmul.f32 v33, v29  }
0x1d1: {  	[tilespmem:s19+$0x8370] =	vst v0;
	v0 =	vadd.f32 v41, v16;
	v1 =	vadd.f32 v1, v22;
	v41 =	vmul.f32 v33, v30  }
0x1d2: {  	v43 =	vmul.f32 v33, v28;
	[tilespmem:s19+$0x8380] =	vst v38;
	v38 =	vadd.f32 v42, v23;
	v42 =	vmul.f32 v33, v27  }
0x1d3: {  	v44 =	vmul.f32 v33, v24;
	[tilespmem:s19+$0x8390] =	vst v40;
	v40 =	vadd.f32 v41, v21;
	v41 =	vmul.f32 v33, v26  }
0x1d4: {  	[tilespmem:s19+$0x83A0] =	vst v35;
	v35 =	vadd.f32 v42, v20;
	v42 =	vadd.f32 v43, v19;
	v43 =	vmul.f32 v33, v25  }
0x1d5: {  	v33 =	vmul.f32 v33, v31;
	[tilespmem:s19+$0x83B0] =	vst v36;
	v36 =	vadd.f32 v41, v18;
	v41 =	vadd.f32 v44, v17  }
0x1d6: {  	v44 =	vmul.f32 v34, v30;
	[tilespmem:s19+$0x83C0] =	vst v37;
	v37 =	vadd.f32 v43, v16;
	v43 =	vmul.f32 v34, v29  }
0x1d7: {  	v45 =	vmul.f32 v34, v28;
	v33 =	vadd.f32 v33, v22;
	[tilespmem:s19+$0x83D0] =	vst v39;
	v39 =	vmul.f32 v34, v27  }
0x1d8: {  	[tilespmem:s19+$0x83E0] =	vst v0;
	v0 =	vadd.f32 v43, v23;
	v43 =	vadd.f32 v44, v21;
	v44 =	vmul.f32 v34, v26  }
0x1d9: {  	[tilespmem:s19+$0x83F0] =	vst v1;
	v1 =	vadd.f32 v39, v20;
	v39 =	vadd.f32 v45, v19;
	v45 =	vmul.f32 v34, v24  }
0x1da: {  	[tilespmem:s19+$0x8400] =	vst v38;
	v38 =	vadd.f32 v44, v18;
	v44 =	vmul.f32 v34, v25;
	v34 =	vmul.f32 v34, v31  }
0x1db: {  	v46 =	vperm.xlane v32, v5;
	[tilespmem:s19+$0x8410] =	vst v40;
	v40 =	vadd.f32 v45, v17;
	v45 =	vperm.xlane v32, v4  }
0x1dc: {  	[tilespmem:s19+$0x8420] =	vst v35;
	v35 =	vadd.f32 v44, v16;
	v34 =	vadd.f32 v34, v22;
	v44 =	vperm.xlane v32, v6  }
0x1dd: {  	[tilespmem:s19+$0x8430] =	vst v42;
	v42 =	vcvt.s32.f32 v45;
	v45 =	vcvt.s32.f32 v46  }
0x1de: {  	[tilespmem:s19+$0x8440] =	vst v36;
	v36 =	vcvt.s32.f32 v44;
	v44 =	vperm.xlane v32, v7  }
0x1df: {  	[tilespmem:s19+$0x8450] =	vst v41;
	v41 =	vmul.f32 v42, v29;
	v46 =	vmul.f32 v42, v30  }
0x1e0: {  	v47 =	vmul.f32 v42, v28;
	[tilespmem:s19+$0x8460] =	vst v37;
	v37 =	vmul.f32 v42, v27  }
0x1e1: {  	[tilespmem:s19+$0x8470] =	vst v33;
	v33 =	vadd.f32 v41, v23;
	v41 =	vadd.f32 v46, v21;
	v46 =	vmul.f32 v42, v26  }
0x1e2: {  	[tilespmem:s19+$0x8480] =	vst v0;
	v0 =	vadd.f32 v37, v20;
	v37 =	vadd.f32 v47, v19;
	v47 =	vmul.f32 v42, v24  }
0x1e3: {  	[tilespmem:s19+$0x8490] =	vst v43;
	v43 =	vadd.f32 v46, v18;
	v46 =	vmul.f32 v42, v25;
	v42 =	vmul.f32 v42, v31  }
0x1e4: {  	v48 =	vmul.f32 v45, v30;
	[tilespmem:s19+$0x84A0] =	vst v1;
	v1 =	vadd.f32 v47, v17;
	v47 =	vmul.f32 v45, v29  }
0x1e5: {  	[tilespmem:s19+$0x84B0] =	vst v39;
	v39 =	vadd.f32 v46, v16;
	v42 =	vadd.f32 v42, v22;
	v46 =	vmul.f32 v45, v27  }
0x1e6: {  	[tilespmem:s19+$0x84C0] =	vst v38;
	v38 =	vadd.f32 v47, v23;
	v47 =	vadd.f32 v48, v21;
	v48 =	vmul.f32 v45, v28  }
0x1e7: {  	v49 =	vmul.f32 v45, v24;
	[tilespmem:s19+$0x84D0] =	vst v40;
	v40 =	vadd.f32 v46, v20;
	v46 =	vmul.f32 v45, v26  }
0x1e8: {  	[tilespmem:s19+$0x84E0] =	vst v35;
	v35 =	vadd.f32 v48, v19;
	v48 =	vmul.f32 v45, v25;
	v45 =	vmul.f32 v45, v31  }
0x1e9: {  	[tilespmem:s19+$0x84F0] =	vst v34;
	v34 =	vadd.f32 v46, v18;
	v46 =	vadd.f32 v49, v17;
	v49 =	vmul.f32 v36, v29  }
0x1ea: {  	[tilespmem:s19+$0x8500] =	vst v33;
	v33 =	vadd.f32 v48, v16;
	v45 =	vadd.f32 v45, v22;
	v48 =	vmul.f32 v36, v30  }
0x1eb: {  	v50 =	vmul.f32 v36, v28;
	[tilespmem:s19+$0x8510] =	vst v41;
	v41 =	vadd.f32 v49, v23;
	v49 =	vmul.f32 v36, v27  }
0x1ec: {  	v51 =	vmul.f32 v36, v24;
	[tilespmem:s19+$0x8520] =	vst v0;
	v0 =	vadd.f32 v48, v21;
	v48 =	vmul.f32 v36, v26  }
0x1ed: {  	[tilespmem:s19+$0x8530] =	vst v37;
	v37 =	vadd.f32 v49, v20;
	v49 =	vadd.f32 v50, v19;
	v50 =	vmul.f32 v36, v25  }
0x1ee: {  	v36 =	vmul.f32 v36, v31;
	[tilespmem:s19+$0x8540] =	vst v43;
	v43 =	vadd.f32 v48, v18;
	v48 =	vadd.f32 v51, v17  }
0x1ef: {  	v44 =	vcvt.s32.f32 v44;
	[tilespmem:s19+$0x8550] =	vst v1;
	v1 =	vadd.f32 v50, v16;
	v50 =	vperm.xlane v32, v8  }
0x1f0: {  	v51 =	vperm.xlane v32, v10;
	v36 =	vadd.f32 v36, v22;
	[tilespmem:s19+$0x8560] =	vst v39;
	v39 =	vperm.xlane v32, v9  }
0x1f1: {  	v52 =	vmul.f32 v44, v30;
	[tilespmem:s19+$0x8570] =	vst v42;
	v42 =	vmul.f32 v44, v29  }
0x1f2: {  	v53 =	vmul.f32 v44, v28;
	[tilespmem:s19+$0x8580] =	vst v38;
	v38 =	vmul.f32 v44, v27  }
0x1f3: {  	[tilespmem:s19+$0x8590] =	vst v47;
	v42 =	vadd.f32 v42, v23;
	v47 =	vadd.f32 v52, v21;
	v52 =	vmul.f32 v44, v26  }
0x1f4: {  	[tilespmem:s19+$0x85A0] =	vst v40;
	v38 =	vadd.f32 v38, v20;
	v40 =	vadd.f32 v53, v19;
	v53 =	vmul.f32 v44, v24  }
0x1f5: {  	[tilespmem:s19+$0x85B0] =	vst v35;
	v35 =	vadd.f32 v52, v18;
	v52 =	vmul.f32 v44, v25;
	v44 =	vmul.f32 v44, v31  }
0x1f6: {  	v50 =	vcvt.s32.f32 v50;
	v39 =	vcvt.s32.f32 v39;
	[tilespmem:s19+$0x85C0] =	vst v34;
	v34 =	vadd.f32 v53, v17  }
0x1f7: {  	v51 =	vcvt.s32.f32 v51;
	[tilespmem:s19+$0x85D0] =	vst v46;
	v46 =	vadd.f32 v52, v16;
	v44 =	vadd.f32 v44, v22  }
0x1f8: {  	v52 =	vmul.f32 v50, v30;
	[tilespmem:s19+$0x85E0] =	vst v33;
	v33 =	vmul.f32 v50, v29  }
0x1f9: {  	v53 =	vmul.f32 v50, v28;
	[tilespmem:s19+$0x85F0] =	vst v45;
	v45 =	vmul.f32 v50, v27  }
0x1fa: {  	[tilespmem:s19+$0x8600] =	vst v41;
	v33 =	vadd.f32 v33, v23;
	v41 =	vadd.f32 v52, v21;
	v52 =	vmul.f32 v50, v26  }
0x1fb: {  	[tilespmem:s19+$0x8610] =	vst v0;
	v0 =	vadd.f32 v45, v20;
	v45 =	vadd.f32 v53, v19;
	v53 =	vmul.f32 v50, v24  }
0x1fc: {  	[tilespmem:s19+$0x8620] =	vst v37;
	v37 =	vadd.f32 v52, v18;
	v52 =	vmul.f32 v50, v25;
	v50 =	vmul.f32 v50, v31  }
0x1fd: {  	v54 =	vmul.f32 v39, v30;
	[tilespmem:s19+$0x8630] =	vst v49;
	v49 =	vadd.f32 v53, v17;
	v53 =	vmul.f32 v39, v29  }
0x1fe: {  	[tilespmem:s19+$0x8640] =	vst v43;
	v43 =	vadd.f32 v52, v16;
	v50 =	vadd.f32 v50, v22;
	v52 =	vmul.f32 v39, v27  }
0x1ff: {  	[tilespmem:s19+$0x8650] =	vst v48;
	v48 =	vadd.f32 v53, v23;
	v53 =	vadd.f32 v54, v21;
	v54 =	vmul.f32 v39, v28  }
0x200: {  	v55 =	vmul.f32 v39, v24;
	[tilespmem:s19+$0x8660] =	vst v1;
	v1 =	vadd.f32 v52, v20;
	v52 =	vmul.f32 v39, v26  }
0x201: {  	[tilespmem:s19+$0x8670] =	vst v36;
	v36 =	vadd.f32 v54, v19;
	v54 =	vmul.f32 v39, v25;
	v39 =	vmul.f32 v39, v31  }
0x202: {  	[tilespmem:s19+$0x8680] =	vst v42;
	v42 =	vadd.f32 v52, v18;
	v52 =	vadd.f32 v55, v17;
	v55 =	vmul.f32 v51, v29  }
0x203: {  	[tilespmem:s19+$0x8690] =	vst v47;
	v47 =	vadd.f32 v54, v16;
	v39 =	vadd.f32 v39, v22;
	v54 =	vmul.f32 v51, v30  }
0x204: {  	v56 =	vmul.f32 v51, v28;
	[tilespmem:s19+$0x86A0] =	vst v38;
	v38 =	vadd.f32 v55, v23;
	v55 =	vmul.f32 v51, v27  }
0x205: {  	v57 =	vmul.f32 v51, v24;
	[tilespmem:s19+$0x86B0] =	vst v40;
	v40 =	vadd.f32 v54, v21;
	v54 =	vmul.f32 v51, v26  }
0x206: {  	[tilespmem:s19+$0x86C0] =	vst v35;
	v35 =	vadd.f32 v55, v20;
	v55 =	vadd.f32 v56, v19;
	v56 =	vmul.f32 v51, v25  }
0x207: {  	v51 =	vmul.f32 v51, v31;
	[tilespmem:s19+$0x86D0] =	vst v34;
	v34 =	vadd.f32 v54, v18;
	v54 =	vadd.f32 v57, v17  }
0x208: {  	v57 =	vperm.xlane v32, v12;
	[tilespmem:s19+$0x86E0] =	vst v46;
	v46 =	vadd.f32 v56, v16;
	v56 =	vperm.xlane v32, v11  }
0x209: {  	v58 =	vperm.xlane v32, v14;
	[tilespmem:s19+$0x86F0] =	vst v44;
	v44 =	vadd.f32 v51, v22;
	v51 =	vperm.xlane v32, v13  }
0x20a: {  	[tilespmem:s19+$0x8700] =	vst v33;
	v33 =	vcvt.s32.f32 v56;
	v56 =	vcvt.s32.f32 v57  }
0x20b: {  	[tilespmem:s19+$0x8710] =	vst v41;
	v41 =	vcvt.s32.f32 v51;
	v51 =	vcvt.s32.f32 v58  }
0x20c: {  	[tilespmem:s19+$0x8720] =	vst v0;
	v0 =	vmul.f32 v33, v29;
	v57 =	vmul.f32 v33, v30  }
0x20d: {  	v58 =	vmul.f32 v33, v28;
	[tilespmem:s19+$0x8730] =	vst v45;
	v45 =	vmul.f32 v33, v27  }
0x20e: {  	[tilespmem:s19+$0x8740] =	vst v37;
	v0 =	vadd.f32 v0, v23;
	v37 =	vadd.f32 v57, v21;
	v57 =	vmul.f32 v33, v26  }
0x20f: {  	[tilespmem:s19+$0x8750] =	vst v49;
	v45 =	vadd.f32 v45, v20;
	v49 =	vadd.f32 v58, v19;
	v58 =	vmul.f32 v33, v24  }
0x210: {  	[tilespmem:s19+$0x8760] =	vst v43;
	v43 =	vadd.f32 v57, v18;
	v57 =	vmul.f32 v33, v25;
	v33 =	vmul.f32 v33, v31  }
0x211: {  	v59 =	vmul.f32 v56, v30;
	[tilespmem:s19+$0x8770] =	vst v50;
	v50 =	vadd.f32 v58, v17;
	v58 =	vmul.f32 v56, v29  }
0x212: {  	[tilespmem:s19+$0x8780] =	vst v48;
	v48 =	vadd.f32 v57, v16;
	v33 =	vadd.f32 v33, v22;
	v57 =	vmul.f32 v56, v27  }
0x213: {  	[tilespmem:s19+$0x8790] =	vst v53;
	v53 =	vadd.f32 v58, v23;
	v58 =	vadd.f32 v59, v21;
	v59 =	vmul.f32 v56, v28  }
0x214: {  	v60 =	vmul.f32 v56, v24;
	[tilespmem:s19+$0x87A0] =	vst v1;
	v1 =	vadd.f32 v57, v20;
	v57 =	vmul.f32 v56, v26  }
0x215: {  	[tilespmem:s19+$0x87B0] =	vst v36;
	v36 =	vadd.f32 v59, v19;
	v59 =	vmul.f32 v56, v25;
	v56 =	vmul.f32 v56, v31  }
0x216: {  	[tilespmem:s19+$0x87C0] =	vst v42;
	v42 =	vadd.f32 v57, v18;
	v57 =	vadd.f32 v60, v17;
	v60 =	vmul.f32 v41, v29  }
0x217: {  	[tilespmem:s19+$0x87D0] =	vst v52;
	v52 =	vadd.f32 v59, v16;
	v56 =	vadd.f32 v56, v22;
	v59 =	vmul.f32 v41, v30  }
0x218: {  	v61 =	vmul.f32 v41, v28;
	[tilespmem:s19+$0x87E0] =	vst v47;
	v47 =	vadd.f32 v60, v23;
	v60 =	vmul.f32 v41, v27  }
0x219: {  	v62 =	vmul.f32 v41, v24;
	[tilespmem:s19+$0x87F0] =	vst v39;
	v39 =	vadd.f32 v59, v21;
	v59 =	vmul.f32 v41, v26  }
0x21a: {  	[tilespmem:s19+$0x8800] =	vst v38;
	v38 =	vadd.f32 v60, v20;
	v60 =	vadd.f32 v61, v19;
	v61 =	vmul.f32 v41, v25  }
0x21b: {  	v41 =	vmul.f32 v41, v31;
	[tilespmem:s19+$0x8810] =	vst v40;
	v40 =	vadd.f32 v59, v18;
	v59 =	vadd.f32 v62, v17  }
0x21c: {  	v62 =	vmul.f32 v51, v30;
	[tilespmem:s19+$0x8820] =	vst v35;
	v35 =	vadd.f32 v61, v16;
	v61 =	vmul.f32 v51, v29  }
0x21d: {  	v63 =	vmul.f32 v51, v28;
	v41 =	vadd.f32 v41, v22;
	[tilespmem:s19+$0x8830] =	vst v55;
	v55 =	vmul.f32 v51, v27  }
0x21e: {  	[tilespmem:s19+$0x8840] =	vst v34;
	v34 =	vadd.f32 v61, v23;
	v61 =	vadd.f32 v62, v21;
	v62 =	vmul.f32 v51, v26  }
0x21f: {  	[tilespmem:s19+$0x8850] =	vst v54;
	v54 =	vadd.f32 v55, v20;
	v55 =	vadd.f32 v63, v19;
	v63 =	vmul.f32 v51, v24  }
0x220: {  	[tilespmem:s19+$0x8860] =	vst v46;
	v46 =	vadd.f32 v62, v18;
	v62 =	vmul.f32 v51, v25;
	v51 =	vmul.f32 v51, v31  }
0x221: {  	v32 =	vperm.xlane v32, v15;
	[tilespmem:s19+$0x8870] =	vst v44;
	v44 =	vadd.f32 v63, v17  }
0x222: {  	[tilespmem:s19+$0x8880] =	vst v0;
	v0 =	vadd.f32 v62, v16;
	v51 =	vadd.f32 v51, v22  }
0x223: {  	v32 =	vcvt.s32.f32 v32;
	[tilespmem:s19+$0x8890] =	vst v37  }
0x224: {  	[tilespmem:s19+$0x88A0] =	vst v45  }
0x225: {  	v37 =	vmul.f32 v32, v29;
	v45 =	vmul.f32 v32, v30;
	[tilespmem:s19+$0x88B0] =	vst v49  }
0x226: {  	v49 =	vmul.f32 v32, v28;
	[tilespmem:s19+$0x88C0] =	vst v43;
	v43 =	vmul.f32 v32, v27  }
0x227: {  	v37 =	vadd.f32 v37, v23;
	v45 =	vadd.f32 v45, v21;
	[tilespmem:s19+$0x88D0] =	vst v50;
	v50 =	vmul.f32 v32, v26  }
0x228: {  	[tilespmem:s19+$0x88E0] =	vst v48;
	v43 =	vadd.f32 v43, v20;
	v48 =	vadd.f32 v49, v19;
	v49 =	vmul.f32 v32, v24  }
0x229: {  	[tilespmem:s19+$0x88F0] =	vst v33;
	v33 =	vadd.f32 v50, v18;
	v50 =	vmul.f32 v32, v25;
	v32 =	vmul.f32 v32, v31  }
0x22a: {  	[tilespmem:s19+$0x8900] =	vst v53;
	v49 =	vadd.f32 v49, v17  }
0x22b: {  	[tilespmem:s19+$0x8910] =	vst v58;
	v50 =	vadd.f32 v50, v16;
	v32 =	vadd.f32 v32, v22  }
0x22c: {  	[tilespmem:s19+$0x8920] =	vst v1  }
0x22d: {  	[tilespmem:s19+$0x8930] =	vst v36  }
0x22e: {  	[tilespmem:s19+$0x8940] =	vst v42  }
0x22f: {  	[tilespmem:s19+$0x8950] =	vst v57  }
0x230: {  	[tilespmem:s19+$0x8960] =	vst v52  }
0x231: {  	[tilespmem:s19+$0x8970] =	vst v56  }
0x232: {  	[tilespmem:s19+$0x8980] =	vst v47  }
0x233: {  	[tilespmem:s19+$0x8990] =	vst v39  }
0x234: {  	[tilespmem:s19+$0x89A0] =	vst v38  }
0x235: {  	[tilespmem:s19+$0x89B0] =	vst v60  }
0x236: {  	[tilespmem:s19+$0x89C0] =	vst v40  }
0x237: {  	[tilespmem:s19+$0x89D0] =	vst v59  }
0x238: {  	[tilespmem:s19+$0x89E0] =	vst v35  }
0x239: {  	[tilespmem:s19+$0x89F0] =	vst v41  }
0x23a: {  	[tilespmem:s19+$0x8A00] =	vst v34  }
0x23b: {  	[tilespmem:s19+$0x8A10] =	vst v61  }
0x23c: {  	[tilespmem:s19+$0x8A20] =	vst v54  }
0x23d: {  	[tilespmem:s19+$0x8A30] =	vst v55  }
0x23e: {  	[tilespmem:s19+$0x8A40] =	vst v46  }
0x23f: {  	[tilespmem:s19+$0x8A50] =	vst v44  }
0x240: {  	[tilespmem:s19+$0x8A60] =	vst v0  }
0x241: {  	[tilespmem:s19+$0x8A70] =	vst v51  }
0x242: {  	[tilespmem:s19+$0x8A80] =	vst v37  }
0x243: {  	[tilespmem:s19+$0x8A90] =	vst v45  }
0x244: {  	[tilespmem:s19+$0x8AA0] =	vst v43  }
0x245: {  	[tilespmem:s19+$0x8AB0] =	vst v48  }
.Ltmp1:
0x246: {  	[tilespmem:s19+$0x8AC0] =	vst v33;
	(pc) =	sbr.rel @p0 .LBB2_4-.Ltmp1, $4  }
0x247: {  	[tilespmem:s19+$0x8AD0] =	vst v49  }
0x248: {  	[tilespmem:s19+$0x8AE0] =	vst v50  }
0x249: {  	s17 =	sadd.s32 $0x10, s17;
	[tilespmem:s19+$0x8AF0] =	vst v32  }
0x24a: {  	s18 =	sadd.s32 $0x2000, s18;
	v32 =	vld [tilespmem:s17+$0x0]  }
0x24b: {  	_ =	sdelay $0x2  }
0x24c: {  	v0 =	vimm.s32 $0x0  }
0x24d: {  	v0 =	vperm.xlane v32, v0;
	_ =	sdelay $0x1  }
0x24e: {  	v0 =	vcvt.s32.f32 v0;
	_ =	sdelay $0x1  }
0x24f: {  	v1 =	vmul.f32 v0, v29  }
0x250: {  	v36 =	vimm.s32 $0x1;
	v33 =	vmul.f32 v0, v30  }
0x251: {  	v36 =	vperm.xlane v32, v36;
	v34 =	vmul.f32 v0, v27;
	v1 =	vadd.f32 v1, v23  }
0x252: {  	s16 =	sshra.s32 s16, $0x2;
	v35 =	vmul.f32 v0, v28;
	v33 =	vadd.f32 v33, v21  }
0x253: {  	v36 =	vcvt.s32.f32 v36;
	v54 =	vmul.f32 v0, v24;
	v34 =	vadd.f32 v34, v20;
	[tilespmem:s16+$0x8300] =	vst v1  }
0x254: {  	v55 =	vmul.f32 v0, v25;
	v35 =	vadd.f32 v35, v19;
	[tilespmem:s16+$0x8310] =	vst v33  }
0x255: {  	v56 =	vmul.f32 v36, v29;
	[tilespmem:s16+$0x8320] =	vst v34;
	v33 =	vadd.f32 v54, v17  }
0x256: {  	v1 =	vmul.f32 v0, v26;
	[tilespmem:s16+$0x8330] =	vst v35;
	v34 =	vadd.f32 v55, v16  }
0x257: {  	v59 =	vmul.f32 v36, v26;
	v35 =	vadd.f32 v56, v23;
	[tilespmem:s16+$0x8350] =	vst v33  }
0x258: {  	v0 =	vmul.f32 v0, v31;
	v1 =	vadd.f32 v1, v18;
	[tilespmem:s16+$0x8360] =	vst v34  }
0x259: {  	v42 =	vperm.xlane v32, v3;
	v57 =	vmul.f32 v36, v27;
	[tilespmem:s16+$0x8380] =	vst v35;
	v35 =	vadd.f32 v59, v18  }
0x25a: {  	v0 =	vadd.f32 v0, v22;
	[tilespmem:s16+$0x8340] =	vst v1;
	v1 =	vmul.f32 v36, v30  }
0x25b: {  	v58 =	vmul.f32 v36, v28;
	v33 =	vadd.f32 v57, v20;
	[tilespmem:s16+$0x83C0] =	vst v35;
	v35 =	vcvt.s32.f32 v42  }
0x25c: {  	v60 =	vmul.f32 v36, v25;
	[tilespmem:s16+$0x8370] =	vst v0;
	v0 =	vperm.xlane v32, v2;
	v1 =	vadd.f32 v1, v21  }
0x25d: {  	v34 =	vadd.f32 v58, v19;
	[tilespmem:s16+$0x83A0] =	vst v33;
	v50 =	vmul.f32 v35, v25  }
0x25e: {  	v33 =	vadd.f32 v60, v16;
	v0 =	vcvt.s32.f32 v0;
	[tilespmem:s16+$0x8390] =	vst v1;
	v1 =	vmul.f32 v36, v24  }
0x25f: {  	[tilespmem:s16+$0x83B0] =	vst v34;
	v36 =	vmul.f32 v36, v31;
	v51 =	vadd.f32 v50, v16  }
0x260: {  	[tilespmem:s16+$0x83E0] =	vst v33;
	v63 =	vmul.f32 v0, v30;
	v1 =	vadd.f32 v1, v17  }
0x261: {  	v61 =	vmul.f32 v0, v29;
	v62 =	vadd.f32 v36, v22;
	[tilespmem:s16+$0x84E0] =	vst v51  }
0x262: {  	v40 =	vmul.f32 v0, v27;
	v36 =	vadd.f32 v63, v21;
	[tilespmem:s16+$0x83D0] =	vst v1  }
0x263: {  	v41 =	vmul.f32 v0, v28;
	v1 =	vadd.f32 v61, v23;
	[tilespmem:s16+$0x83F0] =	vst v62  }
0x264: {  	v44 =	vmul.f32 v0, v25;
	v34 =	vadd.f32 v40, v20;
	[tilespmem:s16+$0x8410] =	vst v36  }
0x265: {  	v33 =	vadd.f32 v41, v19;
	[tilespmem:s16+$0x8400] =	vst v1;
	v1 =	vmul.f32 v0, v26  }
0x266: {  	v43 =	vmul.f32 v0, v24;
	v45 =	vadd.f32 v44, v16;
	[tilespmem:s16+$0x8420] =	vst v34  }
0x267: {  	v46 =	vmul.f32 v35, v29;
	[tilespmem:s16+$0x8430] =	vst v33;
	v1 =	vadd.f32 v1, v18  }
0x268: {  	v36 =	vadd.f32 v43, v17;
	[tilespmem:s16+$0x8460] =	vst v45;
	v0 =	vmul.f32 v0, v31  }
0x269: {  	v34 =	vadd.f32 v46, v23;
	[tilespmem:s16+$0x8440] =	vst v1;
	v1 =	vmul.f32 v35, v30  }
0x26a: {  	v49 =	vperm.xlane v32, v4;
	v48 =	vmul.f32 v35, v28;
	[tilespmem:s16+$0x8450] =	vst v36;
	v0 =	vadd.f32 v0, v22  }
0x26b: {  	v47 =	vmul.f32 v35, v27;
	[tilespmem:s16+$0x8480] =	vst v34;
	v1 =	vadd.f32 v1, v21  }
0x26c: {  	v33 =	vadd.f32 v48, v19;
	v34 =	vcvt.s32.f32 v49;
	[tilespmem:s16+$0x8470] =	vst v0;
	v0 =	vmul.f32 v35, v26  }
0x26d: {  	v36 =	vadd.f32 v47, v20;
	[tilespmem:s16+$0x8490] =	vst v1;
	v1 =	vmul.f32 v35, v24  }
0x26e: {  	[tilespmem:s16+$0x84B0] =	vst v33;
	v52 =	vmul.f32 v34, v29;
	v0 =	vadd.f32 v0, v18  }
0x26f: {  	[tilespmem:s16+$0x84A0] =	vst v36;
	v35 =	vmul.f32 v35, v31;
	v1 =	vadd.f32 v1, v17  }
0x270: {  	v54 =	vmul.f32 v34, v28;
	v36 =	vadd.f32 v52, v23;
	[tilespmem:s16+$0x84C0] =	vst v0  }
0x271: {  	v0 =	vadd.f32 v35, v22;
	[tilespmem:s16+$0x84D0] =	vst v1;
	v1 =	vmul.f32 v34, v27  }
0x272: {  	v53 =	vmul.f32 v34, v30;
	v33 =	vadd.f32 v54, v19;
	[tilespmem:s16+$0x8500] =	vst v36  }
0x273: {  	v55 =	vmul.f32 v34, v26;
	[tilespmem:s16+$0x84F0] =	vst v0;
	v0 =	vperm.xlane v32, v5;
	v1 =	vadd.f32 v1, v20  }
0x274: {  	v56 =	vmul.f32 v34, v24;
	[tilespmem:s16+$0x8530] =	vst v33;
	v35 =	vadd.f32 v53, v21  }
0x275: {  	v36 =	vadd.f32 v55, v18;
	v0 =	vcvt.s32.f32 v0;
	[tilespmem:s16+$0x8520] =	vst v1;
	v1 =	vmul.f32 v34, v25  }
0x276: {  	[tilespmem:s16+$0x8510] =	vst v35;
	v35 =	vadd.f32 v56, v17;
	v34 =	vmul.f32 v34, v31  }
0x277: {  	[tilespmem:s16+$0x8540] =	vst v36;
	v57 =	vmul.f32 v0, v29;
	v1 =	vadd.f32 v1, v16  }
0x278: {  	[tilespmem:s16+$0x8550] =	vst v35;
	v58 =	vmul.f32 v0, v30;
	v34 =	vadd.f32 v34, v22  }
0x279: {  	v59 =	vmul.f32 v0, v27;
	v33 =	vadd.f32 v57, v23;
	[tilespmem:s16+$0x8560] =	vst v1  }
0x27a: {  	v61 =	vperm.xlane v32, v6;
	v60 =	vmul.f32 v0, v28;
	v1 =	vadd.f32 v58, v21;
	[tilespmem:s16+$0x8570] =	vst v34  }
0x27b: {  	v62 =	vmul.f32 v0, v26;
	v63 =	vmul.f32 v0, v25;
	v35 =	vadd.f32 v59, v20;
	[tilespmem:s16+$0x8580] =	vst v33  }
0x27c: {  	v36 =	vadd.f32 v60, v19;
	[tilespmem:s16+$0x8590] =	vst v1;
	v1 =	vmul.f32 v0, v24;
	v0 =	vmul.f32 v0, v31  }
0x27d: {  	v34 =	vcvt.s32.f32 v61;
	[tilespmem:s16+$0x85A0] =	vst v35;
	v33 =	vadd.f32 v62, v18  }
0x27e: {  	[tilespmem:s16+$0x85B0] =	vst v36;
	v0 =	vadd.f32 v0, v22  }
0x27f: {  	v40 =	vmul.f32 v34, v29;
	[tilespmem:s16+$0x85C0] =	vst v33;
	v41 =	vmul.f32 v34, v30;
	v1 =	vadd.f32 v1, v17  }
0x280: {  	v35 =	vadd.f32 v63, v16;
	v42 =	vmul.f32 v34, v27;
	[tilespmem:s16+$0x85F0] =	vst v0;
	v0 =	vperm.xlane v32, v7  }
0x281: {  	v43 =	vmul.f32 v34, v28;
	v44 =	vmul.f32 v34, v24;
	[tilespmem:s16+$0x85D0] =	vst v1;
	v1 =	vadd.f32 v40, v23  }
0x282: {  	[tilespmem:s16+$0x85E0] =	vst v35;
	v45 =	vmul.f32 v34, v25;
	v33 =	vadd.f32 v41, v21;
	v0 =	vcvt.s32.f32 v0  }
0x283: {  	v36 =	vadd.f32 v42, v20;
	[tilespmem:s16+$0x8600] =	vst v1;
	v1 =	vmul.f32 v34, v26;
	v34 =	vmul.f32 v34, v31  }
0x284: {  	v35 =	vadd.f32 v43, v19;
	[tilespmem:s16+$0x8610] =	vst v33;
	v47 =	vmul.f32 v0, v29;
	v48 =	vmul.f32 v0, v30  }
0x285: {  	v46 =	vadd.f32 v45, v16;
	[tilespmem:s16+$0x8620] =	vst v36;
	v49 =	vmul.f32 v0, v27;
	v50 =	vmul.f32 v0, v28  }
0x286: {  	[tilespmem:s16+$0x8630] =	vst v35;
	v1 =	vadd.f32 v1, v18;
	v51 =	vmul.f32 v0, v26;
	v52 =	vmul.f32 v0, v24  }
0x287: {  	v33 =	vadd.f32 v44, v17;
	[tilespmem:s16+$0x8660] =	vst v46;
	v53 =	vmul.f32 v0, v25;
	v0 =	vmul.f32 v0, v31  }
0x288: {  	[tilespmem:s16+$0x8640] =	vst v1;
	v1 =	vadd.f32 v34, v22  }
0x289: {  	[tilespmem:s16+$0x8650] =	vst v33;
	v0 =	vadd.f32 v0, v22  }
0x28a: {  	v36 =	vadd.f32 v47, v23;
	[tilespmem:s16+$0x8670] =	vst v1;
	v1 =	vperm.xlane v32, v8  }
0x28b: {  	v34 =	vadd.f32 v48, v21;
	[tilespmem:s16+$0x86F0] =	vst v0;
	v0 =	vperm.xlane v32, v9  }
0x28c: {  	v33 =	vadd.f32 v49, v20;
	[tilespmem:s16+$0x8680] =	vst v36;
	v1 =	vcvt.s32.f32 v1  }
0x28d: {  	v35 =	vadd.f32 v50, v19;
	[tilespmem:s16+$0x8690] =	vst v34;
	v0 =	vcvt.s32.f32 v0  }
0x28e: {  	v36 =	vadd.f32 v51, v18;
	[tilespmem:s16+$0x86A0] =	vst v33;
	v54 =	vmul.f32 v1, v29;
	v55 =	vmul.f32 v1, v30  }
0x28f: {  	v34 =	vadd.f32 v52, v17;
	[tilespmem:s16+$0x86B0] =	vst v35;
	v56 =	vmul.f32 v1, v27;
	v57 =	vmul.f32 v1, v28  }
0x290: {  	v33 =	vadd.f32 v53, v16;
	[tilespmem:s16+$0x86C0] =	vst v36;
	v58 =	vmul.f32 v1, v26;
	v59 =	vmul.f32 v1, v24  }
0x291: {  	[tilespmem:s16+$0x86D0] =	vst v34;
	v60 =	vmul.f32 v1, v25;
	v1 =	vmul.f32 v1, v31;
	v35 =	vadd.f32 v54, v23  }
0x292: {  	[tilespmem:s16+$0x86E0] =	vst v33;
	v61 =	vmul.f32 v0, v29;
	v62 =	vmul.f32 v0, v30;
	v36 =	vadd.f32 v55, v21  }
0x293: {  	v63 =	vmul.f32 v0, v27;
	v41 =	vmul.f32 v0, v28;
	v34 =	vadd.f32 v56, v20;
	[tilespmem:s16+$0x8700] =	vst v35  }
0x294: {  	v42 =	vmul.f32 v0, v26;
	v43 =	vmul.f32 v0, v24;
	v33 =	vadd.f32 v57, v19;
	[tilespmem:s16+$0x8710] =	vst v36  }
0x295: {  	v44 =	vmul.f32 v0, v25;
	v0 =	vmul.f32 v0, v31;
	v1 =	vadd.f32 v1, v22;
	[tilespmem:s16+$0x8720] =	vst v34  }
0x296: {  	v40 =	vadd.f32 v62, v21;
	[tilespmem:s16+$0x8730] =	vst v33  }
0x297: {  	v0 =	vadd.f32 v0, v22;
	[tilespmem:s16+$0x8770] =	vst v1  }
0x298: {  	v35 =	vadd.f32 v58, v18;
	[tilespmem:s16+$0x8790] =	vst v40  }
0x299: {  	v36 =	vadd.f32 v59, v17;
	[tilespmem:s16+$0x87F0] =	vst v0  }
0x29a: {  	v34 =	vadd.f32 v60, v16;
	[tilespmem:s16+$0x8740] =	vst v35  }
0x29b: {  	v33 =	vadd.f32 v61, v23;
	v1 =	vperm.xlane v32, v10;
	[tilespmem:s16+$0x8750] =	vst v36  }
0x29c: {  	[tilespmem:s16+$0x8760] =	vst v34;
	v36 =	vadd.f32 v63, v20  }
0x29d: {  	[tilespmem:s16+$0x8780] =	vst v33;
	v35 =	vadd.f32 v41, v19;
	v1 =	vcvt.s32.f32 v1  }
0x29e: {  	v33 =	vadd.f32 v42, v18;
	[tilespmem:s16+$0x87A0] =	vst v36  }
0x29f: {  	v34 =	vadd.f32 v43, v17;
	[tilespmem:s16+$0x87B0] =	vst v35;
	v45 =	vmul.f32 v1, v29  }
0x2a0: {  	v36 =	vadd.f32 v44, v16;
	[tilespmem:s16+$0x87C0] =	vst v33;
	v46 =	vmul.f32 v1, v30  }
0x2a1: {  	[tilespmem:s16+$0x87D0] =	vst v34;
	v48 =	vmul.f32 v1, v27;
	v47 =	vadd.f32 v45, v23  }
0x2a2: {  	v49 =	vmul.f32 v1, v28;
	[tilespmem:s16+$0x87E0] =	vst v36;
	v33 =	vadd.f32 v46, v21  }
0x2a3: {  	v50 =	vperm.xlane v32, v11;
	v0 =	vmul.f32 v1, v26;
	v35 =	vadd.f32 v48, v20;
	[tilespmem:s16+$0x8800] =	vst v47  }
0x2a4: {  	v51 =	vmul.f32 v1, v24;
	v36 =	vadd.f32 v49, v19;
	[tilespmem:s16+$0x8810] =	vst v33  }
0x2a5: {  	v52 =	vmul.f32 v1, v25;
	v34 =	vcvt.s32.f32 v50;
	v0 =	vadd.f32 v0, v18;
	[tilespmem:s16+$0x8820] =	vst v35  }
0x2a6: {  	v1 =	vmul.f32 v1, v31;
	v33 =	vadd.f32 v51, v17;
	[tilespmem:s16+$0x8830] =	vst v36  }
0x2a7: {  	v53 =	vmul.f32 v34, v29;
	v35 =	vadd.f32 v52, v16;
	[tilespmem:s16+$0x8840] =	vst v0  }
0x2a8: {  	v0 =	vadd.f32 v1, v22;
	v1 =	vmul.f32 v34, v30;
	[tilespmem:s16+$0x8850] =	vst v33  }
0x2a9: {  	v54 =	vmul.f32 v34, v27;
	v36 =	vadd.f32 v53, v23;
	[tilespmem:s16+$0x8860] =	vst v35  }
0x2aa: {  	v55 =	vmul.f32 v34, v28;
	v1 =	vadd.f32 v1, v21;
	[tilespmem:s16+$0x8870] =	vst v0  }
0x2ab: {  	v56 =	vmul.f32 v34, v26;
	v0 =	vperm.xlane v32, v12;
	[tilespmem:s16+$0x8880] =	vst v36;
	v33 =	vadd.f32 v54, v20  }
0x2ac: {  	v57 =	vmul.f32 v34, v25;
	v35 =	vadd.f32 v55, v19;
	[tilespmem:s16+$0x8890] =	vst v1  }
0x2ad: {  	v36 =	vadd.f32 v56, v18;
	v1 =	vmul.f32 v34, v24;
	v0 =	vcvt.s32.f32 v0;
	[tilespmem:s16+$0x88A0] =	vst v33  }
0x2ae: {  	v34 =	vmul.f32 v34, v31;
	[tilespmem:s16+$0x88B0] =	vst v35;
	v33 =	vadd.f32 v57, v16  }
0x2af: {  	[tilespmem:s16+$0x88C0] =	vst v36;
	v1 =	vadd.f32 v1, v17;
	v58 =	vmul.f32 v0, v29  }
0x2b0: {  	v59 =	vmul.f32 v0, v30;
	v34 =	vadd.f32 v34, v22;
	[tilespmem:s16+$0x88E0] =	vst v33  }
0x2b1: {  	v62 =	vperm.xlane v32, v13;
	v61 =	vmul.f32 v0, v28;
	[tilespmem:s16+$0x88D0] =	vst v1;
	v35 =	vadd.f32 v58, v23  }
0x2b2: {  	v40 =	vmul.f32 v0, v24;
	v60 =	vadd.f32 v59, v21;
	[tilespmem:s16+$0x88F0] =	vst v34  }
0x2b3: {  	v1 =	vmul.f32 v0, v27;
	v36 =	vadd.f32 v61, v19;
	v34 =	vcvt.s32.f32 v62;
	[tilespmem:s16+$0x8900] =	vst v35  }
0x2b4: {  	v63 =	vmul.f32 v0, v26;
	v33 =	vadd.f32 v40, v17;
	[tilespmem:s16+$0x8910] =	vst v60  }
0x2b5: {  	v1 =	vadd.f32 v1, v20;
	[tilespmem:s16+$0x8930] =	vst v36;
	v41 =	vmul.f32 v34, v29  }
0x2b6: {  	v35 =	vadd.f32 v63, v18;
	v42 =	vmul.f32 v34, v30;
	[tilespmem:s16+$0x8950] =	vst v33  }
0x2b7: {  	[tilespmem:s16+$0x8920] =	vst v1;
	v1 =	vmul.f32 v0, v25;
	v43 =	vadd.f32 v41, v23  }
0x2b8: {  	v44 =	vmul.f32 v34, v27;
	[tilespmem:s16+$0x8940] =	vst v35;
	v35 =	vadd.f32 v42, v21  }
0x2b9: {  	v0 =	vmul.f32 v0, v31;
	v1 =	vadd.f32 v1, v16;
	[tilespmem:s16+$0x8980] =	vst v43  }
0x2ba: {  	v45 =	vmul.f32 v34, v26;
	v36 =	vadd.f32 v44, v20;
	[tilespmem:s16+$0x8990] =	vst v35  }
0x2bb: {  	v53 =	vperm.xlane v32, v15;
	v0 =	vadd.f32 v0, v22;
	[tilespmem:s16+$0x8960] =	vst v1;
	v1 =	vmul.f32 v34, v28  }
0x2bc: {  	v46 =	vmul.f32 v34, v24;
	v47 =	vmul.f32 v34, v25;
	v33 =	vadd.f32 v45, v18;
	[tilespmem:s16+$0x89A0] =	vst v36  }
0x2bd: {  	[tilespmem:s16+$0x8970] =	vst v0;
	v0 =	vperm.xlane v32, v14;
	v32 =	vcvt.s32.f32 v53;
	v1 =	vadd.f32 v1, v19  }
0x2be: {  	v48 =	vadd.f32 v47, v16;
	[tilespmem:s16+$0x89C0] =	vst v33;
	v34 =	vmul.f32 v34, v31  }
0x2bf: {  	v0 =	vcvt.s32.f32 v0;
	v56 =	vmul.f32 v32, v29;
	[tilespmem:s16+$0x89B0] =	vst v1;
	v1 =	vadd.f32 v46, v17  }
0x2c0: {  	[tilespmem:s16+$0x89E0] =	vst v48;
	v34 =	vadd.f32 v34, v22;
	v58 =	vmul.f32 v32, v27  }
0x2c1: {  	v57 =	vadd.f32 v56, v23;
	[tilespmem:s16+$0x89D0] =	vst v1;
	v1 =	vmul.f32 v0, v30  }
0x2c2: {  	v60 =	vmul.f32 v32, v26;
	[tilespmem:s16+$0x89F0] =	vst v34;
	v59 =	vadd.f32 v58, v20  }
0x2c3: {  	v49 =	vmul.f32 v0, v29;
	[tilespmem:s16+$0x8A80] =	vst v57;
	v1 =	vadd.f32 v1, v21  }
0x2c4: {  	v50 =	vmul.f32 v0, v27;
	v51 =	vmul.f32 v0, v28;
	v61 =	vadd.f32 v60, v18;
	[tilespmem:s16+$0x8AA0] =	vst v59  }
0x2c5: {  	v52 =	vmul.f32 v0, v26;
	v33 =	vadd.f32 v49, v23;
	[tilespmem:s16+$0x8A10] =	vst v1;
	v1 =	vmul.f32 v0, v24  }
0x2c6: {  	v54 =	vmul.f32 v0, v25;
	v35 =	vadd.f32 v50, v20;
	[tilespmem:s16+$0x8AC0] =	vst v61;
	v0 =	vmul.f32 v0, v31  }
0x2c7: {  	[tilespmem:s16+$0x8A00] =	vst v33;
	v1 =	vadd.f32 v1, v17  }
0x2c8: {  	[tilespmem:s16+$0x8A20] =	vst v35;
	v0 =	vadd.f32 v0, v22  }
0x2c9: {  	v34 =	vadd.f32 v51, v19;
	[tilespmem:s16+$0x8A50] =	vst v1;
	v1 =	vmul.f32 v32, v30  }
0x2ca: {  	v55 =	vadd.f32 v54, v16;
	[tilespmem:s16+$0x8A70] =	vst v0;
	v0 =	vmul.f32 v32, v28  }
0x2cb: {  	[tilespmem:s16+$0x8A30] =	vst v34;
	v1 =	vadd.f32 v1, v21  }
0x2cc: {  	v62 =	vmul.f32 v32, v25;
	[tilespmem:s16+$0x8A60] =	vst v55;
	v0 =	vadd.f32 v0, v19  }
0x2cd: {  	v63 =	vmul.f32 v32, v31;
	v33 =	vadd.f32 v52, v18;
	[tilespmem:s16+$0x8A90] =	vst v1  }
0x2ce: {  	v1 =	vmul.f32 v32, v24;
	[tilespmem:s16+$0x8AB0] =	vst v0;
	v0 =	vadd.f32 v62, v16  }
0x2cf: {  	[tilespmem:s16+$0x8A40] =	vst v33;
	v16 =	vadd.f32 v63, v22  }
0x2d0: {  	v1 =	vadd.f32 v1, v17;
	[tilespmem:s16+$0x8AE0] =	vst v0  }
0x2d1: {  	[tilespmem:s16+$0x8AF0] =	vst v16  }
0x2d2: {  	s15 =	sadd.s32 $0x1, s15;
	[tilespmem:s16+$0x8AD0] =	vst v1  }
0x2d3: {  	[hbm4b:s6+s3] =	stream.linear.scatter [tilespmem:s13], [sflag:$0x1], $0x8000, $0x38;
	[tilespmem:$0x10300] =	vst v63  }
0x2d4: {  	p0 =	sne.s32 s15, s7;
	_ =	swait.ge [sflag:s14], $0x8000  }
.Ltmp2:
0x2d5: {  	[sflag:s14] =	ssyncset.done $0x0;
	(pc) =	sbr.rel @p0 .LBB2_1-.Ltmp2, $4  }
0x2d6: {  	[sflag:s14] =	ssyncadd.s32 $0xFFFF8000  }
0x2d7: {  	_ =	swait.ge [sflag:s14], $0x8000  }
0x2d8: {  	[sflag:s14] =	ssyncset.done $0x0  }
0x2d9: {  	[sflag:s14] =	ssyncadd.s32 $0xFFFF8000  }
0x2da: {  	_ =	sfence.sel $0x180000  }
0x2db: {  	[bflag:$0x0] =	sbarrier.arrive $0xFFFF  }
0x2dc: {  	p0 =	sne.s32 s2, $0x0;
	_ =	strace $0x90000047  }
0x2dd: {  	s0 =	sadd.s32 @!p0 $0x100000, s0;
	[bflag:$0x2] =	sbarrier.arrive $0xFFFF  }
0x2de: {  	[sflag:s0] =	ssyncadd.tile.s32 @!p0 $0x1;
	_ =	shalt  }
.Lfunc_end2:
_tile_overlayer_lowered:
.L_overlay_start_2:
0x2df: {  	(tag) =	ssettag $0x2  }
0x2e0: {  	s0 =	rddreg [dreg:$0x0];
	s2 =	stileid.u32  }
0x2e1: {  	s1 =	rddreg [dreg:$0x1];
	p0 =	sne.s32 s2, $0x0  }
0x2e2: {  	s3 =	rddreg [dreg:$0x2];
	[bflag:$0x3] =	sbarrier.arrive $0xFFFF;
	s2 =	simm.s32 @!p0 $0x1C03  }
0x2e3: {  	[timem:s3], [sflag:s2] =	dma.local @!p0 [hbm:s0], s1  }
0x2e4: {  	s0 =	simm.s32 @!p0 $0x3  }
0x2e5: {  	_ =	swait.ge @!p0 [sflag:s0], s1  }
0x2e6: {  	s1 =	ssub.s32 @!p0 $0x0, s1;
	[sflag:s0] =	ssyncset.done @!p0 $0x0  }
0x2e7: {  	[sflag:s0] =	ssyncadd.s32 @!p0 s1  }
0x2e8: {  	[bflag:$0x3] =	sbarrier.arrive $0xFFFF  }
0x2e9: {  	_ =	shalt  }

</sc_bundles>
